<compile_context>
chip_gen: v7x
topology: tpu7x:2x2x1
jax: 0.10.2.dev20260603
libtpu: 0.0.44.dev20260713+nightly
codegen_flags: <defaults>
</compile_context>

<pallas_src>
import functools

import numpy as np
import jax
import jax.numpy as jnp
from jax import lax
from jax.experimental import pallas as pl
from jax.experimental.pallas import tpu as pltpu
from jax.experimental.pallas import tpu_sc as plsc

N_ROWS = 50000
N_BOX = 64
NC, NS, L = 2, 16, 16
NW = NC * NS
RB = 128
FULL_BLOCKS = N_ROWS // RB
BIG_W = FULL_BLOCKS - 12 * NW

B1, B2, B3, B4, B5, B6, B7 = 0, 40, 80, 100, 120, 140, 160
TSLOTS = 192
SLOTS = 272
EPS = np.float32(1e-6)
HALF = np.float32(0.5)
F0 = np.float32(0.0)
F1 = np.float32(1.0)

INV40 = np.float32(1.0) / np.float32(2.0 / 40.0)
INV20 = np.float32(1.0) / np.float32(1.0 / 20.0)
INV20W = np.float32(1.0) / np.float32(2.0 / 20.0)
F40 = np.float32(40.0)
F20 = np.float32(20.0)


def _clip_bins(t, nbins):
  i = plsc.bitcast(t.astype(jnp.int32), jnp.uint32)
  return plsc.bitcast(jnp.minimum(i, np.uint32(nbins - 1)), jnp.int32)


def _sc_body(pb_hbm, gt_hbm, mb_hbm, pbt_hbm, gtt_hbm, mbt_hbm, out_hbm,
             pb_v0, pb_v1, gt_v0, gt_v1, mb_v0, mb_v1, part_v, hist, sems):
  wid = lax.axis_index("s") * NC + lax.axis_index("c")
  lane = lax.iota(jnp.int32, L)
  zeros = jnp.zeros((L,), jnp.float32)
  ones = jnp.ones((L,), jnp.float32)

  lh1 = lane + B1 * L
  lh2 = lane + B2 * L
  lh3 = lane + B3 * L
  izeros = jnp.zeros((L,), jnp.int32)
  iones = jnp.ones((L,), jnp.int32)

  def zero_slot(s, _):
    hist[pl.ds(s * L, L)] = izeros
    return 0

  lax.fori_loop(0, TSLOTS, zero_slot, 0)

  block0 = wid * 12 + jnp.minimum(wid, BIG_W)
  n_blocks = jnp.where(wid < BIG_W, 13, 12)

  def do_block(nsub, pb_v, gt_v, mb_v):
    def sub_body(k, _):
      k16 = k * L
      gx1 = gt_v[0, 0, pl.ds(k16, L)]
      gy1 = gt_v[0, 1, pl.ds(k16, L)]
      gx2 = gt_v[0, 2, pl.ds(k16, L)]
      gy2 = gt_v[0, 3, pl.ds(k16, L)]
      mx1 = mb_v[0, 0, pl.ds(k16, L)]
      my1 = mb_v[0, 1, pl.ds(k16, L)]
      mx2 = mb_v[0, 2, pl.ds(k16, L)]
      my2 = mb_v[0, 3, pl.ds(k16, L)]

      area_g = (gx2 - gx1) * (gy2 - gy1)
      area_m = (mx2 - mx1) * (my2 - my1)
      ww = jnp.maximum(jnp.minimum(gx2, mx2) - jnp.maximum(gx1, mx1), F0)
      hh = jnp.maximum(jnp.minimum(gy2, my2) - jnp.maximum(gy1, my1), F0)
      ov = ww * hh
      giou = ov / jnp.maximum(area_g + area_m - ov, EPS)
      recip_g = F1 / giou
      rn = recip_g * INV40
      a_m = (F1 - giou) * INV40
      g_big = giou >= HALF

      @plsc.parallel_loop(0, N_BOX, unroll=2,
                          carry=jnp.full((L,), -jnp.inf, jnp.float32))
      def max_iou1(j, run_max):
        px1 = pb_v[j, 0, pl.ds(k16, L)]
        py1 = pb_v[j, 1, pl.ds(k16, L)]
        px2 = pb_v[j, 2, pl.ds(k16, L)]
        py2 = pb_v[j, 3, pl.ds(k16, L)]
        area_p = (px2 - px1) * (py2 - py1)
        iw = jnp.maximum(jnp.minimum(px2, gx2) - jnp.maximum(px1, gx1), F0)
        ih = jnp.maximum(jnp.minimum(py2, gy2) - jnp.maximum(py1, gy1), F0)
        iov = iw * ih
        iou1 = iov / jnp.maximum(area_p + area_g - iov, EPS)

        t_n = iou1 * rn
        t_1 = iou1 * INV20
        t_m = t_1 + a_m
        i_n = _clip_bins(t_n, 40)
        i_m = _clip_bins(t_m, 40)
        i_1 = _clip_bins(t_1, 20)
        v_n = t_n <= F40
        v_m = (t_m >= F0) & (t_m <= F40)
        v_1 = t_1 <= F20
        nb = (iou1 >= HALF) | g_big
        nbv = jnp.where(nb, jnp.int32(65537), jnp.int32(1))

        a_n = i_n * L + lh1
        a_m2 = i_m * L + lh2
        a_1 = i_1 * L + lh3
        plsc.addupdate_scatter(hist, [a_n], nbv, mask=v_n)
        plsc.addupdate_scatter(hist, [a_m2], nbv, mask=v_m)
        plsc.addupdate_scatter(hist, [a_1], iones, mask=v_1)
        return jnp.maximum(run_max, iou1)

      t4 = giou * INV20
      i4 = _clip_bins(t4, 20)
      v4 = t4 <= F20
      t5 = max_iou1 * INV20
      i5 = _clip_bins(t5, 20)
      v5 = (t5 >= F0) & (t5 <= F20)
      t7 = (giou + F1) * INV20W
      i7 = _clip_bins(t7, 20)
      v7 = t7 <= F20
      plsc.addupdate_scatter(hist, [i4 * L + (lane + B4 * L)],
                             jnp.full((L,), 64, jnp.int32), mask=v4)
      plsc.addupdate_scatter(hist, [i5 * L + (lane + B5 * L)], iones, mask=v5)
      plsc.addupdate_scatter(hist, [i4 * L + (lane + B6 * L)], iones, mask=v4)
      plsc.addupdate_scatter(hist, [i7 * L + (lane + B7 * L)], iones, mask=v7)
      return 0

    lax.fori_loop(0, nsub, sub_body, 0)

  bufs = ((pb_v0, gt_v0, mb_v0), (pb_v1, gt_v1, mb_v1))

  def start_block(s, b):
    r0 = (block0 + s) * RB
    pb_v, gt_v, mb_v = bufs[b]
    pltpu.async_copy(pb_hbm.at[:, :, pl.ds(r0, RB)], pb_v, sems.at[b])
    pltpu.async_copy(gt_hbm.at[:, :, pl.ds(r0, RB)], gt_v, sems.at[b])
    pltpu.async_copy(mb_hbm.at[:, :, pl.ds(r0, RB)], mb_v, sems.at[b])

  def wait_block(b):
    pb_v, gt_v, mb_v = bufs[b]
    pltpu.make_async_copy(pb_hbm.at[:, :, pl.ds(0, RB)], pb_v, sems.at[b]).wait()
    pltpu.make_async_copy(gt_hbm.at[:, :, pl.ds(0, RB)], gt_v, sems.at[b]).wait()
    pltpu.make_async_copy(mb_hbm.at[:, :, pl.ds(0, RB)], mb_v, sems.at[b]).wait()

  start_block(0, 0)
  start_block(1, 1)

  def pair_body(s2, _):
    for b in range(2):
      s = s2 * 2 + b

      @pl.when(s < n_blocks)
      def _():
        wait_block(b)
        do_block(RB // L, *bufs[b])

        @pl.when(s + 2 < n_blocks)
        def _():
          start_block(s + 2, b)

    return 0

  lax.fori_loop(0, 7, pair_body, 0)

  @pl.when(wid == NW - 1)
  def _():
    pltpu.sync_copy(pbt_hbm, pb_v0)
    pltpu.sync_copy(gtt_hbm, gt_v0)
    pltpu.sync_copy(mbt_hbm, mb_v0)
    do_block(RB // L, pb_v0, gt_v0, mb_v0)

  for cc in range(SLOTS // L):
    part_v[0, pl.ds(cc * L, L)] = zeros
  mask16 = jnp.int32(0xFFFF)
  for cc in range(5, TSLOTS // L):
    base = (cc * L + lane) * L
    acc = izeros
    for l in range(L):
      acc = acc + plsc.load_gather(hist, [base + l])
    part_v[0, pl.ds(cc * L, L)] = acc.astype(jnp.float32)
  for cc in range(5):
    base = (cc * L + lane) * L
    acc_lo = izeros
    acc_hi = izeros
    for l in range(L):
      v = plsc.load_gather(hist, [base + l])
      acc_lo = acc_lo + (v & mask16)
      acc_hi = acc_hi + jax.lax.shift_right_logical(v, jnp.int32(16))
    part_v[0, pl.ds(cc * L, L)] = acc_lo.astype(jnp.float32)
    part_v[0, pl.ds(cc * L + 180, L)] = acc_hi.astype(jnp.float32)

  pltpu.sync_copy(part_v, out_hbm.at[pl.ds(wid, 1)])


@jax.jit
def kernel(pseudo_boxes, gt_bboxes, merge_boxes):
  pb = jnp.transpose(pseudo_boxes, (1, 2, 0))
  gt = jnp.transpose(gt_bboxes, (1, 2, 0))
  mb = jnp.transpose(merge_boxes, (1, 2, 0))
  r0 = FULL_BLOCKS * RB
  padw = ((0, 0), (0, 0), (0, RB - (N_ROWS - r0)))
  nan = np.float32(np.nan)
  pbt = jnp.pad(pb[:, :, r0:], padw, constant_values=nan)
  gtt = jnp.pad(gt[:, :, r0:], padw, constant_values=nan)
  mbt = jnp.pad(mb[:, :, r0:], padw, constant_values=nan)
  mesh = plsc.VectorSubcoreMesh(core_axis_name="c", subcore_axis_name="s")
  run = pl.kernel(
      _sc_body,
      out_type=jax.ShapeDtypeStruct((NW, SLOTS), jnp.float32),
      mesh=mesh,
      compiler_params=pltpu.CompilerParams(needs_layout_passes=False),
      scratch_types=[
          pltpu.VMEM((N_BOX, 4, RB), jnp.float32),
          pltpu.VMEM((N_BOX, 4, RB), jnp.float32),
          pltpu.VMEM((1, 4, RB), jnp.float32),
          pltpu.VMEM((1, 4, RB), jnp.float32),
          pltpu.VMEM((1, 4, RB), jnp.float32),
          pltpu.VMEM((1, 4, RB), jnp.float32),
          pltpu.VMEM((1, SLOTS), jnp.float32),
          pltpu.VMEM((TSLOTS * L, ), jnp.int32),
          pltpu.SemaphoreType.DMA((2,)),
      ],
  )
  partials = run(pb, gt, mb, pbt, gtt, mbt)
  return jnp.sum(partials, axis=0)[:260]

# --- scband reference (transcript-rebuilt; emitter-appended) ---
"""Pipeline reference for scband-test-p2-b-iou-2-72954314490247 (READ-ONLY COPY).

The authoritative reference and input builder live on the scoring server;
editing this copy changes nothing except your own understanding.
"""

import jax, jax.numpy as jnp
import numpy as np


def _histc(x, bins, lo, hi):
    x = x.reshape(-1)
    w = (hi - lo) / bins
    idx = jnp.floor((x - lo) / w).astype(jnp.int32)
    idx = jnp.clip(idx, 0, bins - 1)
    valid = (x >= lo) & (x <= hi)
    idx = jnp.where(valid, idx, bins)
    return jnp.bincount(idx, length=bins + 1)[:bins].astype(jnp.float32)


def _bbox_overlaps_aligned(b1, b2, eps=1e-6):
    area1 = (b1[..., 2] - b1[..., 0]) * (b1[..., 3] - b1[..., 1])
    area2 = (b2[..., 2] - b2[..., 0]) * (b2[..., 3] - b2[..., 1])
    lt = jnp.maximum(b1[..., :2], b2[..., :2])
    rb = jnp.minimum(b1[..., 2:], b2[..., 2:])
    wh = jnp.clip(rb - lt, 0.0, None)
    overlap = wh[..., 0] * wh[..., 1]
    union = jnp.maximum(area1 + area2 - overlap, eps)
    return overlap / union


def setup_inputs(seed: int = 0):
    key = jax.random.key(seed)
    k1, k2, k3 = jax.random.split(key, 3)
    pseudo_boxes = jax.random.uniform(k1, (50000, 64, 4), dtype=jnp.float32)
    gt_bboxes = jax.random.uniform(k2, (50000, 1, 4), dtype=jnp.float32)
    merge_boxes = jax.random.uniform(k3, (50000, 1, 4), dtype=jnp.float32)
    return {"pseudo_boxes": pseudo_boxes, "gt_bboxes": gt_bboxes, "merge_boxes": merge_boxes}


def reference(pseudo_boxes, gt_bboxes, merge_boxes):
    num_gt = gt_bboxes.reshape(-1, 4).shape[0]
    pb = pseudo_boxes.reshape(num_gt, -1, 4)
    mb = jnp.broadcast_to(merge_boxes.reshape(num_gt, 1, 4), pb.shape)
    gb = jnp.broadcast_to(gt_bboxes.reshape(num_gt, 1, 4), pb.shape)
    iou1 = _bbox_overlaps_aligned(pb, gb).reshape(pb.shape[0], pb.shape[1])
    iou2 = _bbox_overlaps_aligned(gb, mb).reshape(pb.shape[0], pb.shape[1])
    max_iou1 = iou1.max(axis=1)
    max_iou2 = iou2.max(axis=1)
    iou_gt_mb = _bbox_overlaps_aligned(gb, mb)
    iou_minus = iou1 - iou2
    iou_minus_norm = iou_minus / iou_gt_mb
    h1 = _histc(iou_minus_norm, 40, -1.0, 1.0)
    h2 = _histc(iou_minus, 40, -1.0, 1.0)
    h3 = _histc(iou1, 20, 0.0, 1.0)
    h4 = _histc(iou2, 20, 0.0, 1.0)
    h5 = _histc(max_iou1, 20, 0.0, 1.0)
    h6 = _histc(max_iou2, 20, 0.0, 1.0)
    h7 = _histc(iou_gt_mb[:, 0], 20, -1.0, 1.0)
    bg = (iou1 < 0.5) & (iou2 < 0.5)
    im = jnp.where(bg, 100.0, iou_minus)
    imn = jnp.where(bg, 100.0, iou_minus_norm)
    h8 = _histc(imn, 40, -1.0, 1.0)
    h9 = _histc(im, 40, -1.0, 1.0)
    return jnp.concatenate([h1, h2, h3, h4, h5, h6, h7, h8, h9])

if __name__ == "__main__":
    import jax
    _d = setup_inputs()
    print(jax.jit(kernel)(*tuple(_d.values())))

</pallas_src>

<mosaic_0001>
#map = affine_map<(d0, d1) -> (0, 0, 0)>
#map1 = affine_map<(d0, d1) -> (0, 0)>
module attributes {stable_mosaic.version = 14 : i64} {
  func.func @_sc_body(%arg0: i32, %arg1: i32, %arg2: memref<64x4x50000xf32, #tpu.memory_space<hbm>>, %arg3: memref<1x4x50000xf32, #tpu.memory_space<hbm>>, %arg4: memref<1x4x50000xf32, #tpu.memory_space<hbm>>, %arg5: memref<64x4x128xf32, #tpu.memory_space<hbm>>, %arg6: memref<1x4x128xf32, #tpu.memory_space<hbm>>, %arg7: memref<1x4x128xf32, #tpu.memory_space<hbm>>, %arg8: memref<32x272xf32, #tpu.memory_space<hbm>>, %arg9: memref<64x4x128xf32, #tpu.memory_space<vmem>>, %arg10: memref<64x4x128xf32, #tpu.memory_space<vmem>>, %arg11: memref<1x4x128xf32, #tpu.memory_space<vmem>>, %arg12: memref<1x4x128xf32, #tpu.memory_space<vmem>>, %arg13: memref<1x4x128xf32, #tpu.memory_space<vmem>>, %arg14: memref<1x4x128xf32, #tpu.memory_space<vmem>>, %arg15: memref<1x272xf32, #tpu.memory_space<vmem>>, %arg16: memref<3072xi32, #tpu.memory_space<vmem>>, %arg17: memref<2x!tpu.dma_semaphore, #tpu.memory_space<semaphore_mem>>) attributes {dimension_semantics = [#tpu.dimension_semantics<core_parallel>, #tpu.dimension_semantics<subcore_parallel>], iteration_bounds = array<i64: 2, 16>, scalar_prefetch = 0 : i64, scratch_operands = 9 : i64, tpu.core_type = #tpu.core_type<sc_vector_subcore>, window_params = [{transform_indices = #map}, {transform_indices = #map}, {transform_indices = #map}, {transform_indices = #map}, {transform_indices = #map}, {transform_indices = #map}, {transform_indices = #map1}]} {
    %mul3A = arith.constant 2 : i32
    %mul3A_0 = arith.muli %arg1, %mul3A : i32
    %add3A = arith.addi %mul3A_0, %arg0 : i32
    %iota3A = tpu.iota {dimensions = array<i32: 0>} : vector<16xi32>
    %broadcast_in_dim3A = arith.constant 0.000000e+00 : f32
    %broadcast_in_dim3A_1 = vector.broadcast %broadcast_in_dim3A : f32 to vector<16xf32>
    %broadcast_in_dim3A_2 = arith.constant 1.000000e+00 : f32
    %broadcast_in_dim3A_3 = vector.broadcast %broadcast_in_dim3A_2 : f32 to vector<16xf32>
    %add3A_4 = arith.constant 0 : i32
    %add3A_5 = vector.broadcast %add3A_4 : i32 to vector<16xi32>
    %add3A_6 = arith.addi %iota3A, %add3A_5 : vector<16xi32>
    %add3A_7 = arith.constant 640 : i32
    %add3A_8 = vector.broadcast %add3A_7 : i32 to vector<16xi32>
    %add3A_9 = arith.addi %iota3A, %add3A_8 : vector<16xi32>
    %add3A_10 = arith.constant 1280 : i32
    %add3A_11 = vector.broadcast %add3A_10 : i32 to vector<16xi32>
    %add3A_12 = arith.addi %iota3A, %add3A_11 : vector<16xi32>
    %broadcast_in_dim3A_13 = arith.constant 0 : i32
    %broadcast_in_dim3A_14 = vector.broadcast %broadcast_in_dim3A_13 : i32 to vector<16xi32>
    %broadcast_in_dim3A_15 = arith.constant 1 : i32
    %broadcast_in_dim3A_16 = vector.broadcast %broadcast_in_dim3A_15 : i32 to vector<16xi32>
    %scan3A = arith.constant 0 : i32
    %scan3A_17 = arith.constant 0 : i32
    %scan3A_18 = arith.constant 192 : i32
    %scan3A_19 = arith.addi %scan3A_17, %scan3A_18 : i32
    %scan3A_20 = arith.constant 1 : i32
    %scan3A_21 = scf.for %scan3A_1840 = %scan3A_17 to %scan3A_19 step %scan3A_20 iter_args(%scan3A_1841 = %scan3A) -> (i32)  : i32 {
      %mul3A_1842 = arith.constant 16 : i32
      %mul3A_1843 = arith.muli %scan3A_1840, %mul3A_1842 : i32
      %swap3A_1844 = arith.index_cast %mul3A_1843 : i32 to index
      %swap3A_1845 = tpu.vector_load %arg16[%swap3A_1844] {strides = array<i32>} : memref<3072xi32, #tpu.memory_space<vmem>>, vector<16xi32>,
      tpu.vector_store %arg16[%swap3A_1844], %broadcast_in_dim3A_14 {strides = array<i32>} : memref<3072xi32, #tpu.memory_space<vmem>>, vector<16xi32>,
      %scan3A_1846 = arith.constant 0 : i32
      scf.yield %scan3A_1846 : i32
    }
    %scan3A_22 = arith.constant 192 : i32
    %mul3A_23 = arith.constant 12 : i32
    %mul3A_24 = arith.muli %add3A, %mul3A_23 : i32
    %min3A = arith.constant 6 : i32
    %min3A_25 = arith.minsi %add3A, %min3A : i32
    %add3A_26 = arith.addi %mul3A_24, %min3A_25 : i32
    %lt3A = arith.constant 6 : i32
    %lt3A_27 = arith.cmpi slt, %add3A, %lt3A : i32
    %jit3A = arith.constant 13 : i32
    %jit3A_28 = arith.constant 12 : i32
    %select_n3A = arith.select %lt3A_27, %jit3A, %jit3A_28 : i32
    %add3A_29 = arith.constant 0 : i32
    %add3A_30 = arith.addi %add3A_26, %add3A_29 : i32
    %mul3A_31 = arith.constant 128 : i32
    %mul3A_32 = arith.muli %add3A_30, %mul3A_31 : i32
    %dma_start3A = arith.constant 0 : i32
    %dma_start3A_33 = arith.constant 0 : i32
    %dma_start3A_34 = arith.constant 0 : i32
    %dma_start3A_35 = tpu.memref_slice %arg2[%dma_start3A_33, %dma_start3A_34, %mul3A_32] : memref<64x4x50000xf32, #tpu.memory_space<hbm>> -> memref<64x4x128xf32, #tpu.memory_space<hbm>>
    %dma_start3A_36 = tpu.memref_slice %arg17[%dma_start3A] : memref<2x!tpu.dma_semaphore, #tpu.memory_space<semaphore_mem>> -> memref<1x!tpu.dma_semaphore, #tpu.memory_space<semaphore_mem>>
    %dma_start3A_37 = tpu.memref_squeeze %dma_start3A_36 : memref<1x!tpu.dma_semaphore, #tpu.memory_space<semaphore_mem>> -> memref<!tpu.dma_semaphore, #tpu.memory_space<semaphore_mem>>
    %dma_start3A_38 = arith.constant 0 : i32
    %dma_start3A_39 = arith.constant 0 : i32
    %dma_start3A_40 = tpu.memref_slice %arg2[%dma_start3A_38, %dma_start3A_39, %mul3A_32] : memref<64x4x50000xf32, #tpu.memory_space<hbm>> -> memref<64x4x128xf32, #tpu.memory_space<hbm>>
    tpu.enqueue_dma source(%dma_start3A_40 : memref<64x4x128xf32, #tpu.memory_space<hbm>>) target(%arg9 : memref<64x4x128xf32, #tpu.memory_space<vmem>>) target_semaphore(%dma_start3A_37 : memref<!tpu.dma_semaphore, #tpu.memory_space<semaphore_mem>>)
    %dma_start3A_41 = arith.constant 0 : i32
    %dma_start3A_42 = arith.constant 0 : i32
    %dma_start3A_43 = arith.constant 0 : i32
    %dma_start3A_44 = tpu.memref_slice %arg3[%dma_start3A_42, %dma_start3A_43, %mul3A_32] : memref<1x4x50000xf32, #tpu.memory_space<hbm>> -> memref<1x4x128xf32, #tpu.memory_space<hbm>>
    %dma_start3A_45 = tpu.memref_slice %arg17[%dma_start3A_41] : memref<2x!tpu.dma_semaphore, #tpu.memory_space<semaphore_mem>> -> memref<1x!tpu.dma_semaphore, #tpu.memory_space<semaphore_mem>>
    %dma_start3A_46 = tpu.memref_squeeze %dma_start3A_45 : memref<1x!tpu.dma_semaphore, #tpu.memory_space<semaphore_mem>> -> memref<!tpu.dma_semaphore, #tpu.memory_space<semaphore_mem>>
    %dma_start3A_47 = arith.constant 0 : i32
    %dma_start3A_48 = arith.constant 0 : i32
    %dma_start3A_49 = tpu.memref_slice %arg3[%dma_start3A_47, %dma_start3A_48, %mul3A_32] : memref<1x4x50000xf32, #tpu.memory_space<hbm>> -> memref<1x4x128xf32, #tpu.memory_space<hbm>>
    tpu.enqueue_dma source(%dma_start3A_49 : memref<1x4x128xf32, #tpu.memory_space<hbm>>) target(%arg11 : memref<1x4x128xf32, #tpu.memory_space<vmem>>) target_semaphore(%dma_start3A_46 : memref<!tpu.dma_semaphore, #tpu.memory_space<semaphore_mem>>)
    %dma_start3A_50 = arith.constant 0 : i32
    %dma_start3A_51 = arith.constant 0 : i32
    %dma_start3A_52 = arith.constant 0 : i32
    %dma_start3A_53 = tpu.memref_slice %arg4[%dma_start3A_51, %dma_start3A_52, %mul3A_32] : memref<1x4x50000xf32, #tpu.memory_space<hbm>> -> memref<1x4x128xf32, #tpu.memory_space<hbm>>
    %dma_start3A_54 = tpu.memref_slice %arg17[%dma_start3A_50] : memref<2x!tpu.dma_semaphore, #tpu.memory_space<semaphore_mem>> -> memref<1x!tpu.dma_semaphore, #tpu.memory_space<semaphore_mem>>
    %dma_start3A_55 = tpu.memref_squeeze %dma_start3A_54 : memref<1x!tpu.dma_semaphore, #tpu.memory_space<semaphore_mem>> -> memref<!tpu.dma_semaphore, #tpu.memory_space<semaphore_mem>>
    %dma_start3A_56 = arith.constant 0 : i32
    %dma_start3A_57 = arith.constant 0 : i32
    %dma_start3A_58 = tpu.memref_slice %arg4[%dma_start3A_56, %dma_start3A_57, %mul3A_32] : memref<1x4x50000xf32, #tpu.memory_space<hbm>> -> memref<1x4x128xf32, #tpu.memory_space<hbm>>
    tpu.enqueue_dma source(%dma_start3A_58 : memref<1x4x128xf32, #tpu.memory_space<hbm>>) target(%arg13 : memref<1x4x128xf32, #tpu.memory_space<vmem>>) target_semaphore(%dma_start3A_55 : memref<!tpu.dma_semaphore, #tpu.memory_space<semaphore_mem>>)
    %add3A_59 = arith.constant 1 : i32
    %add3A_60 = arith.addi %add3A_26, %add3A_59 : i32
    %mul3A_61 = arith.constant 128 : i32
    %mul3A_62 = arith.muli %add3A_60, %mul3A_61 : i32
    %dma_start3A_63 = arith.constant 1 : i32
    %dma_start3A_64 = arith.constant 0 : i32
    %dma_start3A_65 = arith.constant 0 : i32
    %dma_start3A_66 = tpu.memref_slice %arg2[%dma_start3A_64, %dma_start3A_65, %mul3A_62] : memref<64x4x50000xf32, #tpu.memory_space<hbm>> -> memref<64x4x128xf32, #tpu.memory_space<hbm>>
    %dma_start3A_67 = tpu.memref_slice %arg17[%dma_start3A_63] : memref<2x!tpu.dma_semaphore, #tpu.memory_space<semaphore_mem>> -> memref<1x!tpu.dma_semaphore, #tpu.memory_space<semaphore_mem>>
    %dma_start3A_68 = tpu.memref_squeeze %dma_start3A_67 : memref<1x!tpu.dma_semaphore, #tpu.memory_space<semaphore_mem>> -> memref<!tpu.dma_semaphore, #tpu.memory_space<semaphore_mem>>
    %dma_start3A_69 = arith.constant 0 : i32
    %dma_start3A_70 = arith.constant 0 : i32
    %dma_start3A_71 = tpu.memref_slice %arg2[%dma_start3A_69, %dma_start3A_70, %mul3A_62] : memref<64x4x50000xf32, #tpu.memory_space<hbm>> -> memref<64x4x128xf32, #tpu.memory_space<hbm>>
    tpu.enqueue_dma source(%dma_start3A_71 : memref<64x4x128xf32, #tpu.memory_space<hbm>>) target(%arg10 : memref<64x4x128xf32, #tpu.memory_space<vmem>>) target_semaphore(%dma_start3A_68 : memref<!tpu.dma_semaphore, #tpu.memory_space<semaphore_mem>>)
    %dma_start3A_72 = arith.constant 1 : i32
    %dma_start3A_73 = arith.constant 0 : i32
    %dma_start3A_74 = arith.constant 0 : i32
    %dma_start3A_75 = tpu.memref_slice %arg3[%dma_start3A_73, %dma_start3A_74, %mul3A_62] : memref<1x4x50000xf32, #tpu.memory_space<hbm>> -> memref<1x4x128xf32, #tpu.memory_space<hbm>>
    %dma_start3A_76 = tpu.memref_slice %arg17[%dma_start3A_72] : memref<2x!tpu.dma_semaphore, #tpu.memory_space<semaphore_mem>> -> memref<1x!tpu.dma_semaphore, #tpu.memory_space<semaphore_mem>>
    %dma_start3A_77 = tpu.memref_squeeze %dma_start3A_76 : memref<1x!tpu.dma_semaphore, #tpu.memory_space<semaphore_mem>> -> memref<!tpu.dma_semaphore, #tpu.memory_space<semaphore_mem>>
    %dma_start3A_78 = arith.constant 0 : i32
    %dma_start3A_79 = arith.constant 0 : i32
    %dma_start3A_80 = tpu.memref_slice %arg3[%dma_start3A_78, %dma_start3A_79, %mul3A_62] : memref<1x4x50000xf32, #tpu.memory_space<hbm>> -> memref<1x4x128xf32, #tpu.memory_space<hbm>>
    tpu.enqueue_dma source(%dma_start3A_80 : memref<1x4x128xf32, #tpu.memory_space<hbm>>) target(%arg12 : memref<1x4x128xf32, #tpu.memory_space<vmem>>) target_semaphore(%dma_start3A_77 : memref<!tpu.dma_semaphore, #tpu.memory_space<semaphore_mem>>)
    %dma_start3A_81 = arith.constant 1 : i32
    %dma_start3A_82 = arith.constant 0 : i32
    %dma_start3A_83 = arith.constant 0 : i32
    %dma_start3A_84 = tpu.memref_slice %arg4[%dma_start3A_82, %dma_start3A_83, %mul3A_62] : memref<1x4x50000xf32, #tpu.memory_space<hbm>> -> memref<1x4x128xf32, #tpu.memory_space<hbm>>
    %dma_start3A_85 = tpu.memref_slice %arg17[%dma_start3A_81] : memref<2x!tpu.dma_semaphore, #tpu.memory_space<semaphore_mem>> -> memref<1x!tpu.dma_semaphore, #tpu.memory_space<semaphore_mem>>
    %dma_start3A_86 = tpu.memref_squeeze %dma_start3A_85 : memref<1x!tpu.dma_semaphore, #tpu.memory_space<semaphore_mem>> -> memref<!tpu.dma_semaphore, #tpu.memory_space<semaphore_mem>>
    %dma_start3A_87 = arith.constant 0 : i32
    %dma_start3A_88 = arith.constant 0 : i32
    %dma_start3A_89 = tpu.memref_slice %arg4[%dma_start3A_87, %dma_start3A_88, %mul3A_62] : memref<1x4x50000xf32, #tpu.memory_space<hbm>> -> memref<1x4x128xf32, #tpu.memory_space<hbm>>
    tpu.enqueue_dma source(%dma_start3A_89 : memref<1x4x128xf32, #tpu.memory_space<hbm>>) target(%arg14 : memref<1x4x128xf32, #tpu.memory_space<vmem>>) target_semaphore(%dma_start3A_86 : memref<!tpu.dma_semaphore, #tpu.memory_space<semaphore_mem>>)
    %scan3A_90 = arith.constant 0 : i32
    %scan3A_91 = arith.constant 0 : i32
    %scan3A_92 = arith.constant 7 : i32
    %scan3A_93 = arith.addi %scan3A_91, %scan3A_92 : i32
    %scan3A_94 = arith.constant 1 : i32
    %scan3A_95 = scf.for %scan3A_1840 = %scan3A_91 to %scan3A_93 step %scan3A_94 iter_args(%scan3A_1841 = %scan3A_90) -> (i32)  : i32 {
      %mul3A_1842 = arith.constant 2 : i32
      %mul3A_1843 = arith.muli %scan3A_1840, %mul3A_1842 : i32
      %add3A_1844 = arith.constant 0 : i32
      %add3A_1845 = arith.addi %mul3A_1843, %add3A_1844 : i32
      %lt3A_1846 = arith.cmpi slt, %add3A_1845, %select_n3A : i32
      %convert_element_type3A_1847 = arith.extui %lt3A_1846 : i1 to i32
      %cond3A_1848 = arith.constant 0 : i32
      %cond3A_1849 = arith.cmpi ne, %convert_element_type3A_1847, %cond3A_1848 : i32
      scf.if %cond3A_1849 {
        %dma_wait3A = arith.constant 0 : i32
        %dma_wait3A_1859 = arith.constant 0 : i32
        %dma_wait3A_1860 = arith.constant 0 : i32
        %dma_wait3A_1861 = arith.constant 0 : i32
        %dma_wait3A_1862 = tpu.memref_slice %arg2[%dma_wait3A_1859, %dma_wait3A_1860, %dma_wait3A_1861] : memref<64x4x50000xf32, #tpu.memory_space<hbm>> -> memref<64x4x128xf32, #tpu.memory_space<hbm>>
        %dma_wait3A_1863 = tpu.memref_slice %arg17[%dma_wait3A] : memref<2x!tpu.dma_semaphore, #tpu.memory_space<semaphore_mem>> -> memref<1x!tpu.dma_semaphore, #tpu.memory_space<semaphore_mem>>
        %dma_wait3A_1864 = tpu.memref_squeeze %dma_wait3A_1863 : memref<1x!tpu.dma_semaphore, #tpu.memory_space<semaphore_mem>> -> memref<!tpu.dma_semaphore, #tpu.memory_space<semaphore_mem>>
        %dma_wait3A_1865 = arith.constant 0 : i32
        %dma_wait3A_1866 = arith.constant 0 : i32
        %dma_wait3A_1867 = arith.constant 0 : i32
        %dma_wait3A_1868 = tpu.memref_slice %arg2[%dma_wait3A_1865, %dma_wait3A_1866, %dma_wait3A_1867] : memref<64x4x50000xf32, #tpu.memory_space<hbm>> -> memref<64x4x128xf32, #tpu.memory_space<hbm>>
        tpu.wait_dma2 semaphore(%dma_wait3A_1864 : memref<!tpu.dma_semaphore, #tpu.memory_space<semaphore_mem>>) src(%dma_wait3A_1868 : memref<64x4x128xf32, #tpu.memory_space<hbm>>) dst(%arg9 : memref<64x4x128xf32, #tpu.memory_space<vmem>>)
        %dma_wait3A_1869 = arith.constant 0 : i32
        %dma_wait3A_1870 = arith.constant 0 : i32
        %dma_wait3A_1871 = arith.constant 0 : i32
        %dma_wait3A_1872 = arith.constant 0 : i32
        %dma_wait3A_1873 = tpu.memref_slice %arg3[%dma_wait3A_1870, %dma_wait3A_1871, %dma_wait3A_1872] : memref<1x4x50000xf32, #tpu.memory_space<hbm>> -> memref<1x4x128xf32, #tpu.memory_space<hbm>>
        %dma_wait3A_1874 = tpu.memref_slice %arg17[%dma_wait3A_1869] : memref<2x!tpu.dma_semaphore, #tpu.memory_space<semaphore_mem>> -> memref<1x!tpu.dma_semaphore, #tpu.memory_space<semaphore_mem>>
        %dma_wait3A_1875 = tpu.memref_squeeze %dma_wait3A_1874 : memref<1x!tpu.dma_semaphore, #tpu.memory_space<semaphore_mem>> -> memref<!tpu.dma_semaphore, #tpu.memory_space<semaphore_mem>>
        %dma_wait3A_1876 = arith.constant 0 : i32
        %dma_wait3A_1877 = arith.constant 0 : i32
        %dma_wait3A_1878 = arith.constant 0 : i32
        %dma_wait3A_1879 = tpu.memref_slice %arg3[%dma_wait3A_1876, %dma_wait3A_1877, %dma_wait3A_1878] : memref<1x4x50000xf32, #tpu.memory_space<hbm>> -> memref<1x4x128xf32, #tpu.memory_space<hbm>>
        tpu.wait_dma2 semaphore(%dma_wait3A_1875 : memref<!tpu.dma_semaphore, #tpu.memory_space<semaphore_mem>>) src(%dma_wait3A_1879 : memref<1x4x128xf32, #tpu.memory_space<hbm>>) dst(%arg11 : memref<1x4x128xf32, #tpu.memory_space<vmem>>)
        %dma_wait3A_1880 = arith.constant 0 : i32
        %dma_wait3A_1881 = arith.constant 0 : i32
        %dma_wait3A_1882 = arith.constant 0 : i32
        %dma_wait3A_1883 = arith.constant 0 : i32
        %dma_wait3A_1884 = tpu.memref_slice %arg4[%dma_wait3A_1881, %dma_wait3A_1882, %dma_wait3A_1883] : memref<1x4x50000xf32, #tpu.memory_space<hbm>> -> memref<1x4x128xf32, #tpu.memory_space<hbm>>
        %dma_wait3A_1885 = tpu.memref_slice %arg17[%dma_wait3A_1880] : memref<2x!tpu.dma_semaphore, #tpu.memory_space<semaphore_mem>> -> memref<1x!tpu.dma_semaphore, #tpu.memory_space<semaphore_mem>>
        %dma_wait3A_1886 = tpu.memref_squeeze %dma_wait3A_1885 : memref<1x!tpu.dma_semaphore, #tpu.memory_space<semaphore_mem>> -> memref<!tpu.dma_semaphore, #tpu.memory_space<semaphore_mem>>
        %dma_wait3A_1887 = arith.constant 0 : i32
        %dma_wait3A_1888 = arith.constant 0 : i32
        %dma_wait3A_1889 = arith.constant 0 : i32
        %dma_wait3A_1890 = tpu.memref_slice %arg4[%dma_wait3A_1887, %dma_wait3A_1888, %dma_wait3A_1889] : memref<1x4x50000xf32, #tpu.memory_space<hbm>> -> memref<1x4x128xf32, #tpu.memory_space<hbm>>
        tpu.wait_dma2 semaphore(%dma_wait3A_1886 : memref<!tpu.dma_semaphore, #tpu.memory_space<semaphore_mem>>) src(%dma_wait3A_1890 : memref<1x4x128xf32, #tpu.memory_space<hbm>>) dst(%arg13 : memref<1x4x128xf32, #tpu.memory_space<vmem>>)
        %scan3A_1891 = arith.constant 0 : i32
        %scan3A_1892 = arith.constant 0 : i32
        %scan3A_1893 = arith.constant 8 : i32
        %scan3A_1894 = arith.addi %scan3A_1892, %scan3A_1893 : i32
        %scan3A_1895 = arith.constant 1 : i32
        %scan3A_1896 = scf.for %scan3A_1904 = %scan3A_1892 to %scan3A_1894 step %scan3A_1895 iter_args(%scan3A_1905 = %scan3A_1891) -> (i32)  : i32 {
          %mul3A_1906 = arith.constant 16 : i32
          %mul3A_1907 = arith.muli %scan3A_1904, %mul3A_1906 : i32
          %get3A = arith.constant 0 : i32
          %get3A_1908 = arith.constant 0 : i32
          %get3A_1909 = arith.index_cast %get3A : i32 to index
          %get3A_1910 = arith.index_cast %get3A_1908 : i32 to index
          %get3A_1911 = arith.index_cast %mul3A_1907 : i32 to index
          %get3A_1912 = tpu.vector_load %arg11[%get3A_1909, %get3A_1910, %get3A_1911] {strides = array<i32>} : memref<1x4x128xf32, #tpu.memory_space<vmem>>, vector<16xf32>,
          %get3A_1913 = arith.constant 0 : i32
          %get3A_1914 = arith.constant 1 : i32
          %get3A_1915 = arith.index_cast %get3A_1913 : i32 to index
          %get3A_1916 = arith.index_cast %get3A_1914 : i32 to index
          %get3A_1917 = arith.index_cast %mul3A_1907 : i32 to index
          %get3A_1918 = tpu.vector_load %arg11[%get3A_1915, %get3A_1916, %get3A_1917] {strides = array<i32>} : memref<1x4x128xf32, #tpu.memory_space<vmem>>, vector<16xf32>,
          %get3A_1919 = arith.constant 0 : i32
          %get3A_1920 = arith.constant 2 : i32
          %get3A_1921 = arith.index_cast %get3A_1919 : i32 to index
          %get3A_1922 = arith.index_cast %get3A_1920 : i32 to index
          %get3A_1923 = arith.index_cast %mul3A_1907 : i32 to index
          %get3A_1924 = tpu.vector_load %arg11[%get3A_1921, %get3A_1922, %get3A_1923] {strides = array<i32>} : memref<1x4x128xf32, #tpu.memory_space<vmem>>, vector<16xf32>,
          %get3A_1925 = arith.constant 0 : i32
          %get3A_1926 = arith.constant 3 : i32
          %get3A_1927 = arith.index_cast %get3A_1925 : i32 to index
          %get3A_1928 = arith.index_cast %get3A_1926 : i32 to index
          %get3A_1929 = arith.index_cast %mul3A_1907 : i32 to index
          %get3A_1930 = tpu.vector_load %arg11[%get3A_1927, %get3A_1928, %get3A_1929] {strides = array<i32>} : memref<1x4x128xf32, #tpu.memory_space<vmem>>, vector<16xf32>,
          %get3A_1931 = arith.constant 0 : i32
          %get3A_1932 = arith.constant 0 : i32
          %get3A_1933 = arith.index_cast %get3A_1931 : i32 to index
          %get3A_1934 = arith.index_cast %get3A_1932 : i32 to index
          %get3A_1935 = arith.index_cast %mul3A_1907 : i32 to index
          %get3A_1936 = tpu.vector_load %arg13[%get3A_1933, %get3A_1934, %get3A_1935] {strides = array<i32>} : memref<1x4x128xf32, #tpu.memory_space<vmem>>, vector<16xf32>,
          %get3A_1937 = arith.constant 0 : i32
          %get3A_1938 = arith.constant 1 : i32
          %get3A_1939 = arith.index_cast %get3A_1937 : i32 to index
          %get3A_1940 = arith.index_cast %get3A_1938 : i32 to index
          %get3A_1941 = arith.index_cast %mul3A_1907 : i32 to index
          %get3A_1942 = tpu.vector_load %arg13[%get3A_1939, %get3A_1940, %get3A_1941] {strides = array<i32>} : memref<1x4x128xf32, #tpu.memory_space<vmem>>, vector<16xf32>,
          %get3A_1943 = arith.constant 0 : i32
          %get3A_1944 = arith.constant 2 : i32
          %get3A_1945 = arith.index_cast %get3A_1943 : i32 to index
          %get3A_1946 = arith.index_cast %get3A_1944 : i32 to index
          %get3A_1947 = arith.index_cast %mul3A_1907 : i32 to index
          %get3A_1948 = tpu.vector_load %arg13[%get3A_1945, %get3A_1946, %get3A_1947] {strides = array<i32>} : memref<1x4x128xf32, #tpu.memory_space<vmem>>, vector<16xf32>,
          %get3A_1949 = arith.constant 0 : i32
          %get3A_1950 = arith.constant 3 : i32
          %get3A_1951 = arith.index_cast %get3A_1949 : i32 to index
          %get3A_1952 = arith.index_cast %get3A_1950 : i32 to index
          %get3A_1953 = arith.index_cast %mul3A_1907 : i32 to index
          %get3A_1954 = tpu.vector_load %arg13[%get3A_1951, %get3A_1952, %get3A_1953] {strides = array<i32>} : memref<1x4x128xf32, #tpu.memory_space<vmem>>, vector<16xf32>,
          %sub3A = arith.subf %get3A_1924, %get3A_1912 : vector<16xf32>
          %sub3A_1955 = arith.subf %get3A_1930, %get3A_1918 : vector<16xf32>
          %mul3A_1956 = arith.mulf %sub3A, %sub3A_1955 : vector<16xf32>
          %sub3A_1957 = arith.subf %get3A_1948, %get3A_1936 : vector<16xf32>
          %sub3A_1958 = arith.subf %get3A_1954, %get3A_1942 : vector<16xf32>
          %mul3A_1959 = arith.mulf %sub3A_1957, %sub3A_1958 : vector<16xf32>
          %min3A_1960 = arith.minimumf %get3A_1924, %get3A_1948 : vector<16xf32>
          %max3A = arith.maximumf %get3A_1912, %get3A_1936 : vector<16xf32>
          %sub3A_1961 = arith.subf %min3A_1960, %max3A : vector<16xf32>
          %max3A_1962 = arith.constant 0.000000e+00 : f32
          %max3A_1963 = vector.broadcast %max3A_1962 : f32 to vector<16xf32>
          %max3A_1964 = arith.maximumf %sub3A_1961, %max3A_1963 : vector<16xf32>
          %min3A_1965 = arith.minimumf %get3A_1930, %get3A_1954 : vector<16xf32>
          %max3A_1966 = arith.maximumf %get3A_1918, %get3A_1942 : vector<16xf32>
          %sub3A_1967 = arith.subf %min3A_1965, %max3A_1966 : vector<16xf32>
          %max3A_1968 = arith.constant 0.000000e+00 : f32
          %max3A_1969 = vector.broadcast %max3A_1968 : f32 to vector<16xf32>
          %max3A_1970 = arith.maximumf %sub3A_1967, %max3A_1969 : vector<16xf32>
          %mul3A_1971 = arith.mulf %max3A_1964, %max3A_1970 : vector<16xf32>
          %add3A_1972 = arith.addf %mul3A_1956, %mul3A_1959 : vector<16xf32>
          %sub3A_1973 = arith.subf %add3A_1972, %mul3A_1971 : vector<16xf32>
          %max3A_1974 = arith.constant 9.99999997E-7 : f32
          %max3A_1975 = vector.broadcast %max3A_1974 : f32 to vector<16xf32>
          %max3A_1976 = arith.maximumf %sub3A_1973, %max3A_1975 : vector<16xf32>
          %div3A = arith.divf %mul3A_1971, %max3A_1976 : vector<16xf32>
          %div3A_1977 = arith.constant 1.000000e+00 : f32
          %div3A_1978 = vector.broadcast %div3A_1977 : f32 to vector<16xf32>
          %div3A_1979 = arith.divf %div3A_1978, %div3A : vector<16xf32>
          %mul3A_1980 = arith.constant 2.000000e+01 : f32
          %mul3A_1981 = vector.broadcast %mul3A_1980 : f32 to vector<16xf32>
          %mul3A_1982 = arith.mulf %div3A_1979, %mul3A_1981 : vector<16xf32>
          %sub3A_1983 = arith.constant 1.000000e+00 : f32
          %sub3A_1984 = vector.broadcast %sub3A_1983 : f32 to vector<16xf32>
          %sub3A_1985 = arith.subf %sub3A_1984, %div3A : vector<16xf32>
          %mul3A_1986 = arith.constant 2.000000e+01 : f32
          %mul3A_1987 = vector.broadcast %mul3A_1986 : f32 to vector<16xf32>
          %mul3A_1988 = arith.mulf %sub3A_1985, %mul3A_1987 : vector<16xf32>
          %ge3A = arith.constant 5.000000e-01 : f32
          %ge3A_1989 = vector.broadcast %ge3A : f32 to vector<16xf32>
          %ge3A_1990 = arith.cmpf oge, %div3A, %ge3A_1989 : vector<16xf32>
          %broadcast_in_dim3A_1991 = arith.constant 0xFF800000 : f32
          %broadcast_in_dim3A_1992 = vector.broadcast %broadcast_in_dim3A_1991 : f32 to vector<16xf32>
          %parallel_loop3A = arith.constant 0 : i32
          %parallel_loop3A_1993 = arith.constant 64 : i32
          %parallel_loop3A_1994 = arith.constant 1 : i32
          %parallel_loop3A_1995 = scf.for %parallel_loop3A_2068 = %parallel_loop3A to %parallel_loop3A_1993 step %parallel_loop3A_1994 iter_args(%parallel_loop3A_2069 = %broadcast_in_dim3A_1992) -> (vector<16xf32>)  : i32 {
            %parallel_loop3A_2070 = arith.constant 0 : i32
            %parallel_loop3A_2071 = arith.index_cast %parallel_loop3A_2068 : i32 to index
            %parallel_loop3A_2072 = arith.index_cast %parallel_loop3A_2070 : i32 to index
            %parallel_loop3A_2073 = arith.index_cast %mul3A_1907 : i32 to index
            %parallel_loop3A_2074 = tpu.vector_load %arg9[%parallel_loop3A_2071, %parallel_loop3A_2072, %parallel_loop3A_2073] {strides = array<i32>} : memref<64x4x128xf32, #tpu.memory_space<vmem>>, vector<16xf32>,
            %parallel_loop3A_2075 = arith.constant 1 : i32
            %parallel_loop3A_2076 = arith.index_cast %parallel_loop3A_2068 : i32 to index
            %parallel_loop3A_2077 = arith.index_cast %parallel_loop3A_2075 : i32 to index
            %parallel_loop3A_2078 = arith.index_cast %mul3A_1907 : i32 to index
            %parallel_loop3A_2079 = tpu.vector_load %arg9[%parallel_loop3A_2076, %parallel_loop3A_2077, %parallel_loop3A_2078] {strides = array<i32>} : memref<64x4x128xf32, #tpu.memory_space<vmem>>, vector<16xf32>,
            %parallel_loop3A_2080 = arith.constant 2 : i32
            %parallel_loop3A_2081 = arith.index_cast %parallel_loop3A_2068 : i32 to index
            %parallel_loop3A_2082 = arith.index_cast %parallel_loop3A_2080 : i32 to index
            %parallel_loop3A_2083 = arith.index_cast %mul3A_1907 : i32 to index
            %parallel_loop3A_2084 = tpu.vector_load %arg9[%parallel_loop3A_2081, %parallel_loop3A_2082, %parallel_loop3A_2083] {strides = array<i32>} : memref<64x4x128xf32, #tpu.memory_space<vmem>>, vector<16xf32>,
            %parallel_loop3A_2085 = arith.constant 3 : i32
            %parallel_loop3A_2086 = arith.index_cast %parallel_loop3A_2068 : i32 to index
            %parallel_loop3A_2087 = arith.index_cast %parallel_loop3A_2085 : i32 to index
            %parallel_loop3A_2088 = arith.index_cast %mul3A_1907 : i32 to index
            %parallel_loop3A_2089 = tpu.vector_load %arg9[%parallel_loop3A_2086, %parallel_loop3A_2087, %parallel_loop3A_2088] {strides = array<i32>} : memref<64x4x128xf32, #tpu.memory_space<vmem>>, vector<16xf32>,
            %parallel_loop3A_2090 = arith.subf %parallel_loop3A_2084, %parallel_loop3A_2074 : vector<16xf32>
            %parallel_loop3A_2091 = arith.subf %parallel_loop3A_2089, %parallel_loop3A_2079 : vector<16xf32>
            %parallel_loop3A_2092 = arith.mulf %parallel_loop3A_2090, %parallel_loop3A_2091 : vector<16xf32>
            %parallel_loop3A_2093 = arith.minimumf %parallel_loop3A_2084, %get3A_1924 : vector<16xf32>
            %parallel_loop3A_2094 = arith.maximumf %parallel_loop3A_2074, %get3A_1912 : vector<16xf32>
            %parallel_loop3A_2095 = arith.subf %parallel_loop3A_2093, %parallel_loop3A_2094 : vector<16xf32>
            %parallel_loop3A_2096 = arith.constant 0.000000e+00 : f32
            %parallel_loop3A_2097 = vector.broadcast %parallel_loop3A_2096 : f32 to vector<16xf32>
            %parallel_loop3A_2098 = arith.maximumf %parallel_loop3A_2095, %parallel_loop3A_2097 : vector<16xf32>
            %parallel_loop3A_2099 = arith.minimumf %parallel_loop3A_2089, %get3A_1930 : vector<16xf32>
            %parallel_loop3A_2100 = arith.maximumf %parallel_loop3A_2079, %get3A_1918 : vector<16xf32>
            %parallel_loop3A_2101 = arith.subf %parallel_loop3A_2099, %parallel_loop3A_2100 : vector<16xf32>
            %parallel_loop3A_2102 = arith.constant 0.000000e+00 : f32
            %parallel_loop3A_2103 = vector.broadcast %parallel_loop3A_2102 : f32 to vector<16xf32>
            %parallel_loop3A_2104 = arith.maximumf %parallel_loop3A_2101, %parallel_loop3A_2103 : vector<16xf32>
            %parallel_loop3A_2105 = arith.mulf %parallel_loop3A_2098, %parallel_loop3A_2104 : vector<16xf32>
            %parallel_loop3A_2106 = arith.addf %parallel_loop3A_2092, %mul3A_1956 : vector<16xf32>
            %parallel_loop3A_2107 = arith.subf %parallel_loop3A_2106, %parallel_loop3A_2105 : vector<16xf32>
            %parallel_loop3A_2108 = arith.constant 9.99999997E-7 : f32
            %parallel_loop3A_2109 = vector.broadcast %parallel_loop3A_2108 : f32 to vector<16xf32>
            %parallel_loop3A_2110 = arith.maximumf %parallel_loop3A_2107, %parallel_loop3A_2109 : vector<16xf32>
            %parallel_loop3A_2111 = arith.divf %parallel_loop3A_2105, %parallel_loop3A_2110 : vector<16xf32>
            %parallel_loop3A_2112 = arith.mulf %parallel_loop3A_2111, %mul3A_1982 : vector<16xf32>
            %parallel_loop3A_2113 = arith.constant 2.000000e+01 : f32
            %parallel_loop3A_2114 = vector.broadcast %parallel_loop3A_2113 : f32 to vector<16xf32>
            %parallel_loop3A_2115 = arith.mulf %parallel_loop3A_2111, %parallel_loop3A_2114 : vector<16xf32>
            %parallel_loop3A_2116 = arith.addf %parallel_loop3A_2115, %mul3A_1988 : vector<16xf32>
            %parallel_loop3A_2117 = arith.fptosi %parallel_loop3A_2112 : vector<16xf32> to vector<16xi32>
            %parallel_loop3A_2118 = vector.bitcast %parallel_loop3A_2117 : vector<16xi32> to vector<16xi32>
            %parallel_loop3A_2119 = arith.constant 39 : i32
            %parallel_loop3A_2120 = vector.broadcast %parallel_loop3A_2119 : i32 to vector<16xi32>
            %parallel_loop3A_2121 = arith.minui %parallel_loop3A_2118, %parallel_loop3A_2120 : vector<16xi32>
            %parallel_loop3A_2122 = vector.bitcast %parallel_loop3A_2121 : vector<16xi32> to vector<16xi32>
            %parallel_loop3A_2123 = arith.fptosi %parallel_loop3A_2116 : vector<16xf32> to vector<16xi32>
            %parallel_loop3A_2124 = vector.bitcast %parallel_loop3A_2123 : vector<16xi32> to vector<16xi32>
            %parallel_loop3A_2125 = arith.constant 39 : i32
            %parallel_loop3A_2126 = vector.broadcast %parallel_loop3A_2125 : i32 to vector<16xi32>
            %parallel_loop3A_2127 = arith.minui %parallel_loop3A_2124, %parallel_loop3A_2126 : vector<16xi32>
            %parallel_loop3A_2128 = vector.bitcast %parallel_loop3A_2127 : vector<16xi32> to vector<16xi32>
            %parallel_loop3A_2129 = arith.fptosi %parallel_loop3A_2115 : vector<16xf32> to vector<16xi32>
            %parallel_loop3A_2130 = vector.bitcast %parallel_loop3A_2129 : vector<16xi32> to vector<16xi32>
            %parallel_loop3A_2131 = arith.constant 19 : i32
            %parallel_loop3A_2132 = vector.broadcast %parallel_loop3A_2131 : i32 to vector<16xi32>
            %parallel_loop3A_2133 = arith.minui %parallel_loop3A_2130, %parallel_loop3A_2132 : vector<16xi32>
            %parallel_loop3A_2134 = vector.bitcast %parallel_loop3A_2133 : vector<16xi32> to vector<16xi32>
            %parallel_loop3A_2135 = arith.constant 4.000000e+01 : f32
            %parallel_loop3A_2136 = vector.broadcast %parallel_loop3A_2135 : f32 to vector<16xf32>
            %parallel_loop3A_2137 = arith.cmpf ole, %parallel_loop3A_2112, %parallel_loop3A_2136 : vector<16xf32>
            %parallel_loop3A_2138 = arith.constant 0.000000e+00 : f32
            %parallel_loop3A_2139 = vector.broadcast %parallel_loop3A_2138 : f32 to vector<16xf32>
            %parallel_loop3A_2140 = arith.cmpf oge, %parallel_loop3A_2116, %parallel_loop3A_2139 : vector<16xf32>
            %parallel_loop3A_2141 = arith.constant 4.000000e+01 : f32
            %parallel_loop3A_2142 = vector.broadcast %parallel_loop3A_2141 : f32 to vector<16xf32>
            %parallel_loop3A_2143 = arith.cmpf ole, %parallel_loop3A_2116, %parallel_loop3A_2142 : vector<16xf32>
            %parallel_loop3A_2144 = arith.andi %parallel_loop3A_2140, %parallel_loop3A_2143 : vector<16xi1>
            %parallel_loop3A_2145 = arith.constant 2.000000e+01 : f32
            %parallel_loop3A_2146 = vector.broadcast %parallel_loop3A_2145 : f32 to vector<16xf32>
            %parallel_loop3A_2147 = arith.cmpf ole, %parallel_loop3A_2115, %parallel_loop3A_2146 : vector<16xf32>
            %parallel_loop3A_2148 = arith.constant 5.000000e-01 : f32
            %parallel_loop3A_2149 = vector.broadcast %parallel_loop3A_2148 : f32 to vector<16xf32>
            %parallel_loop3A_2150 = arith.cmpf oge, %parallel_loop3A_2111, %parallel_loop3A_2149 : vector<16xf32>
            %parallel_loop3A_2151 = arith.ori %parallel_loop3A_2150, %ge3A_1990 : vector<16xi1>
            %parallel_loop3A_2152 = arith.constant 65537 : i32
            %parallel_loop3A_2153 = arith.constant 1 : i32
            %parallel_loop3A_2154 = vector.broadcast %parallel_loop3A_2152 : i32 to vector<16xi32>
            %parallel_loop3A_2155 = vector.broadcast %parallel_loop3A_2153 : i32 to vector<16xi32>
            %parallel_loop3A_2156 = arith.select %parallel_loop3A_2151, %parallel_loop3A_2154, %parallel_loop3A_2155 : vector<16xi1>, vector<16xi32>
            %parallel_loop3A_2157 = arith.constant 16 : i32
            %parallel_loop3A_2158 = vector.broadcast %parallel_loop3A_2157 : i32 to vector<16xi32>
            %parallel_loop3A_2159 = arith.muli %parallel_loop3A_2122, %parallel_loop3A_2158 : vector<16xi32>
            %parallel_loop3A_2160 = arith.addi %parallel_loop3A_2159, %add3A_6 : vector<16xi32>
            %parallel_loop3A_2161 = arith.constant 16 : i32
            %parallel_loop3A_2162 = vector.broadcast %parallel_loop3A_2161 : i32 to vector<16xi32>
            %parallel_loop3A_2163 = arith.muli %parallel_loop3A_2128, %parallel_loop3A_2162 : vector<16xi32>
            %parallel_loop3A_2164 = arith.addi %parallel_loop3A_2163, %add3A_9 : vector<16xi32>
            %parallel_loop3A_2165 = arith.constant 16 : i32
            %parallel_loop3A_2166 = vector.broadcast %parallel_loop3A_2165 : i32 to vector<16xi32>
            %parallel_loop3A_2167 = arith.muli %parallel_loop3A_2134, %parallel_loop3A_2166 : vector<16xi32>
            %parallel_loop3A_2168 = arith.addi %parallel_loop3A_2167, %add3A_12 : vector<16xi32>
            tpu.vector_store_idx %arg16[%parallel_loop3A_2160], %parallel_loop3A_2156 masked %parallel_loop3A_2137 {add = true} : memref<3072xi32, #tpu.memory_space<vmem>>[vector<16xi32>], vector<16xi32>, vector<16xi1>
            tpu.vector_store_idx %arg16[%parallel_loop3A_2164], %parallel_loop3A_2156 masked %parallel_loop3A_2144 {add = true} : memref<3072xi32, #tpu.memory_space<vmem>>[vector<16xi32>], vector<16xi32>, vector<16xi1>
            tpu.vector_store_idx %arg16[%parallel_loop3A_2168], %broadcast_in_dim3A_16 masked %parallel_loop3A_2147 {add = true} : memref<3072xi32, #tpu.memory_space<vmem>>[vector<16xi32>], vector<16xi32>, vector<16xi1>
            %parallel_loop3A_2169 = arith.maximumf %parallel_loop3A_2069, %parallel_loop3A_2111 : vector<16xf32>
            scf.yield %parallel_loop3A_2169 : vector<16xf32>
          } {sc.loop_unroll_factor = 2 : i64, sc.parallel_access}
          %mul3A_1996 = arith.constant 2.000000e+01 : f32
          %mul3A_1997 = vector.broadcast %mul3A_1996 : f32 to vector<16xf32>
          %mul3A_1998 = arith.mulf %div3A, %mul3A_1997 : vector<16xf32>
          %convert_element_type3A_1999 = arith.fptosi %mul3A_1998 : vector<16xf32> to vector<16xi32>
          %bitcast3A = vector.bitcast %convert_element_type3A_1999 : vector<16xi32> to vector<16xi32>
          %min3A_2000 = arith.constant 19 : i32
          %min3A_2001 = vector.broadcast %min3A_2000 : i32 to vector<16xi32>
          %min3A_2002 = arith.minui %bitcast3A, %min3A_2001 : vector<16xi32>
          %bitcast3A_2003 = vector.bitcast %min3A_2002 : vector<16xi32> to vector<16xi32>
          %le3A = arith.constant 2.000000e+01 : f32
          %le3A_2004 = vector.broadcast %le3A : f32 to vector<16xf32>
          %le3A_2005 = arith.cmpf ole, %mul3A_1998, %le3A_2004 : vector<16xf32>
          %mul3A_2006 = arith.constant 2.000000e+01 : f32
          %mul3A_2007 = vector.broadcast %mul3A_2006 : f32 to vector<16xf32>
          %mul3A_2008 = arith.mulf %parallel_loop3A_1995, %mul3A_2007 : vector<16xf32>
          %convert_element_type3A_2009 = arith.fptosi %mul3A_2008 : vector<16xf32> to vector<16xi32>
          %bitcast3A_2010 = vector.bitcast %convert_element_type3A_2009 : vector<16xi32> to vector<16xi32>
          %min3A_2011 = arith.constant 19 : i32
          %min3A_2012 = vector.broadcast %min3A_2011 : i32 to vector<16xi32>
          %min3A_2013 = arith.minui %bitcast3A_2010, %min3A_2012 : vector<16xi32>
          %bitcast3A_2014 = vector.bitcast %min3A_2013 : vector<16xi32> to vector<16xi32>
          %ge3A_2015 = arith.constant 0.000000e+00 : f32
          %ge3A_2016 = vector.broadcast %ge3A_2015 : f32 to vector<16xf32>
          %ge3A_2017 = arith.cmpf oge, %mul3A_2008, %ge3A_2016 : vector<16xf32>
          %le3A_2018 = arith.constant 2.000000e+01 : f32
          %le3A_2019 = vector.broadcast %le3A_2018 : f32 to vector<16xf32>
          %le3A_2020 = arith.cmpf ole, %mul3A_2008, %le3A_2019 : vector<16xf32>
          %and3A_2021 = arith.andi %ge3A_2017, %le3A_2020 : vector<16xi1>
          %add3A_2022 = arith.constant 1.000000e+00 : f32
          %add3A_2023 = vector.broadcast %add3A_2022 : f32 to vector<16xf32>
          %add3A_2024 = arith.addf %div3A, %add3A_2023 : vector<16xf32>
          %mul3A_2025 = arith.constant 1.000000e+01 : f32
          %mul3A_2026 = vector.broadcast %mul3A_2025 : f32 to vector<16xf32>
          %mul3A_2027 = arith.mulf %add3A_2024, %mul3A_2026 : vector<16xf32>
          %convert_element_type3A_2028 = arith.fptosi %mul3A_2027 : vector<16xf32> to vector<16xi32>
          %bitcast3A_2029 = vector.bitcast %convert_element_type3A_2028 : vector<16xi32> to vector<16xi32>
          %min3A_2030 = arith.constant 19 : i32
          %min3A_2031 = vector.broadcast %min3A_2030 : i32 to vector<16xi32>
          %min3A_2032 = arith.minui %bitcast3A_2029, %min3A_2031 : vector<16xi32>
          %bitcast3A_2033 = vector.bitcast %min3A_2032 : vector<16xi32> to vector<16xi32>
          %le3A_2034 = arith.constant 2.000000e+01 : f32
          %le3A_2035 = vector.broadcast %le3A_2034 : f32 to vector<16xf32>
          %le3A_2036 = arith.cmpf ole, %mul3A_2027, %le3A_2035 : vector<16xf32>
          %mul3A_2037 = arith.constant 16 : i32
          %mul3A_2038 = vector.broadcast %mul3A_2037 : i32 to vector<16xi32>
          %mul3A_2039 = arith.muli %bitcast3A_2003, %mul3A_2038 : vector<16xi32>
          %add3A_2040 = arith.constant 1600 : i32
          %add3A_2041 = vector.broadcast %add3A_2040 : i32 to vector<16xi32>
          %add3A_2042 = arith.addi %iota3A, %add3A_2041 : vector<16xi32>
          %add3A_2043 = arith.addi %mul3A_2039, %add3A_2042 : vector<16xi32>
          %broadcast_in_dim3A_2044 = arith.constant 64 : i32
          %broadcast_in_dim3A_2045 = vector.broadcast %broadcast_in_dim3A_2044 : i32 to vector<16xi32>
          tpu.vector_store_idx %arg16[%add3A_2043], %broadcast_in_dim3A_2045 masked %le3A_2005 {add = true} : memref<3072xi32, #tpu.memory_space<vmem>>[vector<16xi32>], vector<16xi32>, vector<16xi1>
          %mul3A_2046 = arith.constant 16 : i32
          %mul3A_2047 = vector.broadcast %mul3A_2046 : i32 to vector<16xi32>
          %mul3A_2048 = arith.muli %bitcast3A_2014, %mul3A_2047 : vector<16xi32>
          %add3A_2049 = arith.constant 1920 : i32
          %add3A_2050 = vector.broadcast %add3A_2049 : i32 to vector<16xi32>
          %add3A_2051 = arith.addi %iota3A, %add3A_2050 : vector<16xi32>
          %add3A_2052 = arith.addi %mul3A_2048, %add3A_2051 : vector<16xi32>
          tpu.vector_store_idx %arg16[%add3A_2052], %broadcast_in_dim3A_16 masked %and3A_2021 {add = true} : memref<3072xi32, #tpu.memory_space<vmem>>[vector<16xi32>], vector<16xi32>, vector<16xi1>
          %mul3A_2053 = arith.constant 16 : i32
          %mul3A_2054 = vector.broadcast %mul3A_2053 : i32 to vector<16xi32>
          %mul3A_2055 = arith.muli %bitcast3A_2003, %mul3A_2054 : vector<16xi32>
          %add3A_2056 = arith.constant 2240 : i32
          %add3A_2057 = vector.broadcast %add3A_2056 : i32 to vector<16xi32>
          %add3A_2058 = arith.addi %iota3A, %add3A_2057 : vector<16xi32>
          %add3A_2059 = arith.addi %mul3A_2055, %add3A_2058 : vector<16xi32>
          tpu.vector_store_idx %arg16[%add3A_2059], %broadcast_in_dim3A_16 masked %le3A_2005 {add = true} : memref<3072xi32, #tpu.memory_space<vmem>>[vector<16xi32>], vector<16xi32>, vector<16xi1>
          %mul3A_2060 = arith.constant 16 : i32
          %mul3A_2061 = vector.broadcast %mul3A_2060 : i32 to vector<16xi32>
          %mul3A_2062 = arith.muli %bitcast3A_2033, %mul3A_2061 : vector<16xi32>
          %add3A_2063 = arith.constant 2560 : i32
          %add3A_2064 = vector.broadcast %add3A_2063 : i32 to vector<16xi32>
          %add3A_2065 = arith.addi %iota3A, %add3A_2064 : vector<16xi32>
          %add3A_2066 = arith.addi %mul3A_2062, %add3A_2065 : vector<16xi32>
          tpu.vector_store_idx %arg16[%add3A_2066], %broadcast_in_dim3A_16 masked %le3A_2036 {add = true} : memref<3072xi32, #tpu.memory_space<vmem>>[vector<16xi32>], vector<16xi32>, vector<16xi1>
          %scan3A_2067 = arith.constant 0 : i32
          scf.yield %scan3A_2067 : i32
        }
        %scan3A_1897 = arith.constant 8 : i32
        %add3A_1898 = arith.constant 2 : i32
        %add3A_1899 = arith.addi %add3A_1845, %add3A_1898 : i32
        %lt3A_1900 = arith.cmpi slt, %add3A_1899, %select_n3A : i32
        %convert_element_type3A_1901 = arith.extui %lt3A_1900 : i1 to i32
        %cond3A_1902 = arith.constant 0 : i32
        %cond3A_1903 = arith.cmpi ne, %convert_element_type3A_1901, %cond3A_1902 : i32
        scf.if %cond3A_1903 {
          %add3A_1904 = arith.constant 2 : i32
          %add3A_1905 = arith.addi %add3A_1845, %add3A_1904 : i32
          %add3A_1906 = arith.addi %add3A_26, %add3A_1905 : i32
          %mul3A_1907 = arith.constant 128 : i32
          %mul3A_1908 = arith.muli %add3A_1906, %mul3A_1907 : i32
          %dma_start3A_1909 = arith.constant 0 : i32
          %dma_start3A_1910 = arith.constant 0 : i32
          %dma_start3A_1911 = arith.constant 0 : i32
          %dma_start3A_1912 = tpu.memref_slice %arg2[%dma_start3A_1910, %dma_start3A_1911, %mul3A_1908] : memref<64x4x50000xf32, #tpu.memory_space<hbm>> -> memref<64x4x128xf32, #tpu.memory_space<hbm>>
          %dma_start3A_1913 = tpu.memref_slice %arg17[%dma_start3A_1909] : memref<2x!tpu.dma_semaphore, #tpu.memory_space<semaphore_mem>> -> memref<1x!tpu.dma_semaphore, #tpu.memory_space<semaphore_mem>>
          %dma_start3A_1914 = tpu.memref_squeeze %dma_start3A_1913 : memref<1x!tpu.dma_semaphore, #tpu.memory_space<semaphore_mem>> -> memref<!tpu.dma_semaphore, #tpu.memory_space<semaphore_mem>>
          %dma_start3A_1915 = arith.constant 0 : i32
          %dma_start3A_1916 = arith.constant 0 : i32
          %dma_start3A_1917 = tpu.memref_slice %arg2[%dma_start3A_1915, %dma_start3A_1916, %mul3A_1908] : memref<64x4x50000xf32, #tpu.memory_space<hbm>> -> memref<64x4x128xf32, #tpu.memory_space<hbm>>
          tpu.enqueue_dma source(%dma_start3A_1917 : memref<64x4x128xf32, #tpu.memory_space<hbm>>) target(%arg9 : memref<64x4x128xf32, #tpu.memory_space<vmem>>) target_semaphore(%dma_start3A_1914 : memref<!tpu.dma_semaphore, #tpu.memory_space<semaphore_mem>>)
          %dma_start3A_1918 = arith.constant 0 : i32
          %dma_start3A_1919 = arith.constant 0 : i32
          %dma_start3A_1920 = arith.constant 0 : i32
          %dma_start3A_1921 = tpu.memref_slice %arg3[%dma_start3A_1919, %dma_start3A_1920, %mul3A_1908] : memref<1x4x50000xf32, #tpu.memory_space<hbm>> -> memref<1x4x128xf32, #tpu.memory_space<hbm>>
          %dma_start3A_1922 = tpu.memref_slice %arg17[%dma_start3A_1918] : memref<2x!tpu.dma_semaphore, #tpu.memory_space<semaphore_mem>> -> memref<1x!tpu.dma_semaphore, #tpu.memory_space<semaphore_mem>>
          %dma_start3A_1923 = tpu.memref_squeeze %dma_start3A_1922 : memref<1x!tpu.dma_semaphore, #tpu.memory_space<semaphore_mem>> -> memref<!tpu.dma_semaphore, #tpu.memory_space<semaphore_mem>>
          %dma_start3A_1924 = arith.constant 0 : i32
          %dma_start3A_1925 = arith.constant 0 : i32
          %dma_start3A_1926 = tpu.memref_slice %arg3[%dma_start3A_1924, %dma_start3A_1925, %mul3A_1908] : memref<1x4x50000xf32, #tpu.memory_space<hbm>> -> memref<1x4x128xf32, #tpu.memory_space<hbm>>
          tpu.enqueue_dma source(%dma_start3A_1926 : memref<1x4x128xf32, #tpu.memory_space<hbm>>) target(%arg11 : memref<1x4x128xf32, #tpu.memory_space<vmem>>) target_semaphore(%dma_start3A_1923 : memref<!tpu.dma_semaphore, #tpu.memory_space<semaphore_mem>>)
          %dma_start3A_1927 = arith.constant 0 : i32
          %dma_start3A_1928 = arith.constant 0 : i32
          %dma_start3A_1929 = arith.constant 0 : i32
          %dma_start3A_1930 = tpu.memref_slice %arg4[%dma_start3A_1928, %dma_start3A_1929, %mul3A_1908] : memref<1x4x50000xf32, #tpu.memory_space<hbm>> -> memref<1x4x128xf32, #tpu.memory_space<hbm>>
          %dma_start3A_1931 = tpu.memref_slice %arg17[%dma_start3A_1927] : memref<2x!tpu.dma_semaphore, #tpu.memory_space<semaphore_mem>> -> memref<1x!tpu.dma_semaphore, #tpu.memory_space<semaphore_mem>>
          %dma_start3A_1932 = tpu.memref_squeeze %dma_start3A_1931 : memref<1x!tpu.dma_semaphore, #tpu.memory_space<semaphore_mem>> -> memref<!tpu.dma_semaphore, #tpu.memory_space<semaphore_mem>>
          %dma_start3A_1933 = arith.constant 0 : i32
          %dma_start3A_1934 = arith.constant 0 : i32
          %dma_start3A_1935 = tpu.memref_slice %arg4[%dma_start3A_1933, %dma_start3A_1934, %mul3A_1908] : memref<1x4x50000xf32, #tpu.memory_space<hbm>> -> memref<1x4x128xf32, #tpu.memory_space<hbm>>
          tpu.enqueue_dma source(%dma_start3A_1935 : memref<1x4x128xf32, #tpu.memory_space<hbm>>) target(%arg13 : memref<1x4x128xf32, #tpu.memory_space<vmem>>) target_semaphore(%dma_start3A_1932 : memref<!tpu.dma_semaphore, #tpu.memory_space<semaphore_mem>>)
        } else {
        }
      } else {
      }
      %mul3A_1850 = arith.constant 2 : i32
      %mul3A_1851 = arith.muli %scan3A_1840, %mul3A_1850 : i32
      %add3A_1852 = arith.constant 1 : i32
      %add3A_1853 = arith.addi %mul3A_1851, %add3A_1852 : i32
      %lt3A_1854 = arith.cmpi slt, %add3A_1853, %select_n3A : i32
      %convert_element_type3A_1855 = arith.extui %lt3A_1854 : i1 to i32
      %cond3A_1856 = arith.constant 0 : i32
      %cond3A_1857 = arith.cmpi ne, %convert_element_type3A_1855, %cond3A_1856 : i32
      scf.if %cond3A_1857 {
        %dma_wait3A = arith.constant 1 : i32
        %dma_wait3A_1859 = arith.constant 0 : i32
        %dma_wait3A_1860 = arith.constant 0 : i32
        %dma_wait3A_1861 = arith.constant 0 : i32
        %dma_wait3A_1862 = tpu.memref_slice %arg2[%dma_wait3A_1859, %dma_wait3A_1860, %dma_wait3A_1861] : memref<64x4x50000xf32, #tpu.memory_space<hbm>> -> memref<64x4x128xf32, #tpu.memory_space<hbm>>
        %dma_wait3A_1863 = tpu.memref_slice %arg17[%dma_wait3A] : memref<2x!tpu.dma_semaphore, #tpu.memory_space<semaphore_mem>> -> memref<1x!tpu.dma_semaphore, #tpu.memory_space<semaphore_mem>>
        %dma_wait3A_1864 = tpu.memref_squeeze %dma_wait3A_1863 : memref<1x!tpu.dma_semaphore, #tpu.memory_space<semaphore_mem>> -> memref<!tpu.dma_semaphore, #tpu.memory_space<semaphore_mem>>
        %dma_wait3A_1865 = arith.constant 0 : i32
        %dma_wait3A_1866 = arith.constant 0 : i32
        %dma_wait3A_1867 = arith.constant 0 : i32
        %dma_wait3A_1868 = tpu.memref_slice %arg2[%dma_wait3A_1865, %dma_wait3A_1866, %dma_wait3A_1867] : memref<64x4x50000xf32, #tpu.memory_space<hbm>> -> memref<64x4x128xf32, #tpu.memory_space<hbm>>
        tpu.wait_dma2 semaphore(%dma_wait3A_1864 : memref<!tpu.dma_semaphore, #tpu.memory_space<semaphore_mem>>) src(%dma_wait3A_1868 : memref<64x4x128xf32, #tpu.memory_space<hbm>>) dst(%arg10 : memref<64x4x128xf32, #tpu.memory_space<vmem>>)
        %dma_wait3A_1869 = arith.constant 1 : i32
        %dma_wait3A_1870 = arith.constant 0 : i32
        %dma_wait3A_1871 = arith.constant 0 : i32
        %dma_wait3A_1872 = arith.constant 0 : i32
        %dma_wait3A_1873 = tpu.memref_slice %arg3[%dma_wait3A_1870, %dma_wait3A_1871, %dma_wait3A_1872] : memref<1x4x50000xf32, #tpu.memory_space<hbm>> -> memref<1x4x128xf32, #tpu.memory_space<hbm>>
        %dma_wait3A_1874 = tpu.memref_slice %arg17[%dma_wait3A_1869] : memref<2x!tpu.dma_semaphore, #tpu.memory_space<semaphore_mem>> -> memref<1x!tpu.dma_semaphore, #tpu.memory_space<semaphore_mem>>
        %dma_wait3A_1875 = tpu.memref_squeeze %dma_wait3A_1874 : memref<1x!tpu.dma_semaphore, #tpu.memory_space<semaphore_mem>> -> memref<!tpu.dma_semaphore, #tpu.memory_space<semaphore_mem>>
        %dma_wait3A_1876 = arith.constant 0 : i32
        %dma_wait3A_1877 = arith.constant 0 : i32
        %dma_wait3A_1878 = arith.constant 0 : i32
        %dma_wait3A_1879 = tpu.memref_slice %arg3[%dma_wait3A_1876, %dma_wait3A_1877, %dma_wait3A_1878] : memref<1x4x50000xf32, #tpu.memory_space<hbm>> -> memref<1x4x128xf32, #tpu.memory_space<hbm>>
        tpu.wait_dma2 semaphore(%dma_wait3A_1875 : memref<!tpu.dma_semaphore, #tpu.memory_space<semaphore_mem>>) src(%dma_wait3A_1879 : memref<1x4x128xf32, #tpu.memory_space<hbm>>) dst(%arg12 : memref<1x4x128xf32, #tpu.memory_space<vmem>>)
        %dma_wait3A_1880 = arith.constant 1 : i32
        %dma_wait3A_1881 = arith.constant 0 : i32
        %dma_wait3A_1882 = arith.constant 0 : i32
        %dma_wait3A_1883 = arith.constant 0 : i32
        %dma_wait3A_1884 = tpu.memref_slice %arg4[%dma_wait3A_1881, %dma_wait3A_1882, %dma_wait3A_1883] : memref<1x4x50000xf32, #tpu.memory_space<hbm>> -> memref<1x4x128xf32, #tpu.memory_space<hbm>>
        %dma_wait3A_1885 = tpu.memref_slice %arg17[%dma_wait3A_1880] : memref<2x!tpu.dma_semaphore, #tpu.memory_space<semaphore_mem>> -> memref<1x!tpu.dma_semaphore, #tpu.memory_space<semaphore_mem>>
        %dma_wait3A_1886 = tpu.memref_squeeze %dma_wait3A_1885 : memref<1x!tpu.dma_semaphore, #tpu.memory_space<semaphore_mem>> -> memref<!tpu.dma_semaphore, #tpu.memory_space<semaphore_mem>>
        %dma_wait3A_1887 = arith.constant 0 : i32
        %dma_wait3A_1888 = arith.constant 0 : i32
        %dma_wait3A_1889 = arith.constant 0 : i32
        %dma_wait3A_1890 = tpu.memref_slice %arg4[%dma_wait3A_1887, %dma_wait3A_1888, %dma_wait3A_1889] : memref<1x4x50000xf32, #tpu.memory_space<hbm>> -> memref<1x4x128xf32, #tpu.memory_space<hbm>>
        tpu.wait_dma2 semaphore(%dma_wait3A_1886 : memref<!tpu.dma_semaphore, #tpu.memory_space<semaphore_mem>>) src(%dma_wait3A_1890 : memref<1x4x128xf32, #tpu.memory_space<hbm>>) dst(%arg14 : memref<1x4x128xf32, #tpu.memory_space<vmem>>)
        %scan3A_1891 = arith.constant 0 : i32
        %scan3A_1892 = arith.constant 0 : i32
        %scan3A_1893 = arith.constant 8 : i32
        %scan3A_1894 = arith.addi %scan3A_1892, %scan3A_1893 : i32
        %scan3A_1895 = arith.constant 1 : i32
        %scan3A_1896 = scf.for %scan3A_1904 = %scan3A_1892 to %scan3A_1894 step %scan3A_1895 iter_args(%scan3A_1905 = %scan3A_1891) -> (i32)  : i32 {
          %mul3A_1906 = arith.constant 16 : i32
          %mul3A_1907 = arith.muli %scan3A_1904, %mul3A_1906 : i32
          %get3A = arith.constant 0 : i32
          %get3A_1908 = arith.constant 0 : i32
          %get3A_1909 = arith.index_cast %get3A : i32 to index
          %get3A_1910 = arith.index_cast %get3A_1908 : i32 to index
          %get3A_1911 = arith.index_cast %mul3A_1907 : i32 to index
          %get3A_1912 = tpu.vector_load %arg12[%get3A_1909, %get3A_1910, %get3A_1911] {strides = array<i32>} : memref<1x4x128xf32, #tpu.memory_space<vmem>>, vector<16xf32>,
          %get3A_1913 = arith.constant 0 : i32
          %get3A_1914 = arith.constant 1 : i32
          %get3A_1915 = arith.index_cast %get3A_1913 : i32 to index
          %get3A_1916 = arith.index_cast %get3A_1914 : i32 to index
          %get3A_1917 = arith.index_cast %mul3A_1907 : i32 to index
          %get3A_1918 = tpu.vector_load %arg12[%get3A_1915, %get3A_1916, %get3A_1917] {strides = array<i32>} : memref<1x4x128xf32, #tpu.memory_space<vmem>>, vector<16xf32>,
          %get3A_1919 = arith.constant 0 : i32
          %get3A_1920 = arith.constant 2 : i32
          %get3A_1921 = arith.index_cast %get3A_1919 : i32 to index
          %get3A_1922 = arith.index_cast %get3A_1920 : i32 to index
          %get3A_1923 = arith.index_cast %mul3A_1907 : i32 to index
          %get3A_1924 = tpu.vector_load %arg12[%get3A_1921, %get3A_1922, %get3A_1923] {strides = array<i32>} : memref<1x4x128xf32, #tpu.memory_space<vmem>>, vector<16xf32>,
          %get3A_1925 = arith.constant 0 : i32
          %get3A_1926 = arith.constant 3 : i32
          %get3A_1927 = arith.index_cast %get3A_1925 : i32 to index
          %get3A_1928 = arith.index_cast %get3A_1926 : i32 to index
          %get3A_1929 = arith.index_cast %mul3A_1907 : i32 to index
          %get3A_1930 = tpu.vector_load %arg12[%get3A_1927, %get3A_1928, %get3A_1929] {strides = array<i32>} : memref<1x4x128xf32, #tpu.memory_space<vmem>>, vector<16xf32>,
          %get3A_1931 = arith.constant 0 : i32
          %get3A_1932 = arith.constant 0 : i32
          %get3A_1933 = arith.index_cast %get3A_1931 : i32 to index
          %get3A_1934 = arith.index_cast %get3A_1932 : i32 to index
          %get3A_1935 = arith.index_cast %mul3A_1907 : i32 to index
          %get3A_1936 = tpu.vector_load %arg14[%get3A_1933, %get3A_1934, %get3A_1935] {strides = array<i32>} : memref<1x4x128xf32, #tpu.memory_space<vmem>>, vector<16xf32>,
          %get3A_1937 = arith.constant 0 : i32
          %get3A_1938 = arith.constant 1 : i32
          %get3A_1939 = arith.index_cast %get3A_1937 : i32 to index
          %get3A_1940 = arith.index_cast %get3A_1938 : i32 to index
          %get3A_1941 = arith.index_cast %mul3A_1907 : i32 to index
          %get3A_1942 = tpu.vector_load %arg14[%get3A_1939, %get3A_1940, %get3A_1941] {strides = array<i32>} : memref<1x4x128xf32, #tpu.memory_space<vmem>>, vector<16xf32>,
          %get3A_1943 = arith.constant 0 : i32
          %get3A_1944 = arith.constant 2 : i32
          %get3A_1945 = arith.index_cast %get3A_1943 : i32 to index
          %get3A_1946 = arith.index_cast %get3A_1944 : i32 to index
          %get3A_1947 = arith.index_cast %mul3A_1907 : i32 to index
          %get3A_1948 = tpu.vector_load %arg14[%get3A_1945, %get3A_1946, %get3A_1947] {strides = array<i32>} : memref<1x4x128xf32, #tpu.memory_space<vmem>>, vector<16xf32>,
          %get3A_1949 = arith.constant 0 : i32
          %get3A_1950 = arith.constant 3 : i32
          %get3A_1951 = arith.index_cast %get3A_1949 : i32 to index
          %get3A_1952 = arith.index_cast %get3A_1950 : i32 to index
          %get3A_1953 = arith.index_cast %mul3A_1907 : i32 to index
          %get3A_1954 = tpu.vector_load %arg14[%get3A_1951, %get3A_1952, %get3A_1953] {strides = array<i32>} : memref<1x4x128xf32, #tpu.memory_space<vmem>>, vector<16xf32>,
          %sub3A = arith.subf %get3A_1924, %get3A_1912 : vector<16xf32>
          %sub3A_1955 = arith.subf %get3A_1930, %get3A_1918 : vector<16xf32>
          %mul3A_1956 = arith.mulf %sub3A, %sub3A_1955 : vector<16xf32>
          %sub3A_1957 = arith.subf %get3A_1948, %get3A_1936 : vector<16xf32>
          %sub3A_1958 = arith.subf %get3A_1954, %get3A_1942 : vector<16xf32>
          %mul3A_1959 = arith.mulf %sub3A_1957, %sub3A_1958 : vector<16xf32>
          %min3A_1960 = arith.minimumf %get3A_1924, %get3A_1948 : vector<16xf32>
          %max3A = arith.maximumf %get3A_1912, %get3A_1936 : vector<16xf32>
          %sub3A_1961 = arith.subf %min3A_1960, %max3A : vector<16xf32>
          %max3A_1962 = arith.constant 0.000000e+00 : f32
          %max3A_1963 = vector.broadcast %max3A_1962 : f32 to vector<16xf32>
          %max3A_1964 = arith.maximumf %sub3A_1961, %max3A_1963 : vector<16xf32>
          %min3A_1965 = arith.minimumf %get3A_1930, %get3A_1954 : vector<16xf32>
          %max3A_1966 = arith.maximumf %get3A_1918, %get3A_1942 : vector<16xf32>
          %sub3A_1967 = arith.subf %min3A_1965, %max3A_1966 : vector<16xf32>
          %max3A_1968 = arith.constant 0.000000e+00 : f32
          %max3A_1969 = vector.broadcast %max3A_1968 : f32 to vector<16xf32>
          %max3A_1970 = arith.maximumf %sub3A_1967, %max3A_1969 : vector<16xf32>
          %mul3A_1971 = arith.mulf %max3A_1964, %max3A_1970 : vector<16xf32>
          %add3A_1972 = arith.addf %mul3A_1956, %mul3A_1959 : vector<16xf32>
          %sub3A_1973 = arith.subf %add3A_1972, %mul3A_1971 : vector<16xf32>
          %max3A_1974 = arith.constant 9.99999997E-7 : f32
          %max3A_1975 = vector.broadcast %max3A_1974 : f32 to vector<16xf32>
          %max3A_1976 = arith.maximumf %sub3A_1973, %max3A_1975 : vector<16xf32>
          %div3A = arith.divf %mul3A_1971, %max3A_1976 : vector<16xf32>
          %div3A_1977 = arith.constant 1.000000e+00 : f32
          %div3A_1978 = vector.broadcast %div3A_1977 : f32 to vector<16xf32>
          %div3A_1979 = arith.divf %div3A_1978, %div3A : vector<16xf32>
          %mul3A_1980 = arith.constant 2.000000e+01 : f32
          %mul3A_1981 = vector.broadcast %mul3A_1980 : f32 to vector<16xf32>
          %mul3A_1982 = arith.mulf %div3A_1979, %mul3A_1981 : vector<16xf32>
          %sub3A_1983 = arith.constant 1.000000e+00 : f32
          %sub3A_1984 = vector.broadcast %sub3A_1983 : f32 to vector<16xf32>
          %sub3A_1985 = arith.subf %sub3A_1984, %div3A : vector<16xf32>
          %mul3A_1986 = arith.constant 2.000000e+01 : f32
          %mul3A_1987 = vector.broadcast %mul3A_1986 : f32 to vector<16xf32>
          %mul3A_1988 = arith.mulf %sub3A_1985, %mul3A_1987 : vector<16xf32>
          %ge3A = arith.constant 5.000000e-01 : f32
          %ge3A_1989 = vector.broadcast %ge3A : f32 to vector<16xf32>
          %ge3A_1990 = arith.cmpf oge, %div3A, %ge3A_1989 : vector<16xf32>
          %broadcast_in_dim3A_1991 = arith.constant 0xFF800000 : f32
          %broadcast_in_dim3A_1992 = vector.broadcast %broadcast_in_dim3A_1991 : f32 to vector<16xf32>
          %parallel_loop3A = arith.constant 0 : i32
          %parallel_loop3A_1993 = arith.constant 64 : i32
          %parallel_loop3A_1994 = arith.constant 1 : i32
          %parallel_loop3A_1995 = scf.for %parallel_loop3A_2068 = %parallel_loop3A to %parallel_loop3A_1993 step %parallel_loop3A_1994 iter_args(%parallel_loop3A_2069 = %broadcast_in_dim3A_1992) -> (vector<16xf32>)  : i32 {
            %parallel_loop3A_2070 = arith.constant 0 : i32
            %parallel_loop3A_2071 = arith.index_cast %parallel_loop3A_2068 : i32 to index
            %parallel_loop3A_2072 = arith.index_cast %parallel_loop3A_2070 : i32 to index
            %parallel_loop3A_2073 = arith.index_cast %mul3A_1907 : i32 to index
            %parallel_loop3A_2074 = tpu.vector_load %arg10[%parallel_loop3A_2071, %parallel_loop3A_2072, %parallel_loop3A_2073] {strides = array<i32>} : memref<64x4x128xf32, #tpu.memory_space<vmem>>, vector<16xf32>,
            %parallel_loop3A_2075 = arith.constant 1 : i32
            %parallel_loop3A_2076 = arith.index_cast %parallel_loop3A_2068 : i32 to index
            %parallel_loop3A_2077 = arith.index_cast %parallel_loop3A_2075 : i32 to index
            %parallel_loop3A_2078 = arith.index_cast %mul3A_1907 : i32 to index
            %parallel_loop3A_2079 = tpu.vector_load %arg10[%parallel_loop3A_2076, %parallel_loop3A_2077, %parallel_loop3A_2078] {strides = array<i32>} : memref<64x4x128xf32, #tpu.memory_space<vmem>>, vector<16xf32>,
            %parallel_loop3A_2080 = arith.constant 2 : i32
            %parallel_loop3A_2081 = arith.index_cast %parallel_loop3A_2068 : i32 to index
            %parallel_loop3A_2082 = arith.index_cast %parallel_loop3A_2080 : i32 to index
            %parallel_loop3A_2083 = arith.index_cast %mul3A_1907 : i32 to index
            %parallel_loop3A_2084 = tpu.vector_load %arg10[%parallel_loop3A_2081, %parallel_loop3A_2082, %parallel_loop3A_2083] {strides = array<i32>} : memref<64x4x128xf32, #tpu.memory_space<vmem>>, vector<16xf32>,
            %parallel_loop3A_2085 = arith.constant 3 : i32
            %parallel_loop3A_2086 = arith.index_cast %parallel_loop3A_2068 : i32 to index
            %parallel_loop3A_2087 = arith.index_cast %parallel_loop3A_2085 : i32 to index
            %parallel_loop3A_2088 = arith.index_cast %mul3A_1907 : i32 to index
            %parallel_loop3A_2089 = tpu.vector_load %arg10[%parallel_loop3A_2086, %parallel_loop3A_2087, %parallel_loop3A_2088] {strides = array<i32>} : memref<64x4x128xf32, #tpu.memory_space<vmem>>, vector<16xf32>,
            %parallel_loop3A_2090 = arith.subf %parallel_loop3A_2084, %parallel_loop3A_2074 : vector<16xf32>
            %parallel_loop3A_2091 = arith.subf %parallel_loop3A_2089, %parallel_loop3A_2079 : vector<16xf32>
            %parallel_loop3A_2092 = arith.mulf %parallel_loop3A_2090, %parallel_loop3A_2091 : vector<16xf32>
            %parallel_loop3A_2093 = arith.minimumf %parallel_loop3A_2084, %get3A_1924 : vector<16xf32>
            %parallel_loop3A_2094 = arith.maximumf %parallel_loop3A_2074, %get3A_1912 : vector<16xf32>
            %parallel_loop3A_2095 = arith.subf %parallel_loop3A_2093, %parallel_loop3A_2094 : vector<16xf32>
            %parallel_loop3A_2096 = arith.constant 0.000000e+00 : f32
            %parallel_loop3A_2097 = vector.broadcast %parallel_loop3A_2096 : f32 to vector<16xf32>
            %parallel_loop3A_2098 = arith.maximumf %parallel_loop3A_2095, %parallel_loop3A_2097 : vector<16xf32>
            %parallel_loop3A_2099 = arith.minimumf %parallel_loop3A_2089, %get3A_1930 : vector<16xf32>
            %parallel_loop3A_2100 = arith.maximumf %parallel_loop3A_2079, %get3A_1918 : vector<16xf32>
            %parallel_loop3A_2101 = arith.subf %parallel_loop3A_2099, %parallel_loop3A_2100 : vector<16xf32>
            %parallel_loop3A_2102 = arith.constant 0.000000e+00 : f32
            %parallel_loop3A_2103 = vector.broadcast %parallel_loop3A_2102 : f32 to vector<16xf32>
            %parallel_loop3A_2104 = arith.maximumf %parallel_loop3A_2101, %parallel_loop3A_2103 : vector<16xf32>
            %parallel_loop3A_2105 = arith.mulf %parallel_loop3A_2098, %parallel_loop3A_2104 : vector<16xf32>
            %parallel_loop3A_2106 = arith.addf %parallel_loop3A_2092, %mul3A_1956 : vector<16xf32>
            %parallel_loop3A_2107 = arith.subf %parallel_loop3A_2106, %parallel_loop3A_2105 : vector<16xf32>
            %parallel_loop3A_2108 = arith.constant 9.99999997E-7 : f32
            %parallel_loop3A_2109 = vector.broadcast %parallel_loop3A_2108 : f32 to vector<16xf32>
            %parallel_loop3A_2110 = arith.maximumf %parallel_loop3A_2107, %parallel_loop3A_2109 : vector<16xf32>
            %parallel_loop3A_2111 = arith.divf %parallel_loop3A_2105, %parallel_loop3A_2110 : vector<16xf32>
            %parallel_loop3A_2112 = arith.mulf %parallel_loop3A_2111, %mul3A_1982 : vector<16xf32>
            %parallel_loop3A_2113 = arith.constant 2.000000e+01 : f32
            %parallel_loop3A_2114 = vector.broadcast %parallel_loop3A_2113 : f32 to vector<16xf32>
            %parallel_loop3A_2115 = arith.mulf %parallel_loop3A_2111, %parallel_loop3A_2114 : vector<16xf32>
            %parallel_loop3A_2116 = arith.addf %parallel_loop3A_2115, %mul3A_1988 : vector<16xf32>
            %parallel_loop3A_2117 = arith.fptosi %parallel_loop3A_2112 : vector<16xf32> to vector<16xi32>
            %parallel_loop3A_2118 = vector.bitcast %parallel_loop3A_2117 : vector<16xi32> to vector<16xi32>
            %parallel_loop3A_2119 = arith.constant 39 : i32
            %parallel_loop3A_2120 = vector.broadcast %parallel_loop3A_2119 : i32 to vector<16xi32>
            %parallel_loop3A_2121 = arith.minui %parallel_loop3A_2118, %parallel_loop3A_2120 : vector<16xi32>
            %parallel_loop3A_2122 = vector.bitcast %parallel_loop3A_2121 : vector<16xi32> to vector<16xi32>
            %parallel_loop3A_2123 = arith.fptosi %parallel_loop3A_2116 : vector<16xf32> to vector<16xi32>
            %parallel_loop3A_2124 = vector.bitcast %parallel_loop3A_2123 : vector<16xi32> to vector<16xi32>
            %parallel_loop3A_2125 = arith.constant 39 : i32
            %parallel_loop3A_2126 = vector.broadcast %parallel_loop3A_2125 : i32 to vector<16xi32>
            %parallel_loop3A_2127 = arith.minui %parallel_loop3A_2124, %parallel_loop3A_2126 : vector<16xi32>
            %parallel_loop3A_2128 = vector.bitcast %parallel_loop3A_2127 : vector<16xi32> to vector<16xi32>
            %parallel_loop3A_2129 = arith.fptosi %parallel_loop3A_2115 : vector<16xf32> to vector<16xi32>
            %parallel_loop3A_2130 = vector.bitcast %parallel_loop3A_2129 : vector<16xi32> to vector<16xi32>
            %parallel_loop3A_2131 = arith.constant 19 : i32
            %parallel_loop3A_2132 = vector.broadcast %parallel_loop3A_2131 : i32 to vector<16xi32>
            %parallel_loop3A_2133 = arith.minui %parallel_loop3A_2130, %parallel_loop3A_2132 : vector<16xi32>
            %parallel_loop3A_2134 = vector.bitcast %parallel_loop3A_2133 : vector<16xi32> to vector<16xi32>
            %parallel_loop3A_2135 = arith.constant 4.000000e+01 : f32
            %parallel_loop3A_2136 = vector.broadcast %parallel_loop3A_2135 : f32 to vector<16xf32>
            %parallel_loop3A_2137 = arith.cmpf ole, %parallel_loop3A_2112, %parallel_loop3A_2136 : vector<16xf32>
            %parallel_loop3A_2138 = arith.constant 0.000000e+00 : f32
            %parallel_loop3A_2139 = vector.broadcast %parallel_loop3A_2138 : f32 to vector<16xf32>
            %parallel_loop3A_2140 = arith.cmpf oge, %parallel_loop3A_2116, %parallel_loop3A_2139 : vector<16xf32>
            %parallel_loop3A_2141 = arith.constant 4.000000e+01 : f32
            %parallel_loop3A_2142 = vector.broadcast %parallel_loop3A_2141 : f32 to vector<16xf32>
            %parallel_loop3A_2143 = arith.cmpf ole, %parallel_loop3A_2116, %parallel_loop3A_2142 : vector<16xf32>
            %parallel_loop3A_2144 = arith.andi %parallel_loop3A_2140, %parallel_loop3A_2143 : vector<16xi1>
            %parallel_loop3A_2145 = arith.constant 2.000000e+01 : f32
            %parallel_loop3A_2146 = vector.broadcast %parallel_loop3A_2145 : f32 to vector<16xf32>
            %parallel_loop3A_2147 = arith.cmpf ole, %parallel_loop3A_2115, %parallel_loop3A_2146 : vector<16xf32>
            %parallel_loop3A_2148 = arith.constant 5.000000e-01 : f32
            %parallel_loop3A_2149 = vector.broadcast %parallel_loop3A_2148 : f32 to vector<16xf32>
            %parallel_loop3A_2150 = arith.cmpf oge, %parallel_loop3A_2111, %parallel_loop3A_2149 : vector<16xf32>
            %parallel_loop3A_2151 = arith.ori %parallel_loop3A_2150, %ge3A_1990 : vector<16xi1>
            %parallel_loop3A_2152 = arith.constant 65537 : i32
            %parallel_loop3A_2153 = arith.constant 1 : i32
            %parallel_loop3A_2154 = vector.broadcast %parallel_loop3A_2152 : i32 to vector<16xi32>
            %parallel_loop3A_2155 = vector.broadcast %parallel_loop3A_2153 : i32 to vector<16xi32>
            %parallel_loop3A_2156 = arith.select %parallel_loop3A_2151, %parallel_loop3A_2154, %parallel_loop3A_2155 : vector<16xi1>, vector<16xi32>
            %parallel_loop3A_2157 = arith.constant 16 : i32
            %parallel_loop3A_2158 = vector.broadcast %parallel_loop3A_2157 : i32 to vector<16xi32>
            %parallel_loop3A_2159 = arith.muli %parallel_loop3A_2122, %parallel_loop3A_2158 : vector<16xi32>
            %parallel_loop3A_2160 = arith.addi %parallel_loop3A_2159, %add3A_6 : vector<16xi32>
            %parallel_loop3A_2161 = arith.constant 16 : i32
            %parallel_loop3A_2162 = vector.broadcast %parallel_loop3A_2161 : i32 to vector<16xi32>
            %parallel_loop3A_2163 = arith.muli %parallel_loop3A_2128, %parallel_loop3A_2162 : vector<16xi32>
            %parallel_loop3A_2164 = arith.addi %parallel_loop3A_2163, %add3A_9 : vector<16xi32>
            %parallel_loop3A_2165 = arith.constant 16 : i32
            %parallel_loop3A_2166 = vector.broadcast %parallel_loop3A_2165 : i32 to vector<16xi32>
            %parallel_loop3A_2167 = arith.muli %parallel_loop3A_2134, %parallel_loop3A_2166 : vector<16xi32>
            %parallel_loop3A_2168 = arith.addi %parallel_loop3A_2167, %add3A_12 : vector<16xi32>
            tpu.vector_store_idx %arg16[%parallel_loop3A_2160], %parallel_loop3A_2156 masked %parallel_loop3A_2137 {add = true} : memref<3072xi32, #tpu.memory_space<vmem>>[vector<16xi32>], vector<16xi32>, vector<16xi1>
            tpu.vector_store_idx %arg16[%parallel_loop3A_2164], %parallel_loop3A_2156 masked %parallel_loop3A_2144 {add = true} : memref<3072xi32, #tpu.memory_space<vmem>>[vector<16xi32>], vector<16xi32>, vector<16xi1>
            tpu.vector_store_idx %arg16[%parallel_loop3A_2168], %broadcast_in_dim3A_16 masked %parallel_loop3A_2147 {add = true} : memref<3072xi32, #tpu.memory_space<vmem>>[vector<16xi32>], vector<16xi32>, vector<16xi1>
            %parallel_loop3A_2169 = arith.maximumf %parallel_loop3A_2069, %parallel_loop3A_2111 : vector<16xf32>
            scf.yield %parallel_loop3A_2169 : vector<16xf32>
          } {sc.loop_unroll_factor = 2 : i64, sc.parallel_access}
          %mul3A_1996 = arith.constant 2.000000e+01 : f32
          %mul3A_1997 = vector.broadcast %mul3A_1996 : f32 to vector<16xf32>
          %mul3A_1998 = arith.mulf %div3A, %mul3A_1997 : vector<16xf32>
          %convert_element_type3A_1999 = arith.fptosi %mul3A_1998 : vector<16xf32> to vector<16xi32>
          %bitcast3A = vector.bitcast %convert_element_type3A_1999 : vector<16xi32> to vector<16xi32>
          %min3A_2000 = arith.constant 19 : i32
          %min3A_2001 = vector.broadcast %min3A_2000 : i32 to vector<16xi32>
          %min3A_2002 = arith.minui %bitcast3A, %min3A_2001 : vector<16xi32>
          %bitcast3A_2003 = vector.bitcast %min3A_2002 : vector<16xi32> to vector<16xi32>
          %le3A = arith.constant 2.000000e+01 : f32
          %le3A_2004 = vector.broadcast %le3A : f32 to vector<16xf32>
          %le3A_2005 = arith.cmpf ole, %mul3A_1998, %le3A_2004 : vector<16xf32>
          %mul3A_2006 = arith.constant 2.000000e+01 : f32
          %mul3A_2007 = vector.broadcast %mul3A_2006 : f32 to vector<16xf32>
          %mul3A_2008 = arith.mulf %parallel_loop3A_1995, %mul3A_2007 : vector<16xf32>
          %convert_element_type3A_2009 = arith.fptosi %mul3A_2008 : vector<16xf32> to vector<16xi32>
          %bitcast3A_2010 = vector.bitcast %convert_element_type3A_2009 : vector<16xi32> to vector<16xi32>
          %min3A_2011 = arith.constant 19 : i32
          %min3A_2012 = vector.broadcast %min3A_2011 : i32 to vector<16xi32>
          %min3A_2013 = arith.minui %bitcast3A_2010, %min3A_2012 : vector<16xi32>
          %bitcast3A_2014 = vector.bitcast %min3A_2013 : vector<16xi32> to vector<16xi32>
          %ge3A_2015 = arith.constant 0.000000e+00 : f32
          %ge3A_2016 = vector.broadcast %ge3A_2015 : f32 to vector<16xf32>
          %ge3A_2017 = arith.cmpf oge, %mul3A_2008, %ge3A_2016 : vector<16xf32>
          %le3A_2018 = arith.constant 2.000000e+01 : f32
          %le3A_2019 = vector.broadcast %le3A_2018 : f32 to vector<16xf32>
          %le3A_2020 = arith.cmpf ole, %mul3A_2008, %le3A_2019 : vector<16xf32>
          %and3A_2021 = arith.andi %ge3A_2017, %le3A_2020 : vector<16xi1>
          %add3A_2022 = arith.constant 1.000000e+00 : f32
          %add3A_2023 = vector.broadcast %add3A_2022 : f32 to vector<16xf32>
          %add3A_2024 = arith.addf %div3A, %add3A_2023 : vector<16xf32>
          %mul3A_2025 = arith.constant 1.000000e+01 : f32
          %mul3A_2026 = vector.broadcast %mul3A_2025 : f32 to vector<16xf32>
          %mul3A_2027 = arith.mulf %add3A_2024, %mul3A_2026 : vector<16xf32>
          %convert_element_type3A_2028 = arith.fptosi %mul3A_2027 : vector<16xf32> to vector<16xi32>
          %bitcast3A_2029 = vector.bitcast %convert_element_type3A_2028 : vector<16xi32> to vector<16xi32>
          %min3A_2030 = arith.constant 19 : i32
          %min3A_2031 = vector.broadcast %min3A_2030 : i32 to vector<16xi32>
          %min3A_2032 = arith.minui %bitcast3A_2029, %min3A_2031 : vector<16xi32>
          %bitcast3A_2033 = vector.bitcast %min3A_2032 : vector<16xi32> to vector<16xi32>
          %le3A_2034 = arith.constant 2.000000e+01 : f32
          %le3A_2035 = vector.broadcast %le3A_2034 : f32 to vector<16xf32>
          %le3A_2036 = arith.cmpf ole, %mul3A_2027, %le3A_2035 : vector<16xf32>
          %mul3A_2037 = arith.constant 16 : i32
          %mul3A_2038 = vector.broadcast %mul3A_2037 : i32 to vector<16xi32>
          %mul3A_2039 = arith.muli %bitcast3A_2003, %mul3A_2038 : vector<16xi32>
          %add3A_2040 = arith.constant 1600 : i32
          %add3A_2041 = vector.broadcast %add3A_2040 : i32 to vector<16xi32>
          %add3A_2042 = arith.addi %iota3A, %add3A_2041 : vector<16xi32>
          %add3A_2043 = arith.addi %mul3A_2039, %add3A_2042 : vector<16xi32>
          %broadcast_in_dim3A_2044 = arith.constant 64 : i32
          %broadcast_in_dim3A_2045 = vector.broadcast %broadcast_in_dim3A_2044 : i32 to vector<16xi32>
          tpu.vector_store_idx %arg16[%add3A_2043], %broadcast_in_dim3A_2045 masked %le3A_2005 {add = true} : memref<3072xi32, #tpu.memory_space<vmem>>[vector<16xi32>], vector<16xi32>, vector<16xi1>
          %mul3A_2046 = arith.constant 16 : i32
          %mul3A_2047 = vector.broadcast %mul3A_2046 : i32 to vector<16xi32>
          %mul3A_2048 = arith.muli %bitcast3A_2014, %mul3A_2047 : vector<16xi32>
          %add3A_2049 = arith.constant 1920 : i32
          %add3A_2050 = vector.broadcast %add3A_2049 : i32 to vector<16xi32>
          %add3A_2051 = arith.addi %iota3A, %add3A_2050 : vector<16xi32>
          %add3A_2052 = arith.addi %mul3A_2048, %add3A_2051 : vector<16xi32>
          tpu.vector_store_idx %arg16[%add3A_2052], %broadcast_in_dim3A_16 masked %and3A_2021 {add = true} : memref<3072xi32, #tpu.memory_space<vmem>>[vector<16xi32>], vector<16xi32>, vector<16xi1>
          %mul3A_2053 = arith.constant 16 : i32
          %mul3A_2054 = vector.broadcast %mul3A_2053 : i32 to vector<16xi32>
          %mul3A_2055 = arith.muli %bitcast3A_2003, %mul3A_2054 : vector<16xi32>
          %add3A_2056 = arith.constant 2240 : i32
          %add3A_2057 = vector.broadcast %add3A_2056 : i32 to vector<16xi32>
          %add3A_2058 = arith.addi %iota3A, %add3A_2057 : vector<16xi32>
          %add3A_2059 = arith.addi %mul3A_2055, %add3A_2058 : vector<16xi32>
          tpu.vector_store_idx %arg16[%add3A_2059], %broadcast_in_dim3A_16 masked %le3A_2005 {add = true} : memref<3072xi32, #tpu.memory_space<vmem>>[vector<16xi32>], vector<16xi32>, vector<16xi1>
          %mul3A_2060 = arith.constant 16 : i32
          %mul3A_2061 = vector.broadcast %mul3A_2060 : i32 to vector<16xi32>
          %mul3A_2062 = arith.muli %bitcast3A_2033, %mul3A_2061 : vector<16xi32>
          %add3A_2063 = arith.constant 2560 : i32
          %add3A_2064 = vector.broadcast %add3A_2063 : i32 to vector<16xi32>
          %add3A_2065 = arith.addi %iota3A, %add3A_2064 : vector<16xi32>
          %add3A_2066 = arith.addi %mul3A_2062, %add3A_2065 : vector<16xi32>
          tpu.vector_store_idx %arg16[%add3A_2066], %broadcast_in_dim3A_16 masked %le3A_2036 {add = true} : memref<3072xi32, #tpu.memory_space<vmem>>[vector<16xi32>], vector<16xi32>, vector<16xi1>
          %scan3A_2067 = arith.constant 0 : i32
          scf.yield %scan3A_2067 : i32
        }
        %scan3A_1897 = arith.constant 8 : i32
        %add3A_1898 = arith.constant 2 : i32
        %add3A_1899 = arith.addi %add3A_1853, %add3A_1898 : i32
        %lt3A_1900 = arith.cmpi slt, %add3A_1899, %select_n3A : i32
        %convert_element_type3A_1901 = arith.extui %lt3A_1900 : i1 to i32
        %cond3A_1902 = arith.constant 0 : i32
        %cond3A_1903 = arith.cmpi ne, %convert_element_type3A_1901, %cond3A_1902 : i32
        scf.if %cond3A_1903 {
          %add3A_1904 = arith.constant 2 : i32
          %add3A_1905 = arith.addi %add3A_1853, %add3A_1904 : i32
          %add3A_1906 = arith.addi %add3A_26, %add3A_1905 : i32
          %mul3A_1907 = arith.constant 128 : i32
          %mul3A_1908 = arith.muli %add3A_1906, %mul3A_1907 : i32
          %dma_start3A_1909 = arith.constant 1 : i32
          %dma_start3A_1910 = arith.constant 0 : i32
          %dma_start3A_1911 = arith.constant 0 : i32
          %dma_start3A_1912 = tpu.memref_slice %arg2[%dma_start3A_1910, %dma_start3A_1911, %mul3A_1908] : memref<64x4x50000xf32, #tpu.memory_space<hbm>> -> memref<64x4x128xf32, #tpu.memory_space<hbm>>
          %dma_start3A_1913 = tpu.memref_slice %arg17[%dma_start3A_1909] : memref<2x!tpu.dma_semaphore, #tpu.memory_space<semaphore_mem>> -> memref<1x!tpu.dma_semaphore, #tpu.memory_space<semaphore_mem>>
          %dma_start3A_1914 = tpu.memref_squeeze %dma_start3A_1913 : memref<1x!tpu.dma_semaphore, #tpu.memory_space<semaphore_mem>> -> memref<!tpu.dma_semaphore, #tpu.memory_space<semaphore_mem>>
          %dma_start3A_1915 = arith.constant 0 : i32
          %dma_start3A_1916 = arith.constant 0 : i32
          %dma_start3A_1917 = tpu.memref_slice %arg2[%dma_start3A_1915, %dma_start3A_1916, %mul3A_1908] : memref<64x4x50000xf32, #tpu.memory_space<hbm>> -> memref<64x4x128xf32, #tpu.memory_space<hbm>>
          tpu.enqueue_dma source(%dma_start3A_1917 : memref<64x4x128xf32, #tpu.memory_space<hbm>>) target(%arg10 : memref<64x4x128xf32, #tpu.memory_space<vmem>>) target_semaphore(%dma_start3A_1914 : memref<!tpu.dma_semaphore, #tpu.memory_space<semaphore_mem>>)
          %dma_start3A_1918 = arith.constant 1 : i32
          %dma_start3A_1919 = arith.constant 0 : i32
          %dma_start3A_1920 = arith.constant 0 : i32
          %dma_start3A_1921 = tpu.memref_slice %arg3[%dma_start3A_1919, %dma_start3A_1920, %mul3A_1908] : memref<1x4x50000xf32, #tpu.memory_space<hbm>> -> memref<1x4x128xf32, #tpu.memory_space<hbm>>
          %dma_start3A_1922 = tpu.memref_slice %arg17[%dma_start3A_1918] : memref<2x!tpu.dma_semaphore, #tpu.memory_space<semaphore_mem>> -> memref<1x!tpu.dma_semaphore, #tpu.memory_space<semaphore_mem>>
          %dma_start3A_1923 = tpu.memref_squeeze %dma_start3A_1922 : memref<1x!tpu.dma_semaphore, #tpu.memory_space<semaphore_mem>> -> memref<!tpu.dma_semaphore, #tpu.memory_space<semaphore_mem>>
          %dma_start3A_1924 = arith.constant 0 : i32
          %dma_start3A_1925 = arith.constant 0 : i32
          %dma_start3A_1926 = tpu.memref_slice %arg3[%dma_start3A_1924, %dma_start3A_1925, %mul3A_1908] : memref<1x4x50000xf32, #tpu.memory_space<hbm>> -> memref<1x4x128xf32, #tpu.memory_space<hbm>>
          tpu.enqueue_dma source(%dma_start3A_1926 : memref<1x4x128xf32, #tpu.memory_space<hbm>>) target(%arg12 : memref<1x4x128xf32, #tpu.memory_space<vmem>>) target_semaphore(%dma_start3A_1923 : memref<!tpu.dma_semaphore, #tpu.memory_space<semaphore_mem>>)
          %dma_start3A_1927 = arith.constant 1 : i32
          %dma_start3A_1928 = arith.constant 0 : i32
          %dma_start3A_1929 = arith.constant 0 : i32
          %dma_start3A_1930 = tpu.memref_slice %arg4[%dma_start3A_1928, %dma_start3A_1929, %mul3A_1908] : memref<1x4x50000xf32, #tpu.memory_space<hbm>> -> memref<1x4x128xf32, #tpu.memory_space<hbm>>
          %dma_start3A_1931 = tpu.memref_slice %arg17[%dma_start3A_1927] : memref<2x!tpu.dma_semaphore, #tpu.memory_space<semaphore_mem>> -> memref<1x!tpu.dma_semaphore, #tpu.memory_space<semaphore_mem>>
          %dma_start3A_1932 = tpu.memref_squeeze %dma_start3A_1931 : memref<1x!tpu.dma_semaphore, #tpu.memory_space<semaphore_mem>> -> memref<!tpu.dma_semaphore, #tpu.memory_space<semaphore_mem>>
          %dma_start3A_1933 = arith.constant 0 : i32
          %dma_start3A_1934 = arith.constant 0 : i32
          %dma_start3A_1935 = tpu.memref_slice %arg4[%dma_start3A_1933, %dma_start3A_1934, %mul3A_1908] : memref<1x4x50000xf32, #tpu.memory_space<hbm>> -> memref<1x4x128xf32, #tpu.memory_space<hbm>>
          tpu.enqueue_dma source(%dma_start3A_1935 : memref<1x4x128xf32, #tpu.memory_space<hbm>>) target(%arg14 : memref<1x4x128xf32, #tpu.memory_space<vmem>>) target_semaphore(%dma_start3A_1932 : memref<!tpu.dma_semaphore, #tpu.memory_space<semaphore_mem>>)
        } else {
        }
      } else {
      }
      %scan3A_1858 = arith.constant 0 : i32
      scf.yield %scan3A_1858 : i32
    }
    %scan3A_96 = arith.constant 7 : i32
    %eq3A = arith.constant 31 : i32
    %eq3A_97 = arith.cmpi eq, %add3A, %eq3A : i32
    %convert_element_type3A = arith.extui %eq3A_97 : i1 to i32
    %cond3A = arith.constant 0 : i32
    %cond3A_98 = arith.cmpi ne, %convert_element_type3A, %cond3A : i32
    scf.if %cond3A_98 {
      "tpu.region"() ({
        %run_scoped3A = tpu.sem_alloc : memref<!tpu.dma_semaphore, #tpu.memory_space<semaphore_mem>>
        tpu.enqueue_dma source(%arg5 : memref<64x4x128xf32, #tpu.memory_space<hbm>>) target(%arg9 : memref<64x4x128xf32, #tpu.memory_space<vmem>>) target_semaphore(%run_scoped3A : memref<!tpu.dma_semaphore, #tpu.memory_space<semaphore_mem>>)
        tpu.wait_dma2 semaphore(%run_scoped3A : memref<!tpu.dma_semaphore, #tpu.memory_space<semaphore_mem>>) src(%arg5 : memref<64x4x128xf32, #tpu.memory_space<hbm>>) dst(%arg9 : memref<64x4x128xf32, #tpu.memory_space<vmem>>)
        tpu.yield
      }) : () -> ()
      "tpu.region"() ({
        %run_scoped3A = tpu.sem_alloc : memref<!tpu.dma_semaphore, #tpu.memory_space<semaphore_mem>>
        tpu.enqueue_dma source(%arg6 : memref<1x4x128xf32, #tpu.memory_space<hbm>>) target(%arg11 : memref<1x4x128xf32, #tpu.memory_space<vmem>>) target_semaphore(%run_scoped3A : memref<!tpu.dma_semaphore, #tpu.memory_space<semaphore_mem>>)
        tpu.wait_dma2 semaphore(%run_scoped3A : memref<!tpu.dma_semaphore, #tpu.memory_space<semaphore_mem>>) src(%arg6 : memref<1x4x128xf32, #tpu.memory_space<hbm>>) dst(%arg11 : memref<1x4x128xf32, #tpu.memory_space<vmem>>)
        tpu.yield
      }) : () -> ()
      "tpu.region"() ({
        %run_scoped3A = tpu.sem_alloc : memref<!tpu.dma_semaphore, #tpu.memory_space<semaphore_mem>>
        tpu.enqueue_dma source(%arg7 : memref<1x4x128xf32, #tpu.memory_space<hbm>>) target(%arg13 : memref<1x4x128xf32, #tpu.memory_space<vmem>>) target_semaphore(%run_scoped3A : memref<!tpu.dma_semaphore, #tpu.memory_space<semaphore_mem>>)
        tpu.wait_dma2 semaphore(%run_scoped3A : memref<!tpu.dma_semaphore, #tpu.memory_space<semaphore_mem>>) src(%arg7 : memref<1x4x128xf32, #tpu.memory_space<hbm>>) dst(%arg13 : memref<1x4x128xf32, #tpu.memory_space<vmem>>)
        tpu.yield
      }) : () -> ()
      %scan3A_1840 = arith.constant 0 : i32
      %scan3A_1841 = arith.constant 0 : i32
      %scan3A_1842 = arith.constant 8 : i32
      %scan3A_1843 = arith.addi %scan3A_1841, %scan3A_1842 : i32
      %scan3A_1844 = arith.constant 1 : i32
      %scan3A_1845 = scf.for %scan3A_1847 = %scan3A_1841 to %scan3A_1843 step %scan3A_1844 iter_args(%scan3A_1848 = %scan3A_1840) -> (i32)  : i32 {
        %mul3A_1849 = arith.constant 16 : i32
        %mul3A_1850 = arith.muli %scan3A_1847, %mul3A_1849 : i32
        %get3A = arith.constant 0 : i32
        %get3A_1851 = arith.constant 0 : i32
        %get3A_1852 = arith.index_cast %get3A : i32 to index
        %get3A_1853 = arith.index_cast %get3A_1851 : i32 to index
        %get3A_1854 = arith.index_cast %mul3A_1850 : i32 to index
        %get3A_1855 = tpu.vector_load %arg11[%get3A_1852, %get3A_1853, %get3A_1854] {strides = array<i32>} : memref<1x4x128xf32, #tpu.memory_space<vmem>>, vector<16xf32>,
        %get3A_1856 = arith.constant 0 : i32
        %get3A_1857 = arith.constant 1 : i32
        %get3A_1858 = arith.index_cast %get3A_1856 : i32 to index
        %get3A_1859 = arith.index_cast %get3A_1857 : i32 to index
        %get3A_1860 = arith.index_cast %mul3A_1850 : i32 to index
        %get3A_1861 = tpu.vector_load %arg11[%get3A_1858, %get3A_1859, %get3A_1860] {strides = array<i32>} : memref<1x4x128xf32, #tpu.memory_space<vmem>>, vector<16xf32>,
        %get3A_1862 = arith.constant 0 : i32
        %get3A_1863 = arith.constant 2 : i32
        %get3A_1864 = arith.index_cast %get3A_1862 : i32 to index
        %get3A_1865 = arith.index_cast %get3A_1863 : i32 to index
        %get3A_1866 = arith.index_cast %mul3A_1850 : i32 to index
        %get3A_1867 = tpu.vector_load %arg11[%get3A_1864, %get3A_1865, %get3A_1866] {strides = array<i32>} : memref<1x4x128xf32, #tpu.memory_space<vmem>>, vector<16xf32>,
        %get3A_1868 = arith.constant 0 : i32
        %get3A_1869 = arith.constant 3 : i32
        %get3A_1870 = arith.index_cast %get3A_1868 : i32 to index
        %get3A_1871 = arith.index_cast %get3A_1869 : i32 to index
        %get3A_1872 = arith.index_cast %mul3A_1850 : i32 to index
        %get3A_1873 = tpu.vector_load %arg11[%get3A_1870, %get3A_1871, %get3A_1872] {strides = array<i32>} : memref<1x4x128xf32, #tpu.memory_space<vmem>>, vector<16xf32>,
        %get3A_1874 = arith.constant 0 : i32
        %get3A_1875 = arith.constant 0 : i32
        %get3A_1876 = arith.index_cast %get3A_1874 : i32 to index
        %get3A_1877 = arith.index_cast %get3A_1875 : i32 to index
        %get3A_1878 = arith.index_cast %mul3A_1850 : i32 to index
        %get3A_1879 = tpu.vector_load %arg13[%get3A_1876, %get3A_1877, %get3A_1878] {strides = array<i32>} : memref<1x4x128xf32, #tpu.memory_space<vmem>>, vector<16xf32>,
        %get3A_1880 = arith.constant 0 : i32
        %get3A_1881 = arith.constant 1 : i32
        %get3A_1882 = arith.index_cast %get3A_1880 : i32 to index
        %get3A_1883 = arith.index_cast %get3A_1881 : i32 to index
        %get3A_1884 = arith.index_cast %mul3A_1850 : i32 to index
        %get3A_1885 = tpu.vector_load %arg13[%get3A_1882, %get3A_1883, %get3A_1884] {strides = array<i32>} : memref<1x4x128xf32, #tpu.memory_space<vmem>>, vector<16xf32>,
        %get3A_1886 = arith.constant 0 : i32
        %get3A_1887 = arith.constant 2 : i32
        %get3A_1888 = arith.index_cast %get3A_1886 : i32 to index
        %get3A_1889 = arith.index_cast %get3A_1887 : i32 to index
        %get3A_1890 = arith.index_cast %mul3A_1850 : i32 to index
        %get3A_1891 = tpu.vector_load %arg13[%get3A_1888, %get3A_1889, %get3A_1890] {strides = array<i32>} : memref<1x4x128xf32, #tpu.memory_space<vmem>>, vector<16xf32>,
        %get3A_1892 = arith.constant 0 : i32
        %get3A_1893 = arith.constant 3 : i32
        %get3A_1894 = arith.index_cast %get3A_1892 : i32 to index
        %get3A_1895 = arith.index_cast %get3A_1893 : i32 to index
        %get3A_1896 = arith.index_cast %mul3A_1850 : i32 to index
        %get3A_1897 = tpu.vector_load %arg13[%get3A_1894, %get3A_1895, %get3A_1896] {strides = array<i32>} : memref<1x4x128xf32, #tpu.memory_space<vmem>>, vector<16xf32>,
        %sub3A = arith.subf %get3A_1867, %get3A_1855 : vector<16xf32>
        %sub3A_1898 = arith.subf %get3A_1873, %get3A_1861 : vector<16xf32>
        %mul3A_1899 = arith.mulf %sub3A, %sub3A_1898 : vector<16xf32>
        %sub3A_1900 = arith.subf %get3A_1891, %get3A_1879 : vector<16xf32>
        %sub3A_1901 = arith.subf %get3A_1897, %get3A_1885 : vector<16xf32>
        %mul3A_1902 = arith.mulf %sub3A_1900, %sub3A_1901 : vector<16xf32>
        %min3A_1903 = arith.minimumf %get3A_1867, %get3A_1891 : vector<16xf32>
        %max3A = arith.maximumf %get3A_1855, %get3A_1879 : vector<16xf32>
        %sub3A_1904 = arith.subf %min3A_1903, %max3A : vector<16xf32>
        %max3A_1905 = arith.constant 0.000000e+00 : f32
        %max3A_1906 = vector.broadcast %max3A_1905 : f32 to vector<16xf32>
        %max3A_1907 = arith.maximumf %sub3A_1904, %max3A_1906 : vector<16xf32>
        %min3A_1908 = arith.minimumf %get3A_1873, %get3A_1897 : vector<16xf32>
        %max3A_1909 = arith.maximumf %get3A_1861, %get3A_1885 : vector<16xf32>
        %sub3A_1910 = arith.subf %min3A_1908, %max3A_1909 : vector<16xf32>
        %max3A_1911 = arith.constant 0.000000e+00 : f32
        %max3A_1912 = vector.broadcast %max3A_1911 : f32 to vector<16xf32>
        %max3A_1913 = arith.maximumf %sub3A_1910, %max3A_1912 : vector<16xf32>
        %mul3A_1914 = arith.mulf %max3A_1907, %max3A_1913 : vector<16xf32>
        %add3A_1915 = arith.addf %mul3A_1899, %mul3A_1902 : vector<16xf32>
        %sub3A_1916 = arith.subf %add3A_1915, %mul3A_1914 : vector<16xf32>
        %max3A_1917 = arith.constant 9.99999997E-7 : f32
        %max3A_1918 = vector.broadcast %max3A_1917 : f32 to vector<16xf32>
        %max3A_1919 = arith.maximumf %sub3A_1916, %max3A_1918 : vector<16xf32>
        %div3A = arith.divf %mul3A_1914, %max3A_1919 : vector<16xf32>
        %div3A_1920 = arith.constant 1.000000e+00 : f32
        %div3A_1921 = vector.broadcast %div3A_1920 : f32 to vector<16xf32>
        %div3A_1922 = arith.divf %div3A_1921, %div3A : vector<16xf32>
        %mul3A_1923 = arith.constant 2.000000e+01 : f32
        %mul3A_1924 = vector.broadcast %mul3A_1923 : f32 to vector<16xf32>
        %mul3A_1925 = arith.mulf %div3A_1922, %mul3A_1924 : vector<16xf32>
        %sub3A_1926 = arith.constant 1.000000e+00 : f32
        %sub3A_1927 = vector.broadcast %sub3A_1926 : f32 to vector<16xf32>
        %sub3A_1928 = arith.subf %sub3A_1927, %div3A : vector<16xf32>
        %mul3A_1929 = arith.constant 2.000000e+01 : f32
        %mul3A_1930 = vector.broadcast %mul3A_1929 : f32 to vector<16xf32>
        %mul3A_1931 = arith.mulf %sub3A_1928, %mul3A_1930 : vector<16xf32>
        %ge3A = arith.constant 5.000000e-01 : f32
        %ge3A_1932 = vector.broadcast %ge3A : f32 to vector<16xf32>
        %ge3A_1933 = arith.cmpf oge, %div3A, %ge3A_1932 : vector<16xf32>
        %broadcast_in_dim3A_1934 = arith.constant 0xFF800000 : f32
        %broadcast_in_dim3A_1935 = vector.broadcast %broadcast_in_dim3A_1934 : f32 to vector<16xf32>
        %parallel_loop3A = arith.constant 0 : i32
        %parallel_loop3A_1936 = arith.constant 64 : i32
        %parallel_loop3A_1937 = arith.constant 1 : i32
        %parallel_loop3A_1938 = scf.for %parallel_loop3A_2011 = %parallel_loop3A to %parallel_loop3A_1936 step %parallel_loop3A_1937 iter_args(%parallel_loop3A_2012 = %broadcast_in_dim3A_1935) -> (vector<16xf32>)  : i32 {
          %parallel_loop3A_2013 = arith.constant 0 : i32
          %parallel_loop3A_2014 = arith.index_cast %parallel_loop3A_2011 : i32 to index
          %parallel_loop3A_2015 = arith.index_cast %parallel_loop3A_2013 : i32 to index
          %parallel_loop3A_2016 = arith.index_cast %mul3A_1850 : i32 to index
          %parallel_loop3A_2017 = tpu.vector_load %arg9[%parallel_loop3A_2014, %parallel_loop3A_2015, %parallel_loop3A_2016] {strides = array<i32>} : memref<64x4x128xf32, #tpu.memory_space<vmem>>, vector<16xf32>,
          %parallel_loop3A_2018 = arith.constant 1 : i32
          %parallel_loop3A_2019 = arith.index_cast %parallel_loop3A_2011 : i32 to index
          %parallel_loop3A_2020 = arith.index_cast %parallel_loop3A_2018 : i32 to index
          %parallel_loop3A_2021 = arith.index_cast %mul3A_1850 : i32 to index
          %parallel_loop3A_2022 = tpu.vector_load %arg9[%parallel_loop3A_2019, %parallel_loop3A_2020, %parallel_loop3A_2021] {strides = array<i32>} : memref<64x4x128xf32, #tpu.memory_space<vmem>>, vector<16xf32>,
          %parallel_loop3A_2023 = arith.constant 2 : i32
          %parallel_loop3A_2024 = arith.index_cast %parallel_loop3A_2011 : i32 to index
          %parallel_loop3A_2025 = arith.index_cast %parallel_loop3A_2023 : i32 to index
          %parallel_loop3A_2026 = arith.index_cast %mul3A_1850 : i32 to index
          %parallel_loop3A_2027 = tpu.vector_load %arg9[%parallel_loop3A_2024, %parallel_loop3A_2025, %parallel_loop3A_2026] {strides = array<i32>} : memref<64x4x128xf32, #tpu.memory_space<vmem>>, vector<16xf32>,
          %parallel_loop3A_2028 = arith.constant 3 : i32
          %parallel_loop3A_2029 = arith.index_cast %parallel_loop3A_2011 : i32 to index
          %parallel_loop3A_2030 = arith.index_cast %parallel_loop3A_2028 : i32 to index
          %parallel_loop3A_2031 = arith.index_cast %mul3A_1850 : i32 to index
          %parallel_loop3A_2032 = tpu.vector_load %arg9[%parallel_loop3A_2029, %parallel_loop3A_2030, %parallel_loop3A_2031] {strides = array<i32>} : memref<64x4x128xf32, #tpu.memory_space<vmem>>, vector<16xf32>,
          %parallel_loop3A_2033 = arith.subf %parallel_loop3A_2027, %parallel_loop3A_2017 : vector<16xf32>
          %parallel_loop3A_2034 = arith.subf %parallel_loop3A_2032, %parallel_loop3A_2022 : vector<16xf32>
          %parallel_loop3A_2035 = arith.mulf %parallel_loop3A_2033, %parallel_loop3A_2034 : vector<16xf32>
          %parallel_loop3A_2036 = arith.minimumf %parallel_loop3A_2027, %get3A_1867 : vector<16xf32>
          %parallel_loop3A_2037 = arith.maximumf %parallel_loop3A_2017, %get3A_1855 : vector<16xf32>
          %parallel_loop3A_2038 = arith.subf %parallel_loop3A_2036, %parallel_loop3A_2037 : vector<16xf32>
          %parallel_loop3A_2039 = arith.constant 0.000000e+00 : f32
          %parallel_loop3A_2040 = vector.broadcast %parallel_loop3A_2039 : f32 to vector<16xf32>
          %parallel_loop3A_2041 = arith.maximumf %parallel_loop3A_2038, %parallel_loop3A_2040 : vector<16xf32>
          %parallel_loop3A_2042 = arith.minimumf %parallel_loop3A_2032, %get3A_1873 : vector<16xf32>
          %parallel_loop3A_2043 = arith.maximumf %parallel_loop3A_2022, %get3A_1861 : vector<16xf32>
          %parallel_loop3A_2044 = arith.subf %parallel_loop3A_2042, %parallel_loop3A_2043 : vector<16xf32>
          %parallel_loop3A_2045 = arith.constant 0.000000e+00 : f32
          %parallel_loop3A_2046 = vector.broadcast %parallel_loop3A_2045 : f32 to vector<16xf32>
          %parallel_loop3A_2047 = arith.maximumf %parallel_loop3A_2044, %parallel_loop3A_2046 : vector<16xf32>
          %parallel_loop3A_2048 = arith.mulf %parallel_loop3A_2041, %parallel_loop3A_2047 : vector<16xf32>
          %parallel_loop3A_2049 = arith.addf %parallel_loop3A_2035, %mul3A_1899 : vector<16xf32>
          %parallel_loop3A_2050 = arith.subf %parallel_loop3A_2049, %parallel_loop3A_2048 : vector<16xf32>
          %parallel_loop3A_2051 = arith.constant 9.99999997E-7 : f32
          %parallel_loop3A_2052 = vector.broadcast %parallel_loop3A_2051 : f32 to vector<16xf32>
          %parallel_loop3A_2053 = arith.maximumf %parallel_loop3A_2050, %parallel_loop3A_2052 : vector<16xf32>
          %parallel_loop3A_2054 = arith.divf %parallel_loop3A_2048, %parallel_loop3A_2053 : vector<16xf32>
          %parallel_loop3A_2055 = arith.mulf %parallel_loop3A_2054, %mul3A_1925 : vector<16xf32>
          %parallel_loop3A_2056 = arith.constant 2.000000e+01 : f32
          %parallel_loop3A_2057 = vector.broadcast %parallel_loop3A_2056 : f32 to vector<16xf32>
          %parallel_loop3A_2058 = arith.mulf %parallel_loop3A_2054, %parallel_loop3A_2057 : vector<16xf32>
          %parallel_loop3A_2059 = arith.addf %parallel_loop3A_2058, %mul3A_1931 : vector<16xf32>
          %parallel_loop3A_2060 = arith.fptosi %parallel_loop3A_2055 : vector<16xf32> to vector<16xi32>
          %parallel_loop3A_2061 = vector.bitcast %parallel_loop3A_2060 : vector<16xi32> to vector<16xi32>
          %parallel_loop3A_2062 = arith.constant 39 : i32
          %parallel_loop3A_2063 = vector.broadcast %parallel_loop3A_2062 : i32 to vector<16xi32>
          %parallel_loop3A_2064 = arith.minui %parallel_loop3A_2061, %parallel_loop3A_2063 : vector<16xi32>
          %parallel_loop3A_2065 = vector.bitcast %parallel_loop3A_2064 : vector<16xi32> to vector<16xi32>
          %parallel_loop3A_2066 = arith.fptosi %parallel_loop3A_2059 : vector<16xf32> to vector<16xi32>
          %parallel_loop3A_2067 = vector.bitcast %parallel_loop3A_2066 : vector<16xi32> to vector<16xi32>
          %parallel_loop3A_2068 = arith.constant 39 : i32
          %parallel_loop3A_2069 = vector.broadcast %parallel_loop3A_2068 : i32 to vector<16xi32>
          %parallel_loop3A_2070 = arith.minui %parallel_loop3A_2067, %parallel_loop3A_2069 : vector<16xi32>
          %parallel_loop3A_2071 = vector.bitcast %parallel_loop3A_2070 : vector<16xi32> to vector<16xi32>
          %parallel_loop3A_2072 = arith.fptosi %parallel_loop3A_2058 : vector<16xf32> to vector<16xi32>
          %parallel_loop3A_2073 = vector.bitcast %parallel_loop3A_2072 : vector<16xi32> to vector<16xi32>
          %parallel_loop3A_2074 = arith.constant 19 : i32
          %parallel_loop3A_2075 = vector.broadcast %parallel_loop3A_2074 : i32 to vector<16xi32>
          %parallel_loop3A_2076 = arith.minui %parallel_loop3A_2073, %parallel_loop3A_2075 : vector<16xi32>
          %parallel_loop3A_2077 = vector.bitcast %parallel_loop3A_2076 : vector<16xi32> to vector<16xi32>
          %parallel_loop3A_2078 = arith.constant 4.000000e+01 : f32
          %parallel_loop3A_2079 = vector.broadcast %parallel_loop3A_2078 : f32 to vector<16xf32>
          %parallel_loop3A_2080 = arith.cmpf ole, %parallel_loop3A_2055, %parallel_loop3A_2079 : vector<16xf32>
          %parallel_loop3A_2081 = arith.constant 0.000000e+00 : f32
          %parallel_loop3A_2082 = vector.broadcast %parallel_loop3A_2081 : f32 to vector<16xf32>
          %parallel_loop3A_2083 = arith.cmpf oge, %parallel_loop3A_2059, %parallel_loop3A_2082 : vector<16xf32>
          %parallel_loop3A_2084 = arith.constant 4.000000e+01 : f32
          %parallel_loop3A_2085 = vector.broadcast %parallel_loop3A_2084 : f32 to vector<16xf32>
          %parallel_loop3A_2086 = arith.cmpf ole, %parallel_loop3A_2059, %parallel_loop3A_2085 : vector<16xf32>
          %parallel_loop3A_2087 = arith.andi %parallel_loop3A_2083, %parallel_loop3A_2086 : vector<16xi1>
          %parallel_loop3A_2088 = arith.constant 2.000000e+01 : f32
          %parallel_loop3A_2089 = vector.broadcast %parallel_loop3A_2088 : f32 to vector<16xf32>
          %parallel_loop3A_2090 = arith.cmpf ole, %parallel_loop3A_2058, %parallel_loop3A_2089 : vector<16xf32>
          %parallel_loop3A_2091 = arith.constant 5.000000e-01 : f32
          %parallel_loop3A_2092 = vector.broadcast %parallel_loop3A_2091 : f32 to vector<16xf32>
          %parallel_loop3A_2093 = arith.cmpf oge, %parallel_loop3A_2054, %parallel_loop3A_2092 : vector<16xf32>
          %parallel_loop3A_2094 = arith.ori %parallel_loop3A_2093, %ge3A_1933 : vector<16xi1>
          %parallel_loop3A_2095 = arith.constant 65537 : i32
          %parallel_loop3A_2096 = arith.constant 1 : i32
          %parallel_loop3A_2097 = vector.broadcast %parallel_loop3A_2095 : i32 to vector<16xi32>
          %parallel_loop3A_2098 = vector.broadcast %parallel_loop3A_2096 : i32 to vector<16xi32>
          %parallel_loop3A_2099 = arith.select %parallel_loop3A_2094, %parallel_loop3A_2097, %parallel_loop3A_2098 : vector<16xi1>, vector<16xi32>
          %parallel_loop3A_2100 = arith.constant 16 : i32
          %parallel_loop3A_2101 = vector.broadcast %parallel_loop3A_2100 : i32 to vector<16xi32>
          %parallel_loop3A_2102 = arith.muli %parallel_loop3A_2065, %parallel_loop3A_2101 : vector<16xi32>
          %parallel_loop3A_2103 = arith.addi %parallel_loop3A_2102, %add3A_6 : vector<16xi32>
          %parallel_loop3A_2104 = arith.constant 16 : i32
          %parallel_loop3A_2105 = vector.broadcast %parallel_loop3A_2104 : i32 to vector<16xi32>
          %parallel_loop3A_2106 = arith.muli %parallel_loop3A_2071, %parallel_loop3A_2105 : vector<16xi32>
          %parallel_loop3A_2107 = arith.addi %parallel_loop3A_2106, %add3A_9 : vector<16xi32>
          %parallel_loop3A_2108 = arith.constant 16 : i32
          %parallel_loop3A_2109 = vector.broadcast %parallel_loop3A_2108 : i32 to vector<16xi32>
          %parallel_loop3A_2110 = arith.muli %parallel_loop3A_2077, %parallel_loop3A_2109 : vector<16xi32>
          %parallel_loop3A_2111 = arith.addi %parallel_loop3A_2110, %add3A_12 : vector<16xi32>
          tpu.vector_store_idx %arg16[%parallel_loop3A_2103], %parallel_loop3A_2099 masked %parallel_loop3A_2080 {add = true} : memref<3072xi32, #tpu.memory_space<vmem>>[vector<16xi32>], vector<16xi32>, vector<16xi1>
          tpu.vector_store_idx %arg16[%parallel_loop3A_2107], %parallel_loop3A_2099 masked %parallel_loop3A_2087 {add = true} : memref<3072xi32, #tpu.memory_space<vmem>>[vector<16xi32>], vector<16xi32>, vector<16xi1>
          tpu.vector_store_idx %arg16[%parallel_loop3A_2111], %broadcast_in_dim3A_16 masked %parallel_loop3A_2090 {add = true} : memref<3072xi32, #tpu.memory_space<vmem>>[vector<16xi32>], vector<16xi32>, vector<16xi1>
          %parallel_loop3A_2112 = arith.maximumf %parallel_loop3A_2012, %parallel_loop3A_2054 : vector<16xf32>
          scf.yield %parallel_loop3A_2112 : vector<16xf32>
        } {sc.loop_unroll_factor = 2 : i64, sc.parallel_access}
        %mul3A_1939 = arith.constant 2.000000e+01 : f32
        %mul3A_1940 = vector.broadcast %mul3A_1939 : f32 to vector<16xf32>
        %mul3A_1941 = arith.mulf %div3A, %mul3A_1940 : vector<16xf32>
        %convert_element_type3A_1942 = arith.fptosi %mul3A_1941 : vector<16xf32> to vector<16xi32>
        %bitcast3A = vector.bitcast %convert_element_type3A_1942 : vector<16xi32> to vector<16xi32>
        %min3A_1943 = arith.constant 19 : i32
        %min3A_1944 = vector.broadcast %min3A_1943 : i32 to vector<16xi32>
        %min3A_1945 = arith.minui %bitcast3A, %min3A_1944 : vector<16xi32>
        %bitcast3A_1946 = vector.bitcast %min3A_1945 : vector<16xi32> to vector<16xi32>
        %le3A = arith.constant 2.000000e+01 : f32
        %le3A_1947 = vector.broadcast %le3A : f32 to vector<16xf32>
        %le3A_1948 = arith.cmpf ole, %mul3A_1941, %le3A_1947 : vector<16xf32>
        %mul3A_1949 = arith.constant 2.000000e+01 : f32
        %mul3A_1950 = vector.broadcast %mul3A_1949 : f32 to vector<16xf32>
        %mul3A_1951 = arith.mulf %parallel_loop3A_1938, %mul3A_1950 : vector<16xf32>
        %convert_element_type3A_1952 = arith.fptosi %mul3A_1951 : vector<16xf32> to vector<16xi32>
        %bitcast3A_1953 = vector.bitcast %convert_element_type3A_1952 : vector<16xi32> to vector<16xi32>
        %min3A_1954 = arith.constant 19 : i32
        %min3A_1955 = vector.broadcast %min3A_1954 : i32 to vector<16xi32>
        %min3A_1956 = arith.minui %bitcast3A_1953, %min3A_1955 : vector<16xi32>
        %bitcast3A_1957 = vector.bitcast %min3A_1956 : vector<16xi32> to vector<16xi32>
        %ge3A_1958 = arith.constant 0.000000e+00 : f32
        %ge3A_1959 = vector.broadcast %ge3A_1958 : f32 to vector<16xf32>
        %ge3A_1960 = arith.cmpf oge, %mul3A_1951, %ge3A_1959 : vector<16xf32>
        %le3A_1961 = arith.constant 2.000000e+01 : f32
        %le3A_1962 = vector.broadcast %le3A_1961 : f32 to vector<16xf32>
        %le3A_1963 = arith.cmpf ole, %mul3A_1951, %le3A_1962 : vector<16xf32>
        %and3A_1964 = arith.andi %ge3A_1960, %le3A_1963 : vector<16xi1>
        %add3A_1965 = arith.constant 1.000000e+00 : f32
        %add3A_1966 = vector.broadcast %add3A_1965 : f32 to vector<16xf32>
        %add3A_1967 = arith.addf %div3A, %add3A_1966 : vector<16xf32>
        %mul3A_1968 = arith.constant 1.000000e+01 : f32
        %mul3A_1969 = vector.broadcast %mul3A_1968 : f32 to vector<16xf32>
        %mul3A_1970 = arith.mulf %add3A_1967, %mul3A_1969 : vector<16xf32>
        %convert_element_type3A_1971 = arith.fptosi %mul3A_1970 : vector<16xf32> to vector<16xi32>
        %bitcast3A_1972 = vector.bitcast %convert_element_type3A_1971 : vector<16xi32> to vector<16xi32>
        %min3A_1973 = arith.constant 19 : i32
        %min3A_1974 = vector.broadcast %min3A_1973 : i32 to vector<16xi32>
        %min3A_1975 = arith.minui %bitcast3A_1972, %min3A_1974 : vector<16xi32>
        %bitcast3A_1976 = vector.bitcast %min3A_1975 : vector<16xi32> to vector<16xi32>
        %le3A_1977 = arith.constant 2.000000e+01 : f32
        %le3A_1978 = vector.broadcast %le3A_1977 : f32 to vector<16xf32>
        %le3A_1979 = arith.cmpf ole, %mul3A_1970, %le3A_1978 : vector<16xf32>
        %mul3A_1980 = arith.constant 16 : i32
        %mul3A_1981 = vector.broadcast %mul3A_1980 : i32 to vector<16xi32>
        %mul3A_1982 = arith.muli %bitcast3A_1946, %mul3A_1981 : vector<16xi32>
        %add3A_1983 = arith.constant 1600 : i32
        %add3A_1984 = vector.broadcast %add3A_1983 : i32 to vector<16xi32>
        %add3A_1985 = arith.addi %iota3A, %add3A_1984 : vector<16xi32>
        %add3A_1986 = arith.addi %mul3A_1982, %add3A_1985 : vector<16xi32>
        %broadcast_in_dim3A_1987 = arith.constant 64 : i32
        %broadcast_in_dim3A_1988 = vector.broadcast %broadcast_in_dim3A_1987 : i32 to vector<16xi32>
        tpu.vector_store_idx %arg16[%add3A_1986], %broadcast_in_dim3A_1988 masked %le3A_1948 {add = true} : memref<3072xi32, #tpu.memory_space<vmem>>[vector<16xi32>], vector<16xi32>, vector<16xi1>
        %mul3A_1989 = arith.constant 16 : i32
        %mul3A_1990 = vector.broadcast %mul3A_1989 : i32 to vector<16xi32>
        %mul3A_1991 = arith.muli %bitcast3A_1957, %mul3A_1990 : vector<16xi32>
        %add3A_1992 = arith.constant 1920 : i32
        %add3A_1993 = vector.broadcast %add3A_1992 : i32 to vector<16xi32>
        %add3A_1994 = arith.addi %iota3A, %add3A_1993 : vector<16xi32>
        %add3A_1995 = arith.addi %mul3A_1991, %add3A_1994 : vector<16xi32>
        tpu.vector_store_idx %arg16[%add3A_1995], %broadcast_in_dim3A_16 masked %and3A_1964 {add = true} : memref<3072xi32, #tpu.memory_space<vmem>>[vector<16xi32>], vector<16xi32>, vector<16xi1>
        %mul3A_1996 = arith.constant 16 : i32
        %mul3A_1997 = vector.broadcast %mul3A_1996 : i32 to vector<16xi32>
        %mul3A_1998 = arith.muli %bitcast3A_1946, %mul3A_1997 : vector<16xi32>
        %add3A_1999 = arith.constant 2240 : i32
        %add3A_2000 = vector.broadcast %add3A_1999 : i32 to vector<16xi32>
        %add3A_2001 = arith.addi %iota3A, %add3A_2000 : vector<16xi32>
        %add3A_2002 = arith.addi %mul3A_1998, %add3A_2001 : vector<16xi32>
        tpu.vector_store_idx %arg16[%add3A_2002], %broadcast_in_dim3A_16 masked %le3A_1948 {add = true} : memref<3072xi32, #tpu.memory_space<vmem>>[vector<16xi32>], vector<16xi32>, vector<16xi1>
        %mul3A_2003 = arith.constant 16 : i32
        %mul3A_2004 = vector.broadcast %mul3A_2003 : i32 to vector<16xi32>
        %mul3A_2005 = arith.muli %bitcast3A_1976, %mul3A_2004 : vector<16xi32>
        %add3A_2006 = arith.constant 2560 : i32
        %add3A_2007 = vector.broadcast %add3A_2006 : i32 to vector<16xi32>
        %add3A_2008 = arith.addi %iota3A, %add3A_2007 : vector<16xi32>
        %add3A_2009 = arith.addi %mul3A_2005, %add3A_2008 : vector<16xi32>
        tpu.vector_store_idx %arg16[%add3A_2009], %broadcast_in_dim3A_16 masked %le3A_1979 {add = true} : memref<3072xi32, #tpu.memory_space<vmem>>[vector<16xi32>], vector<16xi32>, vector<16xi1>
        %scan3A_2010 = arith.constant 0 : i32
        scf.yield %scan3A_2010 : i32
      }
      %scan3A_1846 = arith.constant 8 : i32
    } else {
    }
    %swap3A = arith.constant 0 : i32
    %swap3A_99 = arith.index_cast %swap3A : i32 to index
    %swap3A_100 = arith.constant 0 : index
    %swap3A_101 = tpu.vector_load %arg15[%swap3A_99, %swap3A_100] {strides = array<i32>} : memref<1x272xf32, #tpu.memory_space<vmem>>, vector<16xf32>,
    tpu.vector_store %arg15[%swap3A_99, %swap3A_100], %broadcast_in_dim3A_1 {strides = array<i32>} : memref<1x272xf32, #tpu.memory_space<vmem>>, vector<16xf32>,
    %swap3A_102 = arith.constant 0 : i32
    %swap3A_103 = arith.index_cast %swap3A_102 : i32 to index
    %swap3A_104 = arith.constant 16 : index
    %swap3A_105 = tpu.vector_load %arg15[%swap3A_103, %swap3A_104] {strides = array<i32>} : memref<1x272xf32, #tpu.memory_space<vmem>>, vector<16xf32>,
    tpu.vector_store %arg15[%swap3A_103, %swap3A_104], %broadcast_in_dim3A_1 {strides = array<i32>} : memref<1x272xf32, #tpu.memory_space<vmem>>, vector<16xf32>,
    %swap3A_106 = arith.constant 0 : i32
    %swap3A_107 = arith.index_cast %swap3A_106 : i32 to index
    %swap3A_108 = arith.constant 32 : index
    %swap3A_109 = tpu.vector_load %arg15[%swap3A_107, %swap3A_108] {strides = array<i32>} : memref<1x272xf32, #tpu.memory_space<vmem>>, vector<16xf32>,
    tpu.vector_store %arg15[%swap3A_107, %swap3A_108], %broadcast_in_dim3A_1 {strides = array<i32>} : memref<1x272xf32, #tpu.memory_space<vmem>>, vector<16xf32>,
    %swap3A_110 = arith.constant 0 : i32
    %swap3A_111 = arith.index_cast %swap3A_110 : i32 to index
    %swap3A_112 = arith.constant 48 : index
    %swap3A_113 = tpu.vector_load %arg15[%swap3A_111, %swap3A_112] {strides = array<i32>} : memref<1x272xf32, #tpu.memory_space<vmem>>, vector<16xf32>,
    tpu.vector_store %arg15[%swap3A_111, %swap3A_112], %broadcast_in_dim3A_1 {strides = array<i32>} : memref<1x272xf32, #tpu.memory_space<vmem>>, vector<16xf32>,
    %swap3A_114 = arith.constant 0 : i32
    %swap3A_115 = arith.index_cast %swap3A_114 : i32 to index
    %swap3A_116 = arith.constant 64 : index
    %swap3A_117 = tpu.vector_load %arg15[%swap3A_115, %swap3A_116] {strides = array<i32>} : memref<1x272xf32, #tpu.memory_space<vmem>>, vector<16xf32>,
    tpu.vector_store %arg15[%swap3A_115, %swap3A_116], %broadcast_in_dim3A_1 {strides = array<i32>} : memref<1x272xf32, #tpu.memory_space<vmem>>, vector<16xf32>,
    %swap3A_118 = arith.constant 0 : i32
    %swap3A_119 = arith.index_cast %swap3A_118 : i32 to index
    %swap3A_120 = arith.constant 80 : index
    %swap3A_121 = tpu.vector_load %arg15[%swap3A_119, %swap3A_120] {strides = array<i32>} : memref<1x272xf32, #tpu.memory_space<vmem>>, vector<16xf32>,
    tpu.vector_store %arg15[%swap3A_119, %swap3A_120], %broadcast_in_dim3A_1 {strides = array<i32>} : memref<1x272xf32, #tpu.memory_space<vmem>>, vector<16xf32>,
    %swap3A_122 = arith.constant 0 : i32
    %swap3A_123 = arith.index_cast %swap3A_122 : i32 to index
    %swap3A_124 = arith.constant 96 : index
    %swap3A_125 = tpu.vector_load %arg15[%swap3A_123, %swap3A_124] {strides = array<i32>} : memref<1x272xf32, #tpu.memory_space<vmem>>, vector<16xf32>,
    tpu.vector_store %arg15[%swap3A_123, %swap3A_124], %broadcast_in_dim3A_1 {strides = array<i32>} : memref<1x272xf32, #tpu.memory_space<vmem>>, vector<16xf32>,
    %swap3A_126 = arith.constant 0 : i32
    %swap3A_127 = arith.index_cast %swap3A_126 : i32 to index
    %swap3A_128 = arith.constant 112 : index
    %swap3A_129 = tpu.vector_load %arg15[%swap3A_127, %swap3A_128] {strides = array<i32>} : memref<1x272xf32, #tpu.memory_space<vmem>>, vector<16xf32>,
    tpu.vector_store %arg15[%swap3A_127, %swap3A_128], %broadcast_in_dim3A_1 {strides = array<i32>} : memref<1x272xf32, #tpu.memory_space<vmem>>, vector<16xf32>,
    %swap3A_130 = arith.constant 0 : i32
    %swap3A_131 = arith.index_cast %swap3A_130 : i32 to index
    %swap3A_132 = arith.constant 128 : index
    %swap3A_133 = tpu.vector_load %arg15[%swap3A_131, %swap3A_132] {strides = array<i32>} : memref<1x272xf32, #tpu.memory_space<vmem>>, vector<16xf32>,
    tpu.vector_store %arg15[%swap3A_131, %swap3A_132], %broadcast_in_dim3A_1 {strides = array<i32>} : memref<1x272xf32, #tpu.memory_space<vmem>>, vector<16xf32>,
    %swap3A_134 = arith.constant 0 : i32
    %swap3A_135 = arith.index_cast %swap3A_134 : i32 to index
    %swap3A_136 = arith.constant 144 : index
    %swap3A_137 = tpu.vector_load %arg15[%swap3A_135, %swap3A_136] {strides = array<i32>} : memref<1x272xf32, #tpu.memory_space<vmem>>, vector<16xf32>,
    tpu.vector_store %arg15[%swap3A_135, %swap3A_136], %broadcast_in_dim3A_1 {strides = array<i32>} : memref<1x272xf32, #tpu.memory_space<vmem>>, vector<16xf32>,
    %swap3A_138 = arith.constant 0 : i32
    %swap3A_139 = arith.index_cast %swap3A_138 : i32 to index
    %swap3A_140 = arith.constant 160 : index
    %swap3A_141 = tpu.vector_load %arg15[%swap3A_139, %swap3A_140] {strides = array<i32>} : memref<1x272xf32, #tpu.memory_space<vmem>>, vector<16xf32>,
    tpu.vector_store %arg15[%swap3A_139, %swap3A_140], %broadcast_in_dim3A_1 {strides = array<i32>} : memref<1x272xf32, #tpu.memory_space<vmem>>, vector<16xf32>,
    %swap3A_142 = arith.constant 0 : i32
    %swap3A_143 = arith.index_cast %swap3A_142 : i32 to index
    %swap3A_144 = arith.constant 176 : index
    %swap3A_145 = tpu.vector_load %arg15[%swap3A_143, %swap3A_144] {strides = array<i32>} : memref<1x272xf32, #tpu.memory_space<vmem>>, vector<16xf32>,
    tpu.vector_store %arg15[%swap3A_143, %swap3A_144], %broadcast_in_dim3A_1 {strides = array<i32>} : memref<1x272xf32, #tpu.memory_space<vmem>>, vector<16xf32>,
    %swap3A_146 = arith.constant 0 : i32
    %swap3A_147 = arith.index_cast %swap3A_146 : i32 to index
    %swap3A_148 = arith.constant 192 : index
    %swap3A_149 = tpu.vector_load %arg15[%swap3A_147, %swap3A_148] {strides = array<i32>} : memref<1x272xf32, #tpu.memory_space<vmem>>, vector<16xf32>,
    tpu.vector_store %arg15[%swap3A_147, %swap3A_148], %broadcast_in_dim3A_1 {strides = array<i32>} : memref<1x272xf32, #tpu.memory_space<vmem>>, vector<16xf32>,
    %swap3A_150 = arith.constant 0 : i32
    %swap3A_151 = arith.index_cast %swap3A_150 : i32 to index
    %swap3A_152 = arith.constant 208 : index
    %swap3A_153 = tpu.vector_load %arg15[%swap3A_151, %swap3A_152] {strides = array<i32>} : memref<1x272xf32, #tpu.memory_space<vmem>>, vector<16xf32>,
    tpu.vector_store %arg15[%swap3A_151, %swap3A_152], %broadcast_in_dim3A_1 {strides = array<i32>} : memref<1x272xf32, #tpu.memory_space<vmem>>, vector<16xf32>,
    %swap3A_154 = arith.constant 0 : i32
    %swap3A_155 = arith.index_cast %swap3A_154 : i32 to index
    %swap3A_156 = arith.constant 224 : index
    %swap3A_157 = tpu.vector_load %arg15[%swap3A_155, %swap3A_156] {strides = array<i32>} : memref<1x272xf32, #tpu.memory_space<vmem>>, vector<16xf32>,
    tpu.vector_store %arg15[%swap3A_155, %swap3A_156], %broadcast_in_dim3A_1 {strides = array<i32>} : memref<1x272xf32, #tpu.memory_space<vmem>>, vector<16xf32>,
    %swap3A_158 = arith.constant 0 : i32
    %swap3A_159 = arith.index_cast %swap3A_158 : i32 to index
    %swap3A_160 = arith.constant 240 : index
    %swap3A_161 = tpu.vector_load %arg15[%swap3A_159, %swap3A_160] {strides = array<i32>} : memref<1x272xf32, #tpu.memory_space<vmem>>, vector<16xf32>,
    tpu.vector_store %arg15[%swap3A_159, %swap3A_160], %broadcast_in_dim3A_1 {strides = array<i32>} : memref<1x272xf32, #tpu.memory_space<vmem>>, vector<16xf32>,
    %swap3A_162 = arith.constant 0 : i32
    %swap3A_163 = arith.index_cast %swap3A_162 : i32 to index
    %swap3A_164 = arith.constant 256 : index
    %swap3A_165 = tpu.vector_load %arg15[%swap3A_163, %swap3A_164] {strides = array<i32>} : memref<1x272xf32, #tpu.memory_space<vmem>>, vector<16xf32>,
    tpu.vector_store %arg15[%swap3A_163, %swap3A_164], %broadcast_in_dim3A_1 {strides = array<i32>} : memref<1x272xf32, #tpu.memory_space<vmem>>, vector<16xf32>,
    %add3A_166 = arith.constant 80 : i32
    %add3A_167 = vector.broadcast %add3A_166 : i32 to vector<16xi32>
    %add3A_168 = arith.addi %add3A_167, %iota3A : vector<16xi32>
    %mul3A_169 = arith.constant 16 : i32
    %mul3A_170 = vector.broadcast %mul3A_169 : i32 to vector<16xi32>
    %mul3A_171 = arith.muli %add3A_168, %mul3A_170 : vector<16xi32>
    %add3A_172 = arith.constant 0 : i32
    %add3A_173 = vector.broadcast %add3A_172 : i32 to vector<16xi32>
    %add3A_174 = arith.addi %mul3A_171, %add3A_173 : vector<16xi32>
    %gather3A = tpu.vector_load_idx %arg16[%add3A_174] : memref<3072xi32, #tpu.memory_space<vmem>>[vector<16xi32>], vector<16xi32>,
    %add3A_175 = arith.addi %broadcast_in_dim3A_14, %gather3A : vector<16xi32>
    %add3A_176 = arith.constant 1 : i32
    %add3A_177 = vector.broadcast %add3A_176 : i32 to vector<16xi32>
    %add3A_178 = arith.addi %mul3A_171, %add3A_177 : vector<16xi32>
    %gather3A_179 = tpu.vector_load_idx %arg16[%add3A_178] : memref<3072xi32, #tpu.memory_space<vmem>>[vector<16xi32>], vector<16xi32>,
    %add3A_180 = arith.addi %add3A_175, %gather3A_179 : vector<16xi32>
    %add3A_181 = arith.constant 2 : i32
    %add3A_182 = vector.broadcast %add3A_181 : i32 to vector<16xi32>
    %add3A_183 = arith.addi %mul3A_171, %add3A_182 : vector<16xi32>
    %gather3A_184 = tpu.vector_load_idx %arg16[%add3A_183] : memref<3072xi32, #tpu.memory_space<vmem>>[vector<16xi32>], vector<16xi32>,
    %add3A_185 = arith.addi %add3A_180, %gather3A_184 : vector<16xi32>
    %add3A_186 = arith.constant 3 : i32
    %add3A_187 = vector.broadcast %add3A_186 : i32 to vector<16xi32>
    %add3A_188 = arith.addi %mul3A_171, %add3A_187 : vector<16xi32>
    %gather3A_189 = tpu.vector_load_idx %arg16[%add3A_188] : memref<3072xi32, #tpu.memory_space<vmem>>[vector<16xi32>], vector<16xi32>,
    %add3A_190 = arith.addi %add3A_185, %gather3A_189 : vector<16xi32>
    %add3A_191 = arith.constant 4 : i32
    %add3A_192 = vector.broadcast %add3A_191 : i32 to vector<16xi32>
    %add3A_193 = arith.addi %mul3A_171, %add3A_192 : vector<16xi32>
    %gather3A_194 = tpu.vector_load_idx %arg16[%add3A_193] : memref<3072xi32, #tpu.memory_space<vmem>>[vector<16xi32>], vector<16xi32>,
    %add3A_195 = arith.addi %add3A_190, %gather3A_194 : vector<16xi32>
    %add3A_196 = arith.constant 5 : i32
    %add3A_197 = vector.broadcast %add3A_196 : i32 to vector<16xi32>
    %add3A_198 = arith.addi %mul3A_171, %add3A_197 : vector<16xi32>
    %gather3A_199 = tpu.vector_load_idx %arg16[%add3A_198] : memref<3072xi32, #tpu.memory_space<vmem>>[vector<16xi32>], vector<16xi32>,
    %add3A_200 = arith.addi %add3A_195, %gather3A_199 : vector<16xi32>
    %add3A_201 = arith.constant 6 : i32
    %add3A_202 = vector.broadcast %add3A_201 : i32 to vector<16xi32>
    %add3A_203 = arith.addi %mul3A_171, %add3A_202 : vector<16xi32>
    %gather3A_204 = tpu.vector_load_idx %arg16[%add3A_203] : memref<3072xi32, #tpu.memory_space<vmem>>[vector<16xi32>], vector<16xi32>,
    %add3A_205 = arith.addi %add3A_200, %gather3A_204 : vector<16xi32>
    %add3A_206 = arith.constant 7 : i32
    %add3A_207 = vector.broadcast %add3A_206 : i32 to vector<16xi32>
    %add3A_208 = arith.addi %mul3A_171, %add3A_207 : vector<16xi32>
    %gather3A_209 = tpu.vector_load_idx %arg16[%add3A_208] : memref<3072xi32, #tpu.memory_space<vmem>>[vector<16xi32>], vector<16xi32>,
    %add3A_210 = arith.addi %add3A_205, %gather3A_209 : vector<16xi32>
    %add3A_211 = arith.constant 8 : i32
    %add3A_212 = vector.broadcast %add3A_211 : i32 to vector<16xi32>
    %add3A_213 = arith.addi %mul3A_171, %add3A_212 : vector<16xi32>
    %gather3A_214 = tpu.vector_load_idx %arg16[%add3A_213] : memref<3072xi32, #tpu.memory_space<vmem>>[vector<16xi32>], vector<16xi32>,
    %add3A_215 = arith.addi %add3A_210, %gather3A_214 : vector<16xi32>
    %add3A_216 = arith.constant 9 : i32
    %add3A_217 = vector.broadcast %add3A_216 : i32 to vector<16xi32>
    %add3A_218 = arith.addi %mul3A_171, %add3A_217 : vector<16xi32>
    %gather3A_219 = tpu.vector_load_idx %arg16[%add3A_218] : memref<3072xi32, #tpu.memory_space<vmem>>[vector<16xi32>], vector<16xi32>,
    %add3A_220 = arith.addi %add3A_215, %gather3A_219 : vector<16xi32>
    %add3A_221 = arith.constant 10 : i32
    %add3A_222 = vector.broadcast %add3A_221 : i32 to vector<16xi32>
    %add3A_223 = arith.addi %mul3A_171, %add3A_222 : vector<16xi32>
    %gather3A_224 = tpu.vector_load_idx %arg16[%add3A_223] : memref<3072xi32, #tpu.memory_space<vmem>>[vector<16xi32>], vector<16xi32>,
    %add3A_225 = arith.addi %add3A_220, %gather3A_224 : vector<16xi32>
    %add3A_226 = arith.constant 11 : i32
    %add3A_227 = vector.broadcast %add3A_226 : i32 to vector<16xi32>
    %add3A_228 = arith.addi %mul3A_171, %add3A_227 : vector<16xi32>
    %gather3A_229 = tpu.vector_load_idx %arg16[%add3A_228] : memref<3072xi32, #tpu.memory_space<vmem>>[vector<16xi32>], vector<16xi32>,
    %add3A_230 = arith.addi %add3A_225, %gather3A_229 : vector<16xi32>
    %add3A_231 = arith.constant 12 : i32
    %add3A_232 = vector.broadcast %add3A_231 : i32 to vector<16xi32>
    %add3A_233 = arith.addi %mul3A_171, %add3A_232 : vector<16xi32>
    %gather3A_234 = tpu.vector_load_idx %arg16[%add3A_233] : memref<3072xi32, #tpu.memory_space<vmem>>[vector<16xi32>], vector<16xi32>,
    %add3A_235 = arith.addi %add3A_230, %gather3A_234 : vector<16xi32>
    %add3A_236 = arith.constant 13 : i32
    %add3A_237 = vector.broadcast %add3A_236 : i32 to vector<16xi32>
    %add3A_238 = arith.addi %mul3A_171, %add3A_237 : vector<16xi32>
    %gather3A_239 = tpu.vector_load_idx %arg16[%add3A_238] : memref<3072xi32, #tpu.memory_space<vmem>>[vector<16xi32>], vector<16xi32>,
    %add3A_240 = arith.addi %add3A_235, %gather3A_239 : vector<16xi32>
    %add3A_241 = arith.constant 14 : i32
    %add3A_242 = vector.broadcast %add3A_241 : i32 to vector<16xi32>
    %add3A_243 = arith.addi %mul3A_171, %add3A_242 : vector<16xi32>
    %gather3A_244 = tpu.vector_load_idx %arg16[%add3A_243] : memref<3072xi32, #tpu.memory_space<vmem>>[vector<16xi32>], vector<16xi32>,
    %add3A_245 = arith.addi %add3A_240, %gather3A_244 : vector<16xi32>
    %add3A_246 = arith.constant 15 : i32
    %add3A_247 = vector.broadcast %add3A_246 : i32 to vector<16xi32>
    %add3A_248 = arith.addi %mul3A_171, %add3A_247 : vector<16xi32>
    %gather3A_249 = tpu.vector_load_idx %arg16[%add3A_248] : memref<3072xi32, #tpu.memory_space<vmem>>[vector<16xi32>], vector<16xi32>,
    %add3A_250 = arith.addi %add3A_245, %gather3A_249 : vector<16xi32>
    %convert_element_type3A_251 = arith.sitofp %add3A_250 : vector<16xi32> to vector<16xf32>
    %swap3A_252 = arith.constant 0 : i32
    %swap3A_253 = arith.index_cast %swap3A_252 : i32 to index
    %swap3A_254 = arith.constant 80 : index
    %swap3A_255 = tpu.vector_load %arg15[%swap3A_253, %swap3A_254] {strides = array<i32>} : memref<1x272xf32, #tpu.memory_space<vmem>>, vector<16xf32>,
    tpu.vector_store %arg15[%swap3A_253, %swap3A_254], %convert_element_type3A_251 {strides = array<i32>} : memref<1x272xf32, #tpu.memory_space<vmem>>, vector<16xf32>,
    %add3A_256 = arith.constant 96 : i32
    %add3A_257 = vector.broadcast %add3A_256 : i32 to vector<16xi32>
    %add3A_258 = arith.addi %add3A_257, %iota3A : vector<16xi32>
    %mul3A_259 = arith.constant 16 : i32
    %mul3A_260 = vector.broadcast %mul3A_259 : i32 to vector<16xi32>
    %mul3A_261 = arith.muli %add3A_258, %mul3A_260 : vector<16xi32>
    %add3A_262 = arith.constant 0 : i32
    %add3A_263 = vector.broadcast %add3A_262 : i32 to vector<16xi32>
    %add3A_264 = arith.addi %mul3A_261, %add3A_263 : vector<16xi32>
    %gather3A_265 = tpu.vector_load_idx %arg16[%add3A_264] : memref<3072xi32, #tpu.memory_space<vmem>>[vector<16xi32>], vector<16xi32>,
    %add3A_266 = arith.addi %broadcast_in_dim3A_14, %gather3A_265 : vector<16xi32>
    %add3A_267 = arith.constant 1 : i32
    %add3A_268 = vector.broadcast %add3A_267 : i32 to vector<16xi32>
    %add3A_269 = arith.addi %mul3A_261, %add3A_268 : vector<16xi32>
    %gather3A_270 = tpu.vector_load_idx %arg16[%add3A_269] : memref<3072xi32, #tpu.memory_space<vmem>>[vector<16xi32>], vector<16xi32>,
    %add3A_271 = arith.addi %add3A_266, %gather3A_270 : vector<16xi32>
    %add3A_272 = arith.constant 2 : i32
    %add3A_273 = vector.broadcast %add3A_272 : i32 to vector<16xi32>
    %add3A_274 = arith.addi %mul3A_261, %add3A_273 : vector<16xi32>
    %gather3A_275 = tpu.vector_load_idx %arg16[%add3A_274] : memref<3072xi32, #tpu.memory_space<vmem>>[vector<16xi32>], vector<16xi32>,
    %add3A_276 = arith.addi %add3A_271, %gather3A_275 : vector<16xi32>
    %add3A_277 = arith.constant 3 : i32
    %add3A_278 = vector.broadcast %add3A_277 : i32 to vector<16xi32>
    %add3A_279 = arith.addi %mul3A_261, %add3A_278 : vector<16xi32>
    %gather3A_280 = tpu.vector_load_idx %arg16[%add3A_279] : memref<3072xi32, #tpu.memory_space<vmem>>[vector<16xi32>], vector<16xi32>,
    %add3A_281 = arith.addi %add3A_276, %gather3A_280 : vector<16xi32>
    %add3A_282 = arith.constant 4 : i32
    %add3A_283 = vector.broadcast %add3A_282 : i32 to vector<16xi32>
    %add3A_284 = arith.addi %mul3A_261, %add3A_283 : vector<16xi32>
    %gather3A_285 = tpu.vector_load_idx %arg16[%add3A_284] : memref<3072xi32, #tpu.memory_space<vmem>>[vector<16xi32>], vector<16xi32>,
    %add3A_286 = arith.addi %add3A_281, %gather3A_285 : vector<16xi32>
    %add3A_287 = arith.constant 5 : i32
    %add3A_288 = vector.broadcast %add3A_287 : i32 to vector<16xi32>
    %add3A_289 = arith.addi %mul3A_261, %add3A_288 : vector<16xi32>
    %gather3A_290 = tpu.vector_load_idx %arg16[%add3A_289] : memref<3072xi32, #tpu.memory_space<vmem>>[vector<16xi32>], vector<16xi32>,
    %add3A_291 = arith.addi %add3A_286, %gather3A_290 : vector<16xi32>
    %add3A_292 = arith.constant 6 : i32
    %add3A_293 = vector.broadcast %add3A_292 : i32 to vector<16xi32>
    %add3A_294 = arith.addi %mul3A_261, %add3A_293 : vector<16xi32>
    %gather3A_295 = tpu.vector_load_idx %arg16[%add3A_294] : memref<3072xi32, #tpu.memory_space<vmem>>[vector<16xi32>], vector<16xi32>,
    %add3A_296 = arith.addi %add3A_291, %gather3A_295 : vector<16xi32>
    %add3A_297 = arith.constant 7 : i32
    %add3A_298 = vector.broadcast %add3A_297 : i32 to vector<16xi32>
    %add3A_299 = arith.addi %mul3A_261, %add3A_298 : vector<16xi32>
    %gather3A_300 = tpu.vector_load_idx %arg16[%add3A_299] : memref<3072xi32, #tpu.memory_space<vmem>>[vector<16xi32>], vector<16xi32>,
    %add3A_301 = arith.addi %add3A_296, %gather3A_300 : vector<16xi32>
    %add3A_302 = arith.constant 8 : i32
    %add3A_303 = vector.broadcast %add3A_302 : i32 to vector<16xi32>
    %add3A_304 = arith.addi %mul3A_261, %add3A_303 : vector<16xi32>
    %gather3A_305 = tpu.vector_load_idx %arg16[%add3A_304] : memref<3072xi32, #tpu.memory_space<vmem>>[vector<16xi32>], vector<16xi32>,
    %add3A_306 = arith.addi %add3A_301, %gather3A_305 : vector<16xi32>
    %add3A_307 = arith.constant 9 : i32
    %add3A_308 = vector.broadcast %add3A_307 : i32 to vector<16xi32>
    %add3A_309 = arith.addi %mul3A_261, %add3A_308 : vector<16xi32>
    %gather3A_310 = tpu.vector_load_idx %arg16[%add3A_309] : memref<3072xi32, #tpu.memory_space<vmem>>[vector<16xi32>], vector<16xi32>,
    %add3A_311 = arith.addi %add3A_306, %gather3A_310 : vector<16xi32>
    %add3A_312 = arith.constant 10 : i32
    %add3A_313 = vector.broadcast %add3A_312 : i32 to vector<16xi32>
    %add3A_314 = arith.addi %mul3A_261, %add3A_313 : vector<16xi32>
    %gather3A_315 = tpu.vector_load_idx %arg16[%add3A_314] : memref<3072xi32, #tpu.memory_space<vmem>>[vector<16xi32>], vector<16xi32>,
    %add3A_316 = arith.addi %add3A_311, %gather3A_315 : vector<16xi32>
    %add3A_317 = arith.constant 11 : i32
    %add3A_318 = vector.broadcast %add3A_317 : i32 to vector<16xi32>
    %add3A_319 = arith.addi %mul3A_261, %add3A_318 : vector<16xi32>
    %gather3A_320 = tpu.vector_load_idx %arg16[%add3A_319] : memref<3072xi32, #tpu.memory_space<vmem>>[vector<16xi32>], vector<16xi32>,
    %add3A_321 = arith.addi %add3A_316, %gather3A_320 : vector<16xi32>
    %add3A_322 = arith.constant 12 : i32
    %add3A_323 = vector.broadcast %add3A_322 : i32 to vector<16xi32>
    %add3A_324 = arith.addi %mul3A_261, %add3A_323 : vector<16xi32>
    %gather3A_325 = tpu.vector_load_idx %arg16[%add3A_324] : memref<3072xi32, #tpu.memory_space<vmem>>[vector<16xi32>], vector<16xi32>,
    %add3A_326 = arith.addi %add3A_321, %gather3A_325 : vector<16xi32>
    %add3A_327 = arith.constant 13 : i32
    %add3A_328 = vector.broadcast %add3A_327 : i32 to vector<16xi32>
    %add3A_329 = arith.addi %mul3A_261, %add3A_328 : vector<16xi32>
    %gather3A_330 = tpu.vector_load_idx %arg16[%add3A_329] : memref<3072xi32, #tpu.memory_space<vmem>>[vector<16xi32>], vector<16xi32>,
    %add3A_331 = arith.addi %add3A_326, %gather3A_330 : vector<16xi32>
    %add3A_332 = arith.constant 14 : i32
    %add3A_333 = vector.broadcast %add3A_332 : i32 to vector<16xi32>
    %add3A_334 = arith.addi %mul3A_261, %add3A_333 : vector<16xi32>
    %gather3A_335 = tpu.vector_load_idx %arg16[%add3A_334] : memref<3072xi32, #tpu.memory_space<vmem>>[vector<16xi32>], vector<16xi32>,
    %add3A_336 = arith.addi %add3A_331, %gather3A_335 : vector<16xi32>
    %add3A_337 = arith.constant 15 : i32
    %add3A_338 = vector.broadcast %add3A_337 : i32 to vector<16xi32>
    %add3A_339 = arith.addi %mul3A_261, %add3A_338 : vector<16xi32>
    %gather3A_340 = tpu.vector_load_idx %arg16[%add3A_339] : memref<3072xi32, #tpu.memory_space<vmem>>[vector<16xi32>], vector<16xi32>,
    %add3A_341 = arith.addi %add3A_336, %gather3A_340 : vector<16xi32>
    %convert_element_type3A_342 = arith.sitofp %add3A_341 : vector<16xi32> to vector<16xf32>
    %swap3A_343 = arith.constant 0 : i32
    %swap3A_344 = arith.index_cast %swap3A_343 : i32 to index
    %swap3A_345 = arith.constant 96 : index
    %swap3A_346 = tpu.vector_load %arg15[%swap3A_344, %swap3A_345] {strides = array<i32>} : memref<1x272xf32, #tpu.memory_space<vmem>>, vector<16xf32>,
    tpu.vector_store %arg15[%swap3A_344, %swap3A_345], %convert_element_type3A_342 {strides = array<i32>} : memref<1x272xf32, #tpu.memory_space<vmem>>, vector<16xf32>,
    %add3A_347 = arith.constant 112 : i32
    %add3A_348 = vector.broadcast %add3A_347 : i32 to vector<16xi32>
    %add3A_349 = arith.addi %add3A_348, %iota3A : vector<16xi32>
    %mul3A_350 = arith.constant 16 : i32
    %mul3A_351 = vector.broadcast %mul3A_350 : i32 to vector<16xi32>
    %mul3A_352 = arith.muli %add3A_349, %mul3A_351 : vector<16xi32>
    %add3A_353 = arith.constant 0 : i32
    %add3A_354 = vector.broadcast %add3A_353 : i32 to vector<16xi32>
    %add3A_355 = arith.addi %mul3A_352, %add3A_354 : vector<16xi32>
    %gather3A_356 = tpu.vector_load_idx %arg16[%add3A_355] : memref<3072xi32, #tpu.memory_space<vmem>>[vector<16xi32>], vector<16xi32>,
    %add3A_357 = arith.addi %broadcast_in_dim3A_14, %gather3A_356 : vector<16xi32>
    %add3A_358 = arith.constant 1 : i32
    %add3A_359 = vector.broadcast %add3A_358 : i32 to vector<16xi32>
    %add3A_360 = arith.addi %mul3A_352, %add3A_359 : vector<16xi32>
    %gather3A_361 = tpu.vector_load_idx %arg16[%add3A_360] : memref<3072xi32, #tpu.memory_space<vmem>>[vector<16xi32>], vector<16xi32>,
    %add3A_362 = arith.addi %add3A_357, %gather3A_361 : vector<16xi32>
    %add3A_363 = arith.constant 2 : i32
    %add3A_364 = vector.broadcast %add3A_363 : i32 to vector<16xi32>
    %add3A_365 = arith.addi %mul3A_352, %add3A_364 : vector<16xi32>
    %gather3A_366 = tpu.vector_load_idx %arg16[%add3A_365] : memref<3072xi32, #tpu.memory_space<vmem>>[vector<16xi32>], vector<16xi32>,
    %add3A_367 = arith.addi %add3A_362, %gather3A_366 : vector<16xi32>
    %add3A_368 = arith.constant 3 : i32
    %add3A_369 = vector.broadcast %add3A_368 : i32 to vector<16xi32>
    %add3A_370 = arith.addi %mul3A_352, %add3A_369 : vector<16xi32>
    %gather3A_371 = tpu.vector_load_idx %arg16[%add3A_370] : memref<3072xi32, #tpu.memory_space<vmem>>[vector<16xi32>], vector<16xi32>,
    %add3A_372 = arith.addi %add3A_367, %gather3A_371 : vector<16xi32>
    %add3A_373 = arith.constant 4 : i32
    %add3A_374 = vector.broadcast %add3A_373 : i32 to vector<16xi32>
    %add3A_375 = arith.addi %mul3A_352, %add3A_374 : vector<16xi32>
    %gather3A_376 = tpu.vector_load_idx %arg16[%add3A_375] : memref<3072xi32, #tpu.memory_space<vmem>>[vector<16xi32>], vector<16xi32>,
    %add3A_377 = arith.addi %add3A_372, %gather3A_376 : vector<16xi32>
    %add3A_378 = arith.constant 5 : i32
    %add3A_379 = vector.broadcast %add3A_378 : i32 to vector<16xi32>
    %add3A_380 = arith.addi %mul3A_352, %add3A_379 : vector<16xi32>
    %gather3A_381 = tpu.vector_load_idx %arg16[%add3A_380] : memref<3072xi32, #tpu.memory_space<vmem>>[vector<16xi32>], vector<16xi32>,
    %add3A_382 = arith.addi %add3A_377, %gather3A_381 : vector<16xi32>
    %add3A_383 = arith.constant 6 : i32
    %add3A_384 = vector.broadcast %add3A_383 : i32 to vector<16xi32>
    %add3A_385 = arith.addi %mul3A_352, %add3A_384 : vector<16xi32>
    %gather3A_386 = tpu.vector_load_idx %arg16[%add3A_385] : memref<3072xi32, #tpu.memory_space<vmem>>[vector<16xi32>], vector<16xi32>,
    %add3A_387 = arith.addi %add3A_382, %gather3A_386 : vector<16xi32>
    %add3A_388 = arith.constant 7 : i32
    %add3A_389 = vector.broadcast %add3A_388 : i32 to vector<16xi32>
    %add3A_390 = arith.addi %mul3A_352, %add3A_389 : vector<16xi32>
    %gather3A_391 = tpu.vector_load_idx %arg16[%add3A_390] : memref<3072xi32, #tpu.memory_space<vmem>>[vector<16xi32>], vector<16xi32>,
    %add3A_392 = arith.addi %add3A_387, %gather3A_391 : vector<16xi32>
    %add3A_393 = arith.constant 8 : i32
    %add3A_394 = vector.broadcast %add3A_393 : i32 to vector<16xi32>
    %add3A_395 = arith.addi %mul3A_352, %add3A_394 : vector<16xi32>
    %gather3A_396 = tpu.vector_load_idx %arg16[%add3A_395] : memref<3072xi32, #tpu.memory_space<vmem>>[vector<16xi32>], vector<16xi32>,
    %add3A_397 = arith.addi %add3A_392, %gather3A_396 : vector<16xi32>
    %add3A_398 = arith.constant 9 : i32
    %add3A_399 = vector.broadcast %add3A_398 : i32 to vector<16xi32>
    %add3A_400 = arith.addi %mul3A_352, %add3A_399 : vector<16xi32>
    %gather3A_401 = tpu.vector_load_idx %arg16[%add3A_400] : memref<3072xi32, #tpu.memory_space<vmem>>[vector<16xi32>], vector<16xi32>,
    %add3A_402 = arith.addi %add3A_397, %gather3A_401 : vector<16xi32>
    %add3A_403 = arith.constant 10 : i32
    %add3A_404 = vector.broadcast %add3A_403 : i32 to vector<16xi32>
    %add3A_405 = arith.addi %mul3A_352, %add3A_404 : vector<16xi32>
    %gather3A_406 = tpu.vector_load_idx %arg16[%add3A_405] : memref<3072xi32, #tpu.memory_space<vmem>>[vector<16xi32>], vector<16xi32>,
    %add3A_407 = arith.addi %add3A_402, %gather3A_406 : vector<16xi32>
    %add3A_408 = arith.constant 11 : i32
    %add3A_409 = vector.broadcast %add3A_408 : i32 to vector<16xi32>
    %add3A_410 = arith.addi %mul3A_352, %add3A_409 : vector<16xi32>
    %gather3A_411 = tpu.vector_load_idx %arg16[%add3A_410] : memref<3072xi32, #tpu.memory_space<vmem>>[vector<16xi32>], vector<16xi32>,
    %add3A_412 = arith.addi %add3A_407, %gather3A_411 : vector<16xi32>
    %add3A_413 = arith.constant 12 : i32
    %add3A_414 = vector.broadcast %add3A_413 : i32 to vector<16xi32>
    %add3A_415 = arith.addi %mul3A_352, %add3A_414 : vector<16xi32>
    %gather3A_416 = tpu.vector_load_idx %arg16[%add3A_415] : memref<3072xi32, #tpu.memory_space<vmem>>[vector<16xi32>], vector<16xi32>,
    %add3A_417 = arith.addi %add3A_412, %gather3A_416 : vector<16xi32>
    %add3A_418 = arith.constant 13 : i32
    %add3A_419 = vector.broadcast %add3A_418 : i32 to vector<16xi32>
    %add3A_420 = arith.addi %mul3A_352, %add3A_419 : vector<16xi32>
    %gather3A_421 = tpu.vector_load_idx %arg16[%add3A_420] : memref<3072xi32, #tpu.memory_space<vmem>>[vector<16xi32>], vector<16xi32>,
    %add3A_422 = arith.addi %add3A_417, %gather3A_421 : vector<16xi32>
    %add3A_423 = arith.constant 14 : i32
    %add3A_424 = vector.broadcast %add3A_423 : i32 to vector<16xi32>
    %add3A_425 = arith.addi %mul3A_352, %add3A_424 : vector<16xi32>
    %gather3A_426 = tpu.vector_load_idx %arg16[%add3A_425] : memref<3072xi32, #tpu.memory_space<vmem>>[vector<16xi32>], vector<16xi32>,
    %add3A_427 = arith.addi %add3A_422, %gather3A_426 : vector<16xi32>
    %add3A_428 = arith.constant 15 : i32
    %add3A_429 = vector.broadcast %add3A_428 : i32 to vector<16xi32>
    %add3A_430 = arith.addi %mul3A_352, %add3A_429 : vector<16xi32>
    %gather3A_431 = tpu.vector_load_idx %arg16[%add3A_430] : memref<3072xi32, #tpu.memory_space<vmem>>[vector<16xi32>], vector<16xi32>,
    %add3A_432 = arith.addi %add3A_427, %gather3A_431 : vector<16xi32>
    %convert_element_type3A_433 = arith.sitofp %add3A_432 : vector<16xi32> to vector<16xf32>
    %swap3A_434 = arith.constant 0 : i32
    %swap3A_435 = arith.index_cast %swap3A_434 : i32 to index
    %swap3A_436 = arith.constant 112 : index
    %swap3A_437 = tpu.vector_load %arg15[%swap3A_435, %swap3A_436] {strides = array<i32>} : memref<1x272xf32, #tpu.memory_space<vmem>>, vector<16xf32>,
    tpu.vector_store %arg15[%swap3A_435, %swap3A_436], %convert_element_type3A_433 {strides = array<i32>} : memref<1x272xf32, #tpu.memory_space<vmem>>, vector<16xf32>,
    %add3A_438 = arith.constant 128 : i32
    %add3A_439 = vector.broadcast %add3A_438 : i32 to vector<16xi32>
    %add3A_440 = arith.addi %add3A_439, %iota3A : vector<16xi32>
    %mul3A_441 = arith.constant 16 : i32
    %mul3A_442 = vector.broadcast %mul3A_441 : i32 to vector<16xi32>
    %mul3A_443 = arith.muli %add3A_440, %mul3A_442 : vector<16xi32>
    %add3A_444 = arith.constant 0 : i32
    %add3A_445 = vector.broadcast %add3A_444 : i32 to vector<16xi32>
    %add3A_446 = arith.addi %mul3A_443, %add3A_445 : vector<16xi32>
    %gather3A_447 = tpu.vector_load_idx %arg16[%add3A_446] : memref<3072xi32, #tpu.memory_space<vmem>>[vector<16xi32>], vector<16xi32>,
    %add3A_448 = arith.addi %broadcast_in_dim3A_14, %gather3A_447 : vector<16xi32>
    %add3A_449 = arith.constant 1 : i32
    %add3A_450 = vector.broadcast %add3A_449 : i32 to vector<16xi32>
    %add3A_451 = arith.addi %mul3A_443, %add3A_450 : vector<16xi32>
    %gather3A_452 = tpu.vector_load_idx %arg16[%add3A_451] : memref<3072xi32, #tpu.memory_space<vmem>>[vector<16xi32>], vector<16xi32>,
    %add3A_453 = arith.addi %add3A_448, %gather3A_452 : vector<16xi32>
    %add3A_454 = arith.constant 2 : i32
    %add3A_455 = vector.broadcast %add3A_454 : i32 to vector<16xi32>
    %add3A_456 = arith.addi %mul3A_443, %add3A_455 : vector<16xi32>
    %gather3A_457 = tpu.vector_load_idx %arg16[%add3A_456] : memref<3072xi32, #tpu.memory_space<vmem>>[vector<16xi32>], vector<16xi32>,
    %add3A_458 = arith.addi %add3A_453, %gather3A_457 : vector<16xi32>
    %add3A_459 = arith.constant 3 : i32
    %add3A_460 = vector.broadcast %add3A_459 : i32 to vector<16xi32>
    %add3A_461 = arith.addi %mul3A_443, %add3A_460 : vector<16xi32>
    %gather3A_462 = tpu.vector_load_idx %arg16[%add3A_461] : memref<3072xi32, #tpu.memory_space<vmem>>[vector<16xi32>], vector<16xi32>,
    %add3A_463 = arith.addi %add3A_458, %gather3A_462 : vector<16xi32>
    %add3A_464 = arith.constant 4 : i32
    %add3A_465 = vector.broadcast %add3A_464 : i32 to vector<16xi32>
    %add3A_466 = arith.addi %mul3A_443, %add3A_465 : vector<16xi32>
    %gather3A_467 = tpu.vector_load_idx %arg16[%add3A_466] : memref<3072xi32, #tpu.memory_space<vmem>>[vector<16xi32>], vector<16xi32>,
    %add3A_468 = arith.addi %add3A_463, %gather3A_467 : vector<16xi32>
    %add3A_469 = arith.constant 5 : i32
    %add3A_470 = vector.broadcast %add3A_469 : i32 to vector<16xi32>
    %add3A_471 = arith.addi %mul3A_443, %add3A_470 : vector<16xi32>
    %gather3A_472 = tpu.vector_load_idx %arg16[%add3A_471] : memref<3072xi32, #tpu.memory_space<vmem>>[vector<16xi32>], vector<16xi32>,
    %add3A_473 = arith.addi %add3A_468, %gather3A_472 : vector<16xi32>
    %add3A_474 = arith.constant 6 : i32
    %add3A_475 = vector.broadcast %add3A_474 : i32 to vector<16xi32>
    %add3A_476 = arith.addi %mul3A_443, %add3A_475 : vector<16xi32>
    %gather3A_477 = tpu.vector_load_idx %arg16[%add3A_476] : memref<3072xi32, #tpu.memory_space<vmem>>[vector<16xi32>], vector<16xi32>,
    %add3A_478 = arith.addi %add3A_473, %gather3A_477 : vector<16xi32>
    %add3A_479 = arith.constant 7 : i32
    %add3A_480 = vector.broadcast %add3A_479 : i32 to vector<16xi32>
    %add3A_481 = arith.addi %mul3A_443, %add3A_480 : vector<16xi32>
    %gather3A_482 = tpu.vector_load_idx %arg16[%add3A_481] : memref<3072xi32, #tpu.memory_space<vmem>>[vector<16xi32>], vector<16xi32>,
    %add3A_483 = arith.addi %add3A_478, %gather3A_482 : vector<16xi32>
    %add3A_484 = arith.constant 8 : i32
    %add3A_485 = vector.broadcast %add3A_484 : i32 to vector<16xi32>
    %add3A_486 = arith.addi %mul3A_443, %add3A_485 : vector<16xi32>
    %gather3A_487 = tpu.vector_load_idx %arg16[%add3A_486] : memref<3072xi32, #tpu.memory_space<vmem>>[vector<16xi32>], vector<16xi32>,
    %add3A_488 = arith.addi %add3A_483, %gather3A_487 : vector<16xi32>
    %add3A_489 = arith.constant 9 : i32
    %add3A_490 = vector.broadcast %add3A_489 : i32 to vector<16xi32>
    %add3A_491 = arith.addi %mul3A_443, %add3A_490 : vector<16xi32>
    %gather3A_492 = tpu.vector_load_idx %arg16[%add3A_491] : memref<3072xi32, #tpu.memory_space<vmem>>[vector<16xi32>], vector<16xi32>,
    %add3A_493 = arith.addi %add3A_488, %gather3A_492 : vector<16xi32>
    %add3A_494 = arith.constant 10 : i32
    %add3A_495 = vector.broadcast %add3A_494 : i32 to vector<16xi32>
    %add3A_496 = arith.addi %mul3A_443, %add3A_495 : vector<16xi32>
    %gather3A_497 = tpu.vector_load_idx %arg16[%add3A_496] : memref<3072xi32, #tpu.memory_space<vmem>>[vector<16xi32>], vector<16xi32>,
    %add3A_498 = arith.addi %add3A_493, %gather3A_497 : vector<16xi32>
    %add3A_499 = arith.constant 11 : i32
    %add3A_500 = vector.broadcast %add3A_499 : i32 to vector<16xi32>
    %add3A_501 = arith.addi %mul3A_443, %add3A_500 : vector<16xi32>
    %gather3A_502 = tpu.vector_load_idx %arg16[%add3A_501] : memref<3072xi32, #tpu.memory_space<vmem>>[vector<16xi32>], vector<16xi32>,
    %add3A_503 = arith.addi %add3A_498, %gather3A_502 : vector<16xi32>
    %add3A_504 = arith.constant 12 : i32
    %add3A_505 = vector.broadcast %add3A_504 : i32 to vector<16xi32>
    %add3A_506 = arith.addi %mul3A_443, %add3A_505 : vector<16xi32>
    %gather3A_507 = tpu.vector_load_idx %arg16[%add3A_506] : memref<3072xi32, #tpu.memory_space<vmem>>[vector<16xi32>], vector<16xi32>,
    %add3A_508 = arith.addi %add3A_503, %gather3A_507 : vector<16xi32>
    %add3A_509 = arith.constant 13 : i32
    %add3A_510 = vector.broadcast %add3A_509 : i32 to vector<16xi32>
    %add3A_511 = arith.addi %mul3A_443, %add3A_510 : vector<16xi32>
    %gather3A_512 = tpu.vector_load_idx %arg16[%add3A_511] : memref<3072xi32, #tpu.memory_space<vmem>>[vector<16xi32>], vector<16xi32>,
    %add3A_513 = arith.addi %add3A_508, %gather3A_512 : vector<16xi32>
    %add3A_514 = arith.constant 14 : i32
    %add3A_515 = vector.broadcast %add3A_514 : i32 to vector<16xi32>
    %add3A_516 = arith.addi %mul3A_443, %add3A_515 : vector<16xi32>
    %gather3A_517 = tpu.vector_load_idx %arg16[%add3A_516] : memref<3072xi32, #tpu.memory_space<vmem>>[vector<16xi32>], vector<16xi32>,
    %add3A_518 = arith.addi %add3A_513, %gather3A_517 : vector<16xi32>
    %add3A_519 = arith.constant 15 : i32
    %add3A_520 = vector.broadcast %add3A_519 : i32 to vector<16xi32>
    %add3A_521 = arith.addi %mul3A_443, %add3A_520 : vector<16xi32>
    %gather3A_522 = tpu.vector_load_idx %arg16[%add3A_521] : memref<3072xi32, #tpu.memory_space<vmem>>[vector<16xi32>], vector<16xi32>,
    %add3A_523 = arith.addi %add3A_518, %gather3A_522 : vector<16xi32>
    %convert_element_type3A_524 = arith.sitofp %add3A_523 : vector<16xi32> to vector<16xf32>
    %swap3A_525 = arith.constant 0 : i32
    %swap3A_526 = arith.index_cast %swap3A_525 : i32 to index
    %swap3A_527 = arith.constant 128 : index
    %swap3A_528 = tpu.vector_load %arg15[%swap3A_526, %swap3A_527] {strides = array<i32>} : memref<1x272xf32, #tpu.memory_space<vmem>>, vector<16xf32>,
    tpu.vector_store %arg15[%swap3A_526, %swap3A_527], %convert_element_type3A_524 {strides = array<i32>} : memref<1x272xf32, #tpu.memory_space<vmem>>, vector<16xf32>,
    %add3A_529 = arith.constant 144 : i32
    %add3A_530 = vector.broadcast %add3A_529 : i32 to vector<16xi32>
    %add3A_531 = arith.addi %add3A_530, %iota3A : vector<16xi32>
    %mul3A_532 = arith.constant 16 : i32
    %mul3A_533 = vector.broadcast %mul3A_532 : i32 to vector<16xi32>
    %mul3A_534 = arith.muli %add3A_531, %mul3A_533 : vector<16xi32>
    %add3A_535 = arith.constant 0 : i32
    %add3A_536 = vector.broadcast %add3A_535 : i32 to vector<16xi32>
    %add3A_537 = arith.addi %mul3A_534, %add3A_536 : vector<16xi32>
    %gather3A_538 = tpu.vector_load_idx %arg16[%add3A_537] : memref<3072xi32, #tpu.memory_space<vmem>>[vector<16xi32>], vector<16xi32>,
    %add3A_539 = arith.addi %broadcast_in_dim3A_14, %gather3A_538 : vector<16xi32>
    %add3A_540 = arith.constant 1 : i32
    %add3A_541 = vector.broadcast %add3A_540 : i32 to vector<16xi32>
    %add3A_542 = arith.addi %mul3A_534, %add3A_541 : vector<16xi32>
    %gather3A_543 = tpu.vector_load_idx %arg16[%add3A_542] : memref<3072xi32, #tpu.memory_space<vmem>>[vector<16xi32>], vector<16xi32>,
    %add3A_544 = arith.addi %add3A_539, %gather3A_543 : vector<16xi32>
    %add3A_545 = arith.constant 2 : i32
    %add3A_546 = vector.broadcast %add3A_545 : i32 to vector<16xi32>
    %add3A_547 = arith.addi %mul3A_534, %add3A_546 : vector<16xi32>
    %gather3A_548 = tpu.vector_load_idx %arg16[%add3A_547] : memref<3072xi32, #tpu.memory_space<vmem>>[vector<16xi32>], vector<16xi32>,
    %add3A_549 = arith.addi %add3A_544, %gather3A_548 : vector<16xi32>
    %add3A_550 = arith.constant 3 : i32
    %add3A_551 = vector.broadcast %add3A_550 : i32 to vector<16xi32>
    %add3A_552 = arith.addi %mul3A_534, %add3A_551 : vector<16xi32>
    %gather3A_553 = tpu.vector_load_idx %arg16[%add3A_552] : memref<3072xi32, #tpu.memory_space<vmem>>[vector<16xi32>], vector<16xi32>,
    %add3A_554 = arith.addi %add3A_549, %gather3A_553 : vector<16xi32>
    %add3A_555 = arith.constant 4 : i32
    %add3A_556 = vector.broadcast %add3A_555 : i32 to vector<16xi32>
    %add3A_557 = arith.addi %mul3A_534, %add3A_556 : vector<16xi32>
    %gather3A_558 = tpu.vector_load_idx %arg16[%add3A_557] : memref<3072xi32, #tpu.memory_space<vmem>>[vector<16xi32>], vector<16xi32>,
    %add3A_559 = arith.addi %add3A_554, %gather3A_558 : vector<16xi32>
    %add3A_560 = arith.constant 5 : i32
    %add3A_561 = vector.broadcast %add3A_560 : i32 to vector<16xi32>
    %add3A_562 = arith.addi %mul3A_534, %add3A_561 : vector<16xi32>
    %gather3A_563 = tpu.vector_load_idx %arg16[%add3A_562] : memref<3072xi32, #tpu.memory_space<vmem>>[vector<16xi32>], vector<16xi32>,
    %add3A_564 = arith.addi %add3A_559, %gather3A_563 : vector<16xi32>
    %add3A_565 = arith.constant 6 : i32
    %add3A_566 = vector.broadcast %add3A_565 : i32 to vector<16xi32>
    %add3A_567 = arith.addi %mul3A_534, %add3A_566 : vector<16xi32>
    %gather3A_568 = tpu.vector_load_idx %arg16[%add3A_567] : memref<3072xi32, #tpu.memory_space<vmem>>[vector<16xi32>], vector<16xi32>,
    %add3A_569 = arith.addi %add3A_564, %gather3A_568 : vector<16xi32>
    %add3A_570 = arith.constant 7 : i32
    %add3A_571 = vector.broadcast %add3A_570 : i32 to vector<16xi32>
    %add3A_572 = arith.addi %mul3A_534, %add3A_571 : vector<16xi32>
    %gather3A_573 = tpu.vector_load_idx %arg16[%add3A_572] : memref<3072xi32, #tpu.memory_space<vmem>>[vector<16xi32>], vector<16xi32>,
    %add3A_574 = arith.addi %add3A_569, %gather3A_573 : vector<16xi32>
    %add3A_575 = arith.constant 8 : i32
    %add3A_576 = vector.broadcast %add3A_575 : i32 to vector<16xi32>
    %add3A_577 = arith.addi %mul3A_534, %add3A_576 : vector<16xi32>
    %gather3A_578 = tpu.vector_load_idx %arg16[%add3A_577] : memref<3072xi32, #tpu.memory_space<vmem>>[vector<16xi32>], vector<16xi32>,
    %add3A_579 = arith.addi %add3A_574, %gather3A_578 : vector<16xi32>
    %add3A_580 = arith.constant 9 : i32
    %add3A_581 = vector.broadcast %add3A_580 : i32 to vector<16xi32>
    %add3A_582 = arith.addi %mul3A_534, %add3A_581 : vector<16xi32>
    %gather3A_583 = tpu.vector_load_idx %arg16[%add3A_582] : memref<3072xi32, #tpu.memory_space<vmem>>[vector<16xi32>], vector<16xi32>,
    %add3A_584 = arith.addi %add3A_579, %gather3A_583 : vector<16xi32>
    %add3A_585 = arith.constant 10 : i32
    %add3A_586 = vector.broadcast %add3A_585 : i32 to vector<16xi32>
    %add3A_587 = arith.addi %mul3A_534, %add3A_586 : vector<16xi32>
    %gather3A_588 = tpu.vector_load_idx %arg16[%add3A_587] : memref<3072xi32, #tpu.memory_space<vmem>>[vector<16xi32>], vector<16xi32>,
    %add3A_589 = arith.addi %add3A_584, %gather3A_588 : vector<16xi32>
    %add3A_590 = arith.constant 11 : i32
    %add3A_591 = vector.broadcast %add3A_590 : i32 to vector<16xi32>
    %add3A_592 = arith.addi %mul3A_534, %add3A_591 : vector<16xi32>
    %gather3A_593 = tpu.vector_load_idx %arg16[%add3A_592] : memref<3072xi32, #tpu.memory_space<vmem>>[vector<16xi32>], vector<16xi32>,
    %add3A_594 = arith.addi %add3A_589, %gather3A_593 : vector<16xi32>
    %add3A_595 = arith.constant 12 : i32
    %add3A_596 = vector.broadcast %add3A_595 : i32 to vector<16xi32>
    %add3A_597 = arith.addi %mul3A_534, %add3A_596 : vector<16xi32>
    %gather3A_598 = tpu.vector_load_idx %arg16[%add3A_597] : memref<3072xi32, #tpu.memory_space<vmem>>[vector<16xi32>], vector<16xi32>,
    %add3A_599 = arith.addi %add3A_594, %gather3A_598 : vector<16xi32>
    %add3A_600 = arith.constant 13 : i32
    %add3A_601 = vector.broadcast %add3A_600 : i32 to vector<16xi32>
    %add3A_602 = arith.addi %mul3A_534, %add3A_601 : vector<16xi32>
    %gather3A_603 = tpu.vector_load_idx %arg16[%add3A_602] : memref<3072xi32, #tpu.memory_space<vmem>>[vector<16xi32>], vector<16xi32>,
    %add3A_604 = arith.addi %add3A_599, %gather3A_603 : vector<16xi32>
    %add3A_605 = arith.constant 14 : i32
    %add3A_606 = vector.broadcast %add3A_605 : i32 to vector<16xi32>
    %add3A_607 = arith.addi %mul3A_534, %add3A_606 : vector<16xi32>
    %gather3A_608 = tpu.vector_load_idx %arg16[%add3A_607] : memref<3072xi32, #tpu.memory_space<vmem>>[vector<16xi32>], vector<16xi32>,
    %add3A_609 = arith.addi %add3A_604, %gather3A_608 : vector<16xi32>
    %add3A_610 = arith.constant 15 : i32
    %add3A_611 = vector.broadcast %add3A_610 : i32 to vector<16xi32>
    %add3A_612 = arith.addi %mul3A_534, %add3A_611 : vector<16xi32>
    %gather3A_613 = tpu.vector_load_idx %arg16[%add3A_612] : memref<3072xi32, #tpu.memory_space<vmem>>[vector<16xi32>], vector<16xi32>,
    %add3A_614 = arith.addi %add3A_609, %gather3A_613 : vector<16xi32>
    %convert_element_type3A_615 = arith.sitofp %add3A_614 : vector<16xi32> to vector<16xf32>
    %swap3A_616 = arith.constant 0 : i32
    %swap3A_617 = arith.index_cast %swap3A_616 : i32 to index
    %swap3A_618 = arith.constant 144 : index
    %swap3A_619 = tpu.vector_load %arg15[%swap3A_617, %swap3A_618] {strides = array<i32>} : memref<1x272xf32, #tpu.memory_space<vmem>>, vector<16xf32>,
    tpu.vector_store %arg15[%swap3A_617, %swap3A_618], %convert_element_type3A_615 {strides = array<i32>} : memref<1x272xf32, #tpu.memory_space<vmem>>, vector<16xf32>,
    %add3A_620 = arith.constant 160 : i32
    %add3A_621 = vector.broadcast %add3A_620 : i32 to vector<16xi32>
    %add3A_622 = arith.addi %add3A_621, %iota3A : vector<16xi32>
    %mul3A_623 = arith.constant 16 : i32
    %mul3A_624 = vector.broadcast %mul3A_623 : i32 to vector<16xi32>
    %mul3A_625 = arith.muli %add3A_622, %mul3A_624 : vector<16xi32>
    %add3A_626 = arith.constant 0 : i32
    %add3A_627 = vector.broadcast %add3A_626 : i32 to vector<16xi32>
    %add3A_628 = arith.addi %mul3A_625, %add3A_627 : vector<16xi32>
    %gather3A_629 = tpu.vector_load_idx %arg16[%add3A_628] : memref<3072xi32, #tpu.memory_space<vmem>>[vector<16xi32>], vector<16xi32>,
    %add3A_630 = arith.addi %broadcast_in_dim3A_14, %gather3A_629 : vector<16xi32>
    %add3A_631 = arith.constant 1 : i32
    %add3A_632 = vector.broadcast %add3A_631 : i32 to vector<16xi32>
    %add3A_633 = arith.addi %mul3A_625, %add3A_632 : vector<16xi32>
    %gather3A_634 = tpu.vector_load_idx %arg16[%add3A_633] : memref<3072xi32, #tpu.memory_space<vmem>>[vector<16xi32>], vector<16xi32>,
    %add3A_635 = arith.addi %add3A_630, %gather3A_634 : vector<16xi32>
    %add3A_636 = arith.constant 2 : i32
    %add3A_637 = vector.broadcast %add3A_636 : i32 to vector<16xi32>
    %add3A_638 = arith.addi %mul3A_625, %add3A_637 : vector<16xi32>
    %gather3A_639 = tpu.vector_load_idx %arg16[%add3A_638] : memref<3072xi32, #tpu.memory_space<vmem>>[vector<16xi32>], vector<16xi32>,
    %add3A_640 = arith.addi %add3A_635, %gather3A_639 : vector<16xi32>
    %add3A_641 = arith.constant 3 : i32
    %add3A_642 = vector.broadcast %add3A_641 : i32 to vector<16xi32>
    %add3A_643 = arith.addi %mul3A_625, %add3A_642 : vector<16xi32>
    %gather3A_644 = tpu.vector_load_idx %arg16[%add3A_643] : memref<3072xi32, #tpu.memory_space<vmem>>[vector<16xi32>], vector<16xi32>,
    %add3A_645 = arith.addi %add3A_640, %gather3A_644 : vector<16xi32>
    %add3A_646 = arith.constant 4 : i32
    %add3A_647 = vector.broadcast %add3A_646 : i32 to vector<16xi32>
    %add3A_648 = arith.addi %mul3A_625, %add3A_647 : vector<16xi32>
    %gather3A_649 = tpu.vector_load_idx %arg16[%add3A_648] : memref<3072xi32, #tpu.memory_space<vmem>>[vector<16xi32>], vector<16xi32>,
    %add3A_650 = arith.addi %add3A_645, %gather3A_649 : vector<16xi32>
    %add3A_651 = arith.constant 5 : i32
    %add3A_652 = vector.broadcast %add3A_651 : i32 to vector<16xi32>
    %add3A_653 = arith.addi %mul3A_625, %add3A_652 : vector<16xi32>
    %gather3A_654 = tpu.vector_load_idx %arg16[%add3A_653] : memref<3072xi32, #tpu.memory_space<vmem>>[vector<16xi32>], vector<16xi32>,
    %add3A_655 = arith.addi %add3A_650, %gather3A_654 : vector<16xi32>
    %add3A_656 = arith.constant 6 : i32
    %add3A_657 = vector.broadcast %add3A_656 : i32 to vector<16xi32>
    %add3A_658 = arith.addi %mul3A_625, %add3A_657 : vector<16xi32>
    %gather3A_659 = tpu.vector_load_idx %arg16[%add3A_658] : memref<3072xi32, #tpu.memory_space<vmem>>[vector<16xi32>], vector<16xi32>,
    %add3A_660 = arith.addi %add3A_655, %gather3A_659 : vector<16xi32>
    %add3A_661 = arith.constant 7 : i32
    %add3A_662 = vector.broadcast %add3A_661 : i32 to vector<16xi32>
    %add3A_663 = arith.addi %mul3A_625, %add3A_662 : vector<16xi32>
    %gather3A_664 = tpu.vector_load_idx %arg16[%add3A_663] : memref<3072xi32, #tpu.memory_space<vmem>>[vector<16xi32>], vector<16xi32>,
    %add3A_665 = arith.addi %add3A_660, %gather3A_664 : vector<16xi32>
    %add3A_666 = arith.constant 8 : i32
    %add3A_667 = vector.broadcast %add3A_666 : i32 to vector<16xi32>
    %add3A_668 = arith.addi %mul3A_625, %add3A_667 : vector<16xi32>
    %gather3A_669 = tpu.vector_load_idx %arg16[%add3A_668] : memref<3072xi32, #tpu.memory_space<vmem>>[vector<16xi32>], vector<16xi32>,
    %add3A_670 = arith.addi %add3A_665, %gather3A_669 : vector<16xi32>
    %add3A_671 = arith.constant 9 : i32
    %add3A_672 = vector.broadcast %add3A_671 : i32 to vector<16xi32>
    %add3A_673 = arith.addi %mul3A_625, %add3A_672 : vector<16xi32>
    %gather3A_674 = tpu.vector_load_idx %arg16[%add3A_673] : memref<3072xi32, #tpu.memory_space<vmem>>[vector<16xi32>], vector<16xi32>,
    %add3A_675 = arith.addi %add3A_670, %gather3A_674 : vector<16xi32>
    %add3A_676 = arith.constant 10 : i32
    %add3A_677 = vector.broadcast %add3A_676 : i32 to vector<16xi32>
    %add3A_678 = arith.addi %mul3A_625, %add3A_677 : vector<16xi32>
    %gather3A_679 = tpu.vector_load_idx %arg16[%add3A_678] : memref<3072xi32, #tpu.memory_space<vmem>>[vector<16xi32>], vector<16xi32>,
    %add3A_680 = arith.addi %add3A_675, %gather3A_679 : vector<16xi32>
    %add3A_681 = arith.constant 11 : i32
    %add3A_682 = vector.broadcast %add3A_681 : i32 to vector<16xi32>
    %add3A_683 = arith.addi %mul3A_625, %add3A_682 : vector<16xi32>
    %gather3A_684 = tpu.vector_load_idx %arg16[%add3A_683] : memref<3072xi32, #tpu.memory_space<vmem>>[vector<16xi32>], vector<16xi32>,
    %add3A_685 = arith.addi %add3A_680, %gather3A_684 : vector<16xi32>
    %add3A_686 = arith.constant 12 : i32
    %add3A_687 = vector.broadcast %add3A_686 : i32 to vector<16xi32>
    %add3A_688 = arith.addi %mul3A_625, %add3A_687 : vector<16xi32>
    %gather3A_689 = tpu.vector_load_idx %arg16[%add3A_688] : memref<3072xi32, #tpu.memory_space<vmem>>[vector<16xi32>], vector<16xi32>,
    %add3A_690 = arith.addi %add3A_685, %gather3A_689 : vector<16xi32>
    %add3A_691 = arith.constant 13 : i32
    %add3A_692 = vector.broadcast %add3A_691 : i32 to vector<16xi32>
    %add3A_693 = arith.addi %mul3A_625, %add3A_692 : vector<16xi32>
    %gather3A_694 = tpu.vector_load_idx %arg16[%add3A_693] : memref<3072xi32, #tpu.memory_space<vmem>>[vector<16xi32>], vector<16xi32>,
    %add3A_695 = arith.addi %add3A_690, %gather3A_694 : vector<16xi32>
    %add3A_696 = arith.constant 14 : i32
    %add3A_697 = vector.broadcast %add3A_696 : i32 to vector<16xi32>
    %add3A_698 = arith.addi %mul3A_625, %add3A_697 : vector<16xi32>
    %gather3A_699 = tpu.vector_load_idx %arg16[%add3A_698] : memref<3072xi32, #tpu.memory_space<vmem>>[vector<16xi32>], vector<16xi32>,
    %add3A_700 = arith.addi %add3A_695, %gather3A_699 : vector<16xi32>
    %add3A_701 = arith.constant 15 : i32
    %add3A_702 = vector.broadcast %add3A_701 : i32 to vector<16xi32>
    %add3A_703 = arith.addi %mul3A_625, %add3A_702 : vector<16xi32>
    %gather3A_704 = tpu.vector_load_idx %arg16[%add3A_703] : memref<3072xi32, #tpu.memory_space<vmem>>[vector<16xi32>], vector<16xi32>,
    %add3A_705 = arith.addi %add3A_700, %gather3A_704 : vector<16xi32>
    %convert_element_type3A_706 = arith.sitofp %add3A_705 : vector<16xi32> to vector<16xf32>
    %swap3A_707 = arith.constant 0 : i32
    %swap3A_708 = arith.index_cast %swap3A_707 : i32 to index
    %swap3A_709 = arith.constant 160 : index
    %swap3A_710 = tpu.vector_load %arg15[%swap3A_708, %swap3A_709] {strides = array<i32>} : memref<1x272xf32, #tpu.memory_space<vmem>>, vector<16xf32>,
    tpu.vector_store %arg15[%swap3A_708, %swap3A_709], %convert_element_type3A_706 {strides = array<i32>} : memref<1x272xf32, #tpu.memory_space<vmem>>, vector<16xf32>,
    %add3A_711 = arith.constant 176 : i32
    %add3A_712 = vector.broadcast %add3A_711 : i32 to vector<16xi32>
    %add3A_713 = arith.addi %add3A_712, %iota3A : vector<16xi32>
    %mul3A_714 = arith.constant 16 : i32
    %mul3A_715 = vector.broadcast %mul3A_714 : i32 to vector<16xi32>
    %mul3A_716 = arith.muli %add3A_713, %mul3A_715 : vector<16xi32>
    %add3A_717 = arith.constant 0 : i32
    %add3A_718 = vector.broadcast %add3A_717 : i32 to vector<16xi32>
    %add3A_719 = arith.addi %mul3A_716, %add3A_718 : vector<16xi32>
    %gather3A_720 = tpu.vector_load_idx %arg16[%add3A_719] : memref<3072xi32, #tpu.memory_space<vmem>>[vector<16xi32>], vector<16xi32>,
    %add3A_721 = arith.addi %broadcast_in_dim3A_14, %gather3A_720 : vector<16xi32>
    %add3A_722 = arith.constant 1 : i32
    %add3A_723 = vector.broadcast %add3A_722 : i32 to vector<16xi32>
    %add3A_724 = arith.addi %mul3A_716, %add3A_723 : vector<16xi32>
    %gather3A_725 = tpu.vector_load_idx %arg16[%add3A_724] : memref<3072xi32, #tpu.memory_space<vmem>>[vector<16xi32>], vector<16xi32>,
    %add3A_726 = arith.addi %add3A_721, %gather3A_725 : vector<16xi32>
    %add3A_727 = arith.constant 2 : i32
    %add3A_728 = vector.broadcast %add3A_727 : i32 to vector<16xi32>
    %add3A_729 = arith.addi %mul3A_716, %add3A_728 : vector<16xi32>
    %gather3A_730 = tpu.vector_load_idx %arg16[%add3A_729] : memref<3072xi32, #tpu.memory_space<vmem>>[vector<16xi32>], vector<16xi32>,
    %add3A_731 = arith.addi %add3A_726, %gather3A_730 : vector<16xi32>
    %add3A_732 = arith.constant 3 : i32
    %add3A_733 = vector.broadcast %add3A_732 : i32 to vector<16xi32>
    %add3A_734 = arith.addi %mul3A_716, %add3A_733 : vector<16xi32>
    %gather3A_735 = tpu.vector_load_idx %arg16[%add3A_734] : memref<3072xi32, #tpu.memory_space<vmem>>[vector<16xi32>], vector<16xi32>,
    %add3A_736 = arith.addi %add3A_731, %gather3A_735 : vector<16xi32>
    %add3A_737 = arith.constant 4 : i32
    %add3A_738 = vector.broadcast %add3A_737 : i32 to vector<16xi32>
    %add3A_739 = arith.addi %mul3A_716, %add3A_738 : vector<16xi32>
    %gather3A_740 = tpu.vector_load_idx %arg16[%add3A_739] : memref<3072xi32, #tpu.memory_space<vmem>>[vector<16xi32>], vector<16xi32>,
    %add3A_741 = arith.addi %add3A_736, %gather3A_740 : vector<16xi32>
    %add3A_742 = arith.constant 5 : i32
    %add3A_743 = vector.broadcast %add3A_742 : i32 to vector<16xi32>
    %add3A_744 = arith.addi %mul3A_716, %add3A_743 : vector<16xi32>
    %gather3A_745 = tpu.vector_load_idx %arg16[%add3A_744] : memref<3072xi32, #tpu.memory_space<vmem>>[vector<16xi32>], vector<16xi32>,
    %add3A_746 = arith.addi %add3A_741, %gather3A_745 : vector<16xi32>
    %add3A_747 = arith.constant 6 : i32
    %add3A_748 = vector.broadcast %add3A_747 : i32 to vector<16xi32>
    %add3A_749 = arith.addi %mul3A_716, %add3A_748 : vector<16xi32>
    %gather3A_750 = tpu.vector_load_idx %arg16[%add3A_749] : memref<3072xi32, #tpu.memory_space<vmem>>[vector<16xi32>], vector<16xi32>,
    %add3A_751 = arith.addi %add3A_746, %gather3A_750 : vector<16xi32>
    %add3A_752 = arith.constant 7 : i32
    %add3A_753 = vector.broadcast %add3A_752 : i32 to vector<16xi32>
    %add3A_754 = arith.addi %mul3A_716, %add3A_753 : vector<16xi32>
    %gather3A_755 = tpu.vector_load_idx %arg16[%add3A_754] : memref<3072xi32, #tpu.memory_space<vmem>>[vector<16xi32>], vector<16xi32>,
    %add3A_756 = arith.addi %add3A_751, %gather3A_755 : vector<16xi32>
    %add3A_757 = arith.constant 8 : i32
    %add3A_758 = vector.broadcast %add3A_757 : i32 to vector<16xi32>
    %add3A_759 = arith.addi %mul3A_716, %add3A_758 : vector<16xi32>
    %gather3A_760 = tpu.vector_load_idx %arg16[%add3A_759] : memref<3072xi32, #tpu.memory_space<vmem>>[vector<16xi32>], vector<16xi32>,
    %add3A_761 = arith.addi %add3A_756, %gather3A_760 : vector<16xi32>
    %add3A_762 = arith.constant 9 : i32
    %add3A_763 = vector.broadcast %add3A_762 : i32 to vector<16xi32>
    %add3A_764 = arith.addi %mul3A_716, %add3A_763 : vector<16xi32>
    %gather3A_765 = tpu.vector_load_idx %arg16[%add3A_764] : memref<3072xi32, #tpu.memory_space<vmem>>[vector<16xi32>], vector<16xi32>,
    %add3A_766 = arith.addi %add3A_761, %gather3A_765 : vector<16xi32>
    %add3A_767 = arith.constant 10 : i32
    %add3A_768 = vector.broadcast %add3A_767 : i32 to vector<16xi32>
    %add3A_769 = arith.addi %mul3A_716, %add3A_768 : vector<16xi32>
    %gather3A_770 = tpu.vector_load_idx %arg16[%add3A_769] : memref<3072xi32, #tpu.memory_space<vmem>>[vector<16xi32>], vector<16xi32>,
    %add3A_771 = arith.addi %add3A_766, %gather3A_770 : vector<16xi32>
    %add3A_772 = arith.constant 11 : i32
    %add3A_773 = vector.broadcast %add3A_772 : i32 to vector<16xi32>
    %add3A_774 = arith.addi %mul3A_716, %add3A_773 : vector<16xi32>
    %gather3A_775 = tpu.vector_load_idx %arg16[%add3A_774] : memref<3072xi32, #tpu.memory_space<vmem>>[vector<16xi32>], vector<16xi32>,
    %add3A_776 = arith.addi %add3A_771, %gather3A_775 : vector<16xi32>
    %add3A_777 = arith.constant 12 : i32
    %add3A_778 = vector.broadcast %add3A_777 : i32 to vector<16xi32>
    %add3A_779 = arith.addi %mul3A_716, %add3A_778 : vector<16xi32>
    %gather3A_780 = tpu.vector_load_idx %arg16[%add3A_779] : memref<3072xi32, #tpu.memory_space<vmem>>[vector<16xi32>], vector<16xi32>,
    %add3A_781 = arith.addi %add3A_776, %gather3A_780 : vector<16xi32>
    %add3A_782 = arith.constant 13 : i32
    %add3A_783 = vector.broadcast %add3A_782 : i32 to vector<16xi32>
    %add3A_784 = arith.addi %mul3A_716, %add3A_783 : vector<16xi32>
    %gather3A_785 = tpu.vector_load_idx %arg16[%add3A_784] : memref<3072xi32, #tpu.memory_space<vmem>>[vector<16xi32>], vector<16xi32>,
    %add3A_786 = arith.addi %add3A_781, %gather3A_785 : vector<16xi32>
    %add3A_787 = arith.constant 14 : i32
    %add3A_788 = vector.broadcast %add3A_787 : i32 to vector<16xi32>
    %add3A_789 = arith.addi %mul3A_716, %add3A_788 : vector<16xi32>
    %gather3A_790 = tpu.vector_load_idx %arg16[%add3A_789] : memref<3072xi32, #tpu.memory_space<vmem>>[vector<16xi32>], vector<16xi32>,
    %add3A_791 = arith.addi %add3A_786, %gather3A_790 : vector<16xi32>
    %add3A_792 = arith.constant 15 : i32
    %add3A_793 = vector.broadcast %add3A_792 : i32 to vector<16xi32>
    %add3A_794 = arith.addi %mul3A_716, %add3A_793 : vector<16xi32>
    %gather3A_795 = tpu.vector_load_idx %arg16[%add3A_794] : memref<3072xi32, #tpu.memory_space<vmem>>[vector<16xi32>], vector<16xi32>,
    %add3A_796 = arith.addi %add3A_791, %gather3A_795 : vector<16xi32>
    %convert_element_type3A_797 = arith.sitofp %add3A_796 : vector<16xi32> to vector<16xf32>
    %swap3A_798 = arith.constant 0 : i32
    %swap3A_799 = arith.index_cast %swap3A_798 : i32 to index
    %swap3A_800 = arith.constant 176 : index
    %swap3A_801 = tpu.vector_load %arg15[%swap3A_799, %swap3A_800] {strides = array<i32>} : memref<1x272xf32, #tpu.memory_space<vmem>>, vector<16xf32>,
    tpu.vector_store %arg15[%swap3A_799, %swap3A_800], %convert_element_type3A_797 {strides = array<i32>} : memref<1x272xf32, #tpu.memory_space<vmem>>, vector<16xf32>,
    %add3A_802 = arith.constant 0 : i32
    %add3A_803 = vector.broadcast %add3A_802 : i32 to vector<16xi32>
    %add3A_804 = arith.addi %add3A_803, %iota3A : vector<16xi32>
    %mul3A_805 = arith.constant 16 : i32
    %mul3A_806 = vector.broadcast %mul3A_805 : i32 to vector<16xi32>
    %mul3A_807 = arith.muli %add3A_804, %mul3A_806 : vector<16xi32>
    %add3A_808 = arith.constant 0 : i32
    %add3A_809 = vector.broadcast %add3A_808 : i32 to vector<16xi32>
    %add3A_810 = arith.addi %mul3A_807, %add3A_809 : vector<16xi32>
    %gather3A_811 = tpu.vector_load_idx %arg16[%add3A_810] : memref<3072xi32, #tpu.memory_space<vmem>>[vector<16xi32>], vector<16xi32>,
    %and3A = arith.constant 65535 : i32
    %and3A_812 = vector.broadcast %and3A : i32 to vector<16xi32>
    %and3A_813 = arith.andi %gather3A_811, %and3A_812 : vector<16xi32>
    %add3A_814 = arith.addi %broadcast_in_dim3A_14, %and3A_813 : vector<16xi32>
    %shift_right_logical3A = arith.constant 16 : i32
    %shift_right_logical3A_815 = vector.broadcast %shift_right_logical3A : i32 to vector<16xi32>
    %shift_right_logical3A_816 = arith.shrui %gather3A_811, %shift_right_logical3A_815 : vector<16xi32>
    %add3A_817 = arith.addi %broadcast_in_dim3A_14, %shift_right_logical3A_816 : vector<16xi32>
    %add3A_818 = arith.constant 1 : i32
    %add3A_819 = vector.broadcast %add3A_818 : i32 to vector<16xi32>
    %add3A_820 = arith.addi %mul3A_807, %add3A_819 : vector<16xi32>
    %gather3A_821 = tpu.vector_load_idx %arg16[%add3A_820] : memref<3072xi32, #tpu.memory_space<vmem>>[vector<16xi32>], vector<16xi32>,
    %and3A_822 = arith.constant 65535 : i32
    %and3A_823 = vector.broadcast %and3A_822 : i32 to vector<16xi32>
    %and3A_824 = arith.andi %gather3A_821, %and3A_823 : vector<16xi32>
    %add3A_825 = arith.addi %add3A_814, %and3A_824 : vector<16xi32>
    %shift_right_logical3A_826 = arith.constant 16 : i32
    %shift_right_logical3A_827 = vector.broadcast %shift_right_logical3A_826 : i32 to vector<16xi32>
    %shift_right_logical3A_828 = arith.shrui %gather3A_821, %shift_right_logical3A_827 : vector<16xi32>
    %add3A_829 = arith.addi %add3A_817, %shift_right_logical3A_828 : vector<16xi32>
    %add3A_830 = arith.constant 2 : i32
    %add3A_831 = vector.broadcast %add3A_830 : i32 to vector<16xi32>
    %add3A_832 = arith.addi %mul3A_807, %add3A_831 : vector<16xi32>
    %gather3A_833 = tpu.vector_load_idx %arg16[%add3A_832] : memref<3072xi32, #tpu.memory_space<vmem>>[vector<16xi32>], vector<16xi32>,
    %and3A_834 = arith.constant 65535 : i32
    %and3A_835 = vector.broadcast %and3A_834 : i32 to vector<16xi32>
    %and3A_836 = arith.andi %gather3A_833, %and3A_835 : vector<16xi32>
    %add3A_837 = arith.addi %add3A_825, %and3A_836 : vector<16xi32>
    %shift_right_logical3A_838 = arith.constant 16 : i32
    %shift_right_logical3A_839 = vector.broadcast %shift_right_logical3A_838 : i32 to vector<16xi32>
    %shift_right_logical3A_840 = arith.shrui %gather3A_833, %shift_right_logical3A_839 : vector<16xi32>
    %add3A_841 = arith.addi %add3A_829, %shift_right_logical3A_840 : vector<16xi32>
    %add3A_842 = arith.constant 3 : i32
    %add3A_843 = vector.broadcast %add3A_842 : i32 to vector<16xi32>
    %add3A_844 = arith.addi %mul3A_807, %add3A_843 : vector<16xi32>
    %gather3A_845 = tpu.vector_load_idx %arg16[%add3A_844] : memref<3072xi32, #tpu.memory_space<vmem>>[vector<16xi32>], vector<16xi32>,
    %and3A_846 = arith.constant 65535 : i32
    %and3A_847 = vector.broadcast %and3A_846 : i32 to vector<16xi32>
    %and3A_848 = arith.andi %gather3A_845, %and3A_847 : vector<16xi32>
    %add3A_849 = arith.addi %add3A_837, %and3A_848 : vector<16xi32>
    %shift_right_logical3A_850 = arith.constant 16 : i32
    %shift_right_logical3A_851 = vector.broadcast %shift_right_logical3A_850 : i32 to vector<16xi32>
    %shift_right_logical3A_852 = arith.shrui %gather3A_845, %shift_right_logical3A_851 : vector<16xi32>
    %add3A_853 = arith.addi %add3A_841, %shift_right_logical3A_852 : vector<16xi32>
    %add3A_854 = arith.constant 4 : i32
    %add3A_855 = vector.broadcast %add3A_854 : i32 to vector<16xi32>
    %add3A_856 = arith.addi %mul3A_807, %add3A_855 : vector<16xi32>
    %gather3A_857 = tpu.vector_load_idx %arg16[%add3A_856] : memref<3072xi32, #tpu.memory_space<vmem>>[vector<16xi32>], vector<16xi32>,
    %and3A_858 = arith.constant 65535 : i32
    %and3A_859 = vector.broadcast %and3A_858 : i32 to vector<16xi32>
    %and3A_860 = arith.andi %gather3A_857, %and3A_859 : vector<16xi32>
    %add3A_861 = arith.addi %add3A_849, %and3A_860 : vector<16xi32>
    %shift_right_logical3A_862 = arith.constant 16 : i32
    %shift_right_logical3A_863 = vector.broadcast %shift_right_logical3A_862 : i32 to vector<16xi32>
    %shift_right_logical3A_864 = arith.shrui %gather3A_857, %shift_right_logical3A_863 : vector<16xi32>
    %add3A_865 = arith.addi %add3A_853, %shift_right_logical3A_864 : vector<16xi32>
    %add3A_866 = arith.constant 5 : i32
    %add3A_867 = vector.broadcast %add3A_866 : i32 to vector<16xi32>
    %add3A_868 = arith.addi %mul3A_807, %add3A_867 : vector<16xi32>
    %gather3A_869 = tpu.vector_load_idx %arg16[%add3A_868] : memref<3072xi32, #tpu.memory_space<vmem>>[vector<16xi32>], vector<16xi32>,
    %and3A_870 = arith.constant 65535 : i32
    %and3A_871 = vector.broadcast %and3A_870 : i32 to vector<16xi32>
    %and3A_872 = arith.andi %gather3A_869, %and3A_871 : vector<16xi32>
    %add3A_873 = arith.addi %add3A_861, %and3A_872 : vector<16xi32>
    %shift_right_logical3A_874 = arith.constant 16 : i32
    %shift_right_logical3A_875 = vector.broadcast %shift_right_logical3A_874 : i32 to vector<16xi32>
    %shift_right_logical3A_876 = arith.shrui %gather3A_869, %shift_right_logical3A_875 : vector<16xi32>
    %add3A_877 = arith.addi %add3A_865, %shift_right_logical3A_876 : vector<16xi32>
    %add3A_878 = arith.constant 6 : i32
    %add3A_879 = vector.broadcast %add3A_878 : i32 to vector<16xi32>
    %add3A_880 = arith.addi %mul3A_807, %add3A_879 : vector<16xi32>
    %gather3A_881 = tpu.vector_load_idx %arg16[%add3A_880] : memref<3072xi32, #tpu.memory_space<vmem>>[vector<16xi32>], vector<16xi32>,
    %and3A_882 = arith.constant 65535 : i32
    %and3A_883 = vector.broadcast %and3A_882 : i32 to vector<16xi32>
    %and3A_884 = arith.andi %gather3A_881, %and3A_883 : vector<16xi32>
    %add3A_885 = arith.addi %add3A_873, %and3A_884 : vector<16xi32>
    %shift_right_logical3A_886 = arith.constant 16 : i32
    %shift_right_logical3A_887 = vector.broadcast %shift_right_logical3A_886 : i32 to vector<16xi32>
    %shift_right_logical3A_888 = arith.shrui %gather3A_881, %shift_right_logical3A_887 : vector<16xi32>
    %add3A_889 = arith.addi %add3A_877, %shift_right_logical3A_888 : vector<16xi32>
    %add3A_890 = arith.constant 7 : i32
    %add3A_891 = vector.broadcast %add3A_890 : i32 to vector<16xi32>
    %add3A_892 = arith.addi %mul3A_807, %add3A_891 : vector<16xi32>
    %gather3A_893 = tpu.vector_load_idx %arg16[%add3A_892] : memref<3072xi32, #tpu.memory_space<vmem>>[vector<16xi32>], vector<16xi32>,
    %and3A_894 = arith.constant 65535 : i32
    %and3A_895 = vector.broadcast %and3A_894 : i32 to vector<16xi32>
    %and3A_896 = arith.andi %gather3A_893, %and3A_895 : vector<16xi32>
    %add3A_897 = arith.addi %add3A_885, %and3A_896 : vector<16xi32>
    %shift_right_logical3A_898 = arith.constant 16 : i32
    %shift_right_logical3A_899 = vector.broadcast %shift_right_logical3A_898 : i32 to vector<16xi32>
    %shift_right_logical3A_900 = arith.shrui %gather3A_893, %shift_right_logical3A_899 : vector<16xi32>
    %add3A_901 = arith.addi %add3A_889, %shift_right_logical3A_900 : vector<16xi32>
    %add3A_902 = arith.constant 8 : i32
    %add3A_903 = vector.broadcast %add3A_902 : i32 to vector<16xi32>
    %add3A_904 = arith.addi %mul3A_807, %add3A_903 : vector<16xi32>
    %gather3A_905 = tpu.vector_load_idx %arg16[%add3A_904] : memref<3072xi32, #tpu.memory_space<vmem>>[vector<16xi32>], vector<16xi32>,
    %and3A_906 = arith.constant 65535 : i32
    %and3A_907 = vector.broadcast %and3A_906 : i32 to vector<16xi32>
    %and3A_908 = arith.andi %gather3A_905, %and3A_907 : vector<16xi32>
    %add3A_909 = arith.addi %add3A_897, %and3A_908 : vector<16xi32>
    %shift_right_logical3A_910 = arith.constant 16 : i32
    %shift_right_logical3A_911 = vector.broadcast %shift_right_logical3A_910 : i32 to vector<16xi32>
    %shift_right_logical3A_912 = arith.shrui %gather3A_905, %shift_right_logical3A_911 : vector<16xi32>
    %add3A_913 = arith.addi %add3A_901, %shift_right_logical3A_912 : vector<16xi32>
    %add3A_914 = arith.constant 9 : i32
    %add3A_915 = vector.broadcast %add3A_914 : i32 to vector<16xi32>
    %add3A_916 = arith.addi %mul3A_807, %add3A_915 : vector<16xi32>
    %gather3A_917 = tpu.vector_load_idx %arg16[%add3A_916] : memref<3072xi32, #tpu.memory_space<vmem>>[vector<16xi32>], vector<16xi32>,
    %and3A_918 = arith.constant 65535 : i32
    %and3A_919 = vector.broadcast %and3A_918 : i32 to vector<16xi32>
    %and3A_920 = arith.andi %gather3A_917, %and3A_919 : vector<16xi32>
    %add3A_921 = arith.addi %add3A_909, %and3A_920 : vector<16xi32>
    %shift_right_logical3A_922 = arith.constant 16 : i32
    %shift_right_logical3A_923 = vector.broadcast %shift_right_logical3A_922 : i32 to vector<16xi32>
    %shift_right_logical3A_924 = arith.shrui %gather3A_917, %shift_right_logical3A_923 : vector<16xi32>
    %add3A_925 = arith.addi %add3A_913, %shift_right_logical3A_924 : vector<16xi32>
    %add3A_926 = arith.constant 10 : i32
    %add3A_927 = vector.broadcast %add3A_926 : i32 to vector<16xi32>
    %add3A_928 = arith.addi %mul3A_807, %add3A_927 : vector<16xi32>
    %gather3A_929 = tpu.vector_load_idx %arg16[%add3A_928] : memref<3072xi32, #tpu.memory_space<vmem>>[vector<16xi32>], vector<16xi32>,
    %and3A_930 = arith.constant 65535 : i32
    %and3A_931 = vector.broadcast %and3A_930 : i32 to vector<16xi32>
    %and3A_932 = arith.andi %gather3A_929, %and3A_931 : vector<16xi32>
    %add3A_933 = arith.addi %add3A_921, %and3A_932 : vector<16xi32>
    %shift_right_logical3A_934 = arith.constant 16 : i32
    %shift_right_logical3A_935 = vector.broadcast %shift_right_logical3A_934 : i32 to vector<16xi32>
    %shift_right_logical3A_936 = arith.shrui %gather3A_929, %shift_right_logical3A_935 : vector<16xi32>
    %add3A_937 = arith.addi %add3A_925, %shift_right_logical3A_936 : vector<16xi32>
    %add3A_938 = arith.constant 11 : i32
    %add3A_939 = vector.broadcast %add3A_938 : i32 to vector<16xi32>
    %add3A_940 = arith.addi %mul3A_807, %add3A_939 : vector<16xi32>
    %gather3A_941 = tpu.vector_load_idx %arg16[%add3A_940] : memref<3072xi32, #tpu.memory_space<vmem>>[vector<16xi32>], vector<16xi32>,
    %and3A_942 = arith.constant 65535 : i32
    %and3A_943 = vector.broadcast %and3A_942 : i32 to vector<16xi32>
    %and3A_944 = arith.andi %gather3A_941, %and3A_943 : vector<16xi32>
    %add3A_945 = arith.addi %add3A_933, %and3A_944 : vector<16xi32>
    %shift_right_logical3A_946 = arith.constant 16 : i32
    %shift_right_logical3A_947 = vector.broadcast %shift_right_logical3A_946 : i32 to vector<16xi32>
    %shift_right_logical3A_948 = arith.shrui %gather3A_941, %shift_right_logical3A_947 : vector<16xi32>
    %add3A_949 = arith.addi %add3A_937, %shift_right_logical3A_948 : vector<16xi32>
    %add3A_950 = arith.constant 12 : i32
    %add3A_951 = vector.broadcast %add3A_950 : i32 to vector<16xi32>
    %add3A_952 = arith.addi %mul3A_807, %add3A_951 : vector<16xi32>
    %gather3A_953 = tpu.vector_load_idx %arg16[%add3A_952] : memref<3072xi32, #tpu.memory_space<vmem>>[vector<16xi32>], vector<16xi32>,
    %and3A_954 = arith.constant 65535 : i32
    %and3A_955 = vector.broadcast %and3A_954 : i32 to vector<16xi32>
    %and3A_956 = arith.andi %gather3A_953, %and3A_955 : vector<16xi32>
    %add3A_957 = arith.addi %add3A_945, %and3A_956 : vector<16xi32>
    %shift_right_logical3A_958 = arith.constant 16 : i32
    %shift_right_logical3A_959 = vector.broadcast %shift_right_logical3A_958 : i32 to vector<16xi32>
    %shift_right_logical3A_960 = arith.shrui %gather3A_953, %shift_right_logical3A_959 : vector<16xi32>
    %add3A_961 = arith.addi %add3A_949, %shift_right_logical3A_960 : vector<16xi32>
    %add3A_962 = arith.constant 13 : i32
    %add3A_963 = vector.broadcast %add3A_962 : i32 to vector<16xi32>
    %add3A_964 = arith.addi %mul3A_807, %add3A_963 : vector<16xi32>
    %gather3A_965 = tpu.vector_load_idx %arg16[%add3A_964] : memref<3072xi32, #tpu.memory_space<vmem>>[vector<16xi32>], vector<16xi32>,
    %and3A_966 = arith.constant 65535 : i32
    %and3A_967 = vector.broadcast %and3A_966 : i32 to vector<16xi32>
    %and3A_968 = arith.andi %gather3A_965, %and3A_967 : vector<16xi32>
    %add3A_969 = arith.addi %add3A_957, %and3A_968 : vector<16xi32>
    %shift_right_logical3A_970 = arith.constant 16 : i32
    %shift_right_logical3A_971 = vector.broadcast %shift_right_logical3A_970 : i32 to vector<16xi32>
    %shift_right_logical3A_972 = arith.shrui %gather3A_965, %shift_right_logical3A_971 : vector<16xi32>
    %add3A_973 = arith.addi %add3A_961, %shift_right_logical3A_972 : vector<16xi32>
    %add3A_974 = arith.constant 14 : i32
    %add3A_975 = vector.broadcast %add3A_974 : i32 to vector<16xi32>
    %add3A_976 = arith.addi %mul3A_807, %add3A_975 : vector<16xi32>
    %gather3A_977 = tpu.vector_load_idx %arg16[%add3A_976] : memref<3072xi32, #tpu.memory_space<vmem>>[vector<16xi32>], vector<16xi32>,
    %and3A_978 = arith.constant 65535 : i32
    %and3A_979 = vector.broadcast %and3A_978 : i32 to vector<16xi32>
    %and3A_980 = arith.andi %gather3A_977, %and3A_979 : vector<16xi32>
    %add3A_981 = arith.addi %add3A_969, %and3A_980 : vector<16xi32>
    %shift_right_logical3A_982 = arith.constant 16 : i32
    %shift_right_logical3A_983 = vector.broadcast %shift_right_logical3A_982 : i32 to vector<16xi32>
    %shift_right_logical3A_984 = arith.shrui %gather3A_977, %shift_right_logical3A_983 : vector<16xi32>
    %add3A_985 = arith.addi %add3A_973, %shift_right_logical3A_984 : vector<16xi32>
    %add3A_986 = arith.constant 15 : i32
    %add3A_987 = vector.broadcast %add3A_986 : i32 to vector<16xi32>
    %add3A_988 = arith.addi %mul3A_807, %add3A_987 : vector<16xi32>
    %gather3A_989 = tpu.vector_load_idx %arg16[%add3A_988] : memref<3072xi32, #tpu.memory_space<vmem>>[vector<16xi32>], vector<16xi32>,
    %and3A_990 = arith.constant 65535 : i32
    %and3A_991 = vector.broadcast %and3A_990 : i32 to vector<16xi32>
    %and3A_992 = arith.andi %gather3A_989, %and3A_991 : vector<16xi32>
    %add3A_993 = arith.addi %add3A_981, %and3A_992 : vector<16xi32>
    %shift_right_logical3A_994 = arith.constant 16 : i32
    %shift_right_logical3A_995 = vector.broadcast %shift_right_logical3A_994 : i32 to vector<16xi32>
    %shift_right_logical3A_996 = arith.shrui %gather3A_989, %shift_right_logical3A_995 : vector<16xi32>
    %add3A_997 = arith.addi %add3A_985, %shift_right_logical3A_996 : vector<16xi32>
    %convert_element_type3A_998 = arith.sitofp %add3A_993 : vector<16xi32> to vector<16xf32>
    %swap3A_999 = arith.constant 0 : i32
    %swap3A_1000 = arith.index_cast %swap3A_999 : i32 to index
    %swap3A_1001 = arith.constant 0 : index
    %swap3A_1002 = tpu.vector_load %arg15[%swap3A_1000, %swap3A_1001] {strides = array<i32>} : memref<1x272xf32, #tpu.memory_space<vmem>>, vector<16xf32>,
    tpu.vector_store %arg15[%swap3A_1000, %swap3A_1001], %convert_element_type3A_998 {strides = array<i32>} : memref<1x272xf32, #tpu.memory_space<vmem>>, vector<16xf32>,
    %convert_element_type3A_1003 = arith.sitofp %add3A_997 : vector<16xi32> to vector<16xf32>
    %swap3A_1004 = arith.constant 0 : i32
    %swap3A_1005 = arith.index_cast %swap3A_1004 : i32 to index
    %swap3A_1006 = arith.constant 180 : index
    %swap3A_1007 = tpu.vector_load %arg15[%swap3A_1005, %swap3A_1006] {strides = array<i32>} : memref<1x272xf32, #tpu.memory_space<vmem>>, vector<16xf32>,
    tpu.vector_store %arg15[%swap3A_1005, %swap3A_1006], %convert_element_type3A_1003 {strides = array<i32>} : memref<1x272xf32, #tpu.memory_space<vmem>>, vector<16xf32>,
    %add3A_1008 = arith.constant 16 : i32
    %add3A_1009 = vector.broadcast %add3A_1008 : i32 to vector<16xi32>
    %add3A_1010 = arith.addi %add3A_1009, %iota3A : vector<16xi32>
    %mul3A_1011 = arith.constant 16 : i32
    %mul3A_1012 = vector.broadcast %mul3A_1011 : i32 to vector<16xi32>
    %mul3A_1013 = arith.muli %add3A_1010, %mul3A_1012 : vector<16xi32>
    %add3A_1014 = arith.constant 0 : i32
    %add3A_1015 = vector.broadcast %add3A_1014 : i32 to vector<16xi32>
    %add3A_1016 = arith.addi %mul3A_1013, %add3A_1015 : vector<16xi32>
    %gather3A_1017 = tpu.vector_load_idx %arg16[%add3A_1016] : memref<3072xi32, #tpu.memory_space<vmem>>[vector<16xi32>], vector<16xi32>,
    %and3A_1018 = arith.constant 65535 : i32
    %and3A_1019 = vector.broadcast %and3A_1018 : i32 to vector<16xi32>
    %and3A_1020 = arith.andi %gather3A_1017, %and3A_1019 : vector<16xi32>
    %add3A_1021 = arith.addi %broadcast_in_dim3A_14, %and3A_1020 : vector<16xi32>
    %shift_right_logical3A_1022 = arith.constant 16 : i32
    %shift_right_logical3A_1023 = vector.broadcast %shift_right_logical3A_1022 : i32 to vector<16xi32>
    %shift_right_logical3A_1024 = arith.shrui %gather3A_1017, %shift_right_logical3A_1023 : vector<16xi32>
    %add3A_1025 = arith.addi %broadcast_in_dim3A_14, %shift_right_logical3A_1024 : vector<16xi32>
    %add3A_1026 = arith.constant 1 : i32
    %add3A_1027 = vector.broadcast %add3A_1026 : i32 to vector<16xi32>
    %add3A_1028 = arith.addi %mul3A_1013, %add3A_1027 : vector<16xi32>
    %gather3A_1029 = tpu.vector_load_idx %arg16[%add3A_1028] : memref<3072xi32, #tpu.memory_space<vmem>>[vector<16xi32>], vector<16xi32>,
    %and3A_1030 = arith.constant 65535 : i32
    %and3A_1031 = vector.broadcast %and3A_1030 : i32 to vector<16xi32>
    %and3A_1032 = arith.andi %gather3A_1029, %and3A_1031 : vector<16xi32>
    %add3A_1033 = arith.addi %add3A_1021, %and3A_1032 : vector<16xi32>
    %shift_right_logical3A_1034 = arith.constant 16 : i32
    %shift_right_logical3A_1035 = vector.broadcast %shift_right_logical3A_1034 : i32 to vector<16xi32>
    %shift_right_logical3A_1036 = arith.shrui %gather3A_1029, %shift_right_logical3A_1035 : vector<16xi32>
    %add3A_1037 = arith.addi %add3A_1025, %shift_right_logical3A_1036 : vector<16xi32>
    %add3A_1038 = arith.constant 2 : i32
    %add3A_1039 = vector.broadcast %add3A_1038 : i32 to vector<16xi32>
    %add3A_1040 = arith.addi %mul3A_1013, %add3A_1039 : vector<16xi32>
    %gather3A_1041 = tpu.vector_load_idx %arg16[%add3A_1040] : memref<3072xi32, #tpu.memory_space<vmem>>[vector<16xi32>], vector<16xi32>,
    %and3A_1042 = arith.constant 65535 : i32
    %and3A_1043 = vector.broadcast %and3A_1042 : i32 to vector<16xi32>
    %and3A_1044 = arith.andi %gather3A_1041, %and3A_1043 : vector<16xi32>
    %add3A_1045 = arith.addi %add3A_1033, %and3A_1044 : vector<16xi32>
    %shift_right_logical3A_1046 = arith.constant 16 : i32
    %shift_right_logical3A_1047 = vector.broadcast %shift_right_logical3A_1046 : i32 to vector<16xi32>
    %shift_right_logical3A_1048 = arith.shrui %gather3A_1041, %shift_right_logical3A_1047 : vector<16xi32>
    %add3A_1049 = arith.addi %add3A_1037, %shift_right_logical3A_1048 : vector<16xi32>
    %add3A_1050 = arith.constant 3 : i32
    %add3A_1051 = vector.broadcast %add3A_1050 : i32 to vector<16xi32>
    %add3A_1052 = arith.addi %mul3A_1013, %add3A_1051 : vector<16xi32>
    %gather3A_1053 = tpu.vector_load_idx %arg16[%add3A_1052] : memref<3072xi32, #tpu.memory_space<vmem>>[vector<16xi32>], vector<16xi32>,
    %and3A_1054 = arith.constant 65535 : i32
    %and3A_1055 = vector.broadcast %and3A_1054 : i32 to vector<16xi32>
    %and3A_1056 = arith.andi %gather3A_1053, %and3A_1055 : vector<16xi32>
    %add3A_1057 = arith.addi %add3A_1045, %and3A_1056 : vector<16xi32>
    %shift_right_logical3A_1058 = arith.constant 16 : i32
    %shift_right_logical3A_1059 = vector.broadcast %shift_right_logical3A_1058 : i32 to vector<16xi32>
    %shift_right_logical3A_1060 = arith.shrui %gather3A_1053, %shift_right_logical3A_1059 : vector<16xi32>
    %add3A_1061 = arith.addi %add3A_1049, %shift_right_logical3A_1060 : vector<16xi32>
    %add3A_1062 = arith.constant 4 : i32
    %add3A_1063 = vector.broadcast %add3A_1062 : i32 to vector<16xi32>
    %add3A_1064 = arith.addi %mul3A_1013, %add3A_1063 : vector<16xi32>
    %gather3A_1065 = tpu.vector_load_idx %arg16[%add3A_1064] : memref<3072xi32, #tpu.memory_space<vmem>>[vector<16xi32>], vector<16xi32>,
    %and3A_1066 = arith.constant 65535 : i32
    %and3A_1067 = vector.broadcast %and3A_1066 : i32 to vector<16xi32>
    %and3A_1068 = arith.andi %gather3A_1065, %and3A_1067 : vector<16xi32>
    %add3A_1069 = arith.addi %add3A_1057, %and3A_1068 : vector<16xi32>
    %shift_right_logical3A_1070 = arith.constant 16 : i32
    %shift_right_logical3A_1071 = vector.broadcast %shift_right_logical3A_1070 : i32 to vector<16xi32>
    %shift_right_logical3A_1072 = arith.shrui %gather3A_1065, %shift_right_logical3A_1071 : vector<16xi32>
    %add3A_1073 = arith.addi %add3A_1061, %shift_right_logical3A_1072 : vector<16xi32>
    %add3A_1074 = arith.constant 5 : i32
    %add3A_1075 = vector.broadcast %add3A_1074 : i32 to vector<16xi32>
    %add3A_1076 = arith.addi %mul3A_1013, %add3A_1075 : vector<16xi32>
    %gather3A_1077 = tpu.vector_load_idx %arg16[%add3A_1076] : memref<3072xi32, #tpu.memory_space<vmem>>[vector<16xi32>], vector<16xi32>,
    %and3A_1078 = arith.constant 65535 : i32
    %and3A_1079 = vector.broadcast %and3A_1078 : i32 to vector<16xi32>
    %and3A_1080 = arith.andi %gather3A_1077, %and3A_1079 : vector<16xi32>
    %add3A_1081 = arith.addi %add3A_1069, %and3A_1080 : vector<16xi32>
    %shift_right_logical3A_1082 = arith.constant 16 : i32
    %shift_right_logical3A_1083 = vector.broadcast %shift_right_logical3A_1082 : i32 to vector<16xi32>
    %shift_right_logical3A_1084 = arith.shrui %gather3A_1077, %shift_right_logical3A_1083 : vector<16xi32>
    %add3A_1085 = arith.addi %add3A_1073, %shift_right_logical3A_1084 : vector<16xi32>
    %add3A_1086 = arith.constant 6 : i32
    %add3A_1087 = vector.broadcast %add3A_1086 : i32 to vector<16xi32>
    %add3A_1088 = arith.addi %mul3A_1013, %add3A_1087 : vector<16xi32>
    %gather3A_1089 = tpu.vector_load_idx %arg16[%add3A_1088] : memref<3072xi32, #tpu.memory_space<vmem>>[vector<16xi32>], vector<16xi32>,
    %and3A_1090 = arith.constant 65535 : i32
    %and3A_1091 = vector.broadcast %and3A_1090 : i32 to vector<16xi32>
    %and3A_1092 = arith.andi %gather3A_1089, %and3A_1091 : vector<16xi32>
    %add3A_1093 = arith.addi %add3A_1081, %and3A_1092 : vector<16xi32>
    %shift_right_logical3A_1094 = arith.constant 16 : i32
    %shift_right_logical3A_1095 = vector.broadcast %shift_right_logical3A_1094 : i32 to vector<16xi32>
    %shift_right_logical3A_1096 = arith.shrui %gather3A_1089, %shift_right_logical3A_1095 : vector<16xi32>
    %add3A_1097 = arith.addi %add3A_1085, %shift_right_logical3A_1096 : vector<16xi32>
    %add3A_1098 = arith.constant 7 : i32
    %add3A_1099 = vector.broadcast %add3A_1098 : i32 to vector<16xi32>
    %add3A_1100 = arith.addi %mul3A_1013, %add3A_1099 : vector<16xi32>
    %gather3A_1101 = tpu.vector_load_idx %arg16[%add3A_1100] : memref<3072xi32, #tpu.memory_space<vmem>>[vector<16xi32>], vector<16xi32>,
    %and3A_1102 = arith.constant 65535 : i32
    %and3A_1103 = vector.broadcast %and3A_1102 : i32 to vector<16xi32>
    %and3A_1104 = arith.andi %gather3A_1101, %and3A_1103 : vector<16xi32>
    %add3A_1105 = arith.addi %add3A_1093, %and3A_1104 : vector<16xi32>
    %shift_right_logical3A_1106 = arith.constant 16 : i32
    %shift_right_logical3A_1107 = vector.broadcast %shift_right_logical3A_1106 : i32 to vector<16xi32>
    %shift_right_logical3A_1108 = arith.shrui %gather3A_1101, %shift_right_logical3A_1107 : vector<16xi32>
    %add3A_1109 = arith.addi %add3A_1097, %shift_right_logical3A_1108 : vector<16xi32>
    %add3A_1110 = arith.constant 8 : i32
    %add3A_1111 = vector.broadcast %add3A_1110 : i32 to vector<16xi32>
    %add3A_1112 = arith.addi %mul3A_1013, %add3A_1111 : vector<16xi32>
    %gather3A_1113 = tpu.vector_load_idx %arg16[%add3A_1112] : memref<3072xi32, #tpu.memory_space<vmem>>[vector<16xi32>], vector<16xi32>,
    %and3A_1114 = arith.constant 65535 : i32
    %and3A_1115 = vector.broadcast %and3A_1114 : i32 to vector<16xi32>
    %and3A_1116 = arith.andi %gather3A_1113, %and3A_1115 : vector<16xi32>
    %add3A_1117 = arith.addi %add3A_1105, %and3A_1116 : vector<16xi32>
    %shift_right_logical3A_1118 = arith.constant 16 : i32
    %shift_right_logical3A_1119 = vector.broadcast %shift_right_logical3A_1118 : i32 to vector<16xi32>
    %shift_right_logical3A_1120 = arith.shrui %gather3A_1113, %shift_right_logical3A_1119 : vector<16xi32>
    %add3A_1121 = arith.addi %add3A_1109, %shift_right_logical3A_1120 : vector<16xi32>
    %add3A_1122 = arith.constant 9 : i32
    %add3A_1123 = vector.broadcast %add3A_1122 : i32 to vector<16xi32>
    %add3A_1124 = arith.addi %mul3A_1013, %add3A_1123 : vector<16xi32>
    %gather3A_1125 = tpu.vector_load_idx %arg16[%add3A_1124] : memref<3072xi32, #tpu.memory_space<vmem>>[vector<16xi32>], vector<16xi32>,
    %and3A_1126 = arith.constant 65535 : i32
    %and3A_1127 = vector.broadcast %and3A_1126 : i32 to vector<16xi32>
    %and3A_1128 = arith.andi %gather3A_1125, %and3A_1127 : vector<16xi32>
    %add3A_1129 = arith.addi %add3A_1117, %and3A_1128 : vector<16xi32>
    %shift_right_logical3A_1130 = arith.constant 16 : i32
    %shift_right_logical3A_1131 = vector.broadcast %shift_right_logical3A_1130 : i32 to vector<16xi32>
    %shift_right_logical3A_1132 = arith.shrui %gather3A_1125, %shift_right_logical3A_1131 : vector<16xi32>
    %add3A_1133 = arith.addi %add3A_1121, %shift_right_logical3A_1132 : vector<16xi32>
    %add3A_1134 = arith.constant 10 : i32
    %add3A_1135 = vector.broadcast %add3A_1134 : i32 to vector<16xi32>
    %add3A_1136 = arith.addi %mul3A_1013, %add3A_1135 : vector<16xi32>
    %gather3A_1137 = tpu.vector_load_idx %arg16[%add3A_1136] : memref<3072xi32, #tpu.memory_space<vmem>>[vector<16xi32>], vector<16xi32>,
    %and3A_1138 = arith.constant 65535 : i32
    %and3A_1139 = vector.broadcast %and3A_1138 : i32 to vector<16xi32>
    %and3A_1140 = arith.andi %gather3A_1137, %and3A_1139 : vector<16xi32>
    %add3A_1141 = arith.addi %add3A_1129, %and3A_1140 : vector<16xi32>
    %shift_right_logical3A_1142 = arith.constant 16 : i32
    %shift_right_logical3A_1143 = vector.broadcast %shift_right_logical3A_1142 : i32 to vector<16xi32>
    %shift_right_logical3A_1144 = arith.shrui %gather3A_1137, %shift_right_logical3A_1143 : vector<16xi32>
    %add3A_1145 = arith.addi %add3A_1133, %shift_right_logical3A_1144 : vector<16xi32>
    %add3A_1146 = arith.constant 11 : i32
    %add3A_1147 = vector.broadcast %add3A_1146 : i32 to vector<16xi32>
    %add3A_1148 = arith.addi %mul3A_1013, %add3A_1147 : vector<16xi32>
    %gather3A_1149 = tpu.vector_load_idx %arg16[%add3A_1148] : memref<3072xi32, #tpu.memory_space<vmem>>[vector<16xi32>], vector<16xi32>,
    %and3A_1150 = arith.constant 65535 : i32
    %and3A_1151 = vector.broadcast %and3A_1150 : i32 to vector<16xi32>
    %and3A_1152 = arith.andi %gather3A_1149, %and3A_1151 : vector<16xi32>
    %add3A_1153 = arith.addi %add3A_1141, %and3A_1152 : vector<16xi32>
    %shift_right_logical3A_1154 = arith.constant 16 : i32
    %shift_right_logical3A_1155 = vector.broadcast %shift_right_logical3A_1154 : i32 to vector<16xi32>
    %shift_right_logical3A_1156 = arith.shrui %gather3A_1149, %shift_right_logical3A_1155 : vector<16xi32>
    %add3A_1157 = arith.addi %add3A_1145, %shift_right_logical3A_1156 : vector<16xi32>
    %add3A_1158 = arith.constant 12 : i32
    %add3A_1159 = vector.broadcast %add3A_1158 : i32 to vector<16xi32>
    %add3A_1160 = arith.addi %mul3A_1013, %add3A_1159 : vector<16xi32>
    %gather3A_1161 = tpu.vector_load_idx %arg16[%add3A_1160] : memref<3072xi32, #tpu.memory_space<vmem>>[vector<16xi32>], vector<16xi32>,
    %and3A_1162 = arith.constant 65535 : i32
    %and3A_1163 = vector.broadcast %and3A_1162 : i32 to vector<16xi32>
    %and3A_1164 = arith.andi %gather3A_1161, %and3A_1163 : vector<16xi32>
    %add3A_1165 = arith.addi %add3A_1153, %and3A_1164 : vector<16xi32>
    %shift_right_logical3A_1166 = arith.constant 16 : i32
    %shift_right_logical3A_1167 = vector.broadcast %shift_right_logical3A_1166 : i32 to vector<16xi32>
    %shift_right_logical3A_1168 = arith.shrui %gather3A_1161, %shift_right_logical3A_1167 : vector<16xi32>
    %add3A_1169 = arith.addi %add3A_1157, %shift_right_logical3A_1168 : vector<16xi32>
    %add3A_1170 = arith.constant 13 : i32
    %add3A_1171 = vector.broadcast %add3A_1170 : i32 to vector<16xi32>
    %add3A_1172 = arith.addi %mul3A_1013, %add3A_1171 : vector<16xi32>
    %gather3A_1173 = tpu.vector_load_idx %arg16[%add3A_1172] : memref<3072xi32, #tpu.memory_space<vmem>>[vector<16xi32>], vector<16xi32>,
    %and3A_1174 = arith.constant 65535 : i32
    %and3A_1175 = vector.broadcast %and3A_1174 : i32 to vector<16xi32>
    %and3A_1176 = arith.andi %gather3A_1173, %and3A_1175 : vector<16xi32>
    %add3A_1177 = arith.addi %add3A_1165, %and3A_1176 : vector<16xi32>
    %shift_right_logical3A_1178 = arith.constant 16 : i32
    %shift_right_logical3A_1179 = vector.broadcast %shift_right_logical3A_1178 : i32 to vector<16xi32>
    %shift_right_logical3A_1180 = arith.shrui %gather3A_1173, %shift_right_logical3A_1179 : vector<16xi32>
    %add3A_1181 = arith.addi %add3A_1169, %shift_right_logical3A_1180 : vector<16xi32>
    %add3A_1182 = arith.constant 14 : i32
    %add3A_1183 = vector.broadcast %add3A_1182 : i32 to vector<16xi32>
    %add3A_1184 = arith.addi %mul3A_1013, %add3A_1183 : vector<16xi32>
    %gather3A_1185 = tpu.vector_load_idx %arg16[%add3A_1184] : memref<3072xi32, #tpu.memory_space<vmem>>[vector<16xi32>], vector<16xi32>,
    %and3A_1186 = arith.constant 65535 : i32
    %and3A_1187 = vector.broadcast %and3A_1186 : i32 to vector<16xi32>
    %and3A_1188 = arith.andi %gather3A_1185, %and3A_1187 : vector<16xi32>
    %add3A_1189 = arith.addi %add3A_1177, %and3A_1188 : vector<16xi32>
    %shift_right_logical3A_1190 = arith.constant 16 : i32
    %shift_right_logical3A_1191 = vector.broadcast %shift_right_logical3A_1190 : i32 to vector<16xi32>
    %shift_right_logical3A_1192 = arith.shrui %gather3A_1185, %shift_right_logical3A_1191 : vector<16xi32>
    %add3A_1193 = arith.addi %add3A_1181, %shift_right_logical3A_1192 : vector<16xi32>
    %add3A_1194 = arith.constant 15 : i32
    %add3A_1195 = vector.broadcast %add3A_1194 : i32 to vector<16xi32>
    %add3A_1196 = arith.addi %mul3A_1013, %add3A_1195 : vector<16xi32>
    %gather3A_1197 = tpu.vector_load_idx %arg16[%add3A_1196] : memref<3072xi32, #tpu.memory_space<vmem>>[vector<16xi32>], vector<16xi32>,
    %and3A_1198 = arith.constant 65535 : i32
    %and3A_1199 = vector.broadcast %and3A_1198 : i32 to vector<16xi32>
    %and3A_1200 = arith.andi %gather3A_1197, %and3A_1199 : vector<16xi32>
    %add3A_1201 = arith.addi %add3A_1189, %and3A_1200 : vector<16xi32>
    %shift_right_logical3A_1202 = arith.constant 16 : i32
    %shift_right_logical3A_1203 = vector.broadcast %shift_right_logical3A_1202 : i32 to vector<16xi32>
    %shift_right_logical3A_1204 = arith.shrui %gather3A_1197, %shift_right_logical3A_1203 : vector<16xi32>
    %add3A_1205 = arith.addi %add3A_1193, %shift_right_logical3A_1204 : vector<16xi32>
    %convert_element_type3A_1206 = arith.sitofp %add3A_1201 : vector<16xi32> to vector<16xf32>
    %swap3A_1207 = arith.constant 0 : i32
    %swap3A_1208 = arith.index_cast %swap3A_1207 : i32 to index
    %swap3A_1209 = arith.constant 16 : index
    %swap3A_1210 = tpu.vector_load %arg15[%swap3A_1208, %swap3A_1209] {strides = array<i32>} : memref<1x272xf32, #tpu.memory_space<vmem>>, vector<16xf32>,
    tpu.vector_store %arg15[%swap3A_1208, %swap3A_1209], %convert_element_type3A_1206 {strides = array<i32>} : memref<1x272xf32, #tpu.memory_space<vmem>>, vector<16xf32>,
    %convert_element_type3A_1211 = arith.sitofp %add3A_1205 : vector<16xi32> to vector<16xf32>
    %swap3A_1212 = arith.constant 0 : i32
    %swap3A_1213 = arith.index_cast %swap3A_1212 : i32 to index
    %swap3A_1214 = arith.constant 196 : index
    %swap3A_1215 = tpu.vector_load %arg15[%swap3A_1213, %swap3A_1214] {strides = array<i32>} : memref<1x272xf32, #tpu.memory_space<vmem>>, vector<16xf32>,
    tpu.vector_store %arg15[%swap3A_1213, %swap3A_1214], %convert_element_type3A_1211 {strides = array<i32>} : memref<1x272xf32, #tpu.memory_space<vmem>>, vector<16xf32>,
    %add3A_1216 = arith.constant 32 : i32
    %add3A_1217 = vector.broadcast %add3A_1216 : i32 to vector<16xi32>
    %add3A_1218 = arith.addi %add3A_1217, %iota3A : vector<16xi32>
    %mul3A_1219 = arith.constant 16 : i32
    %mul3A_1220 = vector.broadcast %mul3A_1219 : i32 to vector<16xi32>
    %mul3A_1221 = arith.muli %add3A_1218, %mul3A_1220 : vector<16xi32>
    %add3A_1222 = arith.constant 0 : i32
    %add3A_1223 = vector.broadcast %add3A_1222 : i32 to vector<16xi32>
    %add3A_1224 = arith.addi %mul3A_1221, %add3A_1223 : vector<16xi32>
    %gather3A_1225 = tpu.vector_load_idx %arg16[%add3A_1224] : memref<3072xi32, #tpu.memory_space<vmem>>[vector<16xi32>], vector<16xi32>,
    %and3A_1226 = arith.constant 65535 : i32
    %and3A_1227 = vector.broadcast %and3A_1226 : i32 to vector<16xi32>
    %and3A_1228 = arith.andi %gather3A_1225, %and3A_1227 : vector<16xi32>
    %add3A_1229 = arith.addi %broadcast_in_dim3A_14, %and3A_1228 : vector<16xi32>
    %shift_right_logical3A_1230 = arith.constant 16 : i32
    %shift_right_logical3A_1231 = vector.broadcast %shift_right_logical3A_1230 : i32 to vector<16xi32>
    %shift_right_logical3A_1232 = arith.shrui %gather3A_1225, %shift_right_logical3A_1231 : vector<16xi32>
    %add3A_1233 = arith.addi %broadcast_in_dim3A_14, %shift_right_logical3A_1232 : vector<16xi32>
    %add3A_1234 = arith.constant 1 : i32
    %add3A_1235 = vector.broadcast %add3A_1234 : i32 to vector<16xi32>
    %add3A_1236 = arith.addi %mul3A_1221, %add3A_1235 : vector<16xi32>
    %gather3A_1237 = tpu.vector_load_idx %arg16[%add3A_1236] : memref<3072xi32, #tpu.memory_space<vmem>>[vector<16xi32>], vector<16xi32>,
    %and3A_1238 = arith.constant 65535 : i32
    %and3A_1239 = vector.broadcast %and3A_1238 : i32 to vector<16xi32>
    %and3A_1240 = arith.andi %gather3A_1237, %and3A_1239 : vector<16xi32>
    %add3A_1241 = arith.addi %add3A_1229, %and3A_1240 : vector<16xi32>
    %shift_right_logical3A_1242 = arith.constant 16 : i32
    %shift_right_logical3A_1243 = vector.broadcast %shift_right_logical3A_1242 : i32 to vector<16xi32>
    %shift_right_logical3A_1244 = arith.shrui %gather3A_1237, %shift_right_logical3A_1243 : vector<16xi32>
    %add3A_1245 = arith.addi %add3A_1233, %shift_right_logical3A_1244 : vector<16xi32>
    %add3A_1246 = arith.constant 2 : i32
    %add3A_1247 = vector.broadcast %add3A_1246 : i32 to vector<16xi32>
    %add3A_1248 = arith.addi %mul3A_1221, %add3A_1247 : vector<16xi32>
    %gather3A_1249 = tpu.vector_load_idx %arg16[%add3A_1248] : memref<3072xi32, #tpu.memory_space<vmem>>[vector<16xi32>], vector<16xi32>,
    %and3A_1250 = arith.constant 65535 : i32
    %and3A_1251 = vector.broadcast %and3A_1250 : i32 to vector<16xi32>
    %and3A_1252 = arith.andi %gather3A_1249, %and3A_1251 : vector<16xi32>
    %add3A_1253 = arith.addi %add3A_1241, %and3A_1252 : vector<16xi32>
    %shift_right_logical3A_1254 = arith.constant 16 : i32
    %shift_right_logical3A_1255 = vector.broadcast %shift_right_logical3A_1254 : i32 to vector<16xi32>
    %shift_right_logical3A_1256 = arith.shrui %gather3A_1249, %shift_right_logical3A_1255 : vector<16xi32>
    %add3A_1257 = arith.addi %add3A_1245, %shift_right_logical3A_1256 : vector<16xi32>
    %add3A_1258 = arith.constant 3 : i32
    %add3A_1259 = vector.broadcast %add3A_1258 : i32 to vector<16xi32>
    %add3A_1260 = arith.addi %mul3A_1221, %add3A_1259 : vector<16xi32>
    %gather3A_1261 = tpu.vector_load_idx %arg16[%add3A_1260] : memref<3072xi32, #tpu.memory_space<vmem>>[vector<16xi32>], vector<16xi32>,
    %and3A_1262 = arith.constant 65535 : i32
    %and3A_1263 = vector.broadcast %and3A_1262 : i32 to vector<16xi32>
    %and3A_1264 = arith.andi %gather3A_1261, %and3A_1263 : vector<16xi32>
    %add3A_1265 = arith.addi %add3A_1253, %and3A_1264 : vector<16xi32>
    %shift_right_logical3A_1266 = arith.constant 16 : i32
    %shift_right_logical3A_1267 = vector.broadcast %shift_right_logical3A_1266 : i32 to vector<16xi32>
    %shift_right_logical3A_1268 = arith.shrui %gather3A_1261, %shift_right_logical3A_1267 : vector<16xi32>
    %add3A_1269 = arith.addi %add3A_1257, %shift_right_logical3A_1268 : vector<16xi32>
    %add3A_1270 = arith.constant 4 : i32
    %add3A_1271 = vector.broadcast %add3A_1270 : i32 to vector<16xi32>
    %add3A_1272 = arith.addi %mul3A_1221, %add3A_1271 : vector<16xi32>
    %gather3A_1273 = tpu.vector_load_idx %arg16[%add3A_1272] : memref<3072xi32, #tpu.memory_space<vmem>>[vector<16xi32>], vector<16xi32>,
    %and3A_1274 = arith.constant 65535 : i32
    %and3A_1275 = vector.broadcast %and3A_1274 : i32 to vector<16xi32>
    %and3A_1276 = arith.andi %gather3A_1273, %and3A_1275 : vector<16xi32>
    %add3A_1277 = arith.addi %add3A_1265, %and3A_1276 : vector<16xi32>
    %shift_right_logical3A_1278 = arith.constant 16 : i32
    %shift_right_logical3A_1279 = vector.broadcast %shift_right_logical3A_1278 : i32 to vector<16xi32>
    %shift_right_logical3A_1280 = arith.shrui %gather3A_1273, %shift_right_logical3A_1279 : vector<16xi32>
    %add3A_1281 = arith.addi %add3A_1269, %shift_right_logical3A_1280 : vector<16xi32>
    %add3A_1282 = arith.constant 5 : i32
    %add3A_1283 = vector.broadcast %add3A_1282 : i32 to vector<16xi32>
    %add3A_1284 = arith.addi %mul3A_1221, %add3A_1283 : vector<16xi32>
    %gather3A_1285 = tpu.vector_load_idx %arg16[%add3A_1284] : memref<3072xi32, #tpu.memory_space<vmem>>[vector<16xi32>], vector<16xi32>,
    %and3A_1286 = arith.constant 65535 : i32
    %and3A_1287 = vector.broadcast %and3A_1286 : i32 to vector<16xi32>
    %and3A_1288 = arith.andi %gather3A_1285, %and3A_1287 : vector<16xi32>
    %add3A_1289 = arith.addi %add3A_1277, %and3A_1288 : vector<16xi32>
    %shift_right_logical3A_1290 = arith.constant 16 : i32
    %shift_right_logical3A_1291 = vector.broadcast %shift_right_logical3A_1290 : i32 to vector<16xi32>
    %shift_right_logical3A_1292 = arith.shrui %gather3A_1285, %shift_right_logical3A_1291 : vector<16xi32>
    %add3A_1293 = arith.addi %add3A_1281, %shift_right_logical3A_1292 : vector<16xi32>
    %add3A_1294 = arith.constant 6 : i32
    %add3A_1295 = vector.broadcast %add3A_1294 : i32 to vector<16xi32>
    %add3A_1296 = arith.addi %mul3A_1221, %add3A_1295 : vector<16xi32>
    %gather3A_1297 = tpu.vector_load_idx %arg16[%add3A_1296] : memref<3072xi32, #tpu.memory_space<vmem>>[vector<16xi32>], vector<16xi32>,
    %and3A_1298 = arith.constant 65535 : i32
    %and3A_1299 = vector.broadcast %and3A_1298 : i32 to vector<16xi32>
    %and3A_1300 = arith.andi %gather3A_1297, %and3A_1299 : vector<16xi32>
    %add3A_1301 = arith.addi %add3A_1289, %and3A_1300 : vector<16xi32>
    %shift_right_logical3A_1302 = arith.constant 16 : i32
    %shift_right_logical3A_1303 = vector.broadcast %shift_right_logical3A_1302 : i32 to vector<16xi32>
    %shift_right_logical3A_1304 = arith.shrui %gather3A_1297, %shift_right_logical3A_1303 : vector<16xi32>
    %add3A_1305 = arith.addi %add3A_1293, %shift_right_logical3A_1304 : vector<16xi32>
    %add3A_1306 = arith.constant 7 : i32
    %add3A_1307 = vector.broadcast %add3A_1306 : i32 to vector<16xi32>
    %add3A_1308 = arith.addi %mul3A_1221, %add3A_1307 : vector<16xi32>
    %gather3A_1309 = tpu.vector_load_idx %arg16[%add3A_1308] : memref<3072xi32, #tpu.memory_space<vmem>>[vector<16xi32>], vector<16xi32>,
    %and3A_1310 = arith.constant 65535 : i32
    %and3A_1311 = vector.broadcast %and3A_1310 : i32 to vector<16xi32>
    %and3A_1312 = arith.andi %gather3A_1309, %and3A_1311 : vector<16xi32>
    %add3A_1313 = arith.addi %add3A_1301, %and3A_1312 : vector<16xi32>
    %shift_right_logical3A_1314 = arith.constant 16 : i32
    %shift_right_logical3A_1315 = vector.broadcast %shift_right_logical3A_1314 : i32 to vector<16xi32>
    %shift_right_logical3A_1316 = arith.shrui %gather3A_1309, %shift_right_logical3A_1315 : vector<16xi32>
    %add3A_1317 = arith.addi %add3A_1305, %shift_right_logical3A_1316 : vector<16xi32>
    %add3A_1318 = arith.constant 8 : i32
    %add3A_1319 = vector.broadcast %add3A_1318 : i32 to vector<16xi32>
    %add3A_1320 = arith.addi %mul3A_1221, %add3A_1319 : vector<16xi32>
    %gather3A_1321 = tpu.vector_load_idx %arg16[%add3A_1320] : memref<3072xi32, #tpu.memory_space<vmem>>[vector<16xi32>], vector<16xi32>,
    %and3A_1322 = arith.constant 65535 : i32
    %and3A_1323 = vector.broadcast %and3A_1322 : i32 to vector<16xi32>
    %and3A_1324 = arith.andi %gather3A_1321, %and3A_1323 : vector<16xi32>
    %add3A_1325 = arith.addi %add3A_1313, %and3A_1324 : vector<16xi32>
    %shift_right_logical3A_1326 = arith.constant 16 : i32
    %shift_right_logical3A_1327 = vector.broadcast %shift_right_logical3A_1326 : i32 to vector<16xi32>
    %shift_right_logical3A_1328 = arith.shrui %gather3A_1321, %shift_right_logical3A_1327 : vector<16xi32>
    %add3A_1329 = arith.addi %add3A_1317, %shift_right_logical3A_1328 : vector<16xi32>
    %add3A_1330 = arith.constant 9 : i32
    %add3A_1331 = vector.broadcast %add3A_1330 : i32 to vector<16xi32>
    %add3A_1332 = arith.addi %mul3A_1221, %add3A_1331 : vector<16xi32>
    %gather3A_1333 = tpu.vector_load_idx %arg16[%add3A_1332] : memref<3072xi32, #tpu.memory_space<vmem>>[vector<16xi32>], vector<16xi32>,
    %and3A_1334 = arith.constant 65535 : i32
    %and3A_1335 = vector.broadcast %and3A_1334 : i32 to vector<16xi32>
    %and3A_1336 = arith.andi %gather3A_1333, %and3A_1335 : vector<16xi32>
    %add3A_1337 = arith.addi %add3A_1325, %and3A_1336 : vector<16xi32>
    %shift_right_logical3A_1338 = arith.constant 16 : i32
    %shift_right_logical3A_1339 = vector.broadcast %shift_right_logical3A_1338 : i32 to vector<16xi32>
    %shift_right_logical3A_1340 = arith.shrui %gather3A_1333, %shift_right_logical3A_1339 : vector<16xi32>
    %add3A_1341 = arith.addi %add3A_1329, %shift_right_logical3A_1340 : vector<16xi32>
    %add3A_1342 = arith.constant 10 : i32
    %add3A_1343 = vector.broadcast %add3A_1342 : i32 to vector<16xi32>
    %add3A_1344 = arith.addi %mul3A_1221, %add3A_1343 : vector<16xi32>
    %gather3A_1345 = tpu.vector_load_idx %arg16[%add3A_1344] : memref<3072xi32, #tpu.memory_space<vmem>>[vector<16xi32>], vector<16xi32>,
    %and3A_1346 = arith.constant 65535 : i32
    %and3A_1347 = vector.broadcast %and3A_1346 : i32 to vector<16xi32>
    %and3A_1348 = arith.andi %gather3A_1345, %and3A_1347 : vector<16xi32>
    %add3A_1349 = arith.addi %add3A_1337, %and3A_1348 : vector<16xi32>
    %shift_right_logical3A_1350 = arith.constant 16 : i32
    %shift_right_logical3A_1351 = vector.broadcast %shift_right_logical3A_1350 : i32 to vector<16xi32>
    %shift_right_logical3A_1352 = arith.shrui %gather3A_1345, %shift_right_logical3A_1351 : vector<16xi32>
    %add3A_1353 = arith.addi %add3A_1341, %shift_right_logical3A_1352 : vector<16xi32>
    %add3A_1354 = arith.constant 11 : i32
    %add3A_1355 = vector.broadcast %add3A_1354 : i32 to vector<16xi32>
    %add3A_1356 = arith.addi %mul3A_1221, %add3A_1355 : vector<16xi32>
    %gather3A_1357 = tpu.vector_load_idx %arg16[%add3A_1356] : memref<3072xi32, #tpu.memory_space<vmem>>[vector<16xi32>], vector<16xi32>,
    %and3A_1358 = arith.constant 65535 : i32
    %and3A_1359 = vector.broadcast %and3A_1358 : i32 to vector<16xi32>
    %and3A_1360 = arith.andi %gather3A_1357, %and3A_1359 : vector<16xi32>
    %add3A_1361 = arith.addi %add3A_1349, %and3A_1360 : vector<16xi32>
    %shift_right_logical3A_1362 = arith.constant 16 : i32
    %shift_right_logical3A_1363 = vector.broadcast %shift_right_logical3A_1362 : i32 to vector<16xi32>
    %shift_right_logical3A_1364 = arith.shrui %gather3A_1357, %shift_right_logical3A_1363 : vector<16xi32>
    %add3A_1365 = arith.addi %add3A_1353, %shift_right_logical3A_1364 : vector<16xi32>
    %add3A_1366 = arith.constant 12 : i32
    %add3A_1367 = vector.broadcast %add3A_1366 : i32 to vector<16xi32>
    %add3A_1368 = arith.addi %mul3A_1221, %add3A_1367 : vector<16xi32>
    %gather3A_1369 = tpu.vector_load_idx %arg16[%add3A_1368] : memref<3072xi32, #tpu.memory_space<vmem>>[vector<16xi32>], vector<16xi32>,
    %and3A_1370 = arith.constant 65535 : i32
    %and3A_1371 = vector.broadcast %and3A_1370 : i32 to vector<16xi32>
    %and3A_1372 = arith.andi %gather3A_1369, %and3A_1371 : vector<16xi32>
    %add3A_1373 = arith.addi %add3A_1361, %and3A_1372 : vector<16xi32>
    %shift_right_logical3A_1374 = arith.constant 16 : i32
    %shift_right_logical3A_1375 = vector.broadcast %shift_right_logical3A_1374 : i32 to vector<16xi32>
    %shift_right_logical3A_1376 = arith.shrui %gather3A_1369, %shift_right_logical3A_1375 : vector<16xi32>
    %add3A_1377 = arith.addi %add3A_1365, %shift_right_logical3A_1376 : vector<16xi32>
    %add3A_1378 = arith.constant 13 : i32
    %add3A_1379 = vector.broadcast %add3A_1378 : i32 to vector<16xi32>
    %add3A_1380 = arith.addi %mul3A_1221, %add3A_1379 : vector<16xi32>
    %gather3A_1381 = tpu.vector_load_idx %arg16[%add3A_1380] : memref<3072xi32, #tpu.memory_space<vmem>>[vector<16xi32>], vector<16xi32>,
    %and3A_1382 = arith.constant 65535 : i32
    %and3A_1383 = vector.broadcast %and3A_1382 : i32 to vector<16xi32>
    %and3A_1384 = arith.andi %gather3A_1381, %and3A_1383 : vector<16xi32>
    %add3A_1385 = arith.addi %add3A_1373, %and3A_1384 : vector<16xi32>
    %shift_right_logical3A_1386 = arith.constant 16 : i32
    %shift_right_logical3A_1387 = vector.broadcast %shift_right_logical3A_1386 : i32 to vector<16xi32>
    %shift_right_logical3A_1388 = arith.shrui %gather3A_1381, %shift_right_logical3A_1387 : vector<16xi32>
    %add3A_1389 = arith.addi %add3A_1377, %shift_right_logical3A_1388 : vector<16xi32>
    %add3A_1390 = arith.constant 14 : i32
    %add3A_1391 = vector.broadcast %add3A_1390 : i32 to vector<16xi32>
    %add3A_1392 = arith.addi %mul3A_1221, %add3A_1391 : vector<16xi32>
    %gather3A_1393 = tpu.vector_load_idx %arg16[%add3A_1392] : memref<3072xi32, #tpu.memory_space<vmem>>[vector<16xi32>], vector<16xi32>,
    %and3A_1394 = arith.constant 65535 : i32
    %and3A_1395 = vector.broadcast %and3A_1394 : i32 to vector<16xi32>
    %and3A_1396 = arith.andi %gather3A_1393, %and3A_1395 : vector<16xi32>
    %add3A_1397 = arith.addi %add3A_1385, %and3A_1396 : vector<16xi32>
    %shift_right_logical3A_1398 = arith.constant 16 : i32
    %shift_right_logical3A_1399 = vector.broadcast %shift_right_logical3A_1398 : i32 to vector<16xi32>
    %shift_right_logical3A_1400 = arith.shrui %gather3A_1393, %shift_right_logical3A_1399 : vector<16xi32>
    %add3A_1401 = arith.addi %add3A_1389, %shift_right_logical3A_1400 : vector<16xi32>
    %add3A_1402 = arith.constant 15 : i32
    %add3A_1403 = vector.broadcast %add3A_1402 : i32 to vector<16xi32>
    %add3A_1404 = arith.addi %mul3A_1221, %add3A_1403 : vector<16xi32>
    %gather3A_1405 = tpu.vector_load_idx %arg16[%add3A_1404] : memref<3072xi32, #tpu.memory_space<vmem>>[vector<16xi32>], vector<16xi32>,
    %and3A_1406 = arith.constant 65535 : i32
    %and3A_1407 = vector.broadcast %and3A_1406 : i32 to vector<16xi32>
    %and3A_1408 = arith.andi %gather3A_1405, %and3A_1407 : vector<16xi32>
    %add3A_1409 = arith.addi %add3A_1397, %and3A_1408 : vector<16xi32>
    %shift_right_logical3A_1410 = arith.constant 16 : i32
    %shift_right_logical3A_1411 = vector.broadcast %shift_right_logical3A_1410 : i32 to vector<16xi32>
    %shift_right_logical3A_1412 = arith.shrui %gather3A_1405, %shift_right_logical3A_1411 : vector<16xi32>
    %add3A_1413 = arith.addi %add3A_1401, %shift_right_logical3A_1412 : vector<16xi32>
    %convert_element_type3A_1414 = arith.sitofp %add3A_1409 : vector<16xi32> to vector<16xf32>
    %swap3A_1415 = arith.constant 0 : i32
    %swap3A_1416 = arith.index_cast %swap3A_1415 : i32 to index
    %swap3A_1417 = arith.constant 32 : index
    %swap3A_1418 = tpu.vector_load %arg15[%swap3A_1416, %swap3A_1417] {strides = array<i32>} : memref<1x272xf32, #tpu.memory_space<vmem>>, vector<16xf32>,
    tpu.vector_store %arg15[%swap3A_1416, %swap3A_1417], %convert_element_type3A_1414 {strides = array<i32>} : memref<1x272xf32, #tpu.memory_space<vmem>>, vector<16xf32>,
    %convert_element_type3A_1419 = arith.sitofp %add3A_1413 : vector<16xi32> to vector<16xf32>
    %swap3A_1420 = arith.constant 0 : i32
    %swap3A_1421 = arith.index_cast %swap3A_1420 : i32 to index
    %swap3A_1422 = arith.constant 212 : index
    %swap3A_1423 = tpu.vector_load %arg15[%swap3A_1421, %swap3A_1422] {strides = array<i32>} : memref<1x272xf32, #tpu.memory_space<vmem>>, vector<16xf32>,
    tpu.vector_store %arg15[%swap3A_1421, %swap3A_1422], %convert_element_type3A_1419 {strides = array<i32>} : memref<1x272xf32, #tpu.memory_space<vmem>>, vector<16xf32>,
    %add3A_1424 = arith.constant 48 : i32
    %add3A_1425 = vector.broadcast %add3A_1424 : i32 to vector<16xi32>
    %add3A_1426 = arith.addi %add3A_1425, %iota3A : vector<16xi32>
    %mul3A_1427 = arith.constant 16 : i32
    %mul3A_1428 = vector.broadcast %mul3A_1427 : i32 to vector<16xi32>
    %mul3A_1429 = arith.muli %add3A_1426, %mul3A_1428 : vector<16xi32>
    %add3A_1430 = arith.constant 0 : i32
    %add3A_1431 = vector.broadcast %add3A_1430 : i32 to vector<16xi32>
    %add3A_1432 = arith.addi %mul3A_1429, %add3A_1431 : vector<16xi32>
    %gather3A_1433 = tpu.vector_load_idx %arg16[%add3A_1432] : memref<3072xi32, #tpu.memory_space<vmem>>[vector<16xi32>], vector<16xi32>,
    %and3A_1434 = arith.constant 65535 : i32
    %and3A_1435 = vector.broadcast %and3A_1434 : i32 to vector<16xi32>
    %and3A_1436 = arith.andi %gather3A_1433, %and3A_1435 : vector<16xi32>
    %add3A_1437 = arith.addi %broadcast_in_dim3A_14, %and3A_1436 : vector<16xi32>
    %shift_right_logical3A_1438 = arith.constant 16 : i32
    %shift_right_logical3A_1439 = vector.broadcast %shift_right_logical3A_1438 : i32 to vector<16xi32>
    %shift_right_logical3A_1440 = arith.shrui %gather3A_1433, %shift_right_logical3A_1439 : vector<16xi32>
    %add3A_1441 = arith.addi %broadcast_in_dim3A_14, %shift_right_logical3A_1440 : vector<16xi32>
    %add3A_1442 = arith.constant 1 : i32
    %add3A_1443 = vector.broadcast %add3A_1442 : i32 to vector<16xi32>
    %add3A_1444 = arith.addi %mul3A_1429, %add3A_1443 : vector<16xi32>
    %gather3A_1445 = tpu.vector_load_idx %arg16[%add3A_1444] : memref<3072xi32, #tpu.memory_space<vmem>>[vector<16xi32>], vector<16xi32>,
    %and3A_1446 = arith.constant 65535 : i32
    %and3A_1447 = vector.broadcast %and3A_1446 : i32 to vector<16xi32>
    %and3A_1448 = arith.andi %gather3A_1445, %and3A_1447 : vector<16xi32>
    %add3A_1449 = arith.addi %add3A_1437, %and3A_1448 : vector<16xi32>
    %shift_right_logical3A_1450 = arith.constant 16 : i32
    %shift_right_logical3A_1451 = vector.broadcast %shift_right_logical3A_1450 : i32 to vector<16xi32>
    %shift_right_logical3A_1452 = arith.shrui %gather3A_1445, %shift_right_logical3A_1451 : vector<16xi32>
    %add3A_1453 = arith.addi %add3A_1441, %shift_right_logical3A_1452 : vector<16xi32>
    %add3A_1454 = arith.constant 2 : i32
    %add3A_1455 = vector.broadcast %add3A_1454 : i32 to vector<16xi32>
    %add3A_1456 = arith.addi %mul3A_1429, %add3A_1455 : vector<16xi32>
    %gather3A_1457 = tpu.vector_load_idx %arg16[%add3A_1456] : memref<3072xi32, #tpu.memory_space<vmem>>[vector<16xi32>], vector<16xi32>,
    %and3A_1458 = arith.constant 65535 : i32
    %and3A_1459 = vector.broadcast %and3A_1458 : i32 to vector<16xi32>
    %and3A_1460 = arith.andi %gather3A_1457, %and3A_1459 : vector<16xi32>
    %add3A_1461 = arith.addi %add3A_1449, %and3A_1460 : vector<16xi32>
    %shift_right_logical3A_1462 = arith.constant 16 : i32
    %shift_right_logical3A_1463 = vector.broadcast %shift_right_logical3A_1462 : i32 to vector<16xi32>
    %shift_right_logical3A_1464 = arith.shrui %gather3A_1457, %shift_right_logical3A_1463 : vector<16xi32>
    %add3A_1465 = arith.addi %add3A_1453, %shift_right_logical3A_1464 : vector<16xi32>
    %add3A_1466 = arith.constant 3 : i32
    %add3A_1467 = vector.broadcast %add3A_1466 : i32 to vector<16xi32>
    %add3A_1468 = arith.addi %mul3A_1429, %add3A_1467 : vector<16xi32>
    %gather3A_1469 = tpu.vector_load_idx %arg16[%add3A_1468] : memref<3072xi32, #tpu.memory_space<vmem>>[vector<16xi32>], vector<16xi32>,
    %and3A_1470 = arith.constant 65535 : i32
    %and3A_1471 = vector.broadcast %and3A_1470 : i32 to vector<16xi32>
    %and3A_1472 = arith.andi %gather3A_1469, %and3A_1471 : vector<16xi32>
    %add3A_1473 = arith.addi %add3A_1461, %and3A_1472 : vector<16xi32>
    %shift_right_logical3A_1474 = arith.constant 16 : i32
    %shift_right_logical3A_1475 = vector.broadcast %shift_right_logical3A_1474 : i32 to vector<16xi32>
    %shift_right_logical3A_1476 = arith.shrui %gather3A_1469, %shift_right_logical3A_1475 : vector<16xi32>
    %add3A_1477 = arith.addi %add3A_1465, %shift_right_logical3A_1476 : vector<16xi32>
    %add3A_1478 = arith.constant 4 : i32
    %add3A_1479 = vector.broadcast %add3A_1478 : i32 to vector<16xi32>
    %add3A_1480 = arith.addi %mul3A_1429, %add3A_1479 : vector<16xi32>
    %gather3A_1481 = tpu.vector_load_idx %arg16[%add3A_1480] : memref<3072xi32, #tpu.memory_space<vmem>>[vector<16xi32>], vector<16xi32>,
    %and3A_1482 = arith.constant 65535 : i32
    %and3A_1483 = vector.broadcast %and3A_1482 : i32 to vector<16xi32>
    %and3A_1484 = arith.andi %gather3A_1481, %and3A_1483 : vector<16xi32>
    %add3A_1485 = arith.addi %add3A_1473, %and3A_1484 : vector<16xi32>
    %shift_right_logical3A_1486 = arith.constant 16 : i32
    %shift_right_logical3A_1487 = vector.broadcast %shift_right_logical3A_1486 : i32 to vector<16xi32>
    %shift_right_logical3A_1488 = arith.shrui %gather3A_1481, %shift_right_logical3A_1487 : vector<16xi32>
    %add3A_1489 = arith.addi %add3A_1477, %shift_right_logical3A_1488 : vector<16xi32>
    %add3A_1490 = arith.constant 5 : i32
    %add3A_1491 = vector.broadcast %add3A_1490 : i32 to vector<16xi32>
    %add3A_1492 = arith.addi %mul3A_1429, %add3A_1491 : vector<16xi32>
    %gather3A_1493 = tpu.vector_load_idx %arg16[%add3A_1492] : memref<3072xi32, #tpu.memory_space<vmem>>[vector<16xi32>], vector<16xi32>,
    %and3A_1494 = arith.constant 65535 : i32
    %and3A_1495 = vector.broadcast %and3A_1494 : i32 to vector<16xi32>
    %and3A_1496 = arith.andi %gather3A_1493, %and3A_1495 : vector<16xi32>
    %add3A_1497 = arith.addi %add3A_1485, %and3A_1496 : vector<16xi32>
    %shift_right_logical3A_1498 = arith.constant 16 : i32
    %shift_right_logical3A_1499 = vector.broadcast %shift_right_logical3A_1498 : i32 to vector<16xi32>
    %shift_right_logical3A_1500 = arith.shrui %gather3A_1493, %shift_right_logical3A_1499 : vector<16xi32>
    %add3A_1501 = arith.addi %add3A_1489, %shift_right_logical3A_1500 : vector<16xi32>
    %add3A_1502 = arith.constant 6 : i32
    %add3A_1503 = vector.broadcast %add3A_1502 : i32 to vector<16xi32>
    %add3A_1504 = arith.addi %mul3A_1429, %add3A_1503 : vector<16xi32>
    %gather3A_1505 = tpu.vector_load_idx %arg16[%add3A_1504] : memref<3072xi32, #tpu.memory_space<vmem>>[vector<16xi32>], vector<16xi32>,
    %and3A_1506 = arith.constant 65535 : i32
    %and3A_1507 = vector.broadcast %and3A_1506 : i32 to vector<16xi32>
    %and3A_1508 = arith.andi %gather3A_1505, %and3A_1507 : vector<16xi32>
    %add3A_1509 = arith.addi %add3A_1497, %and3A_1508 : vector<16xi32>
    %shift_right_logical3A_1510 = arith.constant 16 : i32
    %shift_right_logical3A_1511 = vector.broadcast %shift_right_logical3A_1510 : i32 to vector<16xi32>
    %shift_right_logical3A_1512 = arith.shrui %gather3A_1505, %shift_right_logical3A_1511 : vector<16xi32>
    %add3A_1513 = arith.addi %add3A_1501, %shift_right_logical3A_1512 : vector<16xi32>
    %add3A_1514 = arith.constant 7 : i32
    %add3A_1515 = vector.broadcast %add3A_1514 : i32 to vector<16xi32>
    %add3A_1516 = arith.addi %mul3A_1429, %add3A_1515 : vector<16xi32>
    %gather3A_1517 = tpu.vector_load_idx %arg16[%add3A_1516] : memref<3072xi32, #tpu.memory_space<vmem>>[vector<16xi32>], vector<16xi32>,
    %and3A_1518 = arith.constant 65535 : i32
    %and3A_1519 = vector.broadcast %and3A_1518 : i32 to vector<16xi32>
    %and3A_1520 = arith.andi %gather3A_1517, %and3A_1519 : vector<16xi32>
    %add3A_1521 = arith.addi %add3A_1509, %and3A_1520 : vector<16xi32>
    %shift_right_logical3A_1522 = arith.constant 16 : i32
    %shift_right_logical3A_1523 = vector.broadcast %shift_right_logical3A_1522 : i32 to vector<16xi32>
    %shift_right_logical3A_1524 = arith.shrui %gather3A_1517, %shift_right_logical3A_1523 : vector<16xi32>
    %add3A_1525 = arith.addi %add3A_1513, %shift_right_logical3A_1524 : vector<16xi32>
    %add3A_1526 = arith.constant 8 : i32
    %add3A_1527 = vector.broadcast %add3A_1526 : i32 to vector<16xi32>
    %add3A_1528 = arith.addi %mul3A_1429, %add3A_1527 : vector<16xi32>
    %gather3A_1529 = tpu.vector_load_idx %arg16[%add3A_1528] : memref<3072xi32, #tpu.memory_space<vmem>>[vector<16xi32>], vector<16xi32>,
    %and3A_1530 = arith.constant 65535 : i32
    %and3A_1531 = vector.broadcast %and3A_1530 : i32 to vector<16xi32>
    %and3A_1532 = arith.andi %gather3A_1529, %and3A_1531 : vector<16xi32>
    %add3A_1533 = arith.addi %add3A_1521, %and3A_1532 : vector<16xi32>
    %shift_right_logical3A_1534 = arith.constant 16 : i32
    %shift_right_logical3A_1535 = vector.broadcast %shift_right_logical3A_1534 : i32 to vector<16xi32>
    %shift_right_logical3A_1536 = arith.shrui %gather3A_1529, %shift_right_logical3A_1535 : vector<16xi32>
    %add3A_1537 = arith.addi %add3A_1525, %shift_right_logical3A_1536 : vector<16xi32>
    %add3A_1538 = arith.constant 9 : i32
    %add3A_1539 = vector.broadcast %add3A_1538 : i32 to vector<16xi32>
    %add3A_1540 = arith.addi %mul3A_1429, %add3A_1539 : vector<16xi32>
    %gather3A_1541 = tpu.vector_load_idx %arg16[%add3A_1540] : memref<3072xi32, #tpu.memory_space<vmem>>[vector<16xi32>], vector<16xi32>,
    %and3A_1542 = arith.constant 65535 : i32
    %and3A_1543 = vector.broadcast %and3A_1542 : i32 to vector<16xi32>
    %and3A_1544 = arith.andi %gather3A_1541, %and3A_1543 : vector<16xi32>
    %add3A_1545 = arith.addi %add3A_1533, %and3A_1544 : vector<16xi32>
    %shift_right_logical3A_1546 = arith.constant 16 : i32
    %shift_right_logical3A_1547 = vector.broadcast %shift_right_logical3A_1546 : i32 to vector<16xi32>
    %shift_right_logical3A_1548 = arith.shrui %gather3A_1541, %shift_right_logical3A_1547 : vector<16xi32>
    %add3A_1549 = arith.addi %add3A_1537, %shift_right_logical3A_1548 : vector<16xi32>
    %add3A_1550 = arith.constant 10 : i32
    %add3A_1551 = vector.broadcast %add3A_1550 : i32 to vector<16xi32>
    %add3A_1552 = arith.addi %mul3A_1429, %add3A_1551 : vector<16xi32>
    %gather3A_1553 = tpu.vector_load_idx %arg16[%add3A_1552] : memref<3072xi32, #tpu.memory_space<vmem>>[vector<16xi32>], vector<16xi32>,
    %and3A_1554 = arith.constant 65535 : i32
    %and3A_1555 = vector.broadcast %and3A_1554 : i32 to vector<16xi32>
    %and3A_1556 = arith.andi %gather3A_1553, %and3A_1555 : vector<16xi32>
    %add3A_1557 = arith.addi %add3A_1545, %and3A_1556 : vector<16xi32>
    %shift_right_logical3A_1558 = arith.constant 16 : i32
    %shift_right_logical3A_1559 = vector.broadcast %shift_right_logical3A_1558 : i32 to vector<16xi32>
    %shift_right_logical3A_1560 = arith.shrui %gather3A_1553, %shift_right_logical3A_1559 : vector<16xi32>
    %add3A_1561 = arith.addi %add3A_1549, %shift_right_logical3A_1560 : vector<16xi32>
    %add3A_1562 = arith.constant 11 : i32
    %add3A_1563 = vector.broadcast %add3A_1562 : i32 to vector<16xi32>
    %add3A_1564 = arith.addi %mul3A_1429, %add3A_1563 : vector<16xi32>
    %gather3A_1565 = tpu.vector_load_idx %arg16[%add3A_1564] : memref<3072xi32, #tpu.memory_space<vmem>>[vector<16xi32>], vector<16xi32>,
    %and3A_1566 = arith.constant 65535 : i32
    %and3A_1567 = vector.broadcast %and3A_1566 : i32 to vector<16xi32>
    %and3A_1568 = arith.andi %gather3A_1565, %and3A_1567 : vector<16xi32>
    %add3A_1569 = arith.addi %add3A_1557, %and3A_1568 : vector<16xi32>
    %shift_right_logical3A_1570 = arith.constant 16 : i32
    %shift_right_logical3A_1571 = vector.broadcast %shift_right_logical3A_1570 : i32 to vector<16xi32>
    %shift_right_logical3A_1572 = arith.shrui %gather3A_1565, %shift_right_logical3A_1571 : vector<16xi32>
    %add3A_1573 = arith.addi %add3A_1561, %shift_right_logical3A_1572 : vector<16xi32>
    %add3A_1574 = arith.constant 12 : i32
    %add3A_1575 = vector.broadcast %add3A_1574 : i32 to vector<16xi32>
    %add3A_1576 = arith.addi %mul3A_1429, %add3A_1575 : vector<16xi32>
    %gather3A_1577 = tpu.vector_load_idx %arg16[%add3A_1576] : memref<3072xi32, #tpu.memory_space<vmem>>[vector<16xi32>], vector<16xi32>,
    %and3A_1578 = arith.constant 65535 : i32
    %and3A_1579 = vector.broadcast %and3A_1578 : i32 to vector<16xi32>
    %and3A_1580 = arith.andi %gather3A_1577, %and3A_1579 : vector<16xi32>
    %add3A_1581 = arith.addi %add3A_1569, %and3A_1580 : vector<16xi32>
    %shift_right_logical3A_1582 = arith.constant 16 : i32
    %shift_right_logical3A_1583 = vector.broadcast %shift_right_logical3A_1582 : i32 to vector<16xi32>
    %shift_right_logical3A_1584 = arith.shrui %gather3A_1577, %shift_right_logical3A_1583 : vector<16xi32>
    %add3A_1585 = arith.addi %add3A_1573, %shift_right_logical3A_1584 : vector<16xi32>
    %add3A_1586 = arith.constant 13 : i32
    %add3A_1587 = vector.broadcast %add3A_1586 : i32 to vector<16xi32>
    %add3A_1588 = arith.addi %mul3A_1429, %add3A_1587 : vector<16xi32>
    %gather3A_1589 = tpu.vector_load_idx %arg16[%add3A_1588] : memref<3072xi32, #tpu.memory_space<vmem>>[vector<16xi32>], vector<16xi32>,
    %and3A_1590 = arith.constant 65535 : i32
    %and3A_1591 = vector.broadcast %and3A_1590 : i32 to vector<16xi32>
    %and3A_1592 = arith.andi %gather3A_1589, %and3A_1591 : vector<16xi32>
    %add3A_1593 = arith.addi %add3A_1581, %and3A_1592 : vector<16xi32>
    %shift_right_logical3A_1594 = arith.constant 16 : i32
    %shift_right_logical3A_1595 = vector.broadcast %shift_right_logical3A_1594 : i32 to vector<16xi32>
    %shift_right_logical3A_1596 = arith.shrui %gather3A_1589, %shift_right_logical3A_1595 : vector<16xi32>
    %add3A_1597 = arith.addi %add3A_1585, %shift_right_logical3A_1596 : vector<16xi32>
    %add3A_1598 = arith.constant 14 : i32
    %add3A_1599 = vector.broadcast %add3A_1598 : i32 to vector<16xi32>
    %add3A_1600 = arith.addi %mul3A_1429, %add3A_1599 : vector<16xi32>
    %gather3A_1601 = tpu.vector_load_idx %arg16[%add3A_1600] : memref<3072xi32, #tpu.memory_space<vmem>>[vector<16xi32>], vector<16xi32>,
    %and3A_1602 = arith.constant 65535 : i32
    %and3A_1603 = vector.broadcast %and3A_1602 : i32 to vector<16xi32>
    %and3A_1604 = arith.andi %gather3A_1601, %and3A_1603 : vector<16xi32>
    %add3A_1605 = arith.addi %add3A_1593, %and3A_1604 : vector<16xi32>
    %shift_right_logical3A_1606 = arith.constant 16 : i32
    %shift_right_logical3A_1607 = vector.broadcast %shift_right_logical3A_1606 : i32 to vector<16xi32>
    %shift_right_logical3A_1608 = arith.shrui %gather3A_1601, %shift_right_logical3A_1607 : vector<16xi32>
    %add3A_1609 = arith.addi %add3A_1597, %shift_right_logical3A_1608 : vector<16xi32>
    %add3A_1610 = arith.constant 15 : i32
    %add3A_1611 = vector.broadcast %add3A_1610 : i32 to vector<16xi32>
    %add3A_1612 = arith.addi %mul3A_1429, %add3A_1611 : vector<16xi32>
    %gather3A_1613 = tpu.vector_load_idx %arg16[%add3A_1612] : memref<3072xi32, #tpu.memory_space<vmem>>[vector<16xi32>], vector<16xi32>,
    %and3A_1614 = arith.constant 65535 : i32
    %and3A_1615 = vector.broadcast %and3A_1614 : i32 to vector<16xi32>
    %and3A_1616 = arith.andi %gather3A_1613, %and3A_1615 : vector<16xi32>
    %add3A_1617 = arith.addi %add3A_1605, %and3A_1616 : vector<16xi32>
    %shift_right_logical3A_1618 = arith.constant 16 : i32
    %shift_right_logical3A_1619 = vector.broadcast %shift_right_logical3A_1618 : i32 to vector<16xi32>
    %shift_right_logical3A_1620 = arith.shrui %gather3A_1613, %shift_right_logical3A_1619 : vector<16xi32>
    %add3A_1621 = arith.addi %add3A_1609, %shift_right_logical3A_1620 : vector<16xi32>
    %convert_element_type3A_1622 = arith.sitofp %add3A_1617 : vector<16xi32> to vector<16xf32>
    %swap3A_1623 = arith.constant 0 : i32
    %swap3A_1624 = arith.index_cast %swap3A_1623 : i32 to index
    %swap3A_1625 = arith.constant 48 : index
    %swap3A_1626 = tpu.vector_load %arg15[%swap3A_1624, %swap3A_1625] {strides = array<i32>} : memref<1x272xf32, #tpu.memory_space<vmem>>, vector<16xf32>,
    tpu.vector_store %arg15[%swap3A_1624, %swap3A_1625], %convert_element_type3A_1622 {strides = array<i32>} : memref<1x272xf32, #tpu.memory_space<vmem>>, vector<16xf32>,
    %convert_element_type3A_1627 = arith.sitofp %add3A_1621 : vector<16xi32> to vector<16xf32>
    %swap3A_1628 = arith.constant 0 : i32
    %swap3A_1629 = arith.index_cast %swap3A_1628 : i32 to index
    %swap3A_1630 = arith.constant 228 : index
    %swap3A_1631 = tpu.vector_load %arg15[%swap3A_1629, %swap3A_1630] {strides = array<i32>} : memref<1x272xf32, #tpu.memory_space<vmem>>, vector<16xf32>,
    tpu.vector_store %arg15[%swap3A_1629, %swap3A_1630], %convert_element_type3A_1627 {strides = array<i32>} : memref<1x272xf32, #tpu.memory_space<vmem>>, vector<16xf32>,
    %add3A_1632 = arith.constant 64 : i32
    %add3A_1633 = vector.broadcast %add3A_1632 : i32 to vector<16xi32>
    %add3A_1634 = arith.addi %add3A_1633, %iota3A : vector<16xi32>
    %mul3A_1635 = arith.constant 16 : i32
    %mul3A_1636 = vector.broadcast %mul3A_1635 : i32 to vector<16xi32>
    %mul3A_1637 = arith.muli %add3A_1634, %mul3A_1636 : vector<16xi32>
    %add3A_1638 = arith.constant 0 : i32
    %add3A_1639 = vector.broadcast %add3A_1638 : i32 to vector<16xi32>
    %add3A_1640 = arith.addi %mul3A_1637, %add3A_1639 : vector<16xi32>
    %gather3A_1641 = tpu.vector_load_idx %arg16[%add3A_1640] : memref<3072xi32, #tpu.memory_space<vmem>>[vector<16xi32>], vector<16xi32>,
    %and3A_1642 = arith.constant 65535 : i32
    %and3A_1643 = vector.broadcast %and3A_1642 : i32 to vector<16xi32>
    %and3A_1644 = arith.andi %gather3A_1641, %and3A_1643 : vector<16xi32>
    %add3A_1645 = arith.addi %broadcast_in_dim3A_14, %and3A_1644 : vector<16xi32>
    %shift_right_logical3A_1646 = arith.constant 16 : i32
    %shift_right_logical3A_1647 = vector.broadcast %shift_right_logical3A_1646 : i32 to vector<16xi32>
    %shift_right_logical3A_1648 = arith.shrui %gather3A_1641, %shift_right_logical3A_1647 : vector<16xi32>
    %add3A_1649 = arith.addi %broadcast_in_dim3A_14, %shift_right_logical3A_1648 : vector<16xi32>
    %add3A_1650 = arith.constant 1 : i32
    %add3A_1651 = vector.broadcast %add3A_1650 : i32 to vector<16xi32>
    %add3A_1652 = arith.addi %mul3A_1637, %add3A_1651 : vector<16xi32>
    %gather3A_1653 = tpu.vector_load_idx %arg16[%add3A_1652] : memref<3072xi32, #tpu.memory_space<vmem>>[vector<16xi32>], vector<16xi32>,
    %and3A_1654 = arith.constant 65535 : i32
    %and3A_1655 = vector.broadcast %and3A_1654 : i32 to vector<16xi32>
    %and3A_1656 = arith.andi %gather3A_1653, %and3A_1655 : vector<16xi32>
    %add3A_1657 = arith.addi %add3A_1645, %and3A_1656 : vector<16xi32>
    %shift_right_logical3A_1658 = arith.constant 16 : i32
    %shift_right_logical3A_1659 = vector.broadcast %shift_right_logical3A_1658 : i32 to vector<16xi32>
    %shift_right_logical3A_1660 = arith.shrui %gather3A_1653, %shift_right_logical3A_1659 : vector<16xi32>
    %add3A_1661 = arith.addi %add3A_1649, %shift_right_logical3A_1660 : vector<16xi32>
    %add3A_1662 = arith.constant 2 : i32
    %add3A_1663 = vector.broadcast %add3A_1662 : i32 to vector<16xi32>
    %add3A_1664 = arith.addi %mul3A_1637, %add3A_1663 : vector<16xi32>
    %gather3A_1665 = tpu.vector_load_idx %arg16[%add3A_1664] : memref<3072xi32, #tpu.memory_space<vmem>>[vector<16xi32>], vector<16xi32>,
    %and3A_1666 = arith.constant 65535 : i32
    %and3A_1667 = vector.broadcast %and3A_1666 : i32 to vector<16xi32>
    %and3A_1668 = arith.andi %gather3A_1665, %and3A_1667 : vector<16xi32>
    %add3A_1669 = arith.addi %add3A_1657, %and3A_1668 : vector<16xi32>
    %shift_right_logical3A_1670 = arith.constant 16 : i32
    %shift_right_logical3A_1671 = vector.broadcast %shift_right_logical3A_1670 : i32 to vector<16xi32>
    %shift_right_logical3A_1672 = arith.shrui %gather3A_1665, %shift_right_logical3A_1671 : vector<16xi32>
    %add3A_1673 = arith.addi %add3A_1661, %shift_right_logical3A_1672 : vector<16xi32>
    %add3A_1674 = arith.constant 3 : i32
    %add3A_1675 = vector.broadcast %add3A_1674 : i32 to vector<16xi32>
    %add3A_1676 = arith.addi %mul3A_1637, %add3A_1675 : vector<16xi32>
    %gather3A_1677 = tpu.vector_load_idx %arg16[%add3A_1676] : memref<3072xi32, #tpu.memory_space<vmem>>[vector<16xi32>], vector<16xi32>,
    %and3A_1678 = arith.constant 65535 : i32
    %and3A_1679 = vector.broadcast %and3A_1678 : i32 to vector<16xi32>
    %and3A_1680 = arith.andi %gather3A_1677, %and3A_1679 : vector<16xi32>
    %add3A_1681 = arith.addi %add3A_1669, %and3A_1680 : vector<16xi32>
    %shift_right_logical3A_1682 = arith.constant 16 : i32
    %shift_right_logical3A_1683 = vector.broadcast %shift_right_logical3A_1682 : i32 to vector<16xi32>
    %shift_right_logical3A_1684 = arith.shrui %gather3A_1677, %shift_right_logical3A_1683 : vector<16xi32>
    %add3A_1685 = arith.addi %add3A_1673, %shift_right_logical3A_1684 : vector<16xi32>
    %add3A_1686 = arith.constant 4 : i32
    %add3A_1687 = vector.broadcast %add3A_1686 : i32 to vector<16xi32>
    %add3A_1688 = arith.addi %mul3A_1637, %add3A_1687 : vector<16xi32>
    %gather3A_1689 = tpu.vector_load_idx %arg16[%add3A_1688] : memref<3072xi32, #tpu.memory_space<vmem>>[vector<16xi32>], vector<16xi32>,
    %and3A_1690 = arith.constant 65535 : i32
    %and3A_1691 = vector.broadcast %and3A_1690 : i32 to vector<16xi32>
    %and3A_1692 = arith.andi %gather3A_1689, %and3A_1691 : vector<16xi32>
    %add3A_1693 = arith.addi %add3A_1681, %and3A_1692 : vector<16xi32>
    %shift_right_logical3A_1694 = arith.constant 16 : i32
    %shift_right_logical3A_1695 = vector.broadcast %shift_right_logical3A_1694 : i32 to vector<16xi32>
    %shift_right_logical3A_1696 = arith.shrui %gather3A_1689, %shift_right_logical3A_1695 : vector<16xi32>
    %add3A_1697 = arith.addi %add3A_1685, %shift_right_logical3A_1696 : vector<16xi32>
    %add3A_1698 = arith.constant 5 : i32
    %add3A_1699 = vector.broadcast %add3A_1698 : i32 to vector<16xi32>
    %add3A_1700 = arith.addi %mul3A_1637, %add3A_1699 : vector<16xi32>
    %gather3A_1701 = tpu.vector_load_idx %arg16[%add3A_1700] : memref<3072xi32, #tpu.memory_space<vmem>>[vector<16xi32>], vector<16xi32>,
    %and3A_1702 = arith.constant 65535 : i32
    %and3A_1703 = vector.broadcast %and3A_1702 : i32 to vector<16xi32>
    %and3A_1704 = arith.andi %gather3A_1701, %and3A_1703 : vector<16xi32>
    %add3A_1705 = arith.addi %add3A_1693, %and3A_1704 : vector<16xi32>
    %shift_right_logical3A_1706 = arith.constant 16 : i32
    %shift_right_logical3A_1707 = vector.broadcast %shift_right_logical3A_1706 : i32 to vector<16xi32>
    %shift_right_logical3A_1708 = arith.shrui %gather3A_1701, %shift_right_logical3A_1707 : vector<16xi32>
    %add3A_1709 = arith.addi %add3A_1697, %shift_right_logical3A_1708 : vector<16xi32>
    %add3A_1710 = arith.constant 6 : i32
    %add3A_1711 = vector.broadcast %add3A_1710 : i32 to vector<16xi32>
    %add3A_1712 = arith.addi %mul3A_1637, %add3A_1711 : vector<16xi32>
    %gather3A_1713 = tpu.vector_load_idx %arg16[%add3A_1712] : memref<3072xi32, #tpu.memory_space<vmem>>[vector<16xi32>], vector<16xi32>,
    %and3A_1714 = arith.constant 65535 : i32
    %and3A_1715 = vector.broadcast %and3A_1714 : i32 to vector<16xi32>
    %and3A_1716 = arith.andi %gather3A_1713, %and3A_1715 : vector<16xi32>
    %add3A_1717 = arith.addi %add3A_1705, %and3A_1716 : vector<16xi32>
    %shift_right_logical3A_1718 = arith.constant 16 : i32
    %shift_right_logical3A_1719 = vector.broadcast %shift_right_logical3A_1718 : i32 to vector<16xi32>
    %shift_right_logical3A_1720 = arith.shrui %gather3A_1713, %shift_right_logical3A_1719 : vector<16xi32>
    %add3A_1721 = arith.addi %add3A_1709, %shift_right_logical3A_1720 : vector<16xi32>
    %add3A_1722 = arith.constant 7 : i32
    %add3A_1723 = vector.broadcast %add3A_1722 : i32 to vector<16xi32>
    %add3A_1724 = arith.addi %mul3A_1637, %add3A_1723 : vector<16xi32>
    %gather3A_1725 = tpu.vector_load_idx %arg16[%add3A_1724] : memref<3072xi32, #tpu.memory_space<vmem>>[vector<16xi32>], vector<16xi32>,
    %and3A_1726 = arith.constant 65535 : i32
    %and3A_1727 = vector.broadcast %and3A_1726 : i32 to vector<16xi32>
    %and3A_1728 = arith.andi %gather3A_1725, %and3A_1727 : vector<16xi32>
    %add3A_1729 = arith.addi %add3A_1717, %and3A_1728 : vector<16xi32>
    %shift_right_logical3A_1730 = arith.constant 16 : i32
    %shift_right_logical3A_1731 = vector.broadcast %shift_right_logical3A_1730 : i32 to vector<16xi32>
    %shift_right_logical3A_1732 = arith.shrui %gather3A_1725, %shift_right_logical3A_1731 : vector<16xi32>
    %add3A_1733 = arith.addi %add3A_1721, %shift_right_logical3A_1732 : vector<16xi32>
    %add3A_1734 = arith.constant 8 : i32
    %add3A_1735 = vector.broadcast %add3A_1734 : i32 to vector<16xi32>
    %add3A_1736 = arith.addi %mul3A_1637, %add3A_1735 : vector<16xi32>
    %gather3A_1737 = tpu.vector_load_idx %arg16[%add3A_1736] : memref<3072xi32, #tpu.memory_space<vmem>>[vector<16xi32>], vector<16xi32>,
    %and3A_1738 = arith.constant 65535 : i32
    %and3A_1739 = vector.broadcast %and3A_1738 : i32 to vector<16xi32>
    %and3A_1740 = arith.andi %gather3A_1737, %and3A_1739 : vector<16xi32>
    %add3A_1741 = arith.addi %add3A_1729, %and3A_1740 : vector<16xi32>
    %shift_right_logical3A_1742 = arith.constant 16 : i32
    %shift_right_logical3A_1743 = vector.broadcast %shift_right_logical3A_1742 : i32 to vector<16xi32>
    %shift_right_logical3A_1744 = arith.shrui %gather3A_1737, %shift_right_logical3A_1743 : vector<16xi32>
    %add3A_1745 = arith.addi %add3A_1733, %shift_right_logical3A_1744 : vector<16xi32>
    %add3A_1746 = arith.constant 9 : i32
    %add3A_1747 = vector.broadcast %add3A_1746 : i32 to vector<16xi32>
    %add3A_1748 = arith.addi %mul3A_1637, %add3A_1747 : vector<16xi32>
    %gather3A_1749 = tpu.vector_load_idx %arg16[%add3A_1748] : memref<3072xi32, #tpu.memory_space<vmem>>[vector<16xi32>], vector<16xi32>,
    %and3A_1750 = arith.constant 65535 : i32
    %and3A_1751 = vector.broadcast %and3A_1750 : i32 to vector<16xi32>
    %and3A_1752 = arith.andi %gather3A_1749, %and3A_1751 : vector<16xi32>
    %add3A_1753 = arith.addi %add3A_1741, %and3A_1752 : vector<16xi32>
    %shift_right_logical3A_1754 = arith.constant 16 : i32
    %shift_right_logical3A_1755 = vector.broadcast %shift_right_logical3A_1754 : i32 to vector<16xi32>
    %shift_right_logical3A_1756 = arith.shrui %gather3A_1749, %shift_right_logical3A_1755 : vector<16xi32>
    %add3A_1757 = arith.addi %add3A_1745, %shift_right_logical3A_1756 : vector<16xi32>
    %add3A_1758 = arith.constant 10 : i32
    %add3A_1759 = vector.broadcast %add3A_1758 : i32 to vector<16xi32>
    %add3A_1760 = arith.addi %mul3A_1637, %add3A_1759 : vector<16xi32>
    %gather3A_1761 = tpu.vector_load_idx %arg16[%add3A_1760] : memref<3072xi32, #tpu.memory_space<vmem>>[vector<16xi32>], vector<16xi32>,
    %and3A_1762 = arith.constant 65535 : i32
    %and3A_1763 = vector.broadcast %and3A_1762 : i32 to vector<16xi32>
    %and3A_1764 = arith.andi %gather3A_1761, %and3A_1763 : vector<16xi32>
    %add3A_1765 = arith.addi %add3A_1753, %and3A_1764 : vector<16xi32>
    %shift_right_logical3A_1766 = arith.constant 16 : i32
    %shift_right_logical3A_1767 = vector.broadcast %shift_right_logical3A_1766 : i32 to vector<16xi32>
    %shift_right_logical3A_1768 = arith.shrui %gather3A_1761, %shift_right_logical3A_1767 : vector<16xi32>
    %add3A_1769 = arith.addi %add3A_1757, %shift_right_logical3A_1768 : vector<16xi32>
    %add3A_1770 = arith.constant 11 : i32
    %add3A_1771 = vector.broadcast %add3A_1770 : i32 to vector<16xi32>
    %add3A_1772 = arith.addi %mul3A_1637, %add3A_1771 : vector<16xi32>
    %gather3A_1773 = tpu.vector_load_idx %arg16[%add3A_1772] : memref<3072xi32, #tpu.memory_space<vmem>>[vector<16xi32>], vector<16xi32>,
    %and3A_1774 = arith.constant 65535 : i32
    %and3A_1775 = vector.broadcast %and3A_1774 : i32 to vector<16xi32>
    %and3A_1776 = arith.andi %gather3A_1773, %and3A_1775 : vector<16xi32>
    %add3A_1777 = arith.addi %add3A_1765, %and3A_1776 : vector<16xi32>
    %shift_right_logical3A_1778 = arith.constant 16 : i32
    %shift_right_logical3A_1779 = vector.broadcast %shift_right_logical3A_1778 : i32 to vector<16xi32>
    %shift_right_logical3A_1780 = arith.shrui %gather3A_1773, %shift_right_logical3A_1779 : vector<16xi32>
    %add3A_1781 = arith.addi %add3A_1769, %shift_right_logical3A_1780 : vector<16xi32>
    %add3A_1782 = arith.constant 12 : i32
    %add3A_1783 = vector.broadcast %add3A_1782 : i32 to vector<16xi32>
    %add3A_1784 = arith.addi %mul3A_1637, %add3A_1783 : vector<16xi32>
    %gather3A_1785 = tpu.vector_load_idx %arg16[%add3A_1784] : memref<3072xi32, #tpu.memory_space<vmem>>[vector<16xi32>], vector<16xi32>,
    %and3A_1786 = arith.constant 65535 : i32
    %and3A_1787 = vector.broadcast %and3A_1786 : i32 to vector<16xi32>
    %and3A_1788 = arith.andi %gather3A_1785, %and3A_1787 : vector<16xi32>
    %add3A_1789 = arith.addi %add3A_1777, %and3A_1788 : vector<16xi32>
    %shift_right_logical3A_1790 = arith.constant 16 : i32
    %shift_right_logical3A_1791 = vector.broadcast %shift_right_logical3A_1790 : i32 to vector<16xi32>
    %shift_right_logical3A_1792 = arith.shrui %gather3A_1785, %shift_right_logical3A_1791 : vector<16xi32>
    %add3A_1793 = arith.addi %add3A_1781, %shift_right_logical3A_1792 : vector<16xi32>
    %add3A_1794 = arith.constant 13 : i32
    %add3A_1795 = vector.broadcast %add3A_1794 : i32 to vector<16xi32>
    %add3A_1796 = arith.addi %mul3A_1637, %add3A_1795 : vector<16xi32>
    %gather3A_1797 = tpu.vector_load_idx %arg16[%add3A_1796] : memref<3072xi32, #tpu.memory_space<vmem>>[vector<16xi32>], vector<16xi32>,
    %and3A_1798 = arith.constant 65535 : i32
    %and3A_1799 = vector.broadcast %and3A_1798 : i32 to vector<16xi32>
    %and3A_1800 = arith.andi %gather3A_1797, %and3A_1799 : vector<16xi32>
    %add3A_1801 = arith.addi %add3A_1789, %and3A_1800 : vector<16xi32>
    %shift_right_logical3A_1802 = arith.constant 16 : i32
    %shift_right_logical3A_1803 = vector.broadcast %shift_right_logical3A_1802 : i32 to vector<16xi32>
    %shift_right_logical3A_1804 = arith.shrui %gather3A_1797, %shift_right_logical3A_1803 : vector<16xi32>
    %add3A_1805 = arith.addi %add3A_1793, %shift_right_logical3A_1804 : vector<16xi32>
    %add3A_1806 = arith.constant 14 : i32
    %add3A_1807 = vector.broadcast %add3A_1806 : i32 to vector<16xi32>
    %add3A_1808 = arith.addi %mul3A_1637, %add3A_1807 : vector<16xi32>
    %gather3A_1809 = tpu.vector_load_idx %arg16[%add3A_1808] : memref<3072xi32, #tpu.memory_space<vmem>>[vector<16xi32>], vector<16xi32>,
    %and3A_1810 = arith.constant 65535 : i32
    %and3A_1811 = vector.broadcast %and3A_1810 : i32 to vector<16xi32>
    %and3A_1812 = arith.andi %gather3A_1809, %and3A_1811 : vector<16xi32>
    %add3A_1813 = arith.addi %add3A_1801, %and3A_1812 : vector<16xi32>
    %shift_right_logical3A_1814 = arith.constant 16 : i32
    %shift_right_logical3A_1815 = vector.broadcast %shift_right_logical3A_1814 : i32 to vector<16xi32>
    %shift_right_logical3A_1816 = arith.shrui %gather3A_1809, %shift_right_logical3A_1815 : vector<16xi32>
    %add3A_1817 = arith.addi %add3A_1805, %shift_right_logical3A_1816 : vector<16xi32>
    %add3A_1818 = arith.constant 15 : i32
    %add3A_1819 = vector.broadcast %add3A_1818 : i32 to vector<16xi32>
    %add3A_1820 = arith.addi %mul3A_1637, %add3A_1819 : vector<16xi32>
    %gather3A_1821 = tpu.vector_load_idx %arg16[%add3A_1820] : memref<3072xi32, #tpu.memory_space<vmem>>[vector<16xi32>], vector<16xi32>,
    %and3A_1822 = arith.constant 65535 : i32
    %and3A_1823 = vector.broadcast %and3A_1822 : i32 to vector<16xi32>
    %and3A_1824 = arith.andi %gather3A_1821, %and3A_1823 : vector<16xi32>
    %add3A_1825 = arith.addi %add3A_1813, %and3A_1824 : vector<16xi32>
    %shift_right_logical3A_1826 = arith.constant 16 : i32
    %shift_right_logical3A_1827 = vector.broadcast %shift_right_logical3A_1826 : i32 to vector<16xi32>
    %shift_right_logical3A_1828 = arith.shrui %gather3A_1821, %shift_right_logical3A_1827 : vector<16xi32>
    %add3A_1829 = arith.addi %add3A_1817, %shift_right_logical3A_1828 : vector<16xi32>
    %convert_element_type3A_1830 = arith.sitofp %add3A_1825 : vector<16xi32> to vector<16xf32>
    %swap3A_1831 = arith.constant 0 : i32
    %swap3A_1832 = arith.index_cast %swap3A_1831 : i32 to index
    %swap3A_1833 = arith.constant 64 : index
    %swap3A_1834 = tpu.vector_load %arg15[%swap3A_1832, %swap3A_1833] {strides = array<i32>} : memref<1x272xf32, #tpu.memory_space<vmem>>, vector<16xf32>,
    tpu.vector_store %arg15[%swap3A_1832, %swap3A_1833], %convert_element_type3A_1830 {strides = array<i32>} : memref<1x272xf32, #tpu.memory_space<vmem>>, vector<16xf32>,
    %convert_element_type3A_1835 = arith.sitofp %add3A_1829 : vector<16xi32> to vector<16xf32>
    %swap3A_1836 = arith.constant 0 : i32
    %swap3A_1837 = arith.index_cast %swap3A_1836 : i32 to index
    %swap3A_1838 = arith.constant 244 : index
    %swap3A_1839 = tpu.vector_load %arg15[%swap3A_1837, %swap3A_1838] {strides = array<i32>} : memref<1x272xf32, #tpu.memory_space<vmem>>, vector<16xf32>,
    tpu.vector_store %arg15[%swap3A_1837, %swap3A_1838], %convert_element_type3A_1835 {strides = array<i32>} : memref<1x272xf32, #tpu.memory_space<vmem>>, vector<16xf32>,
    "tpu.region"() ({
      %run_scoped3A = tpu.sem_alloc : memref<!tpu.dma_semaphore, #tpu.memory_space<semaphore_mem>>
      %dma_start3A_1840 = arith.constant 0 : i32
      %dma_start3A_1841 = tpu.memref_slice %arg8[%add3A, %dma_start3A_1840] : memref<32x272xf32, #tpu.memory_space<hbm>> -> memref<1x272xf32, #tpu.memory_space<hbm>>
      %dma_start3A_1842 = arith.constant 0 : i32
      %dma_start3A_1843 = tpu.memref_slice %arg8[%add3A, %dma_start3A_1842] : memref<32x272xf32, #tpu.memory_space<hbm>> -> memref<1x272xf32, #tpu.memory_space<hbm>>
      tpu.enqueue_dma source(%arg15 : memref<1x272xf32, #tpu.memory_space<vmem>>) target(%dma_start3A_1843 : memref<1x272xf32, #tpu.memory_space<hbm>>) target_semaphore(%run_scoped3A : memref<!tpu.dma_semaphore, #tpu.memory_space<semaphore_mem>>)
      %dma_wait3A = arith.constant 0 : i32
      %dma_wait3A_1844 = tpu.memref_slice %arg8[%add3A, %dma_wait3A] : memref<32x272xf32, #tpu.memory_space<hbm>> -> memref<1x272xf32, #tpu.memory_space<hbm>>
      %dma_wait3A_1845 = arith.constant 0 : i32
      %dma_wait3A_1846 = tpu.memref_slice %arg8[%add3A, %dma_wait3A_1845] : memref<32x272xf32, #tpu.memory_space<hbm>> -> memref<1x272xf32, #tpu.memory_space<hbm>>
      tpu.wait_dma2 semaphore(%run_scoped3A : memref<!tpu.dma_semaphore, #tpu.memory_space<semaphore_mem>>) src(%arg15 : memref<1x272xf32, #tpu.memory_space<vmem>>) dst(%dma_wait3A_1846 : memref<1x272xf32, #tpu.memory_space<hbm>>)
      tpu.yield
    }) : () -> ()
    return
  }
}

</mosaic_0001>

<sc_bundles>
// kernel: kernel.3.cloned.1.call-start
scs
__scs_entry_jumppad:
0x0: {  	(pc) =	sbr.rel $0x88, $3  }
0x1: {  	(tag) =	ssettag $0x0;
	lr =	simm.s32 $0x1  }
0x2: {  	[smem:$0x3F9E] =	sst lr;
	_ =	strace $0xD0000000  }
0x3: {  	_ = 	snop  }
0x4: {  	_ = 	snop  }
0x5: {  	_ = 	snop  }
0x6: {  	_ = 	snop  }
0x7: {  	_ = 	snop  }
__scs_overlays_trampoline_lowered:
0x8: {  	[smem:$0x3FAD] =	sst s0  }
0x9: {  	[smem:$0x3FAE] =	sst s1  }
0xa: {  	[smem:$0x3FAF] =	sst s2  }
0xb: {  	[smem:$0x3FB0] =	sst s3  }
0xc: {  	[smem:$0x3FB1] =	sst s4  }
0xd: {  	[smem:$0x3FB2] =	sst s5  }
0xe: {  	[smem:$0x3FB3] =	sst s6  }
0xf: {  	[smem:$0x3FB4] =	sst s7  }
0x10: {  	[smem:$0x3FB5] =	sst s8  }
0x11: {  	[smem:$0x3FB6] =	sst s9;
	s0 =	simm.s32 @!p0 $0x0  }
0x12: {  	s1 =	sld [smem:$0x3F9C];
	s0 =	simm.s32 @p0 $0x1  }
0x13: {  	[smem:$0x3FB7] =	sst s0;
	s0 =	simm.s32 @!p1 $0x0  }
0x14: {  	s2 =	sld [smem:$0x3F9B];
	s0 =	simm.s32 @p1 $0x1  }
0x15: {  	[smem:$0x3FB8] =	sst s0;
	s0 =	simm.s32 @!p2 $0x0  }
0x16: {  	s3 =	sld [smem:$0x3FDB];
	s0 =	simm.s32 @p2 $0x1  }
0x17: {  	s4 =	simm.s32 $0x1BF5;
	[smem:$0x3FBA] =	sst s0  }
0x18: {  	s0 =	sld [smem:$0x3F9D];
	_ =	swait.ge [sflag:s4], $0x0  }
0x19: {  	s7 =	sld [smem:$0x3F9E]  }
0x1a: {  	s8 =	sadd.s32 $0xFFFFE003, lr  }
0x1b: {  	s9 =	sadd.s32 $0xFFFFFEF7, lr;
	s5 =	simm.s32 $0xFFFFFFFF;
	p2 =	slt.u32 s8, $0xFFFFF086  }
0x1c: {  	p1 =	slt.u32 s9, $0xF7A;
	s5 =	simm.s32 @!p2 $0x0  }
0x1d: {  	s5 =	simm.s32 @p1 $0x1;
	p0 =	seq.s32 s7, s2  }
0x1e: {  	s7 =	smul.u32 @!p0 $0xF7A, s2;
	p2 =	seq.s32 @!p0 s5, $0x0  }
0x1f: {  	s9 =	smul.u32 $0xF7A, s1;
	s8 =	simm.s32 @!p0 $0x1BF5;
	p2 =	por !p2, p0  }
0x20: {  	[sflag:s8] =	ssyncset.s32 @!p0 $0xFFFFF086;
	s6 =	sadd.s32 @!p0 s3, s7;
	s7 =	simm.s32 @!p0 $0x108  }
0x21: {  	s3 =	sadd.s32 s3, s9;
	s6 =	sadd.s32 @!p0 $0x88, s6;
	s7 =	simm.s32 @p2 $0x1082  }
0x22: {  	[simem:s7], [sflag:s8] =	dma.local @!p0 [hbm:s6], $0xF7A  }
0x23: {  	s9 =	sor.u32 $0xD0000000, s2;
	s6 =	simm.s32 $0x108;
	_ =	swait.ge @!p0 [sflag:s8], $0x0  }
0x24: {  	s3 =	sadd.s32 $0x88, s3;
	s6 =	simm.s32 @!p1 $0x1082;
	[sflag:s4] =	ssyncset.s32 $0xFFFFF086  }
0x25: {  	[simem:s6], [sflag:s4] =	dma.local [hbm:s3], $0xF7A  }
0x26: {  	[smem:$0x3F9E] =	sst s1;
	(tag) =	ssettag s2;
	_ =	strace s9  }
0x27: {  	s1 =	sld [smem:$0x3FAE]  }
0x28: {  	s2 =	sld [smem:$0x3FAF]  }
0x29: {  	s4 =	sld [smem:$0x3FB1]  }
0x2a: {  	p0 =	seq.s32 s5, $0x0;
	s5 =	sld [smem:$0x3FB2]  }
0x2b: {  	s6 =	sld [smem:$0x3FB3]  }
0x2c: {  	s7 =	sld [smem:$0x3FB4]  }
0x2d: {  	s3 =	simm.s32 $0x108;
	s8 =	sld [smem:$0x3FB5]  }
0x2e: {  	s3 =	simm.s32 @!p0 $0x1082;
	s9 =	sld [smem:$0x3FB6]  }
0x2f: {  	lr =	sadd.s32 s0, s3;
	s0 =	sld [smem:$0x3FAD]  }
0x30: {  	s3 =	sld [smem:$0x3FB0]  }
0x31: {  	[smem:$0x3FB9] =	sst s10  }
0x32: {  	s10 =	sld [smem:$0x3FB7];
	_ =	sdelay $0x3  }
0x33: {  	p0 =	seq.s32 s10, $0x1;
	s10 =	sld [smem:$0x3FB9];
	_ =	sdelay $0x3  }
0x34: {  	[smem:$0x3FB9] =	sst s10  }
0x35: {  	s10 =	sld [smem:$0x3FB8];
	_ =	sdelay $0x3  }
0x36: {  	p1 =	seq.s32 s10, $0x1;
	s10 =	sld [smem:$0x3FB9];
	_ =	sdelay $0x3  }
0x37: {  	[smem:$0x3FB9] =	sst s10  }
0x38: {  	s10 =	sld [smem:$0x3FBA]  }
0x39: {  	_ = 	snop;
	(pc) =	sbr.ind lr, $3  }
0x3a: {  	_ = 	snop  }
0x3b: {  	_ = 	snop  }
0x3c: {  	p2 =	seq.s32 s10, $0x1;
	s10 =	sld [smem:$0x3FB9]  }
0x3d: {  	_ =	shalt  }
0x3e: {  	_ =	shalt  }
0x3f: {  	_ =	shalt  }
0x40: {  	_ =	shalt  }
0x41: {  	_ =	shalt  }
0x42: {  	_ =	shalt  }
0x43: {  	_ =	shalt  }
0x44: {  	_ =	shalt  }
0x45: {  	_ =	shalt  }
0x46: {  	_ =	shalt  }
0x47: {  	_ =	shalt  }
0x48: {  	_ =	shalt  }
0x49: {  	_ =	shalt  }
0x4a: {  	_ =	shalt  }
0x4b: {  	_ =	shalt  }
0x4c: {  	_ =	shalt  }
0x4d: {  	_ =	shalt  }
0x4e: {  	_ =	shalt  }
0x4f: {  	_ =	shalt  }
0x50: {  	_ =	shalt  }
0x51: {  	_ =	shalt  }
0x52: {  	_ =	shalt  }
0x53: {  	_ =	shalt  }
0x54: {  	_ =	shalt  }
0x55: {  	_ =	shalt  }
0x56: {  	_ =	shalt  }
0x57: {  	_ =	shalt  }
0x58: {  	_ =	shalt  }
0x59: {  	_ =	shalt  }
0x5a: {  	_ =	shalt  }
0x5b: {  	_ =	shalt  }
0x5c: {  	_ =	shalt  }
0x5d: {  	_ =	shalt  }
0x5e: {  	_ =	shalt  }
0x5f: {  	_ =	shalt  }
0x60: {  	_ =	shalt  }
0x61: {  	_ =	shalt  }
0x62: {  	_ =	shalt  }
0x63: {  	_ =	shalt  }
0x64: {  	_ =	shalt  }
0x65: {  	_ =	shalt  }
0x66: {  	_ =	shalt  }
0x67: {  	_ =	shalt  }
0x68: {  	_ =	shalt  }
0x69: {  	_ =	shalt  }
0x6a: {  	_ =	shalt  }
0x6b: {  	_ =	shalt  }
0x6c: {  	_ =	shalt  }
0x6d: {  	_ =	shalt  }
0x6e: {  	_ =	shalt  }
0x6f: {  	_ =	shalt  }
0x70: {  	_ =	shalt  }
0x71: {  	_ =	shalt  }
0x72: {  	_ =	shalt  }
0x73: {  	_ =	shalt  }
0x74: {  	_ =	shalt  }
0x75: {  	_ =	shalt  }
0x76: {  	_ =	shalt  }
0x77: {  	_ =	shalt  }
0x78: {  	_ =	shalt  }
0x79: {  	_ =	shalt  }
0x7a: {  	_ =	shalt  }
0x7b: {  	_ =	shalt  }
0x7c: {  	_ =	shalt  }
0x7d: {  	_ =	shalt  }
0x7e: {  	_ =	shalt  }
0x7f: {  	_ =	shalt  }
0x80: {  	_ =	shalt  }
0x81: {  	_ =	shalt  }
0x82: {  	_ =	shalt  }
0x83: {  	_ =	shalt  }
0x84: {  	_ =	shalt  }
0x85: {  	_ =	shalt  }
0x86: {  	_ =	shalt  }
0x87: {  	_ =	shalt  }
.Lfunc_end0:
.L_simem_size_0:
called_computation_lowered:
.L_overlay_start_0:
0x88: {  	s2 =	sld [smem:$0x3FD9]  }
0x89: {  	s3 =	sld [smem:$0x3FFE];
	_ =	sdelay $0x1  }
0x8a: {  	s1 =	srdreg.scid  }
0x8b: {  	s0 =	sand.u32 $0x1, s1  }
0x8c: {  	s17 =	sshll.u32 s0, $0xA;
	s2 =	sadd.s32 s3, s2  }
0x8d: {  	s2 =	sadd.s32 s2, s17  }
0x8e: {  	[smem:$0x3FC5] =	sst s2  }
0x8f: {  	_ = 	snop  }
0x90: {  	s2 =	sld [smem:$0x3FC9]  }
0x91: {  	s18 =	sld [smem:$0x3FC8]  }
0x92: {  	s4 =	sld [smem:$0x3FC7]  }
0x93: {  	s5 =	sld [smem:$0x3FD0];
	(tm) =	ssettm $0x1  }
0x94: {  	s6 =	sld [smem:$0x3FFB];
	_ =	sdelay $0x3  }
0x95: {  	_ =	strace s6  }
0x96: {  	s6 =	sld [smem:$0x3FFC];
	_ =	sdelay $0x3  }
0x97: {  	_ =	strace s6  }
0x98: {  	s6 =	sld [smem:$0x3FFD];
	_ =	sdelay $0x3  }
0x99: {  	_ =	strace s6  }
0x9a: {  	_ =	strace $0x8FFFFFFF  }
0x9b: {  	s19 =	sld [smem:$0x3FDB];
	_ =	sdelay $0x1  }
0x9c: {  	s7 =	simm.s32 $_scs_section_size  }
0x9d: {  	s8 =	simm.s32 $_size__tile_overlayer_lowered;
	s9 =	simm.s32 $_tile_overlayer_lowered  }
0x9e: {  	s22 =	simm.s32 $0x1BFF;
	s21 =	sshll.u32 s9, $0x1;
	s6 =	sadd.s32 s7, s19  }
0x9f: {  	s10 =	simm.s32 $0x0;
	s20 =	sshll.u32 s8, $0x1;
	s8 =	sadd.s32 s21, s6  }
0xa0: {  	[timem:s10], [sflag:s22] =	dma.local [hbm:s8], s20  }
0xa1: {  	_ =	swait.ge [sflag:s22], s20  }
0xa2: {  	s7 =	ssub.s32 $0x0, s20;
	[sflag:s22] =	ssyncset.done $0x0  }
0xa3: {  	[sflag:s22] =	ssyncadd.s32 s7;
	_ =	sdelay $0x1  }
0xa4: {  	s23 =	simm.s32 $0x1B8B  }
0xa5: {  	_ =	swait.ge [sflag:s23], $0x1  }
0xa6: {  	[sflag:s23] =	ssyncset.done $0x0  }
0xa7: {  	s25 =	simm.s32 $0x1B8E;
	s24 =	sld [smem:$0x3FFE];
	[sflag:s23] =	ssyncadd.s32 $0xFFFFFFFF  }
0xa8: {  	s26 =	simm.s32 $execute0_lowered;
	[smem:$0x3FD2] =	sst s25  }
0xa9: {  	s8 =	sshll.u32 s26, $0x1;
	_ =	strace $0x80000046;
	[dreg:$0x1] =	wrdreg $0xFFFFFFFF  }
0xaa: {  	s28 =	simm.s32 $_size_execute0_lowered;
	s6 =	sadd.s32 s6, s8;
	[dreg:$0x0] =	wrdreg $0x0  }
0xab: {  	s8 =	sshll.u32 s28, $0x1;
	[dreg:$0x2] =	wrdreg s6  }
0xac: {  	[dreg:$0x3] =	wrdreg s8  }
0xad: {  	[dreg:$0x4] =	wrdreg $0xC0  }
0xae: {  	_ =	task [dreg:s10], $0x5FFFF  }
0xaf: {  	[dreg:$0x1] =	wrdreg $0xFFFFFFFF  }
0xb0: {  	[dreg:$0x0] =	wrdreg $0x60  }
0xb1: {  	[dreg:$0x2] =	wrdreg s2  }
0xb2: {  	[dreg:$0x3] =	wrdreg s18  }
0xb3: {  	[dreg:$0x4] =	wrdreg s4  }
0xb4: {  	[dreg:$0x5] =	wrdreg s24  }
0xb5: {  	[dreg:$0x6] =	wrdreg s5  }
0xb6: {  	[dreg:$0x7] =	wrdreg $0x9  }
0xb7: {  	_ =	task.clear_ibuf [dreg:s10], $0x8FFFF;
	_ =	strace $0x90000046  }
0xb8: {  	s29 =	simm.s32 $0x9;
	_ =	strace $0x80000048  }
0xb9: {  	_ =	swait.ge [sflag:s29], $0x1  }
0xba: {  	[sflag:s29] =	ssyncadd.s32 $0xFFFFFFFF  }
0xbb: {  	_ =	strace $0x90000048  }
0xbc: {  	_ =	sfence  }
0xbd: {  	s30 =	sld [smem:$0x0];
	_ =	sdelay $0x2  }
0xbe: {  	s31 =	sshll.u32 s1, $0xD;
	s1 =	sshrl.u32 s1, $0x2  }
0xbf: {  	s3 =	sand.u32 $0x4000, s31;
	s1 =	sadd.s32 s1, s30  }
0xc0: {  	s0 =	sor.u32 s3, s0;
	s1 =	sshll.u32 s1, $0x11  }
0xc1: {  	s0 =	sor.u32 s1, s0  }
0xc2: {  	s0 =	sadd.s32 $0x8F2B, s0  }
0xc3: {  	[sflag:s0] =	ssyncadd.remote.s32 $0x1  }
0xc4: {  	_ =	sfence.sel $0xFFFF  }
0xc5: {  	[dreg:$0x0] =	wrdreg $0xFFFFFFFF;
	(pc) =	sbr.abs _section_cstart, $3  }
0xc6: {  	[dreg:$0x1] =	wrdreg $0xFFFFFFFF  }
0xc7: {  	_ =	task.clear_ibuf [dreg:s10], $0x2FFFF;
	_ =	strace $0x9FFFFFFF  }
0xc8: {  	(tm) =	ssettm $0x7FFFFFFF  }
0xc9: {  	_ =	shalt  }
tec
execute0_lowered:
.L_overlay_start_1:
0x0: {  	(tag) =	ssettag $0x1  }
0x1: {  	s0 =	rddreg [dreg:$0x0]  }
0x2: {  	s2 =	rddreg [dreg:$0x1]  }
0x3: {  	s4 =	rddreg [dreg:$0x2]  }
0x4: {  	s11 =	rddreg [dreg:$0x3];
	s1 =	srdreg.scid  }
0x5: {  	s10 =	stileid.u32;
	s7 =	simm.s32 $0x0;
	s20 =	simm.s32 $0x200  }
0x6: {  	s21 =	simm.s32 $0x30E00;
	s22 =	simm.s32 $0x10000;
	s23 =	simm.s32 $0x10400  }
0x7: {  	s28 =	simm.s32 $0x1;
	s29 =	simm.s32 $0x10980;
	s30 =	simm.s32 $0x2  }
0x8: {  	s31 =	simm.s32 $0x3;
	s1 =	sand.u32 $0x1, s1;
	s3 =	sshll.u32 s10, $0x1  }
0x9: {  	s5 =	sshrl.u32 s10, $0x2;
	[smem:$0x7FF] =	sst s7;
	s8 =	sadd.s32 $0x1000, s11  }
0xa: {  	p0 =	slt.u32 s10, $0x3;
	s10 =	simm.s32 $0xD;
	s3 =	sor.u32 s1, s3  }
0xb: {  	s5 =	smul.u32 $0xC00, s5;
	_ =	strace $0x80000047;
	s1 =	ssub.s32 $0x2, s1  }
0xc: {  	s10 =	simm.s32 @!p0 $0xC;
	s6 =	sshll.u32 s3, $0x7;
	s25 =	smul.u32 $0xC, s3  }
0xd: {  	s9 =	smin.u32 s3, $0x6;
	s26 =	sshrl.u32 s1, $0x1;
	s6 =	sand.u32 $0x380, s6  }
0xe: {  	s17 =	sadd.s32 $0xFFFFFFFF, s10;
	s5 =	sor.u32 s5, s6;
	s9 =	sadd.s32 s9, s25  }
.Ltmp0:
0xf: {  	s5 =	sshrl.u32 s5, $0x3;
	s6 =	sshll.u32 s9, $0x6;
	(pc) =	sbr.rel .LBB2_1-.Ltmp0, $4  }
0x10: {  	v0 =	vimm.s32 $0x0;
	v1 =	vlaneseq.u32;
	s1 =	ssub.s32 s1, s26;
	s5 =	sadd.s32 s5, s11;
	s11 =	sadd.s32 s0, s6  }
0x11: {  	v2 =	vimm.s32 $0x1;
	v6 =	vimm.s32 $0x40;
	v10 =	vimm.f32 $0.0e+00;
	s12 =	sadd.s32 s2, s6;
	s13 =	sadd.s32 s4, s6;
	s6 =	sadd.s32 $0x40, s6  }
0x12: {  	v3 =	vor.u32 $0x280, v1;
	v4 =	vor.u32 $0x500, v1;
	v5 =	vor.u32 $0x640, v1;
	p0 =	sne.s32 s3, $0x1F;
	s19 =	smax.u32 s1, $0x1;
	s14 =	sadd.s32 s0, s6  }
0x13: {  	v7 =	vor.u32 $0x780, v1;
	v8 =	vor.u32 $0x8C0, v1;
	v9 =	vor.u32 $0xA00, v1;
	s15 =	sadd.s32 s2, s6;
	s16 =	sadd.s32 s4, s6;
	s18 =	sadd.s32 $0x1200, s5  }
.LBB2_22:
0x14: {  	[tilespmem:$0x10800] =	vst v10  }
0x15: {  	[tilespmem:$0x10810] =	vst v10  }
0x16: {  	[tilespmem:$0x10820] =	vst v10  }
0x17: {  	[tilespmem:$0x10830] =	vst v10  }
0x18: {  	[tilespmem:$0x10840] =	vst v10  }
0x19: {  	[tilespmem:$0x10850] =	vst v10  }
0x1a: {  	[tilespmem:$0x10860] =	vst v10  }
0x1b: {  	[tilespmem:$0x10870] =	vst v10  }
0x1c: {  	[tilespmem:$0x10880] =	vst v10  }
0x1d: {  	[tilespmem:$0x10890] =	vst v10  }
0x1e: {  	[tilespmem:$0x108A0] =	vst v10;
	v11 =	vmul.u32 $0x10, v1  }
0x1f: {  	[tilespmem:$0x108B0] =	vst v10  }
0x20: {  	[tilespmem:$0x108C0] =	vst v10;
	v12 =	vor.u32 $0x500, v11  }
0x21: {  	[tilespmem:$0x108D0] =	vst v10;
	v13 =	vor.u32 $0x501, v11  }
0x22: {  	[tilespmem:$0x108E0] =	vst v10;
	v14 =	vor.u32 $0x502, v11  }
0x23: {  	[tilespmem:$0x108F0] =	vst v10;
	v15 =	vor.u32 $0x503, v11  }
0x24: {  	[tilespmem:$0x10900] =	vst v10;
	v16 =	vor.u32 $0x504, v11  }
0x25: {  	v17 =	vor.u32 $0x505, v11;
	v12 =	vld.idx.msk [tilespmem:v12+s29+$0x0], $0xffff  }
0x26: {  	v18 =	vor.u32 $0x506, v11;
	v13 =	vld.idx.msk [tilespmem:v13+s29+$0x0], $0xffff  }
0x27: {  	v19 =	vor.u32 $0x507, v11;
	v14 =	vld.idx.msk [tilespmem:v14+s29+$0x0], $0xffff  }
0x28: {  	v20 =	vor.u32 $0x508, v11;
	v15 =	vld.idx.msk [tilespmem:v15+s29+$0x0], $0xffff  }
0x29: {  	v21 =	vor.u32 $0x509, v11;
	v16 =	vld.idx.msk [tilespmem:v16+s29+$0x0], $0xffff  }
0x2a: {  	v22 =	vor.u32 $0x50A, v11;
	v17 =	vld.idx.msk [tilespmem:v17+s29+$0x0], $0xffff  }
0x2b: {  	v59 =	vor.u32 $0x50B, v11;
	v58 =	vld.idx.msk [tilespmem:v18+s29+$0x0], $0xffff;
	v12 =	vadd.s32 v12, v13  }
0x2c: {  	v61 =	vor.u32 $0x50C, v11;
	v60 =	vld.idx.msk [tilespmem:v19+s29+$0x0], $0xffff;
	v12 =	vadd.s32 v14, v12  }
0x2d: {  	v63 =	vor.u32 $0x50D, v11;
	v62 =	vld.idx.msk [tilespmem:v20+s29+$0x0], $0xffff;
	v12 =	vadd.s32 v15, v12  }
0x2e: {  	v25 =	vor.u32 $0x50E, v11;
	v24 =	vld.idx.msk [tilespmem:v21+s29+$0x0], $0xffff;
	v12 =	vadd.s32 v16, v12  }
0x2f: {  	v27 =	vor.u32 $0x50F, v11;
	v26 =	vld.idx.msk [tilespmem:v22+s29+$0x0], $0xffff;
	v12 =	vadd.s32 v17, v12  }
0x30: {  	v28 =	vld.idx.msk [tilespmem:v59+s29+$0x0], $0xffff;
	v12 =	vadd.s32 v58, v12  }
0x31: {  	v29 =	vld.idx.msk [tilespmem:v61+s29+$0x0], $0xffff;
	v12 =	vadd.s32 v60, v12  }
0x32: {  	v30 =	vld.idx.msk [tilespmem:v63+s29+$0x0], $0xffff;
	v12 =	vadd.s32 v62, v12  }
0x33: {  	v31 =	vld.idx.msk [tilespmem:v25+s29+$0x0], $0xffff;
	v12 =	vadd.s32 v24, v12  }
0x34: {  	v32 =	vld.idx.msk [tilespmem:v27+s29+$0x0], $0xffff;
	v12 =	vadd.s32 v26, v12  }
0x35: {  	v12 =	vadd.s32 v28, v12  }
0x36: {  	v12 =	vadd.s32 v29, v12  }
0x37: {  	v12 =	vadd.s32 v30, v12  }
0x38: {  	v33 =	vor.u32 $0x600, v11;
	v12 =	vadd.s32 v31, v12  }
0x39: {  	v34 =	vor.u32 $0x601, v11;
	v12 =	vadd.s32 v32, v12  }
0x3a: {  	v35 =	vor.u32 $0x602, v11;
	v12 =	vcvt.s32.f32 v12  }
0x3b: {  	v36 =	vor.u32 $0x603, v11  }
0x3c: {  	v37 =	vor.u32 $0x604, v11;
	[tilespmem:$0x10850] =	vst v12  }
0x3d: {  	v38 =	vor.u32 $0x605, v11;
	v13 =	vld.idx.msk [tilespmem:v33+s29+$0x0], $0xffff  }
0x3e: {  	v39 =	vor.u32 $0x606, v11;
	v14 =	vld.idx.msk [tilespmem:v34+s29+$0x0], $0xffff  }
0x3f: {  	v40 =	vor.u32 $0x607, v11;
	v15 =	vld.idx.msk [tilespmem:v35+s29+$0x0], $0xffff  }
0x40: {  	v41 =	vor.u32 $0x608, v11;
	v16 =	vld.idx.msk [tilespmem:v36+s29+$0x0], $0xffff  }
0x41: {  	v42 =	vor.u32 $0x609, v11;
	v12 =	vld.idx.msk [tilespmem:v37+s29+$0x0], $0xffff  }
0x42: {  	v43 =	vor.u32 $0x60A, v11;
	v17 =	vld.idx.msk [tilespmem:v38+s29+$0x0], $0xffff  }
0x43: {  	v45 =	vor.u32 $0x60B, v11;
	v44 =	vld.idx.msk [tilespmem:v39+s29+$0x0], $0xffff;
	v13 =	vadd.s32 v13, v14  }
0x44: {  	v47 =	vor.u32 $0x60C, v11;
	v46 =	vld.idx.msk [tilespmem:v40+s29+$0x0], $0xffff;
	v13 =	vadd.s32 v15, v13  }
0x45: {  	v49 =	vor.u32 $0x60D, v11;
	v48 =	vld.idx.msk [tilespmem:v41+s29+$0x0], $0xffff;
	v13 =	vadd.s32 v16, v13  }
0x46: {  	v51 =	vor.u32 $0x60E, v11;
	v50 =	vld.idx.msk [tilespmem:v42+s29+$0x0], $0xffff;
	v12 =	vadd.s32 v12, v13  }
0x47: {  	v53 =	vor.u32 $0x60F, v11;
	v52 =	vld.idx.msk [tilespmem:v43+s29+$0x0], $0xffff;
	v12 =	vadd.s32 v17, v12  }
0x48: {  	v54 =	vld.idx.msk [tilespmem:v45+s29+$0x0], $0xffff;
	v12 =	vadd.s32 v44, v12  }
0x49: {  	v55 =	vld.idx.msk [tilespmem:v47+s29+$0x0], $0xffff;
	v12 =	vadd.s32 v46, v12  }
0x4a: {  	v56 =	vld.idx.msk [tilespmem:v49+s29+$0x0], $0xffff;
	v12 =	vadd.s32 v48, v12  }
0x4b: {  	v57 =	vld.idx.msk [tilespmem:v51+s29+$0x0], $0xffff;
	v12 =	vadd.s32 v50, v12  }
0x4c: {  	v58 =	vld.idx.msk [tilespmem:v53+s29+$0x0], $0xffff;
	v12 =	vadd.s32 v52, v12  }
0x4d: {  	v12 =	vadd.s32 v54, v12  }
0x4e: {  	v12 =	vadd.s32 v55, v12  }
0x4f: {  	v12 =	vadd.s32 v56, v12  }
0x50: {  	v59 =	vor.u32 $0x700, v11;
	v12 =	vadd.s32 v57, v12  }
0x51: {  	v60 =	vor.u32 $0x701, v11;
	v12 =	vadd.s32 v58, v12  }
0x52: {  	v61 =	vor.u32 $0x702, v11;
	v12 =	vcvt.s32.f32 v12  }
0x53: {  	v62 =	vor.u32 $0x703, v11  }
0x54: {  	v63 =	vor.u32 $0x704, v11;
	[tilespmem:$0x10860] =	vst v12  }
0x55: {  	v24 =	vor.u32 $0x705, v11;
	v13 =	vld.idx.msk [tilespmem:v59+s29+$0x0], $0xffff  }
0x56: {  	v25 =	vor.u32 $0x706, v11;
	v14 =	vld.idx.msk [tilespmem:v60+s29+$0x0], $0xffff  }
0x57: {  	v26 =	vor.u32 $0x707, v11;
	v15 =	vld.idx.msk [tilespmem:v61+s29+$0x0], $0xffff  }
0x58: {  	v27 =	vor.u32 $0x708, v11;
	v16 =	vld.idx.msk [tilespmem:v62+s29+$0x0], $0xffff  }
0x59: {  	v28 =	vor.u32 $0x709, v11;
	v12 =	vld.idx.msk [tilespmem:v63+s29+$0x0], $0xffff  }
0x5a: {  	v29 =	vor.u32 $0x70A, v11;
	v17 =	vld.idx.msk [tilespmem:v24+s29+$0x0], $0xffff  }
0x5b: {  	v31 =	vor.u32 $0x70B, v11;
	v30 =	vld.idx.msk [tilespmem:v25+s29+$0x0], $0xffff;
	v13 =	vadd.s32 v13, v14  }
0x5c: {  	v33 =	vor.u32 $0x70C, v11;
	v32 =	vld.idx.msk [tilespmem:v26+s29+$0x0], $0xffff;
	v13 =	vadd.s32 v15, v13  }
0x5d: {  	v35 =	vor.u32 $0x70D, v11;
	v34 =	vld.idx.msk [tilespmem:v27+s29+$0x0], $0xffff;
	v13 =	vadd.s32 v16, v13  }
0x5e: {  	v37 =	vor.u32 $0x70E, v11;
	v36 =	vld.idx.msk [tilespmem:v28+s29+$0x0], $0xffff;
	v12 =	vadd.s32 v12, v13  }
0x5f: {  	v39 =	vor.u32 $0x70F, v11;
	v38 =	vld.idx.msk [tilespmem:v29+s29+$0x0], $0xffff;
	v12 =	vadd.s32 v17, v12  }
0x60: {  	v40 =	vld.idx.msk [tilespmem:v31+s29+$0x0], $0xffff;
	v12 =	vadd.s32 v30, v12  }
0x61: {  	v41 =	vld.idx.msk [tilespmem:v33+s29+$0x0], $0xffff;
	v12 =	vadd.s32 v32, v12  }
0x62: {  	v42 =	vld.idx.msk [tilespmem:v35+s29+$0x0], $0xffff;
	v12 =	vadd.s32 v34, v12  }
0x63: {  	v43 =	vld.idx.msk [tilespmem:v37+s29+$0x0], $0xffff;
	v12 =	vadd.s32 v36, v12  }
0x64: {  	v44 =	vld.idx.msk [tilespmem:v39+s29+$0x0], $0xffff;
	v12 =	vadd.s32 v38, v12  }
0x65: {  	v12 =	vadd.s32 v40, v12  }
0x66: {  	v12 =	vadd.s32 v41, v12  }
0x67: {  	v12 =	vadd.s32 v42, v12  }
0x68: {  	v45 =	vor.u32 $0x800, v11;
	v12 =	vadd.s32 v43, v12  }
0x69: {  	v46 =	vor.u32 $0x801, v11;
	v12 =	vadd.s32 v44, v12  }
0x6a: {  	v47 =	vor.u32 $0x802, v11;
	v12 =	vcvt.s32.f32 v12  }
0x6b: {  	v48 =	vor.u32 $0x803, v11  }
0x6c: {  	v49 =	vor.u32 $0x804, v11;
	[tilespmem:$0x10870] =	vst v12  }
0x6d: {  	v50 =	vor.u32 $0x805, v11;
	v13 =	vld.idx.msk [tilespmem:v45+s29+$0x0], $0xffff  }
0x6e: {  	v51 =	vor.u32 $0x806, v11;
	v14 =	vld.idx.msk [tilespmem:v46+s29+$0x0], $0xffff  }
0x6f: {  	v52 =	vor.u32 $0x807, v11;
	v15 =	vld.idx.msk [tilespmem:v47+s29+$0x0], $0xffff  }
0x70: {  	v53 =	vor.u32 $0x808, v11;
	v16 =	vld.idx.msk [tilespmem:v48+s29+$0x0], $0xffff  }
0x71: {  	v54 =	vor.u32 $0x809, v11;
	v12 =	vld.idx.msk [tilespmem:v49+s29+$0x0], $0xffff  }
0x72: {  	v55 =	vor.u32 $0x80A, v11;
	v17 =	vld.idx.msk [tilespmem:v50+s29+$0x0], $0xffff  }
0x73: {  	v57 =	vor.u32 $0x80B, v11;
	v56 =	vld.idx.msk [tilespmem:v51+s29+$0x0], $0xffff;
	v13 =	vadd.s32 v13, v14  }
0x74: {  	v59 =	vor.u32 $0x80C, v11;
	v58 =	vld.idx.msk [tilespmem:v52+s29+$0x0], $0xffff;
	v13 =	vadd.s32 v15, v13  }
0x75: {  	v61 =	vor.u32 $0x80D, v11;
	v60 =	vld.idx.msk [tilespmem:v53+s29+$0x0], $0xffff;
	v13 =	vadd.s32 v16, v13  }
0x76: {  	v63 =	vor.u32 $0x80E, v11;
	v62 =	vld.idx.msk [tilespmem:v54+s29+$0x0], $0xffff;
	v12 =	vadd.s32 v12, v13  }
0x77: {  	v25 =	vor.u32 $0x80F, v11;
	v24 =	vld.idx.msk [tilespmem:v55+s29+$0x0], $0xffff;
	v12 =	vadd.s32 v17, v12  }
0x78: {  	v26 =	vld.idx.msk [tilespmem:v57+s29+$0x0], $0xffff;
	v12 =	vadd.s32 v56, v12  }
0x79: {  	v27 =	vld.idx.msk [tilespmem:v59+s29+$0x0], $0xffff;
	v12 =	vadd.s32 v58, v12  }
0x7a: {  	v28 =	vld.idx.msk [tilespmem:v61+s29+$0x0], $0xffff;
	v12 =	vadd.s32 v60, v12  }
0x7b: {  	v29 =	vld.idx.msk [tilespmem:v63+s29+$0x0], $0xffff;
	v12 =	vadd.s32 v62, v12  }
0x7c: {  	v30 =	vld.idx.msk [tilespmem:v25+s29+$0x0], $0xffff;
	v12 =	vadd.s32 v24, v12  }
0x7d: {  	v12 =	vadd.s32 v26, v12  }
0x7e: {  	v12 =	vadd.s32 v27, v12  }
0x7f: {  	v12 =	vadd.s32 v28, v12  }
0x80: {  	v31 =	vor.u32 $0x900, v11;
	v12 =	vadd.s32 v29, v12  }
0x81: {  	v32 =	vor.u32 $0x901, v11;
	v12 =	vadd.s32 v30, v12  }
0x82: {  	v33 =	vor.u32 $0x902, v11;
	v12 =	vcvt.s32.f32 v12  }
0x83: {  	v34 =	vor.u32 $0x903, v11  }
0x84: {  	v35 =	vor.u32 $0x904, v11;
	[tilespmem:$0x10880] =	vst v12  }
0x85: {  	v36 =	vor.u32 $0x905, v11;
	v13 =	vld.idx.msk [tilespmem:v31+s29+$0x0], $0xffff  }
0x86: {  	v37 =	vor.u32 $0x906, v11;
	v14 =	vld.idx.msk [tilespmem:v32+s29+$0x0], $0xffff  }
0x87: {  	v38 =	vor.u32 $0x907, v11;
	v15 =	vld.idx.msk [tilespmem:v33+s29+$0x0], $0xffff  }
0x88: {  	v39 =	vor.u32 $0x908, v11;
	v16 =	vld.idx.msk [tilespmem:v34+s29+$0x0], $0xffff  }
0x89: {  	v40 =	vor.u32 $0x909, v11;
	v12 =	vld.idx.msk [tilespmem:v35+s29+$0x0], $0xffff  }
0x8a: {  	v41 =	vor.u32 $0x90A, v11;
	v17 =	vld.idx.msk [tilespmem:v36+s29+$0x0], $0xffff  }
0x8b: {  	v43 =	vor.u32 $0x90B, v11;
	v42 =	vld.idx.msk [tilespmem:v37+s29+$0x0], $0xffff;
	v13 =	vadd.s32 v13, v14  }
0x8c: {  	v45 =	vor.u32 $0x90C, v11;
	v44 =	vld.idx.msk [tilespmem:v38+s29+$0x0], $0xffff;
	v13 =	vadd.s32 v15, v13  }
0x8d: {  	v47 =	vor.u32 $0x90D, v11;
	v46 =	vld.idx.msk [tilespmem:v39+s29+$0x0], $0xffff;
	v13 =	vadd.s32 v16, v13  }
0x8e: {  	v49 =	vor.u32 $0x90E, v11;
	v48 =	vld.idx.msk [tilespmem:v40+s29+$0x0], $0xffff;
	v12 =	vadd.s32 v12, v13  }
0x8f: {  	v51 =	vor.u32 $0x90F, v11;
	v50 =	vld.idx.msk [tilespmem:v41+s29+$0x0], $0xffff;
	v12 =	vadd.s32 v17, v12  }
0x90: {  	v52 =	vld.idx.msk [tilespmem:v43+s29+$0x0], $0xffff;
	v12 =	vadd.s32 v42, v12  }
0x91: {  	v53 =	vld.idx.msk [tilespmem:v45+s29+$0x0], $0xffff;
	v12 =	vadd.s32 v44, v12  }
0x92: {  	v54 =	vld.idx.msk [tilespmem:v47+s29+$0x0], $0xffff;
	v12 =	vadd.s32 v46, v12  }
0x93: {  	v55 =	vld.idx.msk [tilespmem:v49+s29+$0x0], $0xffff;
	v12 =	vadd.s32 v48, v12  }
0x94: {  	v56 =	vld.idx.msk [tilespmem:v51+s29+$0x0], $0xffff;
	v12 =	vadd.s32 v50, v12  }
0x95: {  	v12 =	vadd.s32 v52, v12  }
0x96: {  	v12 =	vadd.s32 v53, v12  }
0x97: {  	v12 =	vadd.s32 v54, v12  }
0x98: {  	v57 =	vor.u32 $0xA00, v11;
	v12 =	vadd.s32 v55, v12  }
0x99: {  	v58 =	vor.u32 $0xA01, v11;
	v12 =	vadd.s32 v56, v12  }
0x9a: {  	v59 =	vor.u32 $0xA02, v11;
	v12 =	vcvt.s32.f32 v12  }
0x9b: {  	v60 =	vor.u32 $0xA03, v11  }
0x9c: {  	v61 =	vor.u32 $0xA04, v11;
	[tilespmem:$0x10890] =	vst v12  }
0x9d: {  	v62 =	vor.u32 $0xA05, v11;
	v13 =	vld.idx.msk [tilespmem:v57+s29+$0x0], $0xffff  }
0x9e: {  	v63 =	vor.u32 $0xA06, v11;
	v14 =	vld.idx.msk [tilespmem:v58+s29+$0x0], $0xffff  }
0x9f: {  	v24 =	vor.u32 $0xA07, v11;
	v15 =	vld.idx.msk [tilespmem:v59+s29+$0x0], $0xffff  }
0xa0: {  	v25 =	vor.u32 $0xA08, v11;
	v16 =	vld.idx.msk [tilespmem:v60+s29+$0x0], $0xffff  }
0xa1: {  	v26 =	vor.u32 $0xA09, v11;
	v12 =	vld.idx.msk [tilespmem:v61+s29+$0x0], $0xffff  }
0xa2: {  	v27 =	vor.u32 $0xA0A, v11;
	v17 =	vld.idx.msk [tilespmem:v62+s29+$0x0], $0xffff  }
0xa3: {  	v29 =	vor.u32 $0xA0B, v11;
	v28 =	vld.idx.msk [tilespmem:v63+s29+$0x0], $0xffff;
	v13 =	vadd.s32 v13, v14  }
0xa4: {  	v31 =	vor.u32 $0xA0C, v11;
	v30 =	vld.idx.msk [tilespmem:v24+s29+$0x0], $0xffff;
	v13 =	vadd.s32 v15, v13  }
0xa5: {  	v33 =	vor.u32 $0xA0D, v11;
	v32 =	vld.idx.msk [tilespmem:v25+s29+$0x0], $0xffff;
	v13 =	vadd.s32 v16, v13  }
0xa6: {  	v35 =	vor.u32 $0xA0E, v11;
	v34 =	vld.idx.msk [tilespmem:v26+s29+$0x0], $0xffff;
	v12 =	vadd.s32 v12, v13  }
0xa7: {  	v37 =	vor.u32 $0xA0F, v11;
	v36 =	vld.idx.msk [tilespmem:v27+s29+$0x0], $0xffff;
	v12 =	vadd.s32 v17, v12  }
0xa8: {  	v38 =	vld.idx.msk [tilespmem:v29+s29+$0x0], $0xffff;
	v12 =	vadd.s32 v28, v12  }
0xa9: {  	v39 =	vld.idx.msk [tilespmem:v31+s29+$0x0], $0xffff;
	v12 =	vadd.s32 v30, v12  }
0xaa: {  	v40 =	vld.idx.msk [tilespmem:v33+s29+$0x0], $0xffff;
	v12 =	vadd.s32 v32, v12  }
0xab: {  	v41 =	vld.idx.msk [tilespmem:v35+s29+$0x0], $0xffff;
	v12 =	vadd.s32 v34, v12  }
0xac: {  	v42 =	vld.idx.msk [tilespmem:v37+s29+$0x0], $0xffff;
	v12 =	vadd.s32 v36, v12  }
0xad: {  	v12 =	vadd.s32 v38, v12  }
0xae: {  	v12 =	vadd.s32 v39, v12  }
0xaf: {  	v12 =	vadd.s32 v40, v12  }
0xb0: {  	v43 =	vor.u32 $0xB00, v11;
	v12 =	vadd.s32 v41, v12  }
0xb1: {  	v44 =	vor.u32 $0xB01, v11;
	v12 =	vadd.s32 v42, v12  }
0xb2: {  	v45 =	vor.u32 $0xB02, v11;
	v12 =	vcvt.s32.f32 v12  }
0xb3: {  	v46 =	vor.u32 $0xB03, v11  }
0xb4: {  	v47 =	vor.u32 $0xB04, v11;
	[tilespmem:$0x108A0] =	vst v12  }
0xb5: {  	v48 =	vor.u32 $0xB05, v11;
	v13 =	vld.idx.msk [tilespmem:v43+s29+$0x0], $0xffff  }
0xb6: {  	v49 =	vor.u32 $0xB06, v11;
	v14 =	vld.idx.msk [tilespmem:v44+s29+$0x0], $0xffff  }
0xb7: {  	v50 =	vor.u32 $0xB07, v11;
	v15 =	vld.idx.msk [tilespmem:v45+s29+$0x0], $0xffff  }
0xb8: {  	v51 =	vor.u32 $0xB08, v11;
	v16 =	vld.idx.msk [tilespmem:v46+s29+$0x0], $0xffff  }
0xb9: {  	v52 =	vor.u32 $0xB09, v11;
	v12 =	vld.idx.msk [tilespmem:v47+s29+$0x0], $0xffff  }
0xba: {  	v53 =	vor.u32 $0xB0A, v11;
	v17 =	vld.idx.msk [tilespmem:v48+s29+$0x0], $0xffff  }
0xbb: {  	v55 =	vor.u32 $0xB0B, v11;
	v54 =	vld.idx.msk [tilespmem:v49+s29+$0x0], $0xffff;
	v13 =	vadd.s32 v13, v14  }
0xbc: {  	v57 =	vor.u32 $0xB0C, v11;
	v56 =	vld.idx.msk [tilespmem:v50+s29+$0x0], $0xffff;
	v13 =	vadd.s32 v15, v13  }
0xbd: {  	v59 =	vor.u32 $0xB0D, v11;
	v58 =	vld.idx.msk [tilespmem:v51+s29+$0x0], $0xffff;
	v13 =	vadd.s32 v16, v13  }
0xbe: {  	v61 =	vor.u32 $0xB0E, v11;
	v60 =	vld.idx.msk [tilespmem:v52+s29+$0x0], $0xffff;
	v12 =	vadd.s32 v12, v13  }
0xbf: {  	v63 =	vor.u32 $0xB0F, v11;
	v62 =	vld.idx.msk [tilespmem:v53+s29+$0x0], $0xffff;
	v12 =	vadd.s32 v17, v12  }
0xc0: {  	v23 =	vld.idx.msk [tilespmem:v55+s29+$0x0], $0xffff;
	v12 =	vadd.s32 v54, v12  }
0xc1: {  	v24 =	vld.idx.msk [tilespmem:v57+s29+$0x0], $0xffff;
	v12 =	vadd.s32 v56, v12  }
0xc2: {  	v25 =	vld.idx.msk [tilespmem:v59+s29+$0x0], $0xffff;
	v12 =	vadd.s32 v58, v12  }
0xc3: {  	v26 =	vld.idx.msk [tilespmem:v61+s29+$0x0], $0xffff;
	v12 =	vadd.s32 v60, v12  }
0xc4: {  	v27 =	vld.idx.msk [tilespmem:v63+s29+$0x0], $0xffff;
	v12 =	vadd.s32 v62, v12  }
0xc5: {  	v12 =	vadd.s32 v23, v12  }
0xc6: {  	v12 =	vadd.s32 v24, v12  }
0xc7: {  	v12 =	vadd.s32 v25, v12  }
0xc8: {  	v12 =	vadd.s32 v26, v12  }
0xc9: {  	v28 =	vor.u32 $0x1, v11;
	v12 =	vadd.s32 v27, v12  }
0xca: {  	v29 =	vor.u32 $0x2, v11;
	v12 =	vcvt.s32.f32 v12  }
0xcb: {  	v30 =	vor.u32 $0x3, v11  }
0xcc: {  	v31 =	vor.u32 $0x4, v11;
	[tilespmem:$0x108B0] =	vst v12  }
0xcd: {  	v32 =	vor.u32 $0x5, v11;
	v12 =	vld.idx.msk [tilespmem:v11+s29+$0x0], $0xffff  }
0xce: {  	v35 =	vor.u32 $0x6, v11;
	v13 =	vld.idx.msk [tilespmem:v28+s29+$0x0], $0xffff  }
0xcf: {  	v37 =	vor.u32 $0x7, v11;
	v14 =	vld.idx.msk [tilespmem:v29+s29+$0x0], $0xffff  }
0xd0: {  	v40 =	vor.u32 $0x8, v11;
	v15 =	vld.idx.msk [tilespmem:v30+s29+$0x0], $0xffff  }
0xd1: {  	v44 =	vor.u32 $0xA, v11;
	v16 =	vld.idx.msk [tilespmem:v31+s29+$0x0], $0xffff  }
0xd2: {  	v47 =	vor.u32 $0xB, v11;
	v17 =	vld.idx.msk [tilespmem:v32+s29+$0x0], $0xffff  }
0xd3: {  	v49 =	vor.u32 $0xC, v11;
	v41 =	vld.idx.msk [tilespmem:v35+s29+$0x0], $0xffff  }
0xd4: {  	v42 =	vor.u32 $0x9, v11;
	v53 =	vor.u32 $0xE, v11;
	v56 =	vor.u32 $0xF, v11;
	v45 =	vld.idx.msk [tilespmem:v37+s29+$0x0], $0xffff  }
0xd5: {  	v23 =	vor.u32 $0xD, v11;
	v48 =	vld.idx.msk [tilespmem:v40+s29+$0x0], $0xffff;
	v32 =	vor.u32 $0x100, v11;
	v33 =	vand.u32 $0xFFFF, v12  }
0xd6: {  	v51 =	vld.idx.msk [tilespmem:v44+s29+$0x0], $0xffff;
	v34 =	vand.u32 $0xFFFF, v13;
	v12 =	vshrl.u32 v12, $0x10;
	v13 =	vshrl.u32 v13, $0x10  }
0xd7: {  	v55 =	vld.idx.msk [tilespmem:v47+s29+$0x0], $0xffff;
	v36 =	vand.u32 $0xFFFF, v14;
	v14 =	vshrl.u32 v14, $0x10;
	v39 =	vand.u32 $0xFFFF, v15  }
0xd8: {  	v19 =	vld.idx.msk [tilespmem:v49+s29+$0x0], $0xffff;
	v15 =	vshrl.u32 v15, $0x10;
	v43 =	vand.u32 $0xFFFF, v16;
	v16 =	vshrl.u32 v16, $0x10  }
0xd9: {  	v46 =	vand.u32 $0xFFFF, v17;
	v17 =	vshrl.u32 v17, $0x10;
	v50 =	vand.u32 $0xFFFF, v41  }
0xda: {  	v59 =	vld.idx.msk [tilespmem:v23+s29+$0x0], $0xffff;
	v52 =	vand.u32 $0xFFFF, v45;
	v54 =	vshrl.u32 v45, $0x10;
	v57 =	vand.u32 $0xFFFF, v48  }
0xdb: {  	v61 =	vand.u32 $0xFFFF, v51;
	v62 =	vshrl.u32 v51, $0x10;
	v18 =	vadd.s32 v33, v34  }
0xdc: {  	v22 =	vand.u32 $0xFFFF, v55;
	v12 =	vadd.s32 v12, v13;
	v38 =	vadd.s32 v36, v18  }
0xdd: {  	v24 =	vand.u32 $0xFFFF, v19;
	v12 =	vadd.s32 v14, v12;
	v18 =	vld.idx.msk [tilespmem:v42+s29+$0x0], $0xffff;
	v13 =	vadd.s32 v39, v38  }
0xde: {  	v25 =	vshrl.u32 v19, $0x10;
	v12 =	vadd.s32 v15, v12;
	v13 =	vadd.s32 v43, v13  }
0xdf: {  	v26 =	vand.u32 $0xFFFF, v59;
	v12 =	vadd.s32 v16, v12;
	v13 =	vadd.s32 v46, v13  }
0xe0: {  	v14 =	vshrl.u32 v41, $0x10;
	v12 =	vadd.s32 v17, v12;
	v13 =	vadd.s32 v50, v13  }
0xe1: {  	v63 =	vld.idx.msk [tilespmem:v53+s29+$0x0], $0xffff;
	v16 =	vshrl.u32 v48, $0x10;
	v12 =	vadd.s32 v14, v12;
	v13 =	vadd.s32 v52, v13  }
0xe2: {  	v12 =	vadd.s32 v54, v12;
	v58 =	vand.u32 $0xFFFF, v18;
	v13 =	vadd.s32 v57, v13  }
0xe3: {  	v23 =	vld.idx.msk [tilespmem:v56+s29+$0x0], $0xffff;
	v60 =	vshrl.u32 v18, $0x10;
	v12 =	vadd.s32 v16, v12;
	v13 =	vadd.s32 v58, v13  }
0xe4: {  	v27 =	vshrl.u32 v59, $0x10;
	v12 =	vadd.s32 v60, v12;
	v13 =	vadd.s32 v61, v13  }
0xe5: {  	v15 =	vshrl.u32 v55, $0x10;
	v12 =	vadd.s32 v62, v12;
	v13 =	vadd.s32 v22, v13  }
0xe6: {  	v28 =	vand.u32 $0xFFFF, v63;
	v12 =	vadd.s32 v15, v12;
	v13 =	vadd.s32 v24, v13  }
0xe7: {  	v29 =	vshrl.u32 v63, $0x10;
	v12 =	vadd.s32 v25, v12;
	v13 =	vadd.s32 v26, v13  }
0xe8: {  	v30 =	vand.u32 $0xFFFF, v23;
	v12 =	vadd.s32 v27, v12;
	v13 =	vadd.s32 v28, v13  }
0xe9: {  	v31 =	vshrl.u32 v23, $0x10;
	v12 =	vadd.s32 v29, v12;
	v13 =	vadd.s32 v30, v13  }
0xea: {  	v33 =	vor.u32 $0x101, v11;
	v12 =	vadd.s32 v31, v12;
	v13 =	vcvt.s32.f32 v13  }
0xeb: {  	v34 =	vor.u32 $0x102, v11;
	v12 =	vcvt.s32.f32 v12  }
0xec: {  	v35 =	vor.u32 $0x103, v11;
	[tilespmem:$0x10800] =	vst v13  }
0xed: {  	v36 =	vor.u32 $0x104, v11;
	[tilespmem:$0x108B4] =	vst v12  }
0xee: {  	v37 =	vor.u32 $0x105, v11;
	v12 =	vld.idx.msk [tilespmem:v32+s29+$0x0], $0xffff  }
0xef: {  	v40 =	vor.u32 $0x106, v11;
	v14 =	vld.idx.msk [tilespmem:v33+s29+$0x0], $0xffff  }
0xf0: {  	v42 =	vor.u32 $0x107, v11;
	v13 =	vld.idx.msk [tilespmem:v34+s29+$0x0], $0xffff  }
0xf1: {  	v45 =	vor.u32 $0x108, v11;
	v15 =	vld.idx.msk [tilespmem:v35+s29+$0x0], $0xffff  }
0xf2: {  	v50 =	vor.u32 $0x10A, v11;
	v16 =	vld.idx.msk [tilespmem:v36+s29+$0x0], $0xffff  }
0xf3: {  	v53 =	vor.u32 $0x10B, v11;
	v17 =	vld.idx.msk [tilespmem:v37+s29+$0x0], $0xffff  }
0xf4: {  	v55 =	vor.u32 $0x10C, v11;
	v47 =	vld.idx.msk [tilespmem:v40+s29+$0x0], $0xffff  }
0xf5: {  	v63 =	vor.u32 $0x10F, v11;
	v48 =	vor.u32 $0x109, v11;
	v57 =	vor.u32 $0x10D, v11;
	v51 =	vld.idx.msk [tilespmem:v42+s29+$0x0], $0xffff  }
0xf6: {  	v60 =	vor.u32 $0x10E, v11;
	v54 =	vld.idx.msk [tilespmem:v45+s29+$0x0], $0xffff;
	v40 =	vor.u32 $0x200, v11;
	v38 =	vand.u32 $0xFFFF, v12  }
0xf7: {  	v58 =	vld.idx.msk [tilespmem:v50+s29+$0x0], $0xffff;
	v39 =	vand.u32 $0xFFFF, v14;
	v12 =	vshrl.u32 v12, $0x10;
	v14 =	vshrl.u32 v14, $0x10  }
0xf8: {  	v62 =	vld.idx.msk [tilespmem:v53+s29+$0x0], $0xffff;
	v41 =	vand.u32 $0xFFFF, v13;
	v13 =	vshrl.u32 v13, $0x10;
	v44 =	vand.u32 $0xFFFF, v15  }
0xf9: {  	v19 =	vld.idx.msk [tilespmem:v55+s29+$0x0], $0xffff;
	v15 =	vshrl.u32 v15, $0x10;
	v49 =	vand.u32 $0xFFFF, v16;
	v16 =	vshrl.u32 v16, $0x10  }
0xfa: {  	v52 =	vand.u32 $0xFFFF, v17;
	v17 =	vshrl.u32 v17, $0x10;
	v56 =	vand.u32 $0xFFFF, v47  }
0xfb: {  	v25 =	vld.idx.msk [tilespmem:v57+s29+$0x0], $0xffff;
	v59 =	vand.u32 $0xFFFF, v51;
	v61 =	vshrl.u32 v51, $0x10;
	v22 =	vand.u32 $0xFFFF, v54  }
0xfc: {  	v27 =	vand.u32 $0xFFFF, v58;
	v28 =	vshrl.u32 v58, $0x10;
	v18 =	vadd.s32 v38, v39  }
0xfd: {  	v30 =	vand.u32 $0xFFFF, v62;
	v12 =	vadd.s32 v12, v14;
	v43 =	vadd.s32 v41, v18  }
0xfe: {  	v32 =	vand.u32 $0xFFFF, v19;
	v12 =	vadd.s32 v13, v12;
	v18 =	vld.idx.msk [tilespmem:v48+s29+$0x0], $0xffff;
	v46 =	vadd.s32 v44, v43  }
0xff: {  	v33 =	vshrl.u32 v19, $0x10;
	v12 =	vadd.s32 v15, v12;
	v13 =	vadd.s32 v49, v46  }
0x100: {  	v34 =	vand.u32 $0xFFFF, v25;
	v12 =	vadd.s32 v16, v12;
	v13 =	vadd.s32 v52, v13  }
0x101: {  	v14 =	vshrl.u32 v47, $0x10;
	v12 =	vadd.s32 v17, v12;
	v13 =	vadd.s32 v56, v13  }
0x102: {  	v29 =	vld.idx.msk [tilespmem:v60+s29+$0x0], $0xffff;
	v16 =	vshrl.u32 v54, $0x10;
	v12 =	vadd.s32 v14, v12;
	v13 =	vadd.s32 v59, v13  }
0x103: {  	v12 =	vadd.s32 v61, v12;
	v24 =	vand.u32 $0xFFFF, v18;
	v13 =	vadd.s32 v22, v13  }
0x104: {  	v31 =	vld.idx.msk [tilespmem:v63+s29+$0x0], $0xffff;
	v26 =	vshrl.u32 v18, $0x10;
	v12 =	vadd.s32 v16, v12;
	v13 =	vadd.s32 v24, v13  }
0x105: {  	v35 =	vshrl.u32 v25, $0x10;
	v12 =	vadd.s32 v26, v12;
	v13 =	vadd.s32 v27, v13  }
0x106: {  	v15 =	vshrl.u32 v62, $0x10;
	v12 =	vadd.s32 v28, v12;
	v13 =	vadd.s32 v30, v13  }
0x107: {  	v36 =	vand.u32 $0xFFFF, v29;
	v12 =	vadd.s32 v15, v12;
	v13 =	vadd.s32 v32, v13  }
0x108: {  	v37 =	vshrl.u32 v29, $0x10;
	v12 =	vadd.s32 v33, v12;
	v13 =	vadd.s32 v34, v13  }
0x109: {  	v38 =	vand.u32 $0xFFFF, v31;
	v12 =	vadd.s32 v35, v12;
	v13 =	vadd.s32 v36, v13  }
0x10a: {  	v39 =	vshrl.u32 v31, $0x10;
	v12 =	vadd.s32 v37, v12;
	v13 =	vadd.s32 v38, v13  }
0x10b: {  	v41 =	vor.u32 $0x201, v11;
	v12 =	vadd.s32 v39, v12;
	v13 =	vcvt.s32.f32 v13  }
0x10c: {  	v42 =	vor.u32 $0x202, v11;
	v12 =	vcvt.s32.f32 v12  }
0x10d: {  	v43 =	vor.u32 $0x203, v11;
	[tilespmem:$0x10810] =	vst v13  }
0x10e: {  	v44 =	vor.u32 $0x204, v11;
	[tilespmem:$0x108C4] =	vst v12  }
0x10f: {  	v45 =	vor.u32 $0x205, v11;
	v12 =	vld.idx.msk [tilespmem:v40+s29+$0x0], $0xffff  }
0x110: {  	v48 =	vor.u32 $0x206, v11;
	v14 =	vld.idx.msk [tilespmem:v41+s29+$0x0], $0xffff  }
0x111: {  	v50 =	vor.u32 $0x207, v11;
	v13 =	vld.idx.msk [tilespmem:v42+s29+$0x0], $0xffff  }
0x112: {  	v53 =	vor.u32 $0x208, v11;
	v15 =	vld.idx.msk [tilespmem:v43+s29+$0x0], $0xffff  }
0x113: {  	v58 =	vor.u32 $0x20A, v11;
	v16 =	vld.idx.msk [tilespmem:v44+s29+$0x0], $0xffff  }
0x114: {  	v61 =	vor.u32 $0x20B, v11;
	v17 =	vld.idx.msk [tilespmem:v45+s29+$0x0], $0xffff  }
0x115: {  	v63 =	vor.u32 $0x20C, v11;
	v55 =	vld.idx.msk [tilespmem:v48+s29+$0x0], $0xffff  }
0x116: {  	v59 =	vld.idx.msk [tilespmem:v50+s29+$0x0], $0xffff  }
0x117: {  	v25 =	vor.u32 $0x20D, v11;
	v31 =	vor.u32 $0x20F, v11;
	v56 =	vor.u32 $0x209, v11;
	v62 =	vld.idx.msk [tilespmem:v53+s29+$0x0], $0xffff  }
0x118: {  	v28 =	vor.u32 $0x20E, v11;
	v26 =	vld.idx.msk [tilespmem:v58+s29+$0x0], $0xffff;
	v46 =	vand.u32 $0xFFFF, v12;
	v47 =	vand.u32 $0xFFFF, v14  }
0x119: {  	v30 =	vld.idx.msk [tilespmem:v61+s29+$0x0], $0xffff;
	v12 =	vshrl.u32 v12, $0x10;
	v14 =	vshrl.u32 v14, $0x10;
	v49 =	vand.u32 $0xFFFF, v13  }
0x11a: {  	v19 =	vld.idx.msk [tilespmem:v63+s29+$0x0], $0xffff;
	v13 =	vshrl.u32 v13, $0x10;
	v52 =	vand.u32 $0xFFFF, v15;
	v15 =	vshrl.u32 v15, $0x10  }
0x11b: {  	v57 =	vand.u32 $0xFFFF, v16;
	v16 =	vshrl.u32 v16, $0x10;
	v60 =	vand.u32 $0xFFFF, v17  }
0x11c: {  	v34 =	vld.idx.msk [tilespmem:v25+s29+$0x0], $0xffff;
	v17 =	vshrl.u32 v17, $0x10;
	v24 =	vand.u32 $0xFFFF, v55;
	v27 =	vand.u32 $0xFFFF, v59  }
0x11d: {  	v29 =	vshrl.u32 v59, $0x10;
	v32 =	vand.u32 $0xFFFF, v62;
	v36 =	vand.u32 $0xFFFF, v26  }
0x11e: {  	v37 =	vshrl.u32 v26, $0x10;
	v39 =	vand.u32 $0xFFFF, v30;
	v18 =	vadd.s32 v46, v47  }
0x11f: {  	v41 =	vand.u32 $0xFFFF, v19;
	v12 =	vadd.s32 v12, v14;
	v51 =	vadd.s32 v49, v18  }
0x120: {  	v42 =	vshrl.u32 v19, $0x10;
	v12 =	vadd.s32 v13, v12;
	v18 =	vld.idx.msk [tilespmem:v56+s29+$0x0], $0xffff;
	v54 =	vadd.s32 v52, v51  }
0x121: {  	v43 =	vand.u32 $0xFFFF, v34;
	v12 =	vadd.s32 v15, v12;
	v13 =	vadd.s32 v57, v54  }
0x122: {  	v38 =	vld.idx.msk [tilespmem:v28+s29+$0x0], $0xffff;
	v44 =	vshrl.u32 v34, $0x10;
	v12 =	vadd.s32 v16, v12;
	v13 =	vadd.s32 v60, v13  }
0x123: {  	v14 =	vshrl.u32 v55, $0x10;
	v12 =	vadd.s32 v17, v12;
	v13 =	vadd.s32 v24, v13  }
0x124: {  	v40 =	vld.idx.msk [tilespmem:v31+s29+$0x0], $0xffff;
	v16 =	vshrl.u32 v62, $0x10;
	v12 =	vadd.s32 v14, v12;
	v13 =	vadd.s32 v27, v13  }
0x125: {  	v12 =	vadd.s32 v29, v12;
	v33 =	vand.u32 $0xFFFF, v18;
	v13 =	vadd.s32 v32, v13  }
0x126: {  	v35 =	vshrl.u32 v18, $0x10;
	v12 =	vadd.s32 v16, v12;
	v13 =	vadd.s32 v33, v13  }
0x127: {  	v45 =	vand.u32 $0xFFFF, v38;
	v12 =	vadd.s32 v35, v12;
	v13 =	vadd.s32 v36, v13  }
0x128: {  	v15 =	vshrl.u32 v30, $0x10;
	v12 =	vadd.s32 v37, v12;
	v13 =	vadd.s32 v39, v13  }
0x129: {  	v48 =	vshrl.u32 v40, $0x10;
	v12 =	vadd.s32 v15, v12;
	v13 =	vadd.s32 v41, v13  }
0x12a: {  	v46 =	vshrl.u32 v38, $0x10;
	v12 =	vadd.s32 v42, v12;
	v13 =	vadd.s32 v43, v13  }
0x12b: {  	v47 =	vand.u32 $0xFFFF, v40;
	v12 =	vadd.s32 v44, v12;
	v13 =	vadd.s32 v45, v13  }
0x12c: {  	v49 =	vor.u32 $0x300, v11;
	v12 =	vadd.s32 v46, v12;
	v13 =	vadd.s32 v47, v13  }
0x12d: {  	v50 =	vor.u32 $0x301, v11;
	v12 =	vadd.s32 v48, v12;
	v13 =	vcvt.s32.f32 v13  }
0x12e: {  	v51 =	vor.u32 $0x302, v11;
	v12 =	vcvt.s32.f32 v12  }
0x12f: {  	v52 =	vor.u32 $0x303, v11;
	[tilespmem:$0x10820] =	vst v13  }
0x130: {  	v53 =	vor.u32 $0x304, v11;
	[tilespmem:$0x108D4] =	vst v12  }
0x131: {  	v54 =	vor.u32 $0x305, v11;
	v12 =	vld.idx.msk [tilespmem:v49+s29+$0x0], $0xffff  }
0x132: {  	v57 =	vor.u32 $0x306, v11;
	v14 =	vld.idx.msk [tilespmem:v50+s29+$0x0], $0xffff  }
0x133: {  	v59 =	vor.u32 $0x307, v11;
	v13 =	vld.idx.msk [tilespmem:v51+s29+$0x0], $0xffff  }
0x134: {  	v62 =	vor.u32 $0x308, v11;
	v15 =	vld.idx.msk [tilespmem:v52+s29+$0x0], $0xffff  }
0x135: {  	v27 =	vor.u32 $0x30A, v11;
	v16 =	vld.idx.msk [tilespmem:v53+s29+$0x0], $0xffff  }
0x136: {  	v30 =	vor.u32 $0x30B, v11;
	v17 =	vld.idx.msk [tilespmem:v54+s29+$0x0], $0xffff  }
0x137: {  	v32 =	vor.u32 $0x30C, v11;
	v24 =	vld.idx.msk [tilespmem:v57+s29+$0x0], $0xffff  }
0x138: {  	v28 =	vld.idx.msk [tilespmem:v59+s29+$0x0], $0xffff  }
0x139: {  	v25 =	vor.u32 $0x309, v11;
	v34 =	vor.u32 $0x30D, v11;
	v40 =	vor.u32 $0x30F, v11;
	v31 =	vld.idx.msk [tilespmem:v62+s29+$0x0], $0xffff  }
0x13a: {  	v37 =	vor.u32 $0x30E, v11;
	v35 =	vld.idx.msk [tilespmem:v27+s29+$0x0], $0xffff;
	v55 =	vand.u32 $0xFFFF, v12;
	v56 =	vand.u32 $0xFFFF, v14  }
0x13b: {  	v39 =	vld.idx.msk [tilespmem:v30+s29+$0x0], $0xffff;
	v12 =	vshrl.u32 v12, $0x10;
	v14 =	vshrl.u32 v14, $0x10;
	v58 =	vand.u32 $0xFFFF, v13  }
0x13c: {  	v19 =	vld.idx.msk [tilespmem:v32+s29+$0x0], $0xffff;
	v13 =	vshrl.u32 v13, $0x10;
	v61 =	vand.u32 $0xFFFF, v15;
	v15 =	vshrl.u32 v15, $0x10  }
0x13d: {  	v26 =	vand.u32 $0xFFFF, v16;
	v16 =	vshrl.u32 v16, $0x10;
	v29 =	vand.u32 $0xFFFF, v17  }
0x13e: {  	v43 =	vld.idx.msk [tilespmem:v34+s29+$0x0], $0xffff;
	v17 =	vshrl.u32 v17, $0x10;
	v33 =	vand.u32 $0xFFFF, v24;
	v36 =	vand.u32 $0xFFFF, v28  }
0x13f: {  	v38 =	vshrl.u32 v28, $0x10;
	v41 =	vand.u32 $0xFFFF, v31;
	v45 =	vand.u32 $0xFFFF, v35  }
0x140: {  	v46 =	vshrl.u32 v35, $0x10;
	v48 =	vand.u32 $0xFFFF, v39;
	v18 =	vadd.s32 v55, v56  }
0x141: {  	v50 =	vand.u32 $0xFFFF, v19;
	v12 =	vadd.s32 v12, v14;
	v60 =	vadd.s32 v58, v18  }
0x142: {  	v51 =	vshrl.u32 v19, $0x10;
	v12 =	vadd.s32 v13, v12;
	v18 =	vld.idx.msk [tilespmem:v25+s29+$0x0], $0xffff;
	v63 =	vadd.s32 v61, v60  }
0x143: {  	v52 =	vand.u32 $0xFFFF, v43;
	v12 =	vadd.s32 v15, v12;
	v13 =	vadd.s32 v26, v63  }
0x144: {  	v47 =	vld.idx.msk [tilespmem:v37+s29+$0x0], $0xffff;
	v53 =	vshrl.u32 v43, $0x10;
	v12 =	vadd.s32 v16, v12;
	v13 =	vadd.s32 v29, v13  }
0x145: {  	v14 =	vshrl.u32 v24, $0x10;
	v12 =	vadd.s32 v17, v12;
	v13 =	vadd.s32 v33, v13  }
0x146: {  	v49 =	vld.idx.msk [tilespmem:v40+s29+$0x0], $0xffff;
	v16 =	vshrl.u32 v31, $0x10;
	v12 =	vadd.s32 v14, v12;
	v13 =	vadd.s32 v36, v13  }
0x147: {  	v12 =	vadd.s32 v38, v12;
	v42 =	vand.u32 $0xFFFF, v18;
	v13 =	vadd.s32 v41, v13  }
0x148: {  	v44 =	vshrl.u32 v18, $0x10;
	v12 =	vadd.s32 v16, v12;
	v13 =	vadd.s32 v42, v13  }
0x149: {  	v54 =	vand.u32 $0xFFFF, v47;
	v12 =	vadd.s32 v44, v12;
	v13 =	vadd.s32 v45, v13  }
0x14a: {  	v15 =	vshrl.u32 v39, $0x10;
	v12 =	vadd.s32 v46, v12;
	v13 =	vadd.s32 v48, v13  }
0x14b: {  	v57 =	vshrl.u32 v49, $0x10;
	v12 =	vadd.s32 v15, v12;
	v13 =	vadd.s32 v50, v13  }
0x14c: {  	v55 =	vshrl.u32 v47, $0x10;
	v12 =	vadd.s32 v51, v12;
	v13 =	vadd.s32 v52, v13  }
0x14d: {  	v56 =	vand.u32 $0xFFFF, v49;
	v12 =	vadd.s32 v53, v12;
	v13 =	vadd.s32 v54, v13  }
0x14e: {  	v58 =	vor.u32 $0x400, v11;
	v12 =	vadd.s32 v55, v12;
	v13 =	vadd.s32 v56, v13  }
0x14f: {  	v59 =	vor.u32 $0x401, v11;
	v12 =	vadd.s32 v57, v12;
	v13 =	vcvt.s32.f32 v13  }
0x150: {  	v60 =	vor.u32 $0x402, v11;
	v12 =	vcvt.s32.f32 v12  }
0x151: {  	v61 =	vor.u32 $0x403, v11;
	[tilespmem:$0x10830] =	vst v13  }
0x152: {  	v62 =	vor.u32 $0x404, v11;
	[tilespmem:$0x108E4] =	vst v12  }
0x153: {  	v63 =	vor.u32 $0x405, v11;
	v12 =	vld.idx.msk [tilespmem:v58+s29+$0x0], $0xffff  }
0x154: {  	v26 =	vor.u32 $0x406, v11;
	v14 =	vld.idx.msk [tilespmem:v59+s29+$0x0], $0xffff  }
0x155: {  	v29 =	vor.u32 $0x407, v11;
	v13 =	vld.idx.msk [tilespmem:v60+s29+$0x0], $0xffff  }
0x156: {  	v31 =	vor.u32 $0x408, v11;
	v15 =	vld.idx.msk [tilespmem:v61+s29+$0x0], $0xffff  }
0x157: {  	v33 =	vor.u32 $0x409, v11;
	v27 =	vld.idx.msk [tilespmem:v62+s29+$0x0], $0xffff  }
0x158: {  	v36 =	vor.u32 $0x40A, v11;
	v30 =	vld.idx.msk [tilespmem:v63+s29+$0x0], $0xffff  }
0x159: {  	v40 =	vor.u32 $0x40C, v11;
	v34 =	vld.idx.msk [tilespmem:v26+s29+$0x0], $0xffff  }
0x15a: {  	v43 =	vor.u32 $0x40D, v11;
	v37 =	vld.idx.msk [tilespmem:v29+s29+$0x0], $0xffff  }
0x15b: {  	v17 =	vld.idx.msk [tilespmem:v31+s29+$0x0], $0xffff  }
0x15c: {  	v38 =	vor.u32 $0x40B, v11;
	v41 =	vld.idx.msk [tilespmem:v33+s29+$0x0], $0xffff  }
0x15d: {  	v45 =	vor.u32 $0x40E, v11;
	v11 =	vor.u32 $0x40F, v11;
	v44 =	vld.idx.msk [tilespmem:v36+s29+$0x0], $0xffff;
	v24 =	vand.u32 $0xFFFF, v12  }
0x15e: {  	v48 =	vld.idx.msk [tilespmem:v40+s29+$0x0], $0xffff;
	v12 =	vshrl.u32 v12, $0x10;
	v25 =	vand.u32 $0xFFFF, v14;
	v14 =	vshrl.u32 v14, $0x10  }
0x15f: {  	v51 =	vld.idx.msk [tilespmem:v43+s29+$0x0], $0xffff;
	v28 =	vand.u32 $0xFFFF, v13;
	v13 =	vshrl.u32 v13, $0x10;
	v32 =	vand.u32 $0xFFFF, v15  }
0x160: {  	v15 =	vshrl.u32 v15, $0x10;
	v35 =	vand.u32 $0xFFFF, v27;
	v39 =	vand.u32 $0xFFFF, v30  }
0x161: {  	v42 =	vand.u32 $0xFFFF, v34;
	v46 =	vand.u32 $0xFFFF, v37;
	v47 =	vand.u32 $0xFFFF, v17  }
0x162: {  	v49 =	vshrl.u32 v17, $0x10;
	v50 =	vand.u32 $0xFFFF, v41;
	v52 =	vand.u32 $0xFFFF, v44  }
0x163: {  	v56 =	vand.u32 $0xFFFF, v48;
	v57 =	vshrl.u32 v48, $0x10;
	v18 =	vadd.s32 v24, v25  }
0x164: {  	v58 =	vand.u32 $0xFFFF, v51;
	v12 =	vadd.s32 v12, v14;
	v16 =	vadd.s32 v28, v18  }
0x165: {  	v59 =	vshrl.u32 v51, $0x10;
	v12 =	vadd.s32 v13, v12;
	v16 =	vadd.s32 v32, v16  }
0x166: {  	v14 =	vshrl.u32 v27, $0x10;
	v12 =	vadd.s32 v15, v12;
	v16 =	vadd.s32 v35, v16  }
0x167: {  	v13 =	vshrl.u32 v30, $0x10;
	v18 =	vld.idx.msk [tilespmem:v38+s29+$0x0], $0xffff;
	v12 =	vadd.s32 v14, v12;
	v16 =	vadd.s32 v39, v16  }
0x168: {  	v15 =	vshrl.u32 v34, $0x10;
	v12 =	vadd.s32 v13, v12;
	v16 =	vadd.s32 v42, v16  }
0x169: {  	v53 =	vld.idx.msk [tilespmem:v45+s29+$0x0], $0xffff;
	v14 =	vshrl.u32 v37, $0x10;
	v12 =	vadd.s32 v15, v12;
	v16 =	vadd.s32 v46, v16  }
0x16a: {  	v13 =	vshrl.u32 v41, $0x10;
	v12 =	vadd.s32 v14, v12;
	v14 =	vadd.s32 v47, v16  }
0x16b: {  	v11 =	vld.idx.msk [tilespmem:v11+s29+$0x0], $0xffff;
	v15 =	vshrl.u32 v44, $0x10;
	v12 =	vadd.s32 v49, v12;
	v14 =	vadd.s32 v50, v14  }
0x16c: {  	v54 =	vand.u32 $0xFFFF, v18;
	v12 =	vadd.s32 v13, v12;
	v13 =	vadd.s32 v52, v14  }
0x16d: {  	v55 =	vshrl.u32 v18, $0x10;
	v12 =	vadd.s32 v15, v12;
	v13 =	vadd.s32 v54, v13  }
0x16e: {  	v60 =	vand.u32 $0xFFFF, v53;
	v12 =	vadd.s32 v55, v12;
	v13 =	vadd.s32 v56, v13  }
0x16f: {  	v61 =	vshrl.u32 v53, $0x10;
	v12 =	vadd.s32 v57, v12;
	v13 =	vadd.s32 v58, v13  }
0x170: {  	v62 =	vand.u32 $0xFFFF, v11;
	v12 =	vadd.s32 v59, v12;
	v13 =	vadd.s32 v60, v13  }
0x171: {  	v11 =	vshrl.u32 v11, $0x10;
	v12 =	vadd.s32 v61, v12;
	v13 =	vadd.s32 v62, v13  }
0x172: {  	v11 =	vadd.s32 v11, v12;
	v63 =	vcvt.s32.f32 v13  }
0x173: {  	s7 =	sadd.s32 $0x1, s7;
	v11 =	vcvt.s32.f32 v11  }
0x174: {  	s1 =	simm.s32 $0x80;
	p1 =	sne.s32 s7, s19;
	[tilespmem:$0x10840] =	vst v63  }
.Ltmp1:
0x175: {  	s3 =	simm.s32 $0x400;
	s5 =	simm.s32 $0x10800;
	[tilespmem:$0x108F4] =	vst v11;
	(pc) =	sbr.rel @!p1 .LBB2_23-.Ltmp1, $4  }
0x176: {  	[hbm4b:s18+s1] =	stream.strided.scatter [tilespmem:s5], [sflag:$0x3], $0x180, s3, s1, $0x38;
	[tilespmem:$0x11580] =	vst v63  }
0x177: {  	_ =	swait.ge [sflag:s31], $0x180  }
0x178: {  	[sflag:s31] =	ssyncset.done $0x0  }
0x179: {  	[sflag:s31] =	ssyncadd.s32 $0xFFFFFE80  }
.LBB2_1:
0x17a: {  	s1 =	simm.s32 $0x40;
	s3 =	simm.s32 $0x0  }
.LBB2_2:
0x17b: {  	p1 =	sne.s32 s1, $0x2FC0;
	[tilespmem:s3+$0x10980] =	vst v0;
	s3 =	smov.u32 s1;
	s1 =	sadd.s32 $0x40, s1  }
.Ltmp2:
0x17c: {  	(pc) =	sbr.rel @p1 .LBB2_2-.Ltmp2, $2  }
0x17d: {  	_ =	sdelay $0x2  }
0x17e: {  	s3 =	sshra.s32 s3, $0x2  }
0x17f: {  	[tilespmem:s3+$0x10980] =	vst v0;
	s5 =	simm.s32 $0x0  }
0x180: {  	[tilespmem:s5], [sflag:$0x1] =	stream.strided.gather [hbm4b:s11+s20], $0x8000, s21, s20, $0x38;
	[tilespmem:$0x11580] =	vst v63  }
0x181: {  	_ = 	snop  }
0x182: {  	[tilespmem:s22], [sflag:$0x1] =	stream.linear.gather [hbm4b:s12+s5], $0x200, $0x38;
	[tilespmem:$0x11580] =	vst v63  }
0x183: {  	_ = 	snop  }
0x184: {  	[tilespmem:s23], [sflag:$0x1] =	stream.linear.gather [hbm4b:s13+s5], $0x200, $0x38;
	[tilespmem:$0x11580] =	vst v63  }
0x185: {  	s1 =	simm.s32 $0x8000  }
0x186: {  	[tilespmem:s1], [sflag:$0x2] =	stream.strided.gather [hbm4b:s14+s20], $0x8000, s21, s20, $0x38;
	[tilespmem:$0x11580] =	vst v63  }
.Ltmp3:
0x187: {  	_ = 	snop;
	(pc) =	sbr.rel .LBB2_4-.Ltmp3, $4  }
0x188: {  	s25 =	simm.s32 $0x10200  }
0x189: {  	[tilespmem:s25], [sflag:$0x2] =	stream.linear.gather [hbm4b:s15+s5], $0x200, $0x38;
	[tilespmem:$0x11580] =	vst v63  }
0x18a: {  	s26 =	simm.s32 $0x10600  }
0x18b: {  	[tilespmem:s26], [sflag:$0x2] =	stream.linear.gather [hbm4b:s16+s5], $0x200, $0x38;
	[tilespmem:$0x11580] =	vst v63  }
.LBB2_16:
0x18c: {  	s5 =	sadd.s32 $0x1, s5  }
0x18d: {  	p1 =	sne.s32 s5, $0x7  }
.Ltmp4:
0x18e: {  	_ = 	snop;
	(pc) =	sbr.rel @!p1 .LBB2_17-.Ltmp4, $1  }
0x18f: {  	_ =	sdelay $0x3  }
.LBB2_4:
0x190: {  	s24 =	sshll.u32 s5, $0x1  }
0x191: {  	p1 =	sge.u32 s24, s10  }
.Ltmp5:
0x192: {  	_ = 	snop;
	(pc) =	sbr.rel @p1 .LBB2_10-.Ltmp5, $1  }
0x193: {  	_ =	sdelay $0x3  }
0x194: {  	_ =	swait.ge [sflag:s28], $0x8000  }
0x195: {  	[sflag:s28] =	ssyncset.done $0x0  }
0x196: {  	[sflag:s28] =	ssyncadd.s32 $0xFFFF8000  }
0x197: {  	_ =	swait.ge [sflag:s28], $0x200  }
0x198: {  	[sflag:s28] =	ssyncset.done $0x0  }
0x199: {  	[sflag:s28] =	ssyncadd.s32 $0xFFFFFE00  }
0x19a: {  	_ =	swait.ge [sflag:s28], $0x200  }
0x19b: {  	[sflag:s28] =	ssyncset.done $0x0  }
0x19c: {  	s25 =	simm.s32 $0x0;
	s26 =	simm.s32 $0x200;
	[sflag:s28] =	ssyncadd.s32 $0xFFFFFE00  }
.LBB2_6:
0x19d: {  	s1 =	sshll.u32 s25, $0x4  }
0x19e: {  	v12 =	vld [tilespmem:s1+$0x10000]  }
0x19f: {  	v13 =	vld [tilespmem:s1+$0x10080]  }
0x1a0: {  	v14 =	vld [tilespmem:s1+$0x10100]  }
0x1a1: {  	v15 =	vld [tilespmem:s1+$0x10180]  }
0x1a2: {  	v11 =	vld [tilespmem:s1+$0x10400]  }
0x1a3: {  	v16 =	vld [tilespmem:s1+$0x10480]  }
0x1a4: {  	v17 =	vld [tilespmem:s1+$0x10500]  }
0x1a5: {  	v18 =	vld [tilespmem:s1+$0x10580];
	_ =	sdelay $0x3  }
0x1a6: {  	v19 =	vsub.f32 v14, v12;
	v20 =	vsub.f32 v15, v13  }
0x1a7: {  	v21 =	vsub.f32 v17, v11;
	v22 =	vsub.f32 v18, v16;
	v17 =	vmin.f32 v14, v17  }
0x1a8: {  	v23 =	vld [tilespmem:s26+$0xFFFFFE00];
	v11 =	vmax.f32 v12, v11;
	v18 =	vmin.f32 v15, v18;
	v16 =	vmax.f32 v13, v16  }
0x1a9: {  	v24 =	vld [tilespmem:s26+$0x100];
	v11 =	vsub.f32 v17, v11;
	v17 =	vsub.f32 v18, v16  }
0x1aa: {  	v18 =	vld [tilespmem:s26+$0xFFFFFE80];
	v16 =	vmul.f32 v20, v19;
	v19 =	vmul.f32 v22, v21  }
0x1ab: {  	v21 =	vld [tilespmem:s26+$0xFFFFFF80];
	v11 =	vmax.f32 v11, $0.0e+00;
	v17 =	vmax.f32 v17, $0.0e+00  }
0x1ac: {  	v25 =	vld [tilespmem:s26+$0x180];
	v11 =	vmul.f32 v17, v11;
	v17 =	vadd.f32 v19, v16  }
0x1ad: {  	v22 =	vld [tilespmem:s26+$0x80]  }
0x1ae: {  	v20 =	vld [tilespmem:s26+$0xFFFFFF00];
	v17 =	vsub.f32 v17, v11  }
0x1af: {  	v19 =	vld [tilespmem:s26+$0x0]  }
0x1b0: {  	v26 =	vsub.f32 v21, v18;
	v17 =	vmax.f32 v17, $9.999999970e-07  }
0x1b1: {  	v21 =	vmin.f32 v21, v15;
	v18 =	vmax.f32 v18, v13;
	(erf) = vrcp.f32 v17  }
0x1b2: {  	v28 =	vsub.f32 v25, v22;
	v18 =	vsub.f32 v21, v18  }
0x1b3: {  	v21 =	vmax.f32 v22, v13;
	v17 =	vsub.f32 v20, v23;
	v20 =	vmin.f32 v20, v14  }
0x1b4: {  	v23 =	vmax.f32 v23, v12;
	v27 =	vsub.f32 v24, v19;
	v24 =	vmin.f32 v24, v14  }
0x1b5: {  	v19 =	vmax.f32 v19, v12;
	v20 =	vsub.f32 v20, v23;
	v23 =	vmin.f32 v25, v15  }
0x1b6: {  	v19 =	vsub.f32 v24, v19;
	v21 =	vsub.f32 v23, v21  }
0x1b7: {  	v18 =	vmax.f32 v18, $0.0e+00;
	v17 =	vmul.f32 v26, v17  }
0x1b8: {  	v22 =	vmul.f32 v28, v27;
	v20 =	vmax.f32 v20, $0.0e+00;
	v19 =	vmax.f32 v19, $0.0e+00  }
0x1b9: {  	s1 =	sadd.s32 $0x400, s26;
	v20 =	vmul.f32 v18, v20;
	v17 =	vadd.f32 v17, v16;
	v18 =	vmax.f32 v21, $0.0e+00  }
0x1ba: {  	v30 =	vld [tilespmem:s1+$0xFFFFFF80];
	v19 =	vmul.f32 v18, v19;
	v18 =	vadd.f32 v22, v16;
	v21 =	vpop (erf)  }
0x1bb: {  	v32 =	vld [tilespmem:s1+$0x0];
	v17 =	vsub.f32 v17, v20;
	v11 =	vmul.f32 v21, v11  }
0x1bc: {  	v33 =	vld [tilespmem:s1+$0x80];
	v18 =	vsub.f32 v18, v19  }
0x1bd: {  	v34 =	vld [tilespmem:s1+$0x100];
	v17 =	vmax.f32 v17, $9.999999970e-07;
	(erf) = vrcp.f32 v11  }
0x1be: {  	v37 =	vld [tilespmem:s1+$0x180];
	v18 =	vmax.f32 v18, $9.999999970e-07;
	(erf) = vrcp.f32 v17  }
0x1bf: {  	v27 =	vld [tilespmem:s1+$0xFFFFFE80];
	(erf) = vrcp.f32 v18;
	_ =	sdelay $0x3  }
0x1c0: {  	v42 =	vsub.f32 v34, v32;
	v43 =	vsub.f32 v37, v33  }
0x1c1: {  	v41 =	vsub.f32 v30, v27;
	v30 =	vmin.f32 v30, v15;
	v27 =	vmax.f32 v27, v13  }
0x1c2: {  	v34 =	vmin.f32 v34, v14;
	v27 =	vsub.f32 v30, v27  }
0x1c3: {  	v59 =	vmin.f32 v37, v15;
	v60 =	vmul.f32 v43, v42;
	v26 =	vld [tilespmem:s1+$0xFFFFFE00];
	v30 =	vmax.f32 v33, v13;
	v17 =	vpop (erf)  }
0x1c4: {  	v28 =	vld [tilespmem:s1+$0xFFFFFF00];
	v30 =	vsub.f32 v59, v30;
	v27 =	vmax.f32 v27, $0.0e+00;
	v21 =	vsub.f32 $1.000000000e+00, v11;
	v22 =	vpop (erf)  }
0x1c5: {  	vm0 =	vge.f32 v11, $5.000000000e-01;
	v18 =	vmul.f32 $2.000000000e+01, v17;
	v29 =	vmul.f32 v22, v20;
	v20 =	vpop (erf)  }
0x1c6: {  	v17 =	vmul.f32 $2.000000000e+01, v21;
	v21 =	vimm.f32 $-Inf;
	v31 =	vmul.f32 v20, v19  }
0x1c7: {  	v23 =	vmul.f32 v29, v18;
	v20 =	vmul.f32 $2.000000000e+01, v29;
	v19 =	vmax.f32 v21, v29  }
0x1c8: {  	vm1 =	vge.f32 v29, $5.000000000e-01;
	v22 =	vmul.f32 v31, v18;
	v21 =	vmul.f32 $2.000000000e+01, v31  }
0x1c9: {  	v19 =	vmax.f32 v19, v31;
	vm2 =	vge.f32 v31, $5.000000000e-01;
	v31 =	vsub.f32 v28, v26  }
0x1ca: {  	v28 =	vmin.f32 v28, v14;
	v26 =	vmax.f32 v26, v12;
	v24 =	vadd.f32 v20, v17  }
0x1cb: {  	v35 =	vtrunc.f32 v23;
	v36 =	vtrunc.f32 v20;
	v26 =	vsub.f32 v28, v26  }
0x1cc: {  	v28 =	vmax.f32 v32, v12;
	v38 =	vtrunc.f32 v22;
	v39 =	vtrunc.f32 v21  }
0x1cd: {  	v35 =	vcvt.f32.s32 v35;
	v28 =	vsub.f32 v34, v28;
	v31 =	vmul.f32 v41, v31  }
0x1ce: {  	v25 =	vadd.f32 v21, v17;
	v61 =	vcvt.f32.s32 v36;
	v40 =	vtrunc.f32 v24  }
0x1cf: {  	v26 =	vmax.f32 v26, $0.0e+00;
	v62 =	vcvt.f32.s32 v38;
	v28 =	vmax.f32 v28, $0.0e+00  }
0x1d0: {  	v27 =	vmul.f32 v27, v26;
	v31 =	vadd.f32 v31, v16;
	v26 =	vmax.f32 v30, $0.0e+00  }
0x1d1: {  	v63 =	vcvt.f32.s32 v39;
	v26 =	vmul.f32 v26, v28;
	v28 =	vadd.f32 v60, v16  }
0x1d2: {  	v29 =	vcvt.f32.s32 v40;
	v58 =	vtrunc.f32 v25;
	v31 =	vsub.f32 v31, v27  }
0x1d3: {  	v35 =	vmin.u32 v35, $0x27;
	v30 =	vcvt.f32.s32 v58;
	v28 =	vsub.f32 v28, v26  }
0x1d4: {  	v32 =	vmin.u32 v62, $0x27;
	v33 =	vmin.u32 v63, $0x13;
	v31 =	vmax.f32 v31, $9.999999970e-07  }
0x1d5: {  	v29 =	vmin.u32 v29, $0x27;
	v28 =	vmax.f32 v28, $9.999999970e-07;
	(erf) = vrcp.f32 v31  }
0x1d6: {  	v30 =	vmin.u32 v30, $0x27;
	v29 =	vshll.u32 v29, $0x4;
	(erf) = vrcp.f32 v28  }
0x1d7: {  	s3 =	simm.s32 $0x2;
	v30 =	vshll.u32 v30, $0x4;
	v31 =	vmin.u32 v61, $0x13;
	v28 =	vshll.u32 v35, $0x4  }
.LBB2_7:
0x1d8: {  	s3 =	sadd.s32 $0x2, s3;
	v31 =	vshll.u32 v31, $0x4;
	v32 =	vshll.u32 v32, $0x4;
	v33 =	vshll.u32 v33, $0x4  }
0x1d9: {  	vm3 =	vge.f32 v24, $0.0e+00;
	vm4 =	vle.f32 v24, $4.000000000e+01;
	vm5 =	vge.f32 v25, $0.0e+00;
	p1 =	slt.u32 s3, $0x3E  }
0x1da: {  	vm1 =	vmor vm0, vm1;
	vm6 =	vle.f32 v25, $4.000000000e+01;
	vm8 =	vmor vm0, vm2  }
0x1db: {  	v28 =	vor.u32 v1, v28;
	v29 =	vadd.s32 v3, v29;
	v30 =	vadd.s32 v3, v30  }
0x1dc: {  	s1 =	sadd.s32 $0x400, s1;
	v31 =	vadd.s32 v4, v31;
	v32 =	vor.u32 v1, v32;
	v33 =	vadd.s32 v4, v33  }
0x1dd: {  	vm2 =	vle.f32 v23, $4.000000000e+01;
	vm7 =	vmand vm3, vm4;
	vm3 =	vmand vm5, vm6;
	v34 =	vld [tilespmem:s1+$0xFFFFFE00]  }
0x1de: {  	vm6 =	vle.f32 v20, $2.000000000e+01;
	vm5 =	vle.f32 v22, $4.000000000e+01;
	vm4 =	vle.f32 v21, $2.000000000e+01;
	v35 =	vld [tilespmem:s1+$0xFFFFFE80];
	v23 =	vpop (erf)  }
0x1df: {  	v37 =	vsel vm1, $0x10001, v2;
	v38 =	vsel vm8, $0x10001, v2;
	v36 =	vld [tilespmem:s1+$0xFFFFFF00];
	v27 =	vmul.f32 v23, v27;
	v20 =	vpop (erf)  }
0x1e0: {  	v39 =	vld [tilespmem:s1+$0xFFFFFF80];
	v26 =	vmul.f32 v20, v26  }
0x1e1: {  	v40 =	vld [tilespmem:s1+$0x0];
	v23 =	vmul.f32 v27, v18;
	v20 =	vmul.f32 $2.000000000e+01, v27;
	v19 =	vmax.f32 v19, v27  }
0x1e2: {  	v41 =	vld [tilespmem:s1+$0x80];
	v22 =	vmul.f32 v26, v18;
	v21 =	vmul.f32 $2.000000000e+01, v26;
	v19 =	vmax.f32 v19, v26  }
0x1e3: {  	v42 =	vld [tilespmem:s1+$0x100];
	v24 =	vadd.f32 v20, v17;
	v43 =	vtrunc.f32 v23;
	v44 =	vtrunc.f32 v20  }
0x1e4: {  	v45 =	vld [tilespmem:s1+$0x180];
	v25 =	vadd.f32 v21, v17;
	v46 =	vtrunc.f32 v22;
	v47 =	vtrunc.f32 v21  }
0x1e5: {  	vm1 =	vge.f32 v27, $5.000000000e-01;
	v43 =	vcvt.f32.s32 v43;
	v48 =	vtrunc.f32 v24;
	[tilespmem:v28+s29+$0x0] =	vst.idx.add.s32.msk vm2, v37  }
0x1e6: {  	vm2 =	vge.f32 v26, $5.000000000e-01;
	v28 =	vcvt.f32.s32 v48;
	v48 =	vtrunc.f32 v25;
	[tilespmem:v29+s29+$0x0] =	vst.idx.add.s32.msk vm7, v37  }
0x1e7: {  	v26 =	vsub.f32 v36, v34;
	v27 =	vsub.f32 v39, v35;
	v29 =	vmin.f32 v36, v14  }
0x1e8: {  	v34 =	vmax.f32 v34, v12;
	v35 =	vmax.f32 v35, v13;
	v36 =	vmin.f32 v39, v15  }
0x1e9: {  	v37 =	vsub.f32 v42, v40;
	v42 =	vmin.f32 v42, v14;
	v39 =	vsub.f32 v45, v41  }
0x1ea: {  	v29 =	vsub.f32 v29, v34;
	v34 =	vmax.f32 v40, v12;
	v40 =	vmin.f32 v45, v15  }
0x1eb: {  	v35 =	vsub.f32 v36, v35;
	v36 =	vmax.f32 v41, v13;
	v34 =	vsub.f32 v42, v34  }
0x1ec: {  	v26 =	vmul.f32 v27, v26;
	v36 =	vsub.f32 v40, v36;
	v37 =	vmul.f32 v39, v37  }
0x1ed: {  	v27 =	vmax.f32 v29, $0.0e+00;
	v29 =	vmax.f32 v35, $0.0e+00;
	v34 =	vmax.f32 v34, $0.0e+00;
	[tilespmem:v31+s29+$0x0] =	vst.idx.add.s32.msk vm6, v2  }
0x1ee: {  	v27 =	vmul.f32 v29, v27;
	v29 =	vadd.f32 v26, v16;
	v26 =	vmax.f32 v36, $0.0e+00;
	[tilespmem:v32+s29+$0x0] =	vst.idx.add.s32.msk vm5, v38  }
0x1ef: {  	v26 =	vmul.f32 v26, v34;
	v31 =	vadd.f32 v37, v16;
	v32 =	vcvt.f32.s32 v48;
	[tilespmem:v30+s29+$0x0] =	vst.idx.add.s32.msk vm3, v38  }
0x1f0: {  	v29 =	vsub.f32 v29, v27;
	v34 =	vcvt.f32.s32 v46;
	v30 =	vcvt.f32.s32 v44;
	[tilespmem:v33+s29+$0x0] =	vst.idx.add.s32.msk vm4, v2  }
.Ltmp6:
0x1f1: {  	v35 =	vmin.u32 v28, $0x27;
	v28 =	vcvt.f32.s32 v47;
	v31 =	vsub.f32 v31, v26;
	(pc) =	sbr.rel @p1 .LBB2_7-.Ltmp6, $4  }
0x1f2: {  	v36 =	vmin.u32 v43, $0x27;
	v29 =	vmax.f32 v29, $9.999999970e-07;
	v37 =	vmin.u32 v32, $0x27  }
0x1f3: {  	v32 =	vmax.f32 v31, $9.999999970e-07;
	v31 =	vmin.u32 v30, $0x13;
	(erf) = vrcp.f32 v29  }
0x1f4: {  	v33 =	vmin.u32 v28, $0x13;
	(erf) = vrcp.f32 v32;
	v32 =	vmin.u32 v34, $0x27  }
0x1f5: {  	v28 =	vshll.u32 v36, $0x4;
	v30 =	vshll.u32 v37, $0x4;
	v29 =	vshll.u32 v35, $0x4  }
0x1f6: {  	v12 =	vshll.u32 v31, $0x4;
	v13 =	vshll.u32 v32, $0x4  }
0x1f7: {  	v14 =	vshll.u32 v33, $0x4;
	vm3 =	vge.f32 v24, $0.0e+00;
	vm4 =	vle.f32 v24, $4.000000000e+01  }
0x1f8: {  	vm5 =	vge.f32 v25, $0.0e+00;
	vm7 =	vmor vm0, vm1;
	vm6 =	vle.f32 v23, $4.000000000e+01  }
0x1f9: {  	vm13 =	vle.f32 v25, $4.000000000e+01;
	v15 =	vor.u32 v1, v28;
	vm4 =	vmand vm3, vm4  }
0x1fa: {  	v16 =	vadd.s32 v3, v29;
	vm1 =	vmand vm5, vm13;
	vm5 =	vle.f32 v20, $2.000000000e+01  }
0x1fb: {  	vm8 =	vmor vm0, vm2;
	v53 =	vmul.f32 $2.000000000e+01, v11;
	v12 =	vadd.s32 v4, v12  }
0x1fc: {  	v24 =	vadd.s32 v3, v30;
	vm2 =	vle.f32 v21, $2.000000000e+01;
	v11 =	vadd.f32 $1.000000000e+00, v11  }
0x1fd: {  	v13 =	vor.u32 v1, v13;
	v63 =	vsel vm7, $0x10001, v2;
	v55 =	vtrunc.f32 v53;
	v58 =	vpop (erf)  }
0x1fe: {  	vm3 =	vle.f32 v22, $4.000000000e+01;
	v56 =	vcvt.f32.s32 v55;
	[tilespmem:v15+s29+$0x0] =	vst.idx.add.s32.msk vm6, v63;
	v23 =	vmul.f32 v58, v27  }
0x1ff: {  	v14 =	vadd.s32 v4, v14;
	v37 =	vsel vm8, $0x10001, v2;
	v11 =	vmul.f32 $1.000000000e+01, v11;
	v59 =	vpop (erf);
	[tilespmem:v16+s29+$0x0] =	vst.idx.add.s32.msk vm4, v63  }
0x200: {  	v60 =	vmul.f32 v59, v26;
	[tilespmem:v12+s29+$0x0] =	vst.idx.add.s32.msk vm5, v2;
	v12 =	vmin.u32 v56, $0x13;
	v61 =	vmul.f32 v23, v18  }
0x201: {  	v62 =	vmul.f32 $2.000000000e+01, v23;
	v19 =	vmax.f32 v19, v23;
	vm14 =	vge.f32 v23, $5.000000000e-01  }
0x202: {  	v12 =	vshll.u32 v12, $0x4;
	v36 =	vmul.f32 v60, v18;
	v26 =	vmul.f32 $2.000000000e+01, v60  }
0x203: {  	v19 =	vmax.f32 v19, v60;
	vm15 =	vge.f32 v60, $5.000000000e-01;
	vm11 =	vmor vm0, vm14  }
0x204: {  	[tilespmem:v13+s29+$0x0] =	vst.idx.add.s32.msk vm3, v37;
	v60 =	vtrunc.f32 v11;
	v38 =	vadd.f32 v62, v17;
	v39 =	vtrunc.f32 v61  }
0x205: {  	[tilespmem:v24+s29+$0x0] =	vst.idx.add.s32.msk vm1, v37;
	v40 =	vtrunc.f32 v62;
	vm0 =	vmor vm0, vm15;
	vm14 =	vle.f32 v61, $4.000000000e+01  }
0x206: {  	[tilespmem:v14+s29+$0x0] =	vst.idx.add.s32.msk vm2, v2;
	v54 =	vmul.f32 $2.000000000e+01, v19;
	vm4 =	vle.f32 v62, $2.000000000e+01;
	v14 =	vcvt.f32.s32 v60  }
0x207: {  	v59 =	vsel vm11, $0x10001, v2;
	v42 =	vtrunc.f32 v36;
	v43 =	vtrunc.f32 v26  }
0x208: {  	v41 =	vadd.f32 v26, v17;
	v29 =	vcvt.f32.s32 v39;
	v46 =	vcvt.f32.s32 v40  }
0x209: {  	vm15 =	vle.f32 v36, $4.000000000e+01;
	vm3 =	vle.f32 v26, $2.000000000e+01;
	v44 =	vtrunc.f32 v38  }
0x20a: {  	v62 =	vsel vm0, $0x10001, v2;
	v47 =	vcvt.f32.s32 v42;
	v32 =	vcvt.f32.s32 v43  }
0x20b: {  	vm9 =	vge.f32 v38, $0.0e+00;
	vm10 =	vle.f32 v38, $4.000000000e+01;
	v57 =	vtrunc.f32 v54  }
0x20c: {  	v45 =	vtrunc.f32 v41;
	v33 =	vcvt.f32.s32 v44;
	v29 =	vmin.u32 v29, $0x27  }
0x20d: {  	v20 =	vmin.u32 v46, $0x13;
	vm12 =	vge.f32 v41, $0.0e+00;
	vm7 =	vmand vm9, vm10  }
0x20e: {  	vm13 =	vle.f32 v41, $4.000000000e+01;
	v58 =	vcvt.f32.s32 v57;
	v23 =	vcvt.f32.s32 v45  }
0x20f: {  	v30 =	vmin.u32 v47, $0x27;
	v32 =	vmin.u32 v32, $0x13;
	v29 =	vshll.u32 v29, $0x4  }
0x210: {  	v48 =	vmin.u32 v33, $0x27;
	v30 =	vshll.u32 v30, $0x4;
	v49 =	vor.u32 v1, v29  }
0x211: {  	v20 =	vshll.u32 v20, $0x4;
	v31 =	vshll.u32 v48, $0x4;
	v51 =	vor.u32 v1, v30  }
0x212: {  	vm6 =	vmand vm12, vm13;
	v23 =	vmin.u32 v23, $0x27;
	v50 =	vadd.s32 v3, v31  }
0x213: {  	vm12 =	vle.f32 v53, $2.000000000e+01;
	v20 =	vadd.s32 v4, v20;
	v23 =	vshll.u32 v23, $0x4  }
0x214: {  	vm13 =	vge.f32 v54, $0.0e+00;
	v32 =	vshll.u32 v32, $0x4;
	v23 =	vadd.s32 v3, v23  }
0x215: {  	v13 =	vmin.u32 v58, $0x13;
	v52 =	vadd.s32 v4, v32;
	[tilespmem:v49+s29+$0x0] =	vst.idx.add.s32.msk vm14, v59;
	vm14 =	vle.f32 v54, $2.000000000e+01  }
0x216: {  	v61 =	vadd.s32 v5, v12;
	v13 =	vshll.u32 v13, $0x4;
	vm2 =	vmand vm13, vm14;
	[tilespmem:v51+s29+$0x0] =	vst.idx.add.s32.msk vm15, v62  }
0x217: {  	v14 =	vmin.u32 v14, $0x13;
	v13 =	vadd.s32 v7, v13;
	[tilespmem:v50+s29+$0x0] =	vst.idx.add.s32.msk vm7, v59  }
0x218: {  	s25 =	sadd.s32 $0x1, s25;
	v63 =	vshll.u32 v14, $0x4;
	vm15 =	vle.f32 v11, $2.000000000e+01;
	v11 =	vadd.s32 v8, v12;
	[tilespmem:v20+s29+$0x0] =	vst.idx.add.s32.msk vm4, v2  }
0x219: {  	p1 =	sne.s32 s25, $0x8;
	v12 =	vor.u32 v9, v63;
	[tilespmem:v23+s29+$0x0] =	vst.idx.add.s32.msk vm6, v62  }
.Ltmp7:
0x21a: {  	[tilespmem:v52+s29+$0x0] =	vst.idx.add.s32.msk vm3, v2;
	(pc) =	sbr.rel @p1 .LBB2_6-.Ltmp7, $4  }
0x21b: {  	[tilespmem:v61+s29+$0x0] =	vst.idx.add.s32.msk vm12, v6  }
0x21c: {  	[tilespmem:v13+s29+$0x0] =	vst.idx.add.s32.msk vm2, v2  }
0x21d: {  	[tilespmem:v11+s29+$0x0] =	vst.idx.add.s32.msk vm12, v2  }
0x21e: {  	s26 =	sadd.s32 $0x10, s26;
	[tilespmem:v12+s29+$0x0] =	vst.idx.add.s32.msk vm15, v2  }
0x21f: {  	s1 =	sadd.s32 $0x2, s24  }
0x220: {  	p1 =	sge.u32 s1, s10  }
0x221: {  	s1 =	sadd.s32 @!p1 s9, s1  }
0x222: {  	s1 =	sshll.u32 @!p1 s1, $0x6  }
0x223: {  	s25 =	simm.s32 @!p1 $0x200;
	s1 =	sand.u32 @!p1 $0x1FFFFFC0, s1  }
0x224: {  	s26 =	simm.s32 @!p1 $0x30E00;
	s6 =	simm.s32 @!p1 $0x0;
	s3 =	sadd.s32 @!p1 s0, s1  }
0x225: {  	[tilespmem:s6], [sflag:$0x1] =	stream.strided.gather @!p1 [hbm4b:s3+s25], $0x8000, s26, s25, $0x38;
	[tilespmem:$0x11580] =	vst v63  }
0x226: {  	s3 =	sadd.s32 @!p1 s2, s1;
	s25 =	simm.s32 @!p1 $0x10000  }
0x227: {  	[tilespmem:s25], [sflag:$0x1] =	stream.linear.gather @!p1 [hbm4b:s3+s6], $0x200, $0x38;
	[tilespmem:$0x11580] =	vst v63  }
0x228: {  	s1 =	sadd.s32 @!p1 s4, s1;
	s3 =	simm.s32 @!p1 $0x10400  }
0x229: {  	[tilespmem:s3], [sflag:$0x1] =	stream.linear.gather @!p1 [hbm4b:s1+s6], $0x200, $0x38;
	[tilespmem:$0x11580] =	vst v63  }
.LBB2_10:
0x22a: {  	p1 =	sge.u32 s24, s17  }
.Ltmp8:
0x22b: {  	_ = 	snop;
	(pc) =	sbr.rel @p1 .LBB2_16-.Ltmp8, $1  }
0x22c: {  	_ =	sdelay $0x3  }
0x22d: {  	_ =	swait.ge [sflag:s30], $0x8000  }
0x22e: {  	[sflag:s30] =	ssyncset.done $0x0  }
0x22f: {  	[sflag:s30] =	ssyncadd.s32 $0xFFFF8000  }
0x230: {  	_ =	swait.ge [sflag:s30], $0x200  }
0x231: {  	[sflag:s30] =	ssyncset.done $0x0  }
0x232: {  	[sflag:s30] =	ssyncadd.s32 $0xFFFFFE00  }
0x233: {  	_ =	swait.ge [sflag:s30], $0x200  }
0x234: {  	[sflag:s30] =	ssyncset.done $0x0  }
0x235: {  	s25 =	simm.s32 $0x0;
	s26 =	simm.s32 $0x8200;
	[sflag:s30] =	ssyncadd.s32 $0xFFFFFE00  }
.LBB2_12:
0x236: {  	s1 =	sshll.u32 s25, $0x4  }
0x237: {  	v12 =	vld [tilespmem:s1+$0x10200]  }
0x238: {  	v13 =	vld [tilespmem:s1+$0x10280]  }
0x239: {  	v14 =	vld [tilespmem:s1+$0x10300]  }
0x23a: {  	v15 =	vld [tilespmem:s1+$0x10380]  }
0x23b: {  	v11 =	vld [tilespmem:s1+$0x10600]  }
0x23c: {  	v16 =	vld [tilespmem:s1+$0x10680]  }
0x23d: {  	v17 =	vld [tilespmem:s1+$0x10700]  }
0x23e: {  	v18 =	vld [tilespmem:s1+$0x10780];
	_ =	sdelay $0x3  }
0x23f: {  	v19 =	vsub.f32 v14, v12;
	v20 =	vsub.f32 v15, v13  }
0x240: {  	v21 =	vsub.f32 v17, v11;
	v22 =	vsub.f32 v18, v16;
	v17 =	vmin.f32 v14, v17  }
0x241: {  	v23 =	vld [tilespmem:s26+$0xFFFFFE00];
	v11 =	vmax.f32 v12, v11;
	v18 =	vmin.f32 v15, v18;
	v16 =	vmax.f32 v13, v16  }
0x242: {  	v24 =	vld [tilespmem:s26+$0x100];
	v11 =	vsub.f32 v17, v11;
	v17 =	vsub.f32 v18, v16  }
0x243: {  	v18 =	vld [tilespmem:s26+$0xFFFFFE80];
	v16 =	vmul.f32 v20, v19;
	v19 =	vmul.f32 v22, v21  }
0x244: {  	v21 =	vld [tilespmem:s26+$0xFFFFFF80];
	v11 =	vmax.f32 v11, $0.0e+00;
	v17 =	vmax.f32 v17, $0.0e+00  }
0x245: {  	v25 =	vld [tilespmem:s26+$0x180];
	v11 =	vmul.f32 v17, v11;
	v17 =	vadd.f32 v19, v16  }
0x246: {  	v22 =	vld [tilespmem:s26+$0x80]  }
0x247: {  	v20 =	vld [tilespmem:s26+$0xFFFFFF00];
	v17 =	vsub.f32 v17, v11  }
0x248: {  	v19 =	vld [tilespmem:s26+$0x0]  }
0x249: {  	v26 =	vsub.f32 v21, v18;
	v17 =	vmax.f32 v17, $9.999999970e-07  }
0x24a: {  	v21 =	vmin.f32 v21, v15;
	v18 =	vmax.f32 v18, v13;
	(erf) = vrcp.f32 v17  }
0x24b: {  	v28 =	vsub.f32 v25, v22;
	v18 =	vsub.f32 v21, v18  }
0x24c: {  	v21 =	vmax.f32 v22, v13;
	v17 =	vsub.f32 v20, v23;
	v20 =	vmin.f32 v20, v14  }
0x24d: {  	v23 =	vmax.f32 v23, v12;
	v27 =	vsub.f32 v24, v19;
	v24 =	vmin.f32 v24, v14  }
0x24e: {  	v19 =	vmax.f32 v19, v12;
	v20 =	vsub.f32 v20, v23;
	v23 =	vmin.f32 v25, v15  }
0x24f: {  	v19 =	vsub.f32 v24, v19;
	v21 =	vsub.f32 v23, v21  }
0x250: {  	v18 =	vmax.f32 v18, $0.0e+00;
	v17 =	vmul.f32 v26, v17  }
0x251: {  	v22 =	vmul.f32 v28, v27;
	v20 =	vmax.f32 v20, $0.0e+00;
	v19 =	vmax.f32 v19, $0.0e+00  }
0x252: {  	s1 =	sadd.s32 $0x400, s26;
	v20 =	vmul.f32 v18, v20;
	v17 =	vadd.f32 v17, v16;
	v18 =	vmax.f32 v21, $0.0e+00  }
0x253: {  	v30 =	vld [tilespmem:s1+$0xFFFFFF80];
	v19 =	vmul.f32 v18, v19;
	v18 =	vadd.f32 v22, v16;
	v21 =	vpop (erf)  }
0x254: {  	v32 =	vld [tilespmem:s1+$0x0];
	v17 =	vsub.f32 v17, v20;
	v11 =	vmul.f32 v21, v11  }
0x255: {  	v33 =	vld [tilespmem:s1+$0x80];
	v18 =	vsub.f32 v18, v19  }
0x256: {  	v34 =	vld [tilespmem:s1+$0x100];
	v17 =	vmax.f32 v17, $9.999999970e-07;
	(erf) = vrcp.f32 v11  }
0x257: {  	v37 =	vld [tilespmem:s1+$0x180];
	v18 =	vmax.f32 v18, $9.999999970e-07;
	(erf) = vrcp.f32 v17  }
0x258: {  	v27 =	vld [tilespmem:s1+$0xFFFFFE80];
	(erf) = vrcp.f32 v18;
	_ =	sdelay $0x3  }
0x259: {  	v42 =	vsub.f32 v34, v32;
	v43 =	vsub.f32 v37, v33  }
0x25a: {  	v41 =	vsub.f32 v30, v27;
	v30 =	vmin.f32 v30, v15;
	v27 =	vmax.f32 v27, v13  }
0x25b: {  	v34 =	vmin.f32 v34, v14;
	v27 =	vsub.f32 v30, v27  }
0x25c: {  	v59 =	vmin.f32 v37, v15;
	v60 =	vmul.f32 v43, v42;
	v26 =	vld [tilespmem:s1+$0xFFFFFE00];
	v30 =	vmax.f32 v33, v13;
	v17 =	vpop (erf)  }
0x25d: {  	v28 =	vld [tilespmem:s1+$0xFFFFFF00];
	v30 =	vsub.f32 v59, v30;
	v27 =	vmax.f32 v27, $0.0e+00;
	v21 =	vsub.f32 $1.000000000e+00, v11;
	v22 =	vpop (erf)  }
0x25e: {  	vm0 =	vge.f32 v11, $5.000000000e-01;
	v18 =	vmul.f32 $2.000000000e+01, v17;
	v29 =	vmul.f32 v22, v20;
	v20 =	vpop (erf)  }
0x25f: {  	v17 =	vmul.f32 $2.000000000e+01, v21;
	v21 =	vimm.f32 $-Inf;
	v31 =	vmul.f32 v20, v19  }
0x260: {  	v23 =	vmul.f32 v29, v18;
	v20 =	vmul.f32 $2.000000000e+01, v29;
	v19 =	vmax.f32 v21, v29  }
0x261: {  	vm1 =	vge.f32 v29, $5.000000000e-01;
	v22 =	vmul.f32 v31, v18;
	v21 =	vmul.f32 $2.000000000e+01, v31  }
0x262: {  	v19 =	vmax.f32 v19, v31;
	vm2 =	vge.f32 v31, $5.000000000e-01;
	v31 =	vsub.f32 v28, v26  }
0x263: {  	v28 =	vmin.f32 v28, v14;
	v26 =	vmax.f32 v26, v12;
	v24 =	vadd.f32 v20, v17  }
0x264: {  	v35 =	vtrunc.f32 v23;
	v36 =	vtrunc.f32 v20;
	v26 =	vsub.f32 v28, v26  }
0x265: {  	v28 =	vmax.f32 v32, v12;
	v38 =	vtrunc.f32 v22;
	v39 =	vtrunc.f32 v21  }
0x266: {  	v35 =	vcvt.f32.s32 v35;
	v28 =	vsub.f32 v34, v28;
	v31 =	vmul.f32 v41, v31  }
0x267: {  	v25 =	vadd.f32 v21, v17;
	v61 =	vcvt.f32.s32 v36;
	v40 =	vtrunc.f32 v24  }
0x268: {  	v26 =	vmax.f32 v26, $0.0e+00;
	v62 =	vcvt.f32.s32 v38;
	v28 =	vmax.f32 v28, $0.0e+00  }
0x269: {  	v27 =	vmul.f32 v27, v26;
	v31 =	vadd.f32 v31, v16;
	v26 =	vmax.f32 v30, $0.0e+00  }
0x26a: {  	v63 =	vcvt.f32.s32 v39;
	v26 =	vmul.f32 v26, v28;
	v28 =	vadd.f32 v60, v16  }
0x26b: {  	v29 =	vcvt.f32.s32 v40;
	v58 =	vtrunc.f32 v25;
	v31 =	vsub.f32 v31, v27  }
0x26c: {  	v35 =	vmin.u32 v35, $0x27;
	v30 =	vcvt.f32.s32 v58;
	v28 =	vsub.f32 v28, v26  }
0x26d: {  	v32 =	vmin.u32 v62, $0x27;
	v33 =	vmin.u32 v63, $0x13;
	v31 =	vmax.f32 v31, $9.999999970e-07  }
0x26e: {  	v29 =	vmin.u32 v29, $0x27;
	v28 =	vmax.f32 v28, $9.999999970e-07;
	(erf) = vrcp.f32 v31  }
0x26f: {  	v30 =	vmin.u32 v30, $0x27;
	v29 =	vshll.u32 v29, $0x4;
	(erf) = vrcp.f32 v28  }
0x270: {  	s3 =	simm.s32 $0x2;
	v30 =	vshll.u32 v30, $0x4;
	v31 =	vmin.u32 v61, $0x13;
	v28 =	vshll.u32 v35, $0x4  }
.LBB2_13:
0x271: {  	s3 =	sadd.s32 $0x2, s3;
	v31 =	vshll.u32 v31, $0x4;
	v32 =	vshll.u32 v32, $0x4;
	v33 =	vshll.u32 v33, $0x4  }
0x272: {  	vm3 =	vge.f32 v24, $0.0e+00;
	vm4 =	vle.f32 v24, $4.000000000e+01;
	vm5 =	vge.f32 v25, $0.0e+00;
	p1 =	slt.u32 s3, $0x3E  }
0x273: {  	vm1 =	vmor vm0, vm1;
	vm6 =	vle.f32 v25, $4.000000000e+01;
	vm8 =	vmor vm0, vm2  }
0x274: {  	v28 =	vor.u32 v1, v28;
	v29 =	vadd.s32 v3, v29;
	v30 =	vadd.s32 v3, v30  }
0x275: {  	s1 =	sadd.s32 $0x400, s1;
	v31 =	vadd.s32 v4, v31;
	v32 =	vor.u32 v1, v32;
	v33 =	vadd.s32 v4, v33  }
0x276: {  	vm2 =	vle.f32 v23, $4.000000000e+01;
	vm7 =	vmand vm3, vm4;
	vm3 =	vmand vm5, vm6;
	v34 =	vld [tilespmem:s1+$0xFFFFFE00]  }
0x277: {  	vm6 =	vle.f32 v20, $2.000000000e+01;
	vm5 =	vle.f32 v22, $4.000000000e+01;
	vm4 =	vle.f32 v21, $2.000000000e+01;
	v35 =	vld [tilespmem:s1+$0xFFFFFE80];
	v23 =	vpop (erf)  }
0x278: {  	v37 =	vsel vm1, $0x10001, v2;
	v38 =	vsel vm8, $0x10001, v2;
	v36 =	vld [tilespmem:s1+$0xFFFFFF00];
	v27 =	vmul.f32 v23, v27;
	v20 =	vpop (erf)  }
0x279: {  	v39 =	vld [tilespmem:s1+$0xFFFFFF80];
	v26 =	vmul.f32 v20, v26  }
0x27a: {  	v40 =	vld [tilespmem:s1+$0x0];
	v23 =	vmul.f32 v27, v18;
	v20 =	vmul.f32 $2.000000000e+01, v27;
	v19 =	vmax.f32 v19, v27  }
0x27b: {  	v41 =	vld [tilespmem:s1+$0x80];
	v22 =	vmul.f32 v26, v18;
	v21 =	vmul.f32 $2.000000000e+01, v26;
	v19 =	vmax.f32 v19, v26  }
0x27c: {  	v42 =	vld [tilespmem:s1+$0x100];
	v24 =	vadd.f32 v20, v17;
	v43 =	vtrunc.f32 v23;
	v44 =	vtrunc.f32 v20  }
0x27d: {  	v45 =	vld [tilespmem:s1+$0x180];
	v25 =	vadd.f32 v21, v17;
	v46 =	vtrunc.f32 v22;
	v47 =	vtrunc.f32 v21  }
0x27e: {  	vm1 =	vge.f32 v27, $5.000000000e-01;
	v43 =	vcvt.f32.s32 v43;
	v48 =	vtrunc.f32 v24;
	[tilespmem:v28+s29+$0x0] =	vst.idx.add.s32.msk vm2, v37  }
0x27f: {  	vm2 =	vge.f32 v26, $5.000000000e-01;
	v28 =	vcvt.f32.s32 v48;
	v48 =	vtrunc.f32 v25;
	[tilespmem:v29+s29+$0x0] =	vst.idx.add.s32.msk vm7, v37  }
0x280: {  	v26 =	vsub.f32 v36, v34;
	v27 =	vsub.f32 v39, v35;
	v29 =	vmin.f32 v36, v14  }
0x281: {  	v34 =	vmax.f32 v34, v12;
	v35 =	vmax.f32 v35, v13;
	v36 =	vmin.f32 v39, v15  }
0x282: {  	v37 =	vsub.f32 v42, v40;
	v42 =	vmin.f32 v42, v14;
	v39 =	vsub.f32 v45, v41  }
0x283: {  	v29 =	vsub.f32 v29, v34;
	v34 =	vmax.f32 v40, v12;
	v40 =	vmin.f32 v45, v15  }
0x284: {  	v35 =	vsub.f32 v36, v35;
	v36 =	vmax.f32 v41, v13;
	v34 =	vsub.f32 v42, v34  }
0x285: {  	v26 =	vmul.f32 v27, v26;
	v36 =	vsub.f32 v40, v36;
	v37 =	vmul.f32 v39, v37  }
0x286: {  	v27 =	vmax.f32 v29, $0.0e+00;
	v29 =	vmax.f32 v35, $0.0e+00;
	v34 =	vmax.f32 v34, $0.0e+00;
	[tilespmem:v31+s29+$0x0] =	vst.idx.add.s32.msk vm6, v2  }
0x287: {  	v27 =	vmul.f32 v29, v27;
	v29 =	vadd.f32 v26, v16;
	v26 =	vmax.f32 v36, $0.0e+00;
	[tilespmem:v32+s29+$0x0] =	vst.idx.add.s32.msk vm5, v38  }
0x288: {  	v26 =	vmul.f32 v26, v34;
	v31 =	vadd.f32 v37, v16;
	v32 =	vcvt.f32.s32 v48;
	[tilespmem:v30+s29+$0x0] =	vst.idx.add.s32.msk vm3, v38  }
0x289: {  	v29 =	vsub.f32 v29, v27;
	v34 =	vcvt.f32.s32 v46;
	v30 =	vcvt.f32.s32 v44;
	[tilespmem:v33+s29+$0x0] =	vst.idx.add.s32.msk vm4, v2  }
.Ltmp9:
0x28a: {  	v35 =	vmin.u32 v28, $0x27;
	v28 =	vcvt.f32.s32 v47;
	v31 =	vsub.f32 v31, v26;
	(pc) =	sbr.rel @p1 .LBB2_13-.Ltmp9, $4  }
0x28b: {  	v36 =	vmin.u32 v43, $0x27;
	v29 =	vmax.f32 v29, $9.999999970e-07;
	v37 =	vmin.u32 v32, $0x27  }
0x28c: {  	v32 =	vmax.f32 v31, $9.999999970e-07;
	v31 =	vmin.u32 v30, $0x13;
	(erf) = vrcp.f32 v29  }
0x28d: {  	v33 =	vmin.u32 v28, $0x13;
	(erf) = vrcp.f32 v32;
	v32 =	vmin.u32 v34, $0x27  }
0x28e: {  	v28 =	vshll.u32 v36, $0x4;
	v30 =	vshll.u32 v37, $0x4;
	v29 =	vshll.u32 v35, $0x4  }
0x28f: {  	v12 =	vshll.u32 v31, $0x4;
	v13 =	vshll.u32 v32, $0x4  }
0x290: {  	v14 =	vshll.u32 v33, $0x4;
	vm3 =	vge.f32 v24, $0.0e+00;
	vm4 =	vle.f32 v24, $4.000000000e+01  }
0x291: {  	vm5 =	vge.f32 v25, $0.0e+00;
	vm7 =	vmor vm0, vm1;
	vm6 =	vle.f32 v23, $4.000000000e+01  }
0x292: {  	vm13 =	vle.f32 v25, $4.000000000e+01;
	v15 =	vor.u32 v1, v28;
	vm4 =	vmand vm3, vm4  }
0x293: {  	v16 =	vadd.s32 v3, v29;
	vm1 =	vmand vm5, vm13;
	vm5 =	vle.f32 v20, $2.000000000e+01  }
0x294: {  	vm8 =	vmor vm0, vm2;
	v53 =	vmul.f32 $2.000000000e+01, v11;
	v12 =	vadd.s32 v4, v12  }
0x295: {  	v24 =	vadd.s32 v3, v30;
	vm2 =	vle.f32 v21, $2.000000000e+01;
	v11 =	vadd.f32 $1.000000000e+00, v11  }
0x296: {  	v13 =	vor.u32 v1, v13;
	v63 =	vsel vm7, $0x10001, v2;
	v55 =	vtrunc.f32 v53;
	v58 =	vpop (erf)  }
0x297: {  	vm3 =	vle.f32 v22, $4.000000000e+01;
	v56 =	vcvt.f32.s32 v55;
	[tilespmem:v15+s29+$0x0] =	vst.idx.add.s32.msk vm6, v63;
	v23 =	vmul.f32 v58, v27  }
0x298: {  	v14 =	vadd.s32 v4, v14;
	v37 =	vsel vm8, $0x10001, v2;
	v11 =	vmul.f32 $1.000000000e+01, v11;
	v59 =	vpop (erf);
	[tilespmem:v16+s29+$0x0] =	vst.idx.add.s32.msk vm4, v63  }
0x299: {  	v60 =	vmul.f32 v59, v26;
	[tilespmem:v12+s29+$0x0] =	vst.idx.add.s32.msk vm5, v2;
	v12 =	vmin.u32 v56, $0x13;
	v61 =	vmul.f32 v23, v18  }
0x29a: {  	v62 =	vmul.f32 $2.000000000e+01, v23;
	v19 =	vmax.f32 v19, v23;
	vm14 =	vge.f32 v23, $5.000000000e-01  }
0x29b: {  	v12 =	vshll.u32 v12, $0x4;
	v36 =	vmul.f32 v60, v18;
	v26 =	vmul.f32 $2.000000000e+01, v60  }
0x29c: {  	v19 =	vmax.f32 v19, v60;
	vm15 =	vge.f32 v60, $5.000000000e-01;
	vm11 =	vmor vm0, vm14  }
0x29d: {  	[tilespmem:v13+s29+$0x0] =	vst.idx.add.s32.msk vm3, v37;
	v60 =	vtrunc.f32 v11;
	v38 =	vadd.f32 v62, v17;
	v39 =	vtrunc.f32 v61  }
0x29e: {  	[tilespmem:v24+s29+$0x0] =	vst.idx.add.s32.msk vm1, v37;
	v40 =	vtrunc.f32 v62;
	vm0 =	vmor vm0, vm15;
	vm14 =	vle.f32 v61, $4.000000000e+01  }
0x29f: {  	[tilespmem:v14+s29+$0x0] =	vst.idx.add.s32.msk vm2, v2;
	v54 =	vmul.f32 $2.000000000e+01, v19;
	vm4 =	vle.f32 v62, $2.000000000e+01;
	v14 =	vcvt.f32.s32 v60  }
0x2a0: {  	v59 =	vsel vm11, $0x10001, v2;
	v42 =	vtrunc.f32 v36;
	v43 =	vtrunc.f32 v26  }
0x2a1: {  	v41 =	vadd.f32 v26, v17;
	v29 =	vcvt.f32.s32 v39;
	v46 =	vcvt.f32.s32 v40  }
0x2a2: {  	vm15 =	vle.f32 v36, $4.000000000e+01;
	vm3 =	vle.f32 v26, $2.000000000e+01;
	v44 =	vtrunc.f32 v38  }
0x2a3: {  	v62 =	vsel vm0, $0x10001, v2;
	v47 =	vcvt.f32.s32 v42;
	v32 =	vcvt.f32.s32 v43  }
0x2a4: {  	vm9 =	vge.f32 v38, $0.0e+00;
	vm10 =	vle.f32 v38, $4.000000000e+01;
	v57 =	vtrunc.f32 v54  }
0x2a5: {  	v45 =	vtrunc.f32 v41;
	v33 =	vcvt.f32.s32 v44;
	v29 =	vmin.u32 v29, $0x27  }
0x2a6: {  	v20 =	vmin.u32 v46, $0x13;
	vm12 =	vge.f32 v41, $0.0e+00;
	vm7 =	vmand vm9, vm10  }
0x2a7: {  	vm13 =	vle.f32 v41, $4.000000000e+01;
	v58 =	vcvt.f32.s32 v57;
	v23 =	vcvt.f32.s32 v45  }
0x2a8: {  	v30 =	vmin.u32 v47, $0x27;
	v32 =	vmin.u32 v32, $0x13;
	v29 =	vshll.u32 v29, $0x4  }
0x2a9: {  	v48 =	vmin.u32 v33, $0x27;
	v30 =	vshll.u32 v30, $0x4;
	v49 =	vor.u32 v1, v29  }
0x2aa: {  	v20 =	vshll.u32 v20, $0x4;
	v31 =	vshll.u32 v48, $0x4;
	v51 =	vor.u32 v1, v30  }
0x2ab: {  	vm6 =	vmand vm12, vm13;
	v23 =	vmin.u32 v23, $0x27;
	v50 =	vadd.s32 v3, v31  }
0x2ac: {  	vm12 =	vle.f32 v53, $2.000000000e+01;
	v20 =	vadd.s32 v4, v20;
	v23 =	vshll.u32 v23, $0x4  }
0x2ad: {  	vm13 =	vge.f32 v54, $0.0e+00;
	v32 =	vshll.u32 v32, $0x4;
	v23 =	vadd.s32 v3, v23  }
0x2ae: {  	v13 =	vmin.u32 v58, $0x13;
	v52 =	vadd.s32 v4, v32;
	[tilespmem:v49+s29+$0x0] =	vst.idx.add.s32.msk vm14, v59;
	vm14 =	vle.f32 v54, $2.000000000e+01  }
0x2af: {  	v61 =	vadd.s32 v5, v12;
	v13 =	vshll.u32 v13, $0x4;
	vm2 =	vmand vm13, vm14;
	[tilespmem:v51+s29+$0x0] =	vst.idx.add.s32.msk vm15, v62  }
0x2b0: {  	v14 =	vmin.u32 v14, $0x13;
	v13 =	vadd.s32 v7, v13;
	[tilespmem:v50+s29+$0x0] =	vst.idx.add.s32.msk vm7, v59  }
0x2b1: {  	s25 =	sadd.s32 $0x1, s25;
	v63 =	vshll.u32 v14, $0x4;
	vm15 =	vle.f32 v11, $2.000000000e+01;
	v11 =	vadd.s32 v8, v12;
	[tilespmem:v20+s29+$0x0] =	vst.idx.add.s32.msk vm4, v2  }
0x2b2: {  	p1 =	sne.s32 s25, $0x8;
	v12 =	vor.u32 v9, v63;
	[tilespmem:v23+s29+$0x0] =	vst.idx.add.s32.msk vm6, v62  }
.Ltmp10:
0x2b3: {  	[tilespmem:v52+s29+$0x0] =	vst.idx.add.s32.msk vm3, v2;
	(pc) =	sbr.rel @p1 .LBB2_12-.Ltmp10, $4  }
0x2b4: {  	[tilespmem:v61+s29+$0x0] =	vst.idx.add.s32.msk vm12, v6  }
0x2b5: {  	[tilespmem:v13+s29+$0x0] =	vst.idx.add.s32.msk vm2, v2  }
0x2b6: {  	[tilespmem:v11+s29+$0x0] =	vst.idx.add.s32.msk vm12, v2  }
0x2b7: {  	s26 =	sadd.s32 $0x10, s26;
	[tilespmem:v12+s29+$0x0] =	vst.idx.add.s32.msk vm15, v2  }
0x2b8: {  	s1 =	sadd.s32 $0x3, s24  }
0x2b9: {  	p1 =	sge.u32 s1, s10  }
0x2ba: {  	s1 =	sadd.s32 @!p1 s9, s1  }
0x2bb: {  	s1 =	sshll.u32 @!p1 s1, $0x6  }
0x2bc: {  	s6 =	simm.s32 @!p1 $0x200;
	s1 =	sand.u32 @!p1 $0x1FFFFFC0, s1  }
0x2bd: {  	s24 =	simm.s32 @!p1 $0x30E00;
	s25 =	simm.s32 @!p1 $0x8000;
	s3 =	sadd.s32 @!p1 s0, s1  }
0x2be: {  	[tilespmem:s25], [sflag:$0x2] =	stream.strided.gather @!p1 [hbm4b:s3+s6], $0x8000, s24, s6, $0x38;
	[tilespmem:$0x11580] =	vst v63  }
.Ltmp11:
0x2bf: {  	_ = 	snop;
	(pc) =	sbr.rel .LBB2_16-.Ltmp11, $4  }
0x2c0: {  	s3 =	sadd.s32 @!p1 s2, s1;
	s6 =	simm.s32 @!p1 $0x0;
	s24 =	simm.s32 @!p1 $0x10200  }
0x2c1: {  	[tilespmem:s24], [sflag:$0x2] =	stream.linear.gather @!p1 [hbm4b:s3+s6], $0x200, $0x38;
	[tilespmem:$0x11580] =	vst v63  }
0x2c2: {  	s1 =	sadd.s32 @!p1 s4, s1;
	s3 =	simm.s32 @!p1 $0x10600  }
0x2c3: {  	[tilespmem:s3], [sflag:$0x2] =	stream.linear.gather @!p1 [hbm4b:s1+s6], $0x200, $0x38;
	[tilespmem:$0x11580] =	vst v63  }
.LBB2_17:
.Ltmp12:
0x2c4: {  	(pc) =	sbr.rel @p0 .LBB2_22-.Ltmp12, $1  }
0x2c5: {  	_ =	sdelay $0x3  }
0x2c6: {  	s5 =	simm.s32 $0x0;
	s1 =	rddreg [dreg:$0x3]  }
0x2c7: {  	[tilespmem:s5], [sflag:$0x3] =	stream.linear.gather [hbm4b:s1+s5], $0x8000, $0x38;
	[tilespmem:$0x11580] =	vst v63  }
0x2c8: {  	_ =	swait.ge [sflag:s31], $0x8000  }
0x2c9: {  	[sflag:s31] =	ssyncset.done $0x0  }
0x2ca: {  	[sflag:s31] =	ssyncadd.s32 $0xFFFF8000  }
0x2cb: {  	s26 =	rddreg [dreg:$0x4]  }
0x2cc: {  	[tilespmem:s22], [sflag:$0x3] =	stream.linear.gather [hbm4b:s26+s5], $0x200, $0x38;
	[tilespmem:$0x11580] =	vst v63  }
0x2cd: {  	_ =	swait.ge [sflag:s31], $0x200  }
0x2ce: {  	[sflag:s31] =	ssyncset.done $0x0  }
0x2cf: {  	[sflag:s31] =	ssyncadd.s32 $0xFFFFFE00  }
0x2d0: {  	[tilespmem:s23], [sflag:$0x3] =	stream.linear.gather [hbm4b:s8+s5], $0x200, $0x38;
	[tilespmem:$0x11580] =	vst v63  }
0x2d1: {  	_ =	swait.ge [sflag:s31], $0x200  }
0x2d2: {  	[sflag:s31] =	ssyncset.done $0x0  }
0x2d3: {  	s24 =	simm.s32 $0x200;
	[sflag:s31] =	ssyncadd.s32 $0xFFFFFE00  }
.LBB2_19:
0x2d4: {  	s1 =	sshll.u32 s5, $0x4  }
0x2d5: {  	v12 =	vld [tilespmem:s1+$0x10000]  }
0x2d6: {  	v13 =	vld [tilespmem:s1+$0x10080]  }
0x2d7: {  	v14 =	vld [tilespmem:s1+$0x10100]  }
0x2d8: {  	v15 =	vld [tilespmem:s1+$0x10180]  }
0x2d9: {  	v11 =	vld [tilespmem:s1+$0x10400]  }
0x2da: {  	v16 =	vld [tilespmem:s1+$0x10480]  }
0x2db: {  	v17 =	vld [tilespmem:s1+$0x10500]  }
0x2dc: {  	v18 =	vld [tilespmem:s1+$0x10580];
	_ =	sdelay $0x3  }
0x2dd: {  	v19 =	vsub.f32 v14, v12;
	v20 =	vsub.f32 v15, v13  }
0x2de: {  	v21 =	vsub.f32 v17, v11;
	v22 =	vsub.f32 v18, v16;
	v17 =	vmin.f32 v14, v17  }
0x2df: {  	v23 =	vld [tilespmem:s24+$0xFFFFFE00];
	v11 =	vmax.f32 v12, v11;
	v18 =	vmin.f32 v15, v18;
	v16 =	vmax.f32 v13, v16  }
0x2e0: {  	v24 =	vld [tilespmem:s24+$0x100];
	v11 =	vsub.f32 v17, v11;
	v17 =	vsub.f32 v18, v16  }
0x2e1: {  	v18 =	vld [tilespmem:s24+$0xFFFFFE80];
	v16 =	vmul.f32 v20, v19;
	v19 =	vmul.f32 v22, v21  }
0x2e2: {  	v21 =	vld [tilespmem:s24+$0xFFFFFF80];
	v11 =	vmax.f32 v11, $0.0e+00;
	v17 =	vmax.f32 v17, $0.0e+00  }
0x2e3: {  	v25 =	vld [tilespmem:s24+$0x180];
	v11 =	vmul.f32 v17, v11;
	v17 =	vadd.f32 v19, v16  }
0x2e4: {  	v22 =	vld [tilespmem:s24+$0x80]  }
0x2e5: {  	v20 =	vld [tilespmem:s24+$0xFFFFFF00];
	v17 =	vsub.f32 v17, v11  }
0x2e6: {  	v19 =	vld [tilespmem:s24+$0x0]  }
0x2e7: {  	v26 =	vsub.f32 v21, v18;
	v17 =	vmax.f32 v17, $9.999999970e-07  }
0x2e8: {  	v21 =	vmin.f32 v21, v15;
	v18 =	vmax.f32 v18, v13;
	(erf) = vrcp.f32 v17  }
0x2e9: {  	v28 =	vsub.f32 v25, v22;
	v18 =	vsub.f32 v21, v18  }
0x2ea: {  	v21 =	vmax.f32 v22, v13;
	v17 =	vsub.f32 v20, v23;
	v20 =	vmin.f32 v20, v14  }
0x2eb: {  	v23 =	vmax.f32 v23, v12;
	v27 =	vsub.f32 v24, v19;
	v24 =	vmin.f32 v24, v14  }
0x2ec: {  	v19 =	vmax.f32 v19, v12;
	v20 =	vsub.f32 v20, v23;
	v23 =	vmin.f32 v25, v15  }
0x2ed: {  	v19 =	vsub.f32 v24, v19;
	v21 =	vsub.f32 v23, v21  }
0x2ee: {  	v18 =	vmax.f32 v18, $0.0e+00;
	v17 =	vmul.f32 v26, v17  }
0x2ef: {  	v22 =	vmul.f32 v28, v27;
	v20 =	vmax.f32 v20, $0.0e+00;
	v19 =	vmax.f32 v19, $0.0e+00  }
0x2f0: {  	s1 =	sadd.s32 $0x400, s24;
	v20 =	vmul.f32 v18, v20;
	v17 =	vadd.f32 v17, v16;
	v18 =	vmax.f32 v21, $0.0e+00  }
0x2f1: {  	v30 =	vld [tilespmem:s1+$0xFFFFFF80];
	v19 =	vmul.f32 v18, v19;
	v18 =	vadd.f32 v22, v16;
	v21 =	vpop (erf)  }
0x2f2: {  	v32 =	vld [tilespmem:s1+$0x0];
	v17 =	vsub.f32 v17, v20;
	v11 =	vmul.f32 v21, v11  }
0x2f3: {  	v33 =	vld [tilespmem:s1+$0x80];
	v18 =	vsub.f32 v18, v19  }
0x2f4: {  	v34 =	vld [tilespmem:s1+$0x100];
	v17 =	vmax.f32 v17, $9.999999970e-07;
	(erf) = vrcp.f32 v11  }
0x2f5: {  	v37 =	vld [tilespmem:s1+$0x180];
	v18 =	vmax.f32 v18, $9.999999970e-07;
	(erf) = vrcp.f32 v17  }
0x2f6: {  	v27 =	vld [tilespmem:s1+$0xFFFFFE80];
	(erf) = vrcp.f32 v18;
	_ =	sdelay $0x3  }
0x2f7: {  	v42 =	vsub.f32 v34, v32;
	v43 =	vsub.f32 v37, v33  }
0x2f8: {  	v41 =	vsub.f32 v30, v27;
	v30 =	vmin.f32 v30, v15;
	v27 =	vmax.f32 v27, v13  }
0x2f9: {  	v34 =	vmin.f32 v34, v14;
	v27 =	vsub.f32 v30, v27  }
0x2fa: {  	v59 =	vmin.f32 v37, v15;
	v60 =	vmul.f32 v43, v42;
	v26 =	vld [tilespmem:s1+$0xFFFFFE00];
	v30 =	vmax.f32 v33, v13;
	v17 =	vpop (erf)  }
0x2fb: {  	v28 =	vld [tilespmem:s1+$0xFFFFFF00];
	v30 =	vsub.f32 v59, v30;
	v27 =	vmax.f32 v27, $0.0e+00;
	v21 =	vsub.f32 $1.000000000e+00, v11;
	v22 =	vpop (erf)  }
0x2fc: {  	vm0 =	vge.f32 v11, $5.000000000e-01;
	v18 =	vmul.f32 $2.000000000e+01, v17;
	v29 =	vmul.f32 v22, v20;
	v20 =	vpop (erf)  }
0x2fd: {  	v17 =	vmul.f32 $2.000000000e+01, v21;
	v21 =	vimm.f32 $-Inf;
	v31 =	vmul.f32 v20, v19  }
0x2fe: {  	v23 =	vmul.f32 v29, v18;
	v20 =	vmul.f32 $2.000000000e+01, v29;
	v19 =	vmax.f32 v21, v29  }
0x2ff: {  	vm1 =	vge.f32 v29, $5.000000000e-01;
	v22 =	vmul.f32 v31, v18;
	v21 =	vmul.f32 $2.000000000e+01, v31  }
0x300: {  	v19 =	vmax.f32 v19, v31;
	vm2 =	vge.f32 v31, $5.000000000e-01;
	v31 =	vsub.f32 v28, v26  }
0x301: {  	v28 =	vmin.f32 v28, v14;
	v26 =	vmax.f32 v26, v12;
	v24 =	vadd.f32 v20, v17  }
0x302: {  	v35 =	vtrunc.f32 v23;
	v36 =	vtrunc.f32 v20;
	v26 =	vsub.f32 v28, v26  }
0x303: {  	v28 =	vmax.f32 v32, v12;
	v38 =	vtrunc.f32 v22;
	v39 =	vtrunc.f32 v21  }
0x304: {  	v35 =	vcvt.f32.s32 v35;
	v28 =	vsub.f32 v34, v28;
	v31 =	vmul.f32 v41, v31  }
0x305: {  	v25 =	vadd.f32 v21, v17;
	v61 =	vcvt.f32.s32 v36;
	v40 =	vtrunc.f32 v24  }
0x306: {  	v26 =	vmax.f32 v26, $0.0e+00;
	v62 =	vcvt.f32.s32 v38;
	v28 =	vmax.f32 v28, $0.0e+00  }
0x307: {  	v27 =	vmul.f32 v27, v26;
	v31 =	vadd.f32 v31, v16;
	v26 =	vmax.f32 v30, $0.0e+00  }
0x308: {  	v63 =	vcvt.f32.s32 v39;
	v26 =	vmul.f32 v26, v28;
	v28 =	vadd.f32 v60, v16  }
0x309: {  	v29 =	vcvt.f32.s32 v40;
	v58 =	vtrunc.f32 v25;
	v31 =	vsub.f32 v31, v27  }
0x30a: {  	v35 =	vmin.u32 v35, $0x27;
	v30 =	vcvt.f32.s32 v58;
	v28 =	vsub.f32 v28, v26  }
0x30b: {  	v32 =	vmin.u32 v62, $0x27;
	v33 =	vmin.u32 v63, $0x13;
	v31 =	vmax.f32 v31, $9.999999970e-07  }
0x30c: {  	v29 =	vmin.u32 v29, $0x27;
	v28 =	vmax.f32 v28, $9.999999970e-07;
	(erf) = vrcp.f32 v31  }
0x30d: {  	v30 =	vmin.u32 v30, $0x27;
	v29 =	vshll.u32 v29, $0x4;
	(erf) = vrcp.f32 v28  }
0x30e: {  	s3 =	simm.s32 $0x2;
	v30 =	vshll.u32 v30, $0x4;
	v31 =	vmin.u32 v61, $0x13;
	v28 =	vshll.u32 v35, $0x4  }
.LBB2_20:
0x30f: {  	s3 =	sadd.s32 $0x2, s3;
	v31 =	vshll.u32 v31, $0x4;
	v32 =	vshll.u32 v32, $0x4;
	v33 =	vshll.u32 v33, $0x4  }
0x310: {  	vm3 =	vge.f32 v24, $0.0e+00;
	vm4 =	vle.f32 v24, $4.000000000e+01;
	vm5 =	vge.f32 v25, $0.0e+00;
	p1 =	slt.u32 s3, $0x3E  }
0x311: {  	vm1 =	vmor vm0, vm1;
	vm6 =	vle.f32 v25, $4.000000000e+01;
	vm8 =	vmor vm0, vm2  }
0x312: {  	v28 =	vor.u32 v1, v28;
	v29 =	vadd.s32 v3, v29;
	v30 =	vadd.s32 v3, v30  }
0x313: {  	s1 =	sadd.s32 $0x400, s1;
	v31 =	vadd.s32 v4, v31;
	v32 =	vor.u32 v1, v32;
	v33 =	vadd.s32 v4, v33  }
0x314: {  	vm2 =	vle.f32 v23, $4.000000000e+01;
	vm7 =	vmand vm3, vm4;
	vm3 =	vmand vm5, vm6;
	v34 =	vld [tilespmem:s1+$0xFFFFFE00]  }
0x315: {  	vm6 =	vle.f32 v20, $2.000000000e+01;
	vm5 =	vle.f32 v22, $4.000000000e+01;
	vm4 =	vle.f32 v21, $2.000000000e+01;
	v35 =	vld [tilespmem:s1+$0xFFFFFE80];
	v23 =	vpop (erf)  }
0x316: {  	v37 =	vsel vm1, $0x10001, v2;
	v38 =	vsel vm8, $0x10001, v2;
	v36 =	vld [tilespmem:s1+$0xFFFFFF00];
	v27 =	vmul.f32 v23, v27;
	v20 =	vpop (erf)  }
0x317: {  	v39 =	vld [tilespmem:s1+$0xFFFFFF80];
	v26 =	vmul.f32 v20, v26  }
0x318: {  	v40 =	vld [tilespmem:s1+$0x0];
	v23 =	vmul.f32 v27, v18;
	v20 =	vmul.f32 $2.000000000e+01, v27;
	v19 =	vmax.f32 v19, v27  }
0x319: {  	v41 =	vld [tilespmem:s1+$0x80];
	v22 =	vmul.f32 v26, v18;
	v21 =	vmul.f32 $2.000000000e+01, v26;
	v19 =	vmax.f32 v19, v26  }
0x31a: {  	v42 =	vld [tilespmem:s1+$0x100];
	v24 =	vadd.f32 v20, v17;
	v43 =	vtrunc.f32 v23;
	v44 =	vtrunc.f32 v20  }
0x31b: {  	v45 =	vld [tilespmem:s1+$0x180];
	v25 =	vadd.f32 v21, v17;
	v46 =	vtrunc.f32 v22;
	v47 =	vtrunc.f32 v21  }
0x31c: {  	vm1 =	vge.f32 v27, $5.000000000e-01;
	v43 =	vcvt.f32.s32 v43;
	v48 =	vtrunc.f32 v24;
	[tilespmem:v28+s29+$0x0] =	vst.idx.add.s32.msk vm2, v37  }
0x31d: {  	vm2 =	vge.f32 v26, $5.000000000e-01;
	v28 =	vcvt.f32.s32 v48;
	v48 =	vtrunc.f32 v25;
	[tilespmem:v29+s29+$0x0] =	vst.idx.add.s32.msk vm7, v37  }
0x31e: {  	v26 =	vsub.f32 v36, v34;
	v27 =	vsub.f32 v39, v35;
	v29 =	vmin.f32 v36, v14  }
0x31f: {  	v34 =	vmax.f32 v34, v12;
	v35 =	vmax.f32 v35, v13;
	v36 =	vmin.f32 v39, v15  }
0x320: {  	v37 =	vsub.f32 v42, v40;
	v42 =	vmin.f32 v42, v14;
	v39 =	vsub.f32 v45, v41  }
0x321: {  	v29 =	vsub.f32 v29, v34;
	v34 =	vmax.f32 v40, v12;
	v40 =	vmin.f32 v45, v15  }
0x322: {  	v35 =	vsub.f32 v36, v35;
	v36 =	vmax.f32 v41, v13;
	v34 =	vsub.f32 v42, v34  }
0x323: {  	v26 =	vmul.f32 v27, v26;
	v36 =	vsub.f32 v40, v36;
	v37 =	vmul.f32 v39, v37  }
0x324: {  	v27 =	vmax.f32 v29, $0.0e+00;
	v29 =	vmax.f32 v35, $0.0e+00;
	v34 =	vmax.f32 v34, $0.0e+00;
	[tilespmem:v31+s29+$0x0] =	vst.idx.add.s32.msk vm6, v2  }
0x325: {  	v27 =	vmul.f32 v29, v27;
	v29 =	vadd.f32 v26, v16;
	v26 =	vmax.f32 v36, $0.0e+00;
	[tilespmem:v32+s29+$0x0] =	vst.idx.add.s32.msk vm5, v38  }
0x326: {  	v26 =	vmul.f32 v26, v34;
	v31 =	vadd.f32 v37, v16;
	v32 =	vcvt.f32.s32 v48;
	[tilespmem:v30+s29+$0x0] =	vst.idx.add.s32.msk vm3, v38  }
0x327: {  	v29 =	vsub.f32 v29, v27;
	v34 =	vcvt.f32.s32 v46;
	v30 =	vcvt.f32.s32 v44;
	[tilespmem:v33+s29+$0x0] =	vst.idx.add.s32.msk vm4, v2  }
.Ltmp13:
0x328: {  	v35 =	vmin.u32 v28, $0x27;
	v28 =	vcvt.f32.s32 v47;
	v31 =	vsub.f32 v31, v26;
	(pc) =	sbr.rel @p1 .LBB2_20-.Ltmp13, $4  }
0x329: {  	v36 =	vmin.u32 v43, $0x27;
	v29 =	vmax.f32 v29, $9.999999970e-07;
	v37 =	vmin.u32 v32, $0x27  }
0x32a: {  	v32 =	vmax.f32 v31, $9.999999970e-07;
	v31 =	vmin.u32 v30, $0x13;
	(erf) = vrcp.f32 v29  }
0x32b: {  	v33 =	vmin.u32 v28, $0x13;
	(erf) = vrcp.f32 v32;
	v32 =	vmin.u32 v34, $0x27  }
0x32c: {  	v28 =	vshll.u32 v36, $0x4;
	v30 =	vshll.u32 v37, $0x4;
	v29 =	vshll.u32 v35, $0x4  }
0x32d: {  	v12 =	vshll.u32 v31, $0x4;
	v13 =	vshll.u32 v32, $0x4  }
0x32e: {  	v14 =	vshll.u32 v33, $0x4;
	vm3 =	vge.f32 v24, $0.0e+00;
	vm4 =	vle.f32 v24, $4.000000000e+01  }
0x32f: {  	vm5 =	vge.f32 v25, $0.0e+00;
	vm7 =	vmor vm0, vm1;
	vm6 =	vle.f32 v23, $4.000000000e+01  }
0x330: {  	vm13 =	vle.f32 v25, $4.000000000e+01;
	v15 =	vor.u32 v1, v28;
	vm4 =	vmand vm3, vm4  }
0x331: {  	v16 =	vadd.s32 v3, v29;
	vm1 =	vmand vm5, vm13;
	vm5 =	vle.f32 v20, $2.000000000e+01  }
0x332: {  	vm8 =	vmor vm0, vm2;
	v53 =	vmul.f32 $2.000000000e+01, v11;
	v12 =	vadd.s32 v4, v12  }
0x333: {  	v24 =	vadd.s32 v3, v30;
	vm2 =	vle.f32 v21, $2.000000000e+01;
	v11 =	vadd.f32 $1.000000000e+00, v11  }
0x334: {  	v13 =	vor.u32 v1, v13;
	v63 =	vsel vm7, $0x10001, v2;
	v55 =	vtrunc.f32 v53;
	v58 =	vpop (erf)  }
0x335: {  	vm3 =	vle.f32 v22, $4.000000000e+01;
	v56 =	vcvt.f32.s32 v55;
	[tilespmem:v15+s29+$0x0] =	vst.idx.add.s32.msk vm6, v63;
	v23 =	vmul.f32 v58, v27  }
0x336: {  	v14 =	vadd.s32 v4, v14;
	v37 =	vsel vm8, $0x10001, v2;
	v11 =	vmul.f32 $1.000000000e+01, v11;
	v59 =	vpop (erf);
	[tilespmem:v16+s29+$0x0] =	vst.idx.add.s32.msk vm4, v63  }
0x337: {  	v60 =	vmul.f32 v59, v26;
	[tilespmem:v12+s29+$0x0] =	vst.idx.add.s32.msk vm5, v2;
	v12 =	vmin.u32 v56, $0x13;
	v61 =	vmul.f32 v23, v18  }
0x338: {  	v62 =	vmul.f32 $2.000000000e+01, v23;
	v19 =	vmax.f32 v19, v23;
	vm14 =	vge.f32 v23, $5.000000000e-01  }
0x339: {  	v12 =	vshll.u32 v12, $0x4;
	v36 =	vmul.f32 v60, v18;
	v26 =	vmul.f32 $2.000000000e+01, v60  }
0x33a: {  	v19 =	vmax.f32 v19, v60;
	vm15 =	vge.f32 v60, $5.000000000e-01;
	vm11 =	vmor vm0, vm14  }
0x33b: {  	[tilespmem:v13+s29+$0x0] =	vst.idx.add.s32.msk vm3, v37;
	v60 =	vtrunc.f32 v11;
	v38 =	vadd.f32 v62, v17;
	v39 =	vtrunc.f32 v61  }
0x33c: {  	[tilespmem:v24+s29+$0x0] =	vst.idx.add.s32.msk vm1, v37;
	v40 =	vtrunc.f32 v62;
	vm0 =	vmor vm0, vm15;
	vm14 =	vle.f32 v61, $4.000000000e+01  }
0x33d: {  	[tilespmem:v14+s29+$0x0] =	vst.idx.add.s32.msk vm2, v2;
	v54 =	vmul.f32 $2.000000000e+01, v19;
	vm4 =	vle.f32 v62, $2.000000000e+01;
	v14 =	vcvt.f32.s32 v60  }
0x33e: {  	v59 =	vsel vm11, $0x10001, v2;
	v42 =	vtrunc.f32 v36;
	v43 =	vtrunc.f32 v26  }
0x33f: {  	v41 =	vadd.f32 v26, v17;
	v29 =	vcvt.f32.s32 v39;
	v46 =	vcvt.f32.s32 v40  }
0x340: {  	vm15 =	vle.f32 v36, $4.000000000e+01;
	vm3 =	vle.f32 v26, $2.000000000e+01;
	v44 =	vtrunc.f32 v38  }
0x341: {  	v62 =	vsel vm0, $0x10001, v2;
	v47 =	vcvt.f32.s32 v42;
	v32 =	vcvt.f32.s32 v43  }
0x342: {  	vm9 =	vge.f32 v38, $0.0e+00;
	vm10 =	vle.f32 v38, $4.000000000e+01;
	v57 =	vtrunc.f32 v54  }
0x343: {  	v45 =	vtrunc.f32 v41;
	v33 =	vcvt.f32.s32 v44;
	v29 =	vmin.u32 v29, $0x27  }
0x344: {  	v20 =	vmin.u32 v46, $0x13;
	vm12 =	vge.f32 v41, $0.0e+00;
	vm7 =	vmand vm9, vm10  }
0x345: {  	vm13 =	vle.f32 v41, $4.000000000e+01;
	v58 =	vcvt.f32.s32 v57;
	v23 =	vcvt.f32.s32 v45  }
0x346: {  	v30 =	vmin.u32 v47, $0x27;
	v32 =	vmin.u32 v32, $0x13;
	v29 =	vshll.u32 v29, $0x4  }
0x347: {  	v48 =	vmin.u32 v33, $0x27;
	v30 =	vshll.u32 v30, $0x4;
	v49 =	vor.u32 v1, v29  }
0x348: {  	v20 =	vshll.u32 v20, $0x4;
	v31 =	vshll.u32 v48, $0x4;
	v51 =	vor.u32 v1, v30  }
0x349: {  	vm6 =	vmand vm12, vm13;
	v23 =	vmin.u32 v23, $0x27;
	v50 =	vadd.s32 v3, v31  }
0x34a: {  	vm12 =	vle.f32 v53, $2.000000000e+01;
	v20 =	vadd.s32 v4, v20;
	v23 =	vshll.u32 v23, $0x4  }
0x34b: {  	vm13 =	vge.f32 v54, $0.0e+00;
	v32 =	vshll.u32 v32, $0x4;
	v23 =	vadd.s32 v3, v23  }
0x34c: {  	v13 =	vmin.u32 v58, $0x13;
	v52 =	vadd.s32 v4, v32;
	[tilespmem:v49+s29+$0x0] =	vst.idx.add.s32.msk vm14, v59;
	vm14 =	vle.f32 v54, $2.000000000e+01  }
0x34d: {  	v61 =	vadd.s32 v5, v12;
	v13 =	vshll.u32 v13, $0x4;
	vm2 =	vmand vm13, vm14;
	[tilespmem:v51+s29+$0x0] =	vst.idx.add.s32.msk vm15, v62  }
0x34e: {  	v14 =	vmin.u32 v14, $0x13;
	v13 =	vadd.s32 v7, v13;
	[tilespmem:v50+s29+$0x0] =	vst.idx.add.s32.msk vm7, v59  }
0x34f: {  	s5 =	sadd.s32 $0x1, s5;
	v63 =	vshll.u32 v14, $0x4;
	vm15 =	vle.f32 v11, $2.000000000e+01;
	v11 =	vadd.s32 v8, v12;
	[tilespmem:v20+s29+$0x0] =	vst.idx.add.s32.msk vm4, v2  }
0x350: {  	p1 =	sne.s32 s5, $0x8;
	v12 =	vor.u32 v9, v63;
	[tilespmem:v23+s29+$0x0] =	vst.idx.add.s32.msk vm6, v62  }
.Ltmp14:
0x351: {  	[tilespmem:v52+s29+$0x0] =	vst.idx.add.s32.msk vm3, v2;
	(pc) =	sbr.rel @p1 .LBB2_19-.Ltmp14, $4  }
.Ltmp15:
0x352: {  	[tilespmem:v61+s29+$0x0] =	vst.idx.add.s32.msk vm12, v6;
	(pc) =	sbr.rel @!p1 .LBB2_22-.Ltmp15, $4  }
0x353: {  	[tilespmem:v13+s29+$0x0] =	vst.idx.add.s32.msk vm2, v2  }
0x354: {  	[tilespmem:v11+s29+$0x0] =	vst.idx.add.s32.msk vm12, v2  }
0x355: {  	s24 =	sadd.s32 $0x10, s24;
	[tilespmem:v12+s29+$0x0] =	vst.idx.add.s32.msk vm15, v2  }
0x356: {  	_ = 	snop  }
.LBB2_23:
0x357: {  	_ =	sfence.sel $0x180000  }
0x358: {  	[bflag:$0x0] =	sbarrier.arrive $0xFFFF  }
0x359: {  	_ =	strace $0x90000047  }
0x35a: {  	s0 =	stileid.u32;
	[bflag:$0x2] =	sbarrier.arrive $0xFFFF  }
0x35b: {  	p0 =	sne.s32 s0, $0x0;
	s0 =	rddreg [dreg:$0x5]  }
0x35c: {  	s0 =	sadd.s32 @!p0 $0x100000, s0  }
0x35d: {  	[sflag:s0] =	ssyncadd.tile.s32 @!p0 $0x1;
	_ =	shalt  }
.Lfunc_end2:
_tile_overlayer_lowered:
.L_overlay_start_2:
0x35e: {  	(tag) =	ssettag $0x2  }
0x35f: {  	s0 =	rddreg [dreg:$0x0];
	s2 =	stileid.u32  }
0x360: {  	s1 =	rddreg [dreg:$0x1];
	p0 =	sne.s32 s2, $0x0  }
0x361: {  	s3 =	rddreg [dreg:$0x2];
	[bflag:$0x3] =	sbarrier.arrive $0xFFFF;
	s2 =	simm.s32 @!p0 $0x1C03  }
0x362: {  	[timem:s3], [sflag:s2] =	dma.local @!p0 [hbm:s0], s1  }
0x363: {  	s0 =	simm.s32 @!p0 $0x3  }
0x364: {  	_ =	swait.ge @!p0 [sflag:s0], s1  }
0x365: {  	s1 =	ssub.s32 @!p0 $0x0, s1;
	[sflag:s0] =	ssyncset.done @!p0 $0x0  }
0x366: {  	[sflag:s0] =	ssyncadd.s32 @!p0 s1  }
0x367: {  	[bflag:$0x3] =	sbarrier.arrive $0xFFFF  }
0x368: {  	_ =	shalt  }

</sc_bundles>
